<compile_context>
chip_gen: v7x
topology: tpu7x:2x2x1
jax: 0.10.2.dev20260603
libtpu: 0.0.44.dev20260713+nightly
codegen_flags: <defaults>
</compile_context>

<pallas_src>
import jax
import jax.numpy as jnp
from jax import lax
from jax.experimental import pallas as pl
from jax.experimental.pallas import tpu as pltpu
from jax.experimental.pallas import tpu_sc as plsc

_MU = 0.001
_RHO = 1000.0
_DT = 1e-05
_WEIGHT = 1.0

_NC = 2
_NS = 16
_NW = _NC * _NS
_L = 16
_IB = 64
_KA = 384
_KB = 896
_IBP = 128

_CP = pltpu.CompilerParams(needs_layout_passes=False, use_tc_tiling_on_sc=False)


def _mesh():
    return plsc.VectorSubcoreMesh(core_axis_name="c", subcore_axis_name="s")


def _iota16():
    return lax.iota(jnp.int32, _L)


def _col(j):
    return jnp.full((_L,), j, jnp.int32)


def _sub_rows(total, cap):
    for d in range(cap, 15, -16):
        if total % d == 0:
            return d
    raise ValueError(f"no row subchunk for {total}")


def _pass_a(pv8, src, dst, wgt, zeros16, n_nodes_p, n_edges):
    rpt = n_nodes_p // _NS
    rz = _sub_rows(rpt, 2048)
    ew = n_edges // _NW
    k = _KA
    nchunk = ew // k
    tail = ew - nchunk * k
    assert tail % _IB == 0

    nibp = k // _IBP

    def body(pv_h, src_h, dst_h, w_h, z16_h, gp_h,
             g_sp, src_v, dst_v, w_v, pvs_v, pvd_v, con_v,
             isem, gsem0, gsem1, ssem):
        c = lax.axis_index("c")
        s = lax.axis_index("s")
        wid = c * _NS + s
        r0 = s * rpt
        e0 = wid * ew
        lanes = _iota16()

        @pl.loop(0, rpt // rz)
        def _(m):
            pltpu.sync_copy(z16_h.at[pl.ds(0, rz)],
                            g_sp.at[pl.ds(r0 + m * rz, rz)])

        zeros = jnp.zeros((_L,), jnp.float32)
        ones = jnp.full((_L,), 1.0, jnp.float32)

        @pl.loop(0, 2 * k // _L)
        def _(g):
            rows = g * _L + lanes
            plsc.store_scatter(con_v, [rows, _col(9)], ones)
            for j in range(10, 16):
                plsc.store_scatter(con_v, [rows, _col(j)], zeros)

        plsc.subcore_barrier()

        def fire_idx(ch):
            sl = lax.rem(ch, 3) * k
            eb = e0 + ch * k
            pltpu.async_copy(src_h.at[pl.ds(eb, k)], src_v.at[pl.ds(sl, k)],
                             isem)
            pltpu.async_copy(dst_h.at[pl.ds(eb, k)], dst_v.at[pl.ds(sl, k)],
                             isem)
            pltpu.async_copy(w_h.at[pl.ds(eb, k)], w_v.at[pl.ds(sl, k)], isem)

        def drain_idx():
            for ref_h, ref_v in ((src_h, src_v), (dst_h, dst_v), (w_h, w_v)):
                pltpu.make_async_copy(ref_h.at[pl.ds(0, k)],
                                      ref_v.at[pl.ds(0, k)], isem).wait()

        def gsel(p, f):
            @pl.when(p == 0)
            def _():
                f(gsem0)

            @pl.when(p != 0)
            def _():
                f(gsem1)

        def fire_gathers(ch):
            sl = lax.rem(ch, 3) * k
            bo = lax.rem(ch, 2) * k

            def go(sem):
                for j in range(nibp):
                    pltpu.async_copy(
                        pv_h.at[src_v.at[pl.ds(sl + j * _IBP, _IBP)]],
                        pvs_v.at[pl.ds(bo + j * _IBP, _IBP)], sem)
                    pltpu.async_copy(
                        pv_h.at[dst_v.at[pl.ds(sl + j * _IBP, _IBP)]],
                        pvd_v.at[pl.ds(bo + j * _IBP, _IBP)], sem)

            gsel(lax.rem(ch, 2), go)

        def drain_gathers(p):
            def go(sem):
                for j in range(2 * nibp):
                    pltpu.make_async_copy(
                        pv_h.at[src_v.at[pl.ds(0, _IBP)]],
                        pvs_v.at[pl.ds(j * 0, _IBP)], sem).wait()

            gsel(p, go)

        def compute(ch):
            sl = lax.rem(ch, 3) * k
            bo = lax.rem(ch, 2) * k

            @pl.loop(0, k // _L)
            def _(g):
                rows = bo + g * _L + lanes
                ps = [plsc.load_gather(pvs_v, [rows, _col(j)])
                      for j in range(6)]
                pd = [plsc.load_gather(pvd_v, [rows, _col(j)])
                      for j in range(6)]
                w = w_v[pl.ds(sl + g * _L, _L)]
                d = [pd[j] - ps[j] for j in range(3)]
                dist2 = d[0] * d[0] + d[1] * d[1] + d[2] * d[2] + 1e-8
                rcp = 1.0 / dist2
                e = [dj * rcp for dj in d]
                t = [w * (pd[3 + i] - ps[3 + i]) for i in range(3)]
                for i in range(3):
                    for j in range(3):
                        plsc.store_scatter(con_v, [rows, _col(3 * i + j)],
                                           t[i] * e[j])

        def fire_scatter(ch):
            sl = lax.rem(ch, 3) * k
            bo = lax.rem(ch, 2) * k
            for j in range(nibp):
                pltpu.async_copy(
                    con_v.at[pl.ds(bo + j * _IBP, _IBP)],
                    g_sp.at[src_v.at[pl.ds(sl + j * _IBP, _IBP)]],
                    ssem, add=True)

        def drain_scatter():
            for j in range(nibp):
                pltpu.make_async_copy(
                    con_v.at[pl.ds(0, _IBP)],
                    g_sp.at[src_v.at[pl.ds(0, _IBP)]], ssem).wait()

        fire_idx(0)

        @pl.loop(0, nchunk + 1)
        def _(ch):
            @pl.when(ch < nchunk)
            def _():
                drain_idx()
                fire_gathers(ch)

            @pl.when(ch >= 1)
            def _():
                drain_gathers(lax.rem(ch + 1, 2))

            @pl.when(ch >= 2)
            def _():
                drain_scatter()

            @pl.when(ch + 1 < nchunk)
            def _():
                fire_idx(ch + 1)

            @pl.when(ch >= 1)
            def _():
                compute(ch - 1)
                fire_scatter(ch - 1)

        drain_scatter()

        if tail:
            eb = e0 + nchunk * k
            ntb = tail // _IB
            pltpu.sync_copy(src_h.at[pl.ds(eb, tail)],
                            src_v.at[pl.ds(0, tail)])
            pltpu.sync_copy(dst_h.at[pl.ds(eb, tail)],
                            dst_v.at[pl.ds(0, tail)])
            pltpu.sync_copy(w_h.at[pl.ds(eb, tail)], w_v.at[pl.ds(0, tail)])

            @pl.loop(0, ntb)
            def _(j):
                pltpu.sync_copy(pv_h.at[src_v.at[pl.ds(j * _IB, _IB)]],
                                pvs_v.at[pl.ds(j * _IB, _IB)])
                pltpu.sync_copy(pv_h.at[dst_v.at[pl.ds(j * _IB, _IB)]],
                                pvd_v.at[pl.ds(j * _IB, _IB)])

            @pl.loop(0, tail // _L)
            def _(g):
                rows = g * _L + lanes
                ps = [plsc.load_gather(pvs_v, [rows, _col(j)])
                      for j in range(6)]
                pd = [plsc.load_gather(pvd_v, [rows, _col(j)])
                      for j in range(6)]
                w = w_v[pl.ds(g * _L, _L)]
                d = [pd[j] - ps[j] for j in range(3)]
                dist2 = d[0] * d[0] + d[1] * d[1] + d[2] * d[2] + 1e-8
                rcp = 1.0 / dist2
                e = [dj * rcp for dj in d]
                t = [w * (pd[3 + i] - ps[3 + i]) for i in range(3)]
                for i in range(3):
                    for j in range(3):
                        plsc.store_scatter(con_v, [rows, _col(3 * i + j)],
                                           t[i] * e[j])

            @pl.loop(0, ntb)
            def _(j):
                pltpu.sync_copy(con_v.at[pl.ds(j * _IB, _IB)],
                                g_sp.at[src_v.at[pl.ds(j * _IB, _IB)]],
                                add=True)

        plsc.subcore_barrier()

        @pl.loop(0, rpt // rz)
        def _(m):
            pltpu.sync_copy(g_sp.at[pl.ds(r0 + m * rz, rz)],
                            gp_h.at[c, pl.ds(r0 + m * rz, rz)])

    return pl.kernel(
        body,
        compiler_params=_CP,
        out_type=jax.ShapeDtypeStruct((_NC, n_nodes_p, 16), jnp.float32),
        mesh=_mesh(),
        scratch_types=[
            pltpu.VMEM_SHARED((n_nodes_p, 16), jnp.float32),
            pltpu.VMEM((3 * k,), jnp.int32),
            pltpu.VMEM((3 * k,), jnp.int32),
            pltpu.VMEM((3 * k,), jnp.float32),
            pltpu.VMEM((2 * k, 8), jnp.float32),
            pltpu.VMEM((2 * k, 8), jnp.float32),
            pltpu.VMEM((2 * k, 16), jnp.float32),
            pltpu.SemaphoreType.DMA,
            pltpu.SemaphoreType.DMA,
            pltpu.SemaphoreType.DMA,
            pltpu.SemaphoreType.DMA,
        ],
        name="mcl_grad_pass",
    )(pv8, src, dst, wgt, zeros16)


def _combine(pv8, gp, n_nodes_p):
    wpr = n_nodes_p // _NW
    r = _sub_rows(wpr, 512)

    def body(pv_h, gp_h, t_h, g0_v, g1_v, pv_v, t_v):
        c = lax.axis_index("c")
        s = lax.axis_index("s")
        wid = c * _NS + s
        lanes = _iota16()
        zeros = jnp.zeros((_L,), jnp.float32)

        @pl.loop(0, wpr // r)
        def _(m):
            r0 = wid * wpr + m * r
            pltpu.sync_copy(gp_h.at[0, pl.ds(r0, r)], g0_v)
            pltpu.sync_copy(gp_h.at[1, pl.ds(r0, r)], g1_v)
            pltpu.sync_copy(pv_h.at[pl.ds(r0, r)], pv_v)

            @pl.loop(0, r // _L)
            def _(g):
                rows = g * _L + lanes
                deg = (plsc.load_gather(g0_v, [rows, _col(9)]) +
                       plsc.load_gather(g1_v, [rows, _col(9)]))
                degi = 1.0 / jnp.maximum(deg, 1.0)
                for j in range(3):
                    plsc.store_scatter(
                        t_v, [rows, _col(j)],
                        plsc.load_gather(pv_v, [rows, _col(j)]))
                for q in range(9):
                    gv = (plsc.load_gather(g0_v, [rows, _col(q)]) +
                          plsc.load_gather(g1_v, [rows, _col(q)])) * degi
                    plsc.store_scatter(t_v, [rows, _col(3 + q)], gv)
                plsc.store_scatter(t_v, [rows, _col(12)], degi)
                for j in range(13, 16):
                    plsc.store_scatter(t_v, [rows, _col(j)], zeros)

            pltpu.sync_copy(t_v, t_h.at[pl.ds(r0, r)])

    return pl.kernel(
        body,
        compiler_params=_CP,
        out_type=jax.ShapeDtypeStruct((n_nodes_p, 16), jnp.float32),
        mesh=_mesh(),
        scratch_types=[
            pltpu.VMEM((r, 16), jnp.float32),
            pltpu.VMEM((r, 16), jnp.float32),
            pltpu.VMEM((r, 8), jnp.float32),
            pltpu.VMEM((r, 16), jnp.float32),
        ],
        name="mcl_combine",
    )(pv8, gp)


def _pass_b(t16, src, dst, zeros8, n_nodes_p, n_edges):
    rpt = n_nodes_p // _NS
    rz = _sub_rows(rpt, 2048)
    ew = n_edges // _NW
    k = _KB
    nchunk = ew // k
    tail = ew - nchunk * k
    assert tail % _IB == 0

    nibp = k // _IBP

    def body(t_h, src_h, dst_h, z8_h, dp_h,
             d_sp, src_v, dst_v, ts_v, td_v, cb_v,
             isem, gsem0, gsem1, ssem):
        c = lax.axis_index("c")
        s = lax.axis_index("s")
        wid = c * _NS + s
        r0 = s * rpt
        e0 = wid * ew
        lanes = _iota16()
        zeros = jnp.zeros((_L,), jnp.float32)

        @pl.loop(0, rpt // rz)
        def _(m):
            pltpu.sync_copy(z8_h.at[pl.ds(0, rz)],
                            d_sp.at[pl.ds(r0 + m * rz, rz)])

        @pl.loop(0, 2 * k // _L)
        def _(g):
            rows = g * _L + lanes
            for j in range(3, 8):
                plsc.store_scatter(cb_v, [rows, _col(j)], zeros)

        plsc.subcore_barrier()

        def fire_idx(ch):
            sl = lax.rem(ch, 3) * k
            eb = e0 + ch * k
            pltpu.async_copy(src_h.at[pl.ds(eb, k)], src_v.at[pl.ds(sl, k)],
                             isem)
            pltpu.async_copy(dst_h.at[pl.ds(eb, k)], dst_v.at[pl.ds(sl, k)],
                             isem)

        def drain_idx():
            for ref_h, ref_v in ((src_h, src_v), (dst_h, dst_v)):
                pltpu.make_async_copy(ref_h.at[pl.ds(0, k)],
                                      ref_v.at[pl.ds(0, k)], isem).wait()

        def gsel(p, f):
            @pl.when(p == 0)
            def _():
                f(gsem0)

            @pl.when(p != 0)
            def _():
                f(gsem1)

        def fire_gathers(ch):
            sl = lax.rem(ch, 3) * k
            bo = lax.rem(ch, 2) * k

            def go(sem):
                for j in range(nibp):
                    pltpu.async_copy(
                        t_h.at[src_v.at[pl.ds(sl + j * _IBP, _IBP)]],
                        ts_v.at[pl.ds(bo + j * _IBP, _IBP)], sem)
                    pltpu.async_copy(
                        t_h.at[dst_v.at[pl.ds(sl + j * _IBP, _IBP)]],
                        td_v.at[pl.ds(bo + j * _IBP, _IBP)], sem)

            gsel(lax.rem(ch, 2), go)

        def drain_gathers(p):
            def go(sem):
                for _ in range(2 * nibp):
                    pltpu.make_async_copy(
                        t_h.at[src_v.at[pl.ds(0, _IBP)]],
                        ts_v.at[pl.ds(0, _IBP)], sem).wait()

            gsel(p, go)

        def compute(ch):
            bo = lax.rem(ch, 2) * k

            @pl.loop(0, k // _L)
            def _(g):
                rows = bo + g * _L + lanes
                ts = [plsc.load_gather(ts_v, [rows, _col(j)])
                      for j in range(12)]
                td = [plsc.load_gather(td_v, [rows, _col(j)])
                      for j in range(12)]
                d = [td[j] - ts[j] for j in range(3)]
                dist2 = d[0] * d[0] + d[1] * d[1] + d[2] * d[2] + 1e-8
                rcp = 1.0 / dist2
                e = [dj * rcp for dj in d]
                for i in range(3):
                    ci = ((td[3 + 3 * i] - ts[3 + 3 * i]) * e[0] +
                          (td[4 + 3 * i] - ts[4 + 3 * i]) * e[1] +
                          (td[5 + 3 * i] - ts[5 + 3 * i]) * e[2])
                    plsc.store_scatter(cb_v, [rows, _col(i)], ci)

        def fire_scatter(ch):
            sl = lax.rem(ch, 3) * k
            bo = lax.rem(ch, 2) * k
            for j in range(nibp):
                pltpu.async_copy(
                    cb_v.at[pl.ds(bo + j * _IBP, _IBP)],
                    d_sp.at[src_v.at[pl.ds(sl + j * _IBP, _IBP)]],
                    ssem, add=True)

        def drain_scatter():
            for _ in range(nibp):
                pltpu.make_async_copy(
                    cb_v.at[pl.ds(0, _IBP)],
                    d_sp.at[src_v.at[pl.ds(0, _IBP)]], ssem).wait()

        fire_idx(0)

        @pl.loop(0, nchunk + 1)
        def _(ch):
            @pl.when(ch < nchunk)
            def _():
                drain_idx()
                fire_gathers(ch)

            @pl.when(ch >= 1)
            def _():
                drain_gathers(lax.rem(ch + 1, 2))

            @pl.when(ch >= 2)
            def _():
                drain_scatter()

            @pl.when(ch + 1 < nchunk)
            def _():
                fire_idx(ch + 1)

            @pl.when(ch >= 1)
            def _():
                compute(ch - 1)
                fire_scatter(ch - 1)

        drain_scatter()

        if tail:
            eb = e0 + nchunk * k
            ntb = tail // _IB
            pltpu.sync_copy(src_h.at[pl.ds(eb, tail)],
                            src_v.at[pl.ds(0, tail)])
            pltpu.sync_copy(dst_h.at[pl.ds(eb, tail)],
                            dst_v.at[pl.ds(0, tail)])

            @pl.loop(0, ntb)
            def _(j):
                pltpu.sync_copy(t_h.at[src_v.at[pl.ds(j * _IB, _IB)]],
                                ts_v.at[pl.ds(j * _IB, _IB)])
                pltpu.sync_copy(t_h.at[dst_v.at[pl.ds(j * _IB, _IB)]],
                                td_v.at[pl.ds(j * _IB, _IB)])

            @pl.loop(0, tail // _L)
            def _(g):
                rows = g * _L + lanes
                ts = [plsc.load_gather(ts_v, [rows, _col(j)])
                      for j in range(12)]
                td = [plsc.load_gather(td_v, [rows, _col(j)])
                      for j in range(12)]
                d = [td[j] - ts[j] for j in range(3)]
                dist2 = d[0] * d[0] + d[1] * d[1] + d[2] * d[2] + 1e-8
                rcp = 1.0 / dist2
                e = [dj * rcp for dj in d]
                for i in range(3):
                    ci = ((td[3 + 3 * i] - ts[3 + 3 * i]) * e[0] +
                          (td[4 + 3 * i] - ts[4 + 3 * i]) * e[1] +
                          (td[5 + 3 * i] - ts[5 + 3 * i]) * e[2])
                    plsc.store_scatter(cb_v, [rows, _col(i)], ci)

            @pl.loop(0, ntb)
            def _(j):
                pltpu.sync_copy(cb_v.at[pl.ds(j * _IB, _IB)],
                                d_sp.at[src_v.at[pl.ds(j * _IB, _IB)]],
                                add=True)

        plsc.subcore_barrier()

        rz2 = _sub_rows(rpt, k)

        @pl.loop(0, rpt // rz2)
        def _(m):
            r1 = r0 + m * rz2
            pltpu.sync_copy(d_sp.at[pl.ds(r1, rz2)], cb_v.at[pl.ds(0, rz2)])
            pltpu.sync_copy(t_h.at[pl.ds(r1, rz2)], ts_v.at[pl.ds(0, rz2)])

            @pl.loop(0, rz2 // _L)
            def _(g):
                rows = g * _L + lanes
                degi = plsc.load_gather(ts_v, [rows, _col(12)])
                for j in range(3):
                    v = plsc.load_gather(cb_v, [rows, _col(j)]) * degi
                    plsc.store_scatter(cb_v, [rows, _col(j)], v)

            pltpu.sync_copy(cb_v.at[pl.ds(0, rz2)], dp_h.at[c, pl.ds(r1, rz2)])

    return pl.kernel(
        body,
        compiler_params=_CP,
        out_type=jax.ShapeDtypeStruct((_NC, n_nodes_p, 8), jnp.float32),
        mesh=_mesh(),
        scratch_types=[
            pltpu.VMEM_SHARED((n_nodes_p, 8), jnp.float32),
            pltpu.VMEM((3 * k,), jnp.int32),
            pltpu.VMEM((3 * k,), jnp.int32),
            pltpu.VMEM((2 * k, 16), jnp.float32),
            pltpu.VMEM((2 * k, 16), jnp.float32),
            pltpu.VMEM((2 * k, 8), jnp.float32),
            pltpu.SemaphoreType.DMA,
            pltpu.SemaphoreType.DMA,
            pltpu.SemaphoreType.DMA,
            pltpu.SemaphoreType.DMA,
        ],
        name="mcl_div_pass",
    )(t16, src, dst, zeros8)


def _loss_tc(a, b, c0, c1, n_valid):

    def body(a_ref, b_ref, c0_ref, c1_ref, o_ref):
        lap = c0_ref[...] + c1_ref[...]
        phys = ((_MU / _RHO) * lap + b_ref[...] * (1.0 / _RHO)) * _DT
        res = a_ref[...] - phys
        o_ref[0, 0] = _WEIGHT * jnp.sum(res * res) * (1.0 / n_valid)

    out = pl.pallas_call(
        body,
        out_shape=jax.ShapeDtypeStruct((1, 1), jnp.float32),
        in_specs=[pl.BlockSpec(memory_space=pltpu.VMEM)] * 4,
        out_specs=pl.BlockSpec(memory_space=pltpu.SMEM),
        name="mcl_loss",
    )(a, b, c0, c1)
    return out[0, 0]


def _flatpad(v, n_flat_p):
    v = v.reshape(-1)
    pad = n_flat_p - v.shape[0]
    if pad:
        v = jnp.concatenate([v, jnp.zeros((pad,), v.dtype)])
    return v.reshape(n_flat_p // 128, 128)


def kernel(pred, target, x, pos, edge_index, edge_attr, external_force):
    n = pos.shape[0]
    n_edges = edge_index.shape[1]

    rpt = ((n + _NS - 1) // _NS + 63) // 64 * 64
    n_p = rpt * _NS

    velocity = x[:, 5:8]
    pv8 = jnp.concatenate(
        [pos, velocity, jnp.zeros((n, 2), jnp.float32)], axis=1)
    pv8 = jnp.concatenate([pv8, jnp.zeros((n_p - n, 8), jnp.float32)], axis=0)

    assert n_edges % (_NW * _IB) == 0
    ei = edge_index.astype(jnp.int32)
    src = ei[0]
    dst = ei[1]
    wgt = edge_attr[:, 0].astype(jnp.float32)
    zeros16 = jnp.zeros((_sub_rows(rpt, 2048), 16), jnp.float32)
    zeros8 = jnp.zeros((_sub_rows(rpt, 2048), 8), jnp.float32)

    gp = _pass_a(pv8, src, dst, wgt, zeros16, n_p, n_edges)
    t16 = _combine(pv8, gp, n_p)
    dp = _pass_b(t16, src, dst, zeros8, n_p, n_edges)

    n_flat = 3 * n
    n_flat_p = (n_flat + 127) // 128 * 128
    a = _flatpad(pred[:, 2:5].astype(jnp.float32), n_flat_p)
    b = _flatpad(external_force.astype(jnp.float32), n_flat_p)
    c0 = _flatpad(dp[0, :n, 0:3], n_flat_p)
    c1 = _flatpad(dp[1, :n, 0:3], n_flat_p)
    return _loss_tc(a, b, c0, c1, float(n_flat))

# --- scband reference (transcript-rebuilt; emitter-appended) ---
"""Pipeline reference for scband-momentum-conservation-loss-20246475833442 (READ-ONLY COPY).

The authoritative reference and input builder live on the scoring server;
editing this copy changes nothing except your own understanding.
"""

import jax, jax.numpy as jnp
import numpy as np

MU = 0.001
RHO = 1000.0
DT = 1e-05
WEIGHT = 1.0

N_NODES = 100000
N_EDGES = 6400000


def compute_gradient(f, pos, edge_index, edge_attr):
    # f: [N] scalar field -> [N,3] gradient estimate via weighted edge finite differences
    src = edge_index[0]
    dst = edge_index[1]
    d = pos[dst] - pos[src]                       # [E,3] gather
    dist2 = jnp.sum(d * d, axis=-1, keepdims=True) + 1e-8
    w = edge_attr[:, 0:1]                         # edge weight
    df = (f[dst] - f[src])[:, None]               # [E,1] gather
    contrib = w * df * d / dist2                  # [E,3]
    n = pos.shape[0]
    grad_sum = jax.ops.segment_sum(contrib, src, num_segments=n)
    deg = jax.ops.segment_sum(jnp.ones((src.shape[0],), jnp.float32), src, num_segments=n)
    return grad_sum / jnp.maximum(deg, 1.0)[:, None]


def compute_divergence(vec, pos, edge_index):
    # vec: [N,3] vector field -> [N] divergence estimate
    src = edge_index[0]
    dst = edge_index[1]
    d = pos[dst] - pos[src]                       # [E,3]
    dist2 = jnp.sum(d * d, axis=-1) + 1e-8
    dv = vec[dst] - vec[src]                      # [E,3]
    contrib = jnp.sum(dv * d, axis=-1) / dist2    # [E]
    n = pos.shape[0]
    div_sum = jax.ops.segment_sum(contrib, src, num_segments=n)
    deg = jax.ops.segment_sum(jnp.ones((src.shape[0],), jnp.float32), src, num_segments=n)
    return div_sum / jnp.maximum(deg, 1.0)


def setup_inputs(seed: int = 0) -> dict:
    key = jax.random.key(seed)
    k1, k2, k3, k4, k5, k6, k7 = jax.random.split(key, 7)
    pred = jax.random.normal(k1, (N_NODES, 8), dtype=jnp.float32)
    target = jax.random.normal(k2, (N_NODES, 8), dtype=jnp.float32)
    x = jax.random.normal(k3, (N_NODES, 16), dtype=jnp.float32)
    pos = jax.random.normal(k4, (N_NODES, 3), dtype=jnp.float32)
    edge_index = jax.random.randint(k5, (2, N_EDGES), 0, N_NODES)
    edge_attr = jax.random.uniform(k6, (N_EDGES, 4), dtype=jnp.float32)
    external_force = jax.random.normal(k7, (N_NODES, 3), dtype=jnp.float32)
    return {"pred": pred, "target": target, "x": x, "pos": pos,
            "edge_index": edge_index, "edge_attr": edge_attr,
            "external_force": external_force}


def reference(pred, target, x, pos, edge_index, edge_attr, external_force):
    u = x[:, 5]
    v = x[:, 6]
    w = x[:, 7]
    velocity = jnp.stack([u, v, w], axis=-1)      # [N,3]
    du_pred = pred[:, 2:5]
    lap_cols = []
    for i in range(3):
        grad_u_i = compute_gradient(velocity[:, i], pos, edge_index, edge_attr)
        lap_cols.append(compute_divergence(grad_u_i, pos, edge_index))
    laplacian_u = jnp.stack(lap_cols, axis=-1)    # [N,3]
    viscous_accel = (MU / RHO) * laplacian_u
    total_accel = viscous_accel + external_force / RHO
    physics_du = total_accel * DT
    momentum_loss = jnp.mean((du_pred - physics_du) ** 2)
    total_loss = WEIGHT * momentum_loss
    return total_loss

if __name__ == "__main__":
    import jax
    _d = setup_inputs()
    print(jax.jit(kernel)(*tuple(_d.values())))

</pallas_src>

<mosaic_0001>
#map = affine_map<(d0, d1) -> (0, 0)>
#map1 = affine_map<(d0, d1) -> (0, 0, 0)>
module attributes {stable_mosaic.version = 14 : i64} {
  func.func @mcl_combine(%arg0: i32, %arg1: i32, %arg2: memref<100352x8xf32, #tpu.memory_space<hbm>>, %arg3: memref<2x100352x16xf32, #tpu.memory_space<hbm>>, %arg4: memref<100352x16xf32, #tpu.memory_space<hbm>>, %arg5: memref<448x16xf32, #tpu.memory_space<vmem>>, %arg6: memref<448x16xf32, #tpu.memory_space<vmem>>, %arg7: memref<448x8xf32, #tpu.memory_space<vmem>>, %arg8: memref<448x16xf32, #tpu.memory_space<vmem>>) attributes {dimension_semantics = [#tpu.dimension_semantics<core_parallel>, #tpu.dimension_semantics<subcore_parallel>], iteration_bounds = array<i64: 2, 16>, scalar_prefetch = 0 : i64, scratch_operands = 4 : i64, tpu.core_type = #tpu.core_type<sc_vector_subcore>, window_params = [{transform_indices = #map}, {transform_indices = #map1}, {transform_indices = #map}]} {
    %mul3A = arith.constant 16 : i32
    %mul3A_0 = arith.muli %arg0, %mul3A : i32
    %add3A = arith.addi %mul3A_0, %arg1 : i32
    %iota3A = tpu.iota {dimensions = array<i32: 0>} : vector<16xi32>
    %broadcast_in_dim3A = arith.constant 0.000000e+00 : f32
    %broadcast_in_dim3A_1 = vector.broadcast %broadcast_in_dim3A : f32 to vector<16xf32>
    %scan3A = arith.constant 0 : i32
    %scan3A_2 = arith.constant 7 : i32
    %scan3A_3 = arith.addi %scan3A, %scan3A_2 : i32
    %scan3A_4 = arith.constant 1 : i32
    scf.for %scan3A_6 = %scan3A to %scan3A_3 step %scan3A_4  : i32 {
      %mul3A_7 = arith.constant 1 : i32
      %mul3A_8 = arith.muli %scan3A_6, %mul3A_7 : i32
      %add3A_9 = arith.constant 0 : i32
      %add3A_10 = arith.addi %add3A_9, %mul3A_8 : i32
      %mul3A_11 = arith.constant 3136 : i32
      %mul3A_12 = arith.muli %add3A, %mul3A_11 : i32
      %mul3A_13 = arith.constant 448 : i32
      %mul3A_14 = arith.muli %add3A_10, %mul3A_13 : i32
      %add3A_15 = arith.addi %mul3A_12, %mul3A_14 : i32
      %run_scoped3A = arith.constant 0 : i32
      "tpu.region"() ({
        %run_scoped3A_22 = tpu.sem_alloc : memref<!tpu.dma_semaphore, #tpu.memory_space<semaphore_mem>>
        %dma_start3A = arith.constant 0 : i32
        %dma_start3A_23 = tpu.memref_slice %arg3[%run_scoped3A, %add3A_15, %dma_start3A] : memref<2x100352x16xf32, #tpu.memory_space<hbm>> -> memref<1x448x16xf32, #tpu.memory_space<hbm>>
        %dma_start3A_24 = tpu.memref_squeeze %dma_start3A_23 : memref<1x448x16xf32, #tpu.memory_space<hbm>> -> memref<448x16xf32, #tpu.memory_space<hbm>>
        %dma_start3A_25 = arith.constant 0 : i32
        %dma_start3A_26 = tpu.memref_slice %arg3[%run_scoped3A, %add3A_15, %dma_start3A_25] : memref<2x100352x16xf32, #tpu.memory_space<hbm>> -> memref<1x448x16xf32, #tpu.memory_space<hbm>>
        %dma_start3A_27 = tpu.memref_squeeze %dma_start3A_26 : memref<1x448x16xf32, #tpu.memory_space<hbm>> -> memref<448x16xf32, #tpu.memory_space<hbm>>
        tpu.enqueue_dma source(%dma_start3A_27 : memref<448x16xf32, #tpu.memory_space<hbm>>) target(%arg5 : memref<448x16xf32, #tpu.memory_space<vmem>>) target_semaphore(%run_scoped3A_22 : memref<!tpu.dma_semaphore, #tpu.memory_space<semaphore_mem>>)
        %dma_wait3A = arith.constant 0 : i32
        %dma_wait3A_28 = tpu.memref_slice %arg3[%run_scoped3A, %add3A_15, %dma_wait3A] : memref<2x100352x16xf32, #tpu.memory_space<hbm>> -> memref<1x448x16xf32, #tpu.memory_space<hbm>>
        %dma_wait3A_29 = tpu.memref_squeeze %dma_wait3A_28 : memref<1x448x16xf32, #tpu.memory_space<hbm>> -> memref<448x16xf32, #tpu.memory_space<hbm>>
        %dma_wait3A_30 = arith.constant 0 : i32
        %dma_wait3A_31 = tpu.memref_slice %arg3[%run_scoped3A, %add3A_15, %dma_wait3A_30] : memref<2x100352x16xf32, #tpu.memory_space<hbm>> -> memref<1x448x16xf32, #tpu.memory_space<hbm>>
        %dma_wait3A_32 = tpu.memref_squeeze %dma_wait3A_31 : memref<1x448x16xf32, #tpu.memory_space<hbm>> -> memref<448x16xf32, #tpu.memory_space<hbm>>
        tpu.wait_dma2 semaphore(%run_scoped3A_22 : memref<!tpu.dma_semaphore, #tpu.memory_space<semaphore_mem>>) src(%dma_wait3A_32 : memref<448x16xf32, #tpu.memory_space<hbm>>) dst(%arg5 : memref<448x16xf32, #tpu.memory_space<vmem>>)
        tpu.yield
      }) : () -> ()
      %run_scoped3A_16 = arith.constant 1 : i32
      "tpu.region"() ({
        %run_scoped3A_22 = tpu.sem_alloc : memref<!tpu.dma_semaphore, #tpu.memory_space<semaphore_mem>>
        %dma_start3A = arith.constant 0 : i32
        %dma_start3A_23 = tpu.memref_slice %arg3[%run_scoped3A_16, %add3A_15, %dma_start3A] : memref<2x100352x16xf32, #tpu.memory_space<hbm>> -> memref<1x448x16xf32, #tpu.memory_space<hbm>>
        %dma_start3A_24 = tpu.memref_squeeze %dma_start3A_23 : memref<1x448x16xf32, #tpu.memory_space<hbm>> -> memref<448x16xf32, #tpu.memory_space<hbm>>
        %dma_start3A_25 = arith.constant 0 : i32
        %dma_start3A_26 = tpu.memref_slice %arg3[%run_scoped3A_16, %add3A_15, %dma_start3A_25] : memref<2x100352x16xf32, #tpu.memory_space<hbm>> -> memref<1x448x16xf32, #tpu.memory_space<hbm>>
        %dma_start3A_27 = tpu.memref_squeeze %dma_start3A_26 : memref<1x448x16xf32, #tpu.memory_space<hbm>> -> memref<448x16xf32, #tpu.memory_space<hbm>>
        tpu.enqueue_dma source(%dma_start3A_27 : memref<448x16xf32, #tpu.memory_space<hbm>>) target(%arg6 : memref<448x16xf32, #tpu.memory_space<vmem>>) target_semaphore(%run_scoped3A_22 : memref<!tpu.dma_semaphore, #tpu.memory_space<semaphore_mem>>)
        %dma_wait3A = arith.constant 0 : i32
        %dma_wait3A_28 = tpu.memref_slice %arg3[%run_scoped3A_16, %add3A_15, %dma_wait3A] : memref<2x100352x16xf32, #tpu.memory_space<hbm>> -> memref<1x448x16xf32, #tpu.memory_space<hbm>>
        %dma_wait3A_29 = tpu.memref_squeeze %dma_wait3A_28 : memref<1x448x16xf32, #tpu.memory_space<hbm>> -> memref<448x16xf32, #tpu.memory_space<hbm>>
        %dma_wait3A_30 = arith.constant 0 : i32
        %dma_wait3A_31 = tpu.memref_slice %arg3[%run_scoped3A_16, %add3A_15, %dma_wait3A_30] : memref<2x100352x16xf32, #tpu.memory_space<hbm>> -> memref<1x448x16xf32, #tpu.memory_space<hbm>>
        %dma_wait3A_32 = tpu.memref_squeeze %dma_wait3A_31 : memref<1x448x16xf32, #tpu.memory_space<hbm>> -> memref<448x16xf32, #tpu.memory_space<hbm>>
        tpu.wait_dma2 semaphore(%run_scoped3A_22 : memref<!tpu.dma_semaphore, #tpu.memory_space<semaphore_mem>>) src(%dma_wait3A_32 : memref<448x16xf32, #tpu.memory_space<hbm>>) dst(%arg6 : memref<448x16xf32, #tpu.memory_space<vmem>>)
        tpu.yield
      }) : () -> ()
      "tpu.region"() ({
        %run_scoped3A_22 = tpu.sem_alloc : memref<!tpu.dma_semaphore, #tpu.memory_space<semaphore_mem>>
        %dma_start3A = arith.constant 0 : i32
        %dma_start3A_23 = tpu.memref_slice %arg2[%add3A_15, %dma_start3A] : memref<100352x8xf32, #tpu.memory_space<hbm>> -> memref<448x8xf32, #tpu.memory_space<hbm>>
        %dma_start3A_24 = arith.constant 0 : i32
        %dma_start3A_25 = tpu.memref_slice %arg2[%add3A_15, %dma_start3A_24] : memref<100352x8xf32, #tpu.memory_space<hbm>> -> memref<448x8xf32, #tpu.memory_space<hbm>>
        tpu.enqueue_dma source(%dma_start3A_25 : memref<448x8xf32, #tpu.memory_space<hbm>>) target(%arg7 : memref<448x8xf32, #tpu.memory_space<vmem>>) target_semaphore(%run_scoped3A_22 : memref<!tpu.dma_semaphore, #tpu.memory_space<semaphore_mem>>)
        %dma_wait3A = arith.constant 0 : i32
        %dma_wait3A_26 = tpu.memref_slice %arg2[%add3A_15, %dma_wait3A] : memref<100352x8xf32, #tpu.memory_space<hbm>> -> memref<448x8xf32, #tpu.memory_space<hbm>>
        %dma_wait3A_27 = arith.constant 0 : i32
        %dma_wait3A_28 = tpu.memref_slice %arg2[%add3A_15, %dma_wait3A_27] : memref<100352x8xf32, #tpu.memory_space<hbm>> -> memref<448x8xf32, #tpu.memory_space<hbm>>
        tpu.wait_dma2 semaphore(%run_scoped3A_22 : memref<!tpu.dma_semaphore, #tpu.memory_space<semaphore_mem>>) src(%dma_wait3A_28 : memref<448x8xf32, #tpu.memory_space<hbm>>) dst(%arg7 : memref<448x8xf32, #tpu.memory_space<vmem>>)
        tpu.yield
      }) : () -> ()
      %scan3A_17 = arith.constant 0 : i32
      %scan3A_18 = arith.constant 28 : i32
      %scan3A_19 = arith.addi %scan3A_17, %scan3A_18 : i32
      %scan3A_20 = arith.constant 1 : i32
      scf.for %scan3A_22 = %scan3A_17 to %scan3A_19 step %scan3A_20  : i32 {
        %mul3A_23 = arith.constant 1 : i32
        %mul3A_24 = arith.muli %scan3A_22, %mul3A_23 : i32
        %add3A_25 = arith.constant 0 : i32
        %add3A_26 = arith.addi %add3A_25, %mul3A_24 : i32
        %mul3A_27 = arith.constant 16 : i32
        %mul3A_28 = arith.muli %add3A_26, %mul3A_27 : i32
        %add3A_29 = vector.broadcast %mul3A_28 : i32 to vector<16xi32>
        %add3A_30 = arith.addi %add3A_29, %iota3A : vector<16xi32>
        %broadcast_in_dim3A_31 = arith.constant 9 : i32
        %broadcast_in_dim3A_32 = vector.broadcast %broadcast_in_dim3A_31 : i32 to vector<16xi32>
        %gather3A = tpu.vector_load_idx %arg5[%add3A_30, %broadcast_in_dim3A_32] : memref<448x16xf32, #tpu.memory_space<vmem>>[vector<16xi32>, vector<16xi32>], vector<16xf32>,
        %broadcast_in_dim3A_33 = arith.constant 9 : i32
        %broadcast_in_dim3A_34 = vector.broadcast %broadcast_in_dim3A_33 : i32 to vector<16xi32>
        %gather3A_35 = tpu.vector_load_idx %arg6[%add3A_30, %broadcast_in_dim3A_34] : memref<448x16xf32, #tpu.memory_space<vmem>>[vector<16xi32>, vector<16xi32>], vector<16xf32>,
        %add3A_36 = arith.addf %gather3A, %gather3A_35 : vector<16xf32>
        %max3A = arith.constant 1.000000e+00 : f32
        %max3A_37 = vector.broadcast %max3A : f32 to vector<16xf32>
        %max3A_38 = arith.maximumf %add3A_36, %max3A_37 : vector<16xf32>
        %div3A = arith.constant 1.000000e+00 : f32
        %div3A_39 = vector.broadcast %div3A : f32 to vector<16xf32>
        %div3A_40 = arith.divf %div3A_39, %max3A_38 : vector<16xf32>
        %broadcast_in_dim3A_41 = arith.constant 0 : i32
        %broadcast_in_dim3A_42 = vector.broadcast %broadcast_in_dim3A_41 : i32 to vector<16xi32>
        %broadcast_in_dim3A_43 = arith.constant 0 : i32
        %broadcast_in_dim3A_44 = vector.broadcast %broadcast_in_dim3A_43 : i32 to vector<16xi32>
        %gather3A_45 = tpu.vector_load_idx %arg7[%add3A_30, %broadcast_in_dim3A_44] : memref<448x8xf32, #tpu.memory_space<vmem>>[vector<16xi32>, vector<16xi32>], vector<16xf32>,
        tpu.vector_store_idx %arg8[%add3A_30, %broadcast_in_dim3A_42], %gather3A_45 : memref<448x16xf32, #tpu.memory_space<vmem>>[vector<16xi32>, vector<16xi32>], vector<16xf32>,
        %broadcast_in_dim3A_46 = arith.constant 1 : i32
        %broadcast_in_dim3A_47 = vector.broadcast %broadcast_in_dim3A_46 : i32 to vector<16xi32>
        %broadcast_in_dim3A_48 = arith.constant 1 : i32
        %broadcast_in_dim3A_49 = vector.broadcast %broadcast_in_dim3A_48 : i32 to vector<16xi32>
        %gather3A_50 = tpu.vector_load_idx %arg7[%add3A_30, %broadcast_in_dim3A_49] : memref<448x8xf32, #tpu.memory_space<vmem>>[vector<16xi32>, vector<16xi32>], vector<16xf32>,
        tpu.vector_store_idx %arg8[%add3A_30, %broadcast_in_dim3A_47], %gather3A_50 : memref<448x16xf32, #tpu.memory_space<vmem>>[vector<16xi32>, vector<16xi32>], vector<16xf32>,
        %broadcast_in_dim3A_51 = arith.constant 2 : i32
        %broadcast_in_dim3A_52 = vector.broadcast %broadcast_in_dim3A_51 : i32 to vector<16xi32>
        %broadcast_in_dim3A_53 = arith.constant 2 : i32
        %broadcast_in_dim3A_54 = vector.broadcast %broadcast_in_dim3A_53 : i32 to vector<16xi32>
        %gather3A_55 = tpu.vector_load_idx %arg7[%add3A_30, %broadcast_in_dim3A_54] : memref<448x8xf32, #tpu.memory_space<vmem>>[vector<16xi32>, vector<16xi32>], vector<16xf32>,
        tpu.vector_store_idx %arg8[%add3A_30, %broadcast_in_dim3A_52], %gather3A_55 : memref<448x16xf32, #tpu.memory_space<vmem>>[vector<16xi32>, vector<16xi32>], vector<16xf32>,
        %broadcast_in_dim3A_56 = arith.constant 0 : i32
        %broadcast_in_dim3A_57 = vector.broadcast %broadcast_in_dim3A_56 : i32 to vector<16xi32>
        %gather3A_58 = tpu.vector_load_idx %arg5[%add3A_30, %broadcast_in_dim3A_57] : memref<448x16xf32, #tpu.memory_space<vmem>>[vector<16xi32>, vector<16xi32>], vector<16xf32>,
        %broadcast_in_dim3A_59 = arith.constant 0 : i32
        %broadcast_in_dim3A_60 = vector.broadcast %broadcast_in_dim3A_59 : i32 to vector<16xi32>
        %gather3A_61 = tpu.vector_load_idx %arg6[%add3A_30, %broadcast_in_dim3A_60] : memref<448x16xf32, #tpu.memory_space<vmem>>[vector<16xi32>, vector<16xi32>], vector<16xf32>,
        %add3A_62 = arith.addf %gather3A_58, %gather3A_61 : vector<16xf32>
        %mul3A_63 = arith.mulf %add3A_62, %div3A_40 : vector<16xf32>
        %broadcast_in_dim3A_64 = arith.constant 3 : i32
        %broadcast_in_dim3A_65 = vector.broadcast %broadcast_in_dim3A_64 : i32 to vector<16xi32>
        tpu.vector_store_idx %arg8[%add3A_30, %broadcast_in_dim3A_65], %mul3A_63 : memref<448x16xf32, #tpu.memory_space<vmem>>[vector<16xi32>, vector<16xi32>], vector<16xf32>,
        %broadcast_in_dim3A_66 = arith.constant 1 : i32
        %broadcast_in_dim3A_67 = vector.broadcast %broadcast_in_dim3A_66 : i32 to vector<16xi32>
        %gather3A_68 = tpu.vector_load_idx %arg5[%add3A_30, %broadcast_in_dim3A_67] : memref<448x16xf32, #tpu.memory_space<vmem>>[vector<16xi32>, vector<16xi32>], vector<16xf32>,
        %broadcast_in_dim3A_69 = arith.constant 1 : i32
        %broadcast_in_dim3A_70 = vector.broadcast %broadcast_in_dim3A_69 : i32 to vector<16xi32>
        %gather3A_71 = tpu.vector_load_idx %arg6[%add3A_30, %broadcast_in_dim3A_70] : memref<448x16xf32, #tpu.memory_space<vmem>>[vector<16xi32>, vector<16xi32>], vector<16xf32>,
        %add3A_72 = arith.addf %gather3A_68, %gather3A_71 : vector<16xf32>
        %mul3A_73 = arith.mulf %add3A_72, %div3A_40 : vector<16xf32>
        %broadcast_in_dim3A_74 = arith.constant 4 : i32
        %broadcast_in_dim3A_75 = vector.broadcast %broadcast_in_dim3A_74 : i32 to vector<16xi32>
        tpu.vector_store_idx %arg8[%add3A_30, %broadcast_in_dim3A_75], %mul3A_73 : memref<448x16xf32, #tpu.memory_space<vmem>>[vector<16xi32>, vector<16xi32>], vector<16xf32>,
        %broadcast_in_dim3A_76 = arith.constant 2 : i32
        %broadcast_in_dim3A_77 = vector.broadcast %broadcast_in_dim3A_76 : i32 to vector<16xi32>
        %gather3A_78 = tpu.vector_load_idx %arg5[%add3A_30, %broadcast_in_dim3A_77] : memref<448x16xf32, #tpu.memory_space<vmem>>[vector<16xi32>, vector<16xi32>], vector<16xf32>,
        %broadcast_in_dim3A_79 = arith.constant 2 : i32
        %broadcast_in_dim3A_80 = vector.broadcast %broadcast_in_dim3A_79 : i32 to vector<16xi32>
        %gather3A_81 = tpu.vector_load_idx %arg6[%add3A_30, %broadcast_in_dim3A_80] : memref<448x16xf32, #tpu.memory_space<vmem>>[vector<16xi32>, vector<16xi32>], vector<16xf32>,
        %add3A_82 = arith.addf %gather3A_78, %gather3A_81 : vector<16xf32>
        %mul3A_83 = arith.mulf %add3A_82, %div3A_40 : vector<16xf32>
        %broadcast_in_dim3A_84 = arith.constant 5 : i32
        %broadcast_in_dim3A_85 = vector.broadcast %broadcast_in_dim3A_84 : i32 to vector<16xi32>
        tpu.vector_store_idx %arg8[%add3A_30, %broadcast_in_dim3A_85], %mul3A_83 : memref<448x16xf32, #tpu.memory_space<vmem>>[vector<16xi32>, vector<16xi32>], vector<16xf32>,
        %broadcast_in_dim3A_86 = arith.constant 3 : i32
        %broadcast_in_dim3A_87 = vector.broadcast %broadcast_in_dim3A_86 : i32 to vector<16xi32>
        %gather3A_88 = tpu.vector_load_idx %arg5[%add3A_30, %broadcast_in_dim3A_87] : memref<448x16xf32, #tpu.memory_space<vmem>>[vector<16xi32>, vector<16xi32>], vector<16xf32>,
        %broadcast_in_dim3A_89 = arith.constant 3 : i32
        %broadcast_in_dim3A_90 = vector.broadcast %broadcast_in_dim3A_89 : i32 to vector<16xi32>
        %gather3A_91 = tpu.vector_load_idx %arg6[%add3A_30, %broadcast_in_dim3A_90] : memref<448x16xf32, #tpu.memory_space<vmem>>[vector<16xi32>, vector<16xi32>], vector<16xf32>,
        %add3A_92 = arith.addf %gather3A_88, %gather3A_91 : vector<16xf32>
        %mul3A_93 = arith.mulf %add3A_92, %div3A_40 : vector<16xf32>
        %broadcast_in_dim3A_94 = arith.constant 6 : i32
        %broadcast_in_dim3A_95 = vector.broadcast %broadcast_in_dim3A_94 : i32 to vector<16xi32>
        tpu.vector_store_idx %arg8[%add3A_30, %broadcast_in_dim3A_95], %mul3A_93 : memref<448x16xf32, #tpu.memory_space<vmem>>[vector<16xi32>, vector<16xi32>], vector<16xf32>,
        %broadcast_in_dim3A_96 = arith.constant 4 : i32
        %broadcast_in_dim3A_97 = vector.broadcast %broadcast_in_dim3A_96 : i32 to vector<16xi32>
        %gather3A_98 = tpu.vector_load_idx %arg5[%add3A_30, %broadcast_in_dim3A_97] : memref<448x16xf32, #tpu.memory_space<vmem>>[vector<16xi32>, vector<16xi32>], vector<16xf32>,
        %broadcast_in_dim3A_99 = arith.constant 4 : i32
        %broadcast_in_dim3A_100 = vector.broadcast %broadcast_in_dim3A_99 : i32 to vector<16xi32>
        %gather3A_101 = tpu.vector_load_idx %arg6[%add3A_30, %broadcast_in_dim3A_100] : memref<448x16xf32, #tpu.memory_space<vmem>>[vector<16xi32>, vector<16xi32>], vector<16xf32>,
        %add3A_102 = arith.addf %gather3A_98, %gather3A_101 : vector<16xf32>
        %mul3A_103 = arith.mulf %add3A_102, %div3A_40 : vector<16xf32>
        %broadcast_in_dim3A_104 = arith.constant 7 : i32
        %broadcast_in_dim3A_105 = vector.broadcast %broadcast_in_dim3A_104 : i32 to vector<16xi32>
        tpu.vector_store_idx %arg8[%add3A_30, %broadcast_in_dim3A_105], %mul3A_103 : memref<448x16xf32, #tpu.memory_space<vmem>>[vector<16xi32>, vector<16xi32>], vector<16xf32>,
        %broadcast_in_dim3A_106 = arith.constant 5 : i32
        %broadcast_in_dim3A_107 = vector.broadcast %broadcast_in_dim3A_106 : i32 to vector<16xi32>
        %gather3A_108 = tpu.vector_load_idx %arg5[%add3A_30, %broadcast_in_dim3A_107] : memref<448x16xf32, #tpu.memory_space<vmem>>[vector<16xi32>, vector<16xi32>], vector<16xf32>,
        %broadcast_in_dim3A_109 = arith.constant 5 : i32
        %broadcast_in_dim3A_110 = vector.broadcast %broadcast_in_dim3A_109 : i32 to vector<16xi32>
        %gather3A_111 = tpu.vector_load_idx %arg6[%add3A_30, %broadcast_in_dim3A_110] : memref<448x16xf32, #tpu.memory_space<vmem>>[vector<16xi32>, vector<16xi32>], vector<16xf32>,
        %add3A_112 = arith.addf %gather3A_108, %gather3A_111 : vector<16xf32>
        %mul3A_113 = arith.mulf %add3A_112, %div3A_40 : vector<16xf32>
        %broadcast_in_dim3A_114 = arith.constant 8 : i32
        %broadcast_in_dim3A_115 = vector.broadcast %broadcast_in_dim3A_114 : i32 to vector<16xi32>
        tpu.vector_store_idx %arg8[%add3A_30, %broadcast_in_dim3A_115], %mul3A_113 : memref<448x16xf32, #tpu.memory_space<vmem>>[vector<16xi32>, vector<16xi32>], vector<16xf32>,
        %broadcast_in_dim3A_116 = arith.constant 6 : i32
        %broadcast_in_dim3A_117 = vector.broadcast %broadcast_in_dim3A_116 : i32 to vector<16xi32>
        %gather3A_118 = tpu.vector_load_idx %arg5[%add3A_30, %broadcast_in_dim3A_117] : memref<448x16xf32, #tpu.memory_space<vmem>>[vector<16xi32>, vector<16xi32>], vector<16xf32>,
        %broadcast_in_dim3A_119 = arith.constant 6 : i32
        %broadcast_in_dim3A_120 = vector.broadcast %broadcast_in_dim3A_119 : i32 to vector<16xi32>
        %gather3A_121 = tpu.vector_load_idx %arg6[%add3A_30, %broadcast_in_dim3A_120] : memref<448x16xf32, #tpu.memory_space<vmem>>[vector<16xi32>, vector<16xi32>], vector<16xf32>,
        %add3A_122 = arith.addf %gather3A_118, %gather3A_121 : vector<16xf32>
        %mul3A_123 = arith.mulf %add3A_122, %div3A_40 : vector<16xf32>
        %broadcast_in_dim3A_124 = arith.constant 9 : i32
        %broadcast_in_dim3A_125 = vector.broadcast %broadcast_in_dim3A_124 : i32 to vector<16xi32>
        tpu.vector_store_idx %arg8[%add3A_30, %broadcast_in_dim3A_125], %mul3A_123 : memref<448x16xf32, #tpu.memory_space<vmem>>[vector<16xi32>, vector<16xi32>], vector<16xf32>,
        %broadcast_in_dim3A_126 = arith.constant 7 : i32
        %broadcast_in_dim3A_127 = vector.broadcast %broadcast_in_dim3A_126 : i32 to vector<16xi32>
        %gather3A_128 = tpu.vector_load_idx %arg5[%add3A_30, %broadcast_in_dim3A_127] : memref<448x16xf32, #tpu.memory_space<vmem>>[vector<16xi32>, vector<16xi32>], vector<16xf32>,
        %broadcast_in_dim3A_129 = arith.constant 7 : i32
        %broadcast_in_dim3A_130 = vector.broadcast %broadcast_in_dim3A_129 : i32 to vector<16xi32>
        %gather3A_131 = tpu.vector_load_idx %arg6[%add3A_30, %broadcast_in_dim3A_130] : memref<448x16xf32, #tpu.memory_space<vmem>>[vector<16xi32>, vector<16xi32>], vector<16xf32>,
        %add3A_132 = arith.addf %gather3A_128, %gather3A_131 : vector<16xf32>
        %mul3A_133 = arith.mulf %add3A_132, %div3A_40 : vector<16xf32>
        %broadcast_in_dim3A_134 = arith.constant 10 : i32
        %broadcast_in_dim3A_135 = vector.broadcast %broadcast_in_dim3A_134 : i32 to vector<16xi32>
        tpu.vector_store_idx %arg8[%add3A_30, %broadcast_in_dim3A_135], %mul3A_133 : memref<448x16xf32, #tpu.memory_space<vmem>>[vector<16xi32>, vector<16xi32>], vector<16xf32>,
        %broadcast_in_dim3A_136 = arith.constant 8 : i32
        %broadcast_in_dim3A_137 = vector.broadcast %broadcast_in_dim3A_136 : i32 to vector<16xi32>
        %gather3A_138 = tpu.vector_load_idx %arg5[%add3A_30, %broadcast_in_dim3A_137] : memref<448x16xf32, #tpu.memory_space<vmem>>[vector<16xi32>, vector<16xi32>], vector<16xf32>,
        %broadcast_in_dim3A_139 = arith.constant 8 : i32
        %broadcast_in_dim3A_140 = vector.broadcast %broadcast_in_dim3A_139 : i32 to vector<16xi32>
        %gather3A_141 = tpu.vector_load_idx %arg6[%add3A_30, %broadcast_in_dim3A_140] : memref<448x16xf32, #tpu.memory_space<vmem>>[vector<16xi32>, vector<16xi32>], vector<16xf32>,
        %add3A_142 = arith.addf %gather3A_138, %gather3A_141 : vector<16xf32>
        %mul3A_143 = arith.mulf %add3A_142, %div3A_40 : vector<16xf32>
        %broadcast_in_dim3A_144 = arith.constant 11 : i32
        %broadcast_in_dim3A_145 = vector.broadcast %broadcast_in_dim3A_144 : i32 to vector<16xi32>
        tpu.vector_store_idx %arg8[%add3A_30, %broadcast_in_dim3A_145], %mul3A_143 : memref<448x16xf32, #tpu.memory_space<vmem>>[vector<16xi32>, vector<16xi32>], vector<16xf32>,
        %broadcast_in_dim3A_146 = arith.constant 12 : i32
        %broadcast_in_dim3A_147 = vector.broadcast %broadcast_in_dim3A_146 : i32 to vector<16xi32>
        tpu.vector_store_idx %arg8[%add3A_30, %broadcast_in_dim3A_147], %div3A_40 : memref<448x16xf32, #tpu.memory_space<vmem>>[vector<16xi32>, vector<16xi32>], vector<16xf32>,
        %broadcast_in_dim3A_148 = arith.constant 13 : i32
        %broadcast_in_dim3A_149 = vector.broadcast %broadcast_in_dim3A_148 : i32 to vector<16xi32>
        tpu.vector_store_idx %arg8[%add3A_30, %broadcast_in_dim3A_149], %broadcast_in_dim3A_1 : memref<448x16xf32, #tpu.memory_space<vmem>>[vector<16xi32>, vector<16xi32>], vector<16xf32>,
        %broadcast_in_dim3A_150 = arith.constant 14 : i32
        %broadcast_in_dim3A_151 = vector.broadcast %broadcast_in_dim3A_150 : i32 to vector<16xi32>
        tpu.vector_store_idx %arg8[%add3A_30, %broadcast_in_dim3A_151], %broadcast_in_dim3A_1 : memref<448x16xf32, #tpu.memory_space<vmem>>[vector<16xi32>, vector<16xi32>], vector<16xf32>,
        %broadcast_in_dim3A_152 = arith.constant 15 : i32
        %broadcast_in_dim3A_153 = vector.broadcast %broadcast_in_dim3A_152 : i32 to vector<16xi32>
        tpu.vector_store_idx %arg8[%add3A_30, %broadcast_in_dim3A_153], %broadcast_in_dim3A_1 : memref<448x16xf32, #tpu.memory_space<vmem>>[vector<16xi32>, vector<16xi32>], vector<16xf32>,
      }
      %scan3A_21 = arith.constant 28 : i32
      "tpu.region"() ({
        %run_scoped3A_22 = tpu.sem_alloc : memref<!tpu.dma_semaphore, #tpu.memory_space<semaphore_mem>>
        %dma_start3A = arith.constant 0 : i32
        %dma_start3A_23 = tpu.memref_slice %arg4[%add3A_15, %dma_start3A] : memref<100352x16xf32, #tpu.memory_space<hbm>> -> memref<448x16xf32, #tpu.memory_space<hbm>>
        %dma_start3A_24 = arith.constant 0 : i32
        %dma_start3A_25 = tpu.memref_slice %arg4[%add3A_15, %dma_start3A_24] : memref<100352x16xf32, #tpu.memory_space<hbm>> -> memref<448x16xf32, #tpu.memory_space<hbm>>
        tpu.enqueue_dma source(%arg8 : memref<448x16xf32, #tpu.memory_space<vmem>>) target(%dma_start3A_25 : memref<448x16xf32, #tpu.memory_space<hbm>>) target_semaphore(%run_scoped3A_22 : memref<!tpu.dma_semaphore, #tpu.memory_space<semaphore_mem>>)
        %dma_wait3A = arith.constant 0 : i32
        %dma_wait3A_26 = tpu.memref_slice %arg4[%add3A_15, %dma_wait3A] : memref<100352x16xf32, #tpu.memory_space<hbm>> -> memref<448x16xf32, #tpu.memory_space<hbm>>
        %dma_wait3A_27 = arith.constant 0 : i32
        %dma_wait3A_28 = tpu.memref_slice %arg4[%add3A_15, %dma_wait3A_27] : memref<100352x16xf32, #tpu.memory_space<hbm>> -> memref<448x16xf32, #tpu.memory_space<hbm>>
        tpu.wait_dma2 semaphore(%run_scoped3A_22 : memref<!tpu.dma_semaphore, #tpu.memory_space<semaphore_mem>>) src(%arg8 : memref<448x16xf32, #tpu.memory_space<vmem>>) dst(%dma_wait3A_28 : memref<448x16xf32, #tpu.memory_space<hbm>>)
        tpu.yield
      }) : () -> ()
    }
    %scan3A_5 = arith.constant 7 : i32
    return
  }
}

#map = affine_map<(d0, d1) -> (0, 0)>
#map1 = affine_map<(d0, d1) -> (0)>
#map2 = affine_map<(d0, d1) -> (0, 0, 0)>
module attributes {stable_mosaic.version = 14 : i64} {
  func.func @mcl_grad_pass(%arg0: i32, %arg1: i32, %arg2: memref<100352x8xf32, #tpu.memory_space<hbm>>, %arg3: memref<6400000xi32, #tpu.memory_space<hbm>>, %arg4: memref<6400000xi32, #tpu.memory_space<hbm>>, %arg5: memref<6400000xf32, #tpu.memory_space<hbm>>, %arg6: memref<1568x16xf32, #tpu.memory_space<hbm>>, %arg7: memref<2x100352x16xf32, #tpu.memory_space<hbm>>, %arg8: memref<100352x16xf32, #tpu.memory_space<vmem_shared>>, %arg9: memref<1152xi32, #tpu.memory_space<vmem>>, %arg10: memref<1152xi32, #tpu.memory_space<vmem>>, %arg11: memref<1152xf32, #tpu.memory_space<vmem>>, %arg12: memref<768x8xf32, #tpu.memory_space<vmem>>, %arg13: memref<768x8xf32, #tpu.memory_space<vmem>>, %arg14: memref<768x16xf32, #tpu.memory_space<vmem>>, %arg15: memref<!tpu.dma_semaphore, #tpu.memory_space<semaphore_mem>>, %arg16: memref<!tpu.dma_semaphore, #tpu.memory_space<semaphore_mem>>, %arg17: memref<!tpu.dma_semaphore, #tpu.memory_space<semaphore_mem>>, %arg18: memref<!tpu.dma_semaphore, #tpu.memory_space<semaphore_mem>>) attributes {dimension_semantics = [#tpu.dimension_semantics<core_parallel>, #tpu.dimension_semantics<subcore_parallel>], iteration_bounds = array<i64: 2, 16>, scalar_prefetch = 0 : i64, scratch_operands = 11 : i64, tpu.core_type = #tpu.core_type<sc_vector_subcore>, window_params = [{transform_indices = #map}, {transform_indices = #map1}, {transform_indices = #map1}, {transform_indices = #map1}, {transform_indices = #map}, {transform_indices = #map2}]} {
    %mul3A = arith.constant 16 : i32
    %mul3A_0 = arith.muli %arg0, %mul3A : i32
    %add3A = arith.addi %mul3A_0, %arg1 : i32
    %mul3A_1 = arith.constant 6272 : i32
    %mul3A_2 = arith.muli %arg1, %mul3A_1 : i32
    %mul3A_3 = arith.constant 200000 : i32
    %mul3A_4 = arith.muli %add3A, %mul3A_3 : i32
    %iota3A = tpu.iota {dimensions = array<i32: 0>} : vector<16xi32>
    %scan3A = arith.constant 0 : i32
    %scan3A_5 = arith.constant 4 : i32
    %scan3A_6 = arith.addi %scan3A, %scan3A_5 : i32
    %scan3A_7 = arith.constant 1 : i32
    scf.for %scan3A_85 = %scan3A to %scan3A_6 step %scan3A_7  : i32 {
      %mul3A_86 = arith.constant 1 : i32
      %mul3A_87 = arith.muli %scan3A_85, %mul3A_86 : i32
      %add3A_88 = arith.constant 0 : i32
      %add3A_89 = arith.addi %add3A_88, %mul3A_87 : i32
      %mul3A_90 = arith.constant 1568 : i32
      %mul3A_91 = arith.muli %add3A_89, %mul3A_90 : i32
      %add3A_92 = arith.addi %mul3A_2, %mul3A_91 : i32
      "tpu.region"() ({
        %run_scoped3A = tpu.sem_alloc : memref<!tpu.dma_semaphore, #tpu.memory_space<semaphore_mem>>
        %dma_start3A_93 = arith.constant 0 : i32
        %dma_start3A_94 = tpu.memref_slice %arg8[%add3A_92, %dma_start3A_93] : memref<100352x16xf32, #tpu.memory_space<vmem_shared>> -> memref<1568x16xf32, #tpu.memory_space<vmem_shared>>
        %dma_start3A_95 = arith.constant 0 : i32
        %dma_start3A_96 = arith.constant 0 : i32
        %dma_start3A_97 = tpu.memref_slice %arg6[%dma_start3A_95, %dma_start3A_96] : memref<1568x16xf32, #tpu.memory_space<hbm>> -> memref<1568x16xf32, #tpu.memory_space<hbm>>
        tpu.enqueue_dma source(%dma_start3A_97 : memref<1568x16xf32, #tpu.memory_space<hbm>>) target(%dma_start3A_94 : memref<1568x16xf32, #tpu.memory_space<vmem_shared>>) target_semaphore(%run_scoped3A : memref<!tpu.dma_semaphore, #tpu.memory_space<semaphore_mem>>)
        %dma_wait3A_98 = arith.constant 0 : i32
        %dma_wait3A_99 = tpu.memref_slice %arg8[%add3A_92, %dma_wait3A_98] : memref<100352x16xf32, #tpu.memory_space<vmem_shared>> -> memref<1568x16xf32, #tpu.memory_space<vmem_shared>>
        %dma_wait3A_100 = arith.constant 0 : i32
        %dma_wait3A_101 = arith.constant 0 : i32
        %dma_wait3A_102 = tpu.memref_slice %arg6[%dma_wait3A_100, %dma_wait3A_101] : memref<1568x16xf32, #tpu.memory_space<hbm>> -> memref<1568x16xf32, #tpu.memory_space<hbm>>
        tpu.wait_dma2 semaphore(%run_scoped3A : memref<!tpu.dma_semaphore, #tpu.memory_space<semaphore_mem>>) src(%dma_wait3A_102 : memref<1568x16xf32, #tpu.memory_space<hbm>>) dst(%dma_wait3A_99 : memref<1568x16xf32, #tpu.memory_space<vmem_shared>>)
        tpu.yield
      }) : () -> ()
    }
    %scan3A_8 = arith.constant 4 : i32
    %broadcast_in_dim3A = arith.constant 0.000000e+00 : f32
    %broadcast_in_dim3A_9 = vector.broadcast %broadcast_in_dim3A : f32 to vector<16xf32>
    %broadcast_in_dim3A_10 = arith.constant 1.000000e+00 : f32
    %broadcast_in_dim3A_11 = vector.broadcast %broadcast_in_dim3A_10 : f32 to vector<16xf32>
    %scan3A_12 = arith.constant 0 : i32
    %scan3A_13 = arith.constant 48 : i32
    %scan3A_14 = arith.addi %scan3A_12, %scan3A_13 : i32
    %scan3A_15 = arith.constant 1 : i32
    scf.for %scan3A_85 = %scan3A_12 to %scan3A_14 step %scan3A_15  : i32 {
      %mul3A_86 = arith.constant 1 : i32
      %mul3A_87 = arith.muli %scan3A_85, %mul3A_86 : i32
      %add3A_88 = arith.constant 0 : i32
      %add3A_89 = arith.addi %add3A_88, %mul3A_87 : i32
      %mul3A_90 = arith.constant 16 : i32
      %mul3A_91 = arith.muli %add3A_89, %mul3A_90 : i32
      %add3A_92 = vector.broadcast %mul3A_91 : i32 to vector<16xi32>
      %add3A_93 = arith.addi %add3A_92, %iota3A : vector<16xi32>
      %broadcast_in_dim3A_94 = arith.constant 9 : i32
      %broadcast_in_dim3A_95 = vector.broadcast %broadcast_in_dim3A_94 : i32 to vector<16xi32>
      tpu.vector_store_idx %arg14[%add3A_93, %broadcast_in_dim3A_95], %broadcast_in_dim3A_11 : memref<768x16xf32, #tpu.memory_space<vmem>>[vector<16xi32>, vector<16xi32>], vector<16xf32>,
      %broadcast_in_dim3A_96 = arith.constant 10 : i32
      %broadcast_in_dim3A_97 = vector.broadcast %broadcast_in_dim3A_96 : i32 to vector<16xi32>
      tpu.vector_store_idx %arg14[%add3A_93, %broadcast_in_dim3A_97], %broadcast_in_dim3A_9 : memref<768x16xf32, #tpu.memory_space<vmem>>[vector<16xi32>, vector<16xi32>], vector<16xf32>,
      %broadcast_in_dim3A_98 = arith.constant 11 : i32
      %broadcast_in_dim3A_99 = vector.broadcast %broadcast_in_dim3A_98 : i32 to vector<16xi32>
      tpu.vector_store_idx %arg14[%add3A_93, %broadcast_in_dim3A_99], %broadcast_in_dim3A_9 : memref<768x16xf32, #tpu.memory_space<vmem>>[vector<16xi32>, vector<16xi32>], vector<16xf32>,
      %broadcast_in_dim3A_100 = arith.constant 12 : i32
      %broadcast_in_dim3A_101 = vector.broadcast %broadcast_in_dim3A_100 : i32 to vector<16xi32>
      tpu.vector_store_idx %arg14[%add3A_93, %broadcast_in_dim3A_101], %broadcast_in_dim3A_9 : memref<768x16xf32, #tpu.memory_space<vmem>>[vector<16xi32>, vector<16xi32>], vector<16xf32>,
      %broadcast_in_dim3A_102 = arith.constant 13 : i32
      %broadcast_in_dim3A_103 = vector.broadcast %broadcast_in_dim3A_102 : i32 to vector<16xi32>
      tpu.vector_store_idx %arg14[%add3A_93, %broadcast_in_dim3A_103], %broadcast_in_dim3A_9 : memref<768x16xf32, #tpu.memory_space<vmem>>[vector<16xi32>, vector<16xi32>], vector<16xf32>,
      %broadcast_in_dim3A_104 = arith.constant 14 : i32
      %broadcast_in_dim3A_105 = vector.broadcast %broadcast_in_dim3A_104 : i32 to vector<16xi32>
      tpu.vector_store_idx %arg14[%add3A_93, %broadcast_in_dim3A_105], %broadcast_in_dim3A_9 : memref<768x16xf32, #tpu.memory_space<vmem>>[vector<16xi32>, vector<16xi32>], vector<16xf32>,
      %broadcast_in_dim3A_106 = arith.constant 15 : i32
      %broadcast_in_dim3A_107 = vector.broadcast %broadcast_in_dim3A_106 : i32 to vector<16xi32>
      tpu.vector_store_idx %arg14[%add3A_93, %broadcast_in_dim3A_107], %broadcast_in_dim3A_9 : memref<768x16xf32, #tpu.memory_space<vmem>>[vector<16xi32>, vector<16xi32>], vector<16xf32>,
    }
    %scan3A_16 = arith.constant 48 : i32
    %barrier3A = arith.constant 0 : index
    tpu.barrier barrier_id(%barrier3A)
    %rem3A = arith.constant 0 : i32
    %rem3A_17 = arith.constant 3 : i32
    %rem3A_18 = arith.remsi %rem3A, %rem3A_17 : i32
    %mul3A_19 = arith.constant 384 : i32
    %mul3A_20 = arith.muli %rem3A_18, %mul3A_19 : i32
    %add3A_21 = arith.constant 0 : i32
    %add3A_22 = arith.addi %mul3A_4, %add3A_21 : i32
    %dma_start3A = tpu.memref_slice %arg9[%mul3A_20] : memref<1152xi32, #tpu.memory_space<vmem>> -> memref<384xi32, #tpu.memory_space<vmem>>
    %dma_start3A_23 = tpu.memref_slice %arg3[%add3A_22] : memref<6400000xi32, #tpu.memory_space<hbm>> -> memref<384xi32, #tpu.memory_space<hbm>>
    %dma_start3A_24 = tpu.memref_slice %arg9[%mul3A_20] : memref<1152xi32, #tpu.memory_space<vmem>> -> memref<384xi32, #tpu.memory_space<vmem>>
    %dma_start3A_25 = tpu.memref_slice %arg3[%add3A_22] : memref<6400000xi32, #tpu.memory_space<hbm>> -> memref<384xi32, #tpu.memory_space<hbm>>
    tpu.enqueue_dma source(%dma_start3A_25 : memref<384xi32, #tpu.memory_space<hbm>>) target(%dma_start3A_24 : memref<384xi32, #tpu.memory_space<vmem>>) target_semaphore(%arg15 : memref<!tpu.dma_semaphore, #tpu.memory_space<semaphore_mem>>)
    %dma_start3A_26 = tpu.memref_slice %arg10[%mul3A_20] : memref<1152xi32, #tpu.memory_space<vmem>> -> memref<384xi32, #tpu.memory_space<vmem>>
    %dma_start3A_27 = tpu.memref_slice %arg4[%add3A_22] : memref<6400000xi32, #tpu.memory_space<hbm>> -> memref<384xi32, #tpu.memory_space<hbm>>
    %dma_start3A_28 = tpu.memref_slice %arg10[%mul3A_20] : memref<1152xi32, #tpu.memory_space<vmem>> -> memref<384xi32, #tpu.memory_space<vmem>>
    %dma_start3A_29 = tpu.memref_slice %arg4[%add3A_22] : memref<6400000xi32, #tpu.memory_space<hbm>> -> memref<384xi32, #tpu.memory_space<hbm>>
    tpu.enqueue_dma source(%dma_start3A_29 : memref<384xi32, #tpu.memory_space<hbm>>) target(%dma_start3A_28 : memref<384xi32, #tpu.memory_space<vmem>>) target_semaphore(%arg15 : memref<!tpu.dma_semaphore, #tpu.memory_space<semaphore_mem>>)
    %dma_start3A_30 = tpu.memref_slice %arg11[%mul3A_20] : memref<1152xf32, #tpu.memory_space<vmem>> -> memref<384xf32, #tpu.memory_space<vmem>>
    %dma_start3A_31 = tpu.memref_slice %arg5[%add3A_22] : memref<6400000xf32, #tpu.memory_space<hbm>> -> memref<384xf32, #tpu.memory_space<hbm>>
    %dma_start3A_32 = tpu.memref_slice %arg11[%mul3A_20] : memref<1152xf32, #tpu.memory_space<vmem>> -> memref<384xf32, #tpu.memory_space<vmem>>
    %dma_start3A_33 = tpu.memref_slice %arg5[%add3A_22] : memref<6400000xf32, #tpu.memory_space<hbm>> -> memref<384xf32, #tpu.memory_space<hbm>>
    tpu.enqueue_dma source(%dma_start3A_33 : memref<384xf32, #tpu.memory_space<hbm>>) target(%dma_start3A_32 : memref<384xf32, #tpu.memory_space<vmem>>) target_semaphore(%arg15 : memref<!tpu.dma_semaphore, #tpu.memory_space<semaphore_mem>>)
    %scan3A_34 = arith.constant 0 : i32
    %scan3A_35 = arith.constant 521 : i32
    %scan3A_36 = arith.addi %scan3A_34, %scan3A_35 : i32
    %scan3A_37 = arith.constant 1 : i32
    scf.for %scan3A_85 = %scan3A_34 to %scan3A_36 step %scan3A_37  : i32 {
      %mul3A_86 = arith.constant 1 : i32
      %mul3A_87 = arith.muli %scan3A_85, %mul3A_86 : i32
      %add3A_88 = arith.constant 0 : i32
      %add3A_89 = arith.addi %add3A_88, %mul3A_87 : i32
      %lt3A = arith.constant 520 : i32
      %lt3A_90 = arith.cmpi slt, %add3A_89, %lt3A : i32
      %convert_element_type3A = arith.extui %lt3A_90 : i1 to i32
      %cond3A = arith.constant 0 : i32
      %cond3A_91 = arith.cmpi ne, %convert_element_type3A, %cond3A : i32
      scf.if %cond3A_91 {
        %dma_wait3A_113 = arith.constant 0 : i32
        %dma_wait3A_114 = tpu.memref_slice %arg9[%dma_wait3A_113] : memref<1152xi32, #tpu.memory_space<vmem>> -> memref<384xi32, #tpu.memory_space<vmem>>
        %dma_wait3A_115 = arith.constant 0 : i32
        %dma_wait3A_116 = tpu.memref_slice %arg3[%dma_wait3A_115] : memref<6400000xi32, #tpu.memory_space<hbm>> -> memref<384xi32, #tpu.memory_space<hbm>>
        %dma_wait3A_117 = arith.constant 0 : i32
        %dma_wait3A_118 = tpu.memref_slice %arg9[%dma_wait3A_117] : memref<1152xi32, #tpu.memory_space<vmem>> -> memref<384xi32, #tpu.memory_space<vmem>>
        %dma_wait3A_119 = arith.constant 0 : i32
        %dma_wait3A_120 = tpu.memref_slice %arg3[%dma_wait3A_119] : memref<6400000xi32, #tpu.memory_space<hbm>> -> memref<384xi32, #tpu.memory_space<hbm>>
        tpu.wait_dma2 semaphore(%arg15 : memref<!tpu.dma_semaphore, #tpu.memory_space<semaphore_mem>>) src(%dma_wait3A_120 : memref<384xi32, #tpu.memory_space<hbm>>) dst(%dma_wait3A_118 : memref<384xi32, #tpu.memory_space<vmem>>)
        %dma_wait3A_121 = arith.constant 0 : i32
        %dma_wait3A_122 = tpu.memref_slice %arg10[%dma_wait3A_121] : memref<1152xi32, #tpu.memory_space<vmem>> -> memref<384xi32, #tpu.memory_space<vmem>>
        %dma_wait3A_123 = arith.constant 0 : i32
        %dma_wait3A_124 = tpu.memref_slice %arg4[%dma_wait3A_123] : memref<6400000xi32, #tpu.memory_space<hbm>> -> memref<384xi32, #tpu.memory_space<hbm>>
        %dma_wait3A_125 = arith.constant 0 : i32
        %dma_wait3A_126 = tpu.memref_slice %arg10[%dma_wait3A_125] : memref<1152xi32, #tpu.memory_space<vmem>> -> memref<384xi32, #tpu.memory_space<vmem>>
        %dma_wait3A_127 = arith.constant 0 : i32
        %dma_wait3A_128 = tpu.memref_slice %arg4[%dma_wait3A_127] : memref<6400000xi32, #tpu.memory_space<hbm>> -> memref<384xi32, #tpu.memory_space<hbm>>
        tpu.wait_dma2 semaphore(%arg15 : memref<!tpu.dma_semaphore, #tpu.memory_space<semaphore_mem>>) src(%dma_wait3A_128 : memref<384xi32, #tpu.memory_space<hbm>>) dst(%dma_wait3A_126 : memref<384xi32, #tpu.memory_space<vmem>>)
        %dma_wait3A_129 = arith.constant 0 : i32
        %dma_wait3A_130 = tpu.memref_slice %arg11[%dma_wait3A_129] : memref<1152xf32, #tpu.memory_space<vmem>> -> memref<384xf32, #tpu.memory_space<vmem>>
        %dma_wait3A_131 = arith.constant 0 : i32
        %dma_wait3A_132 = tpu.memref_slice %arg5[%dma_wait3A_131] : memref<6400000xf32, #tpu.memory_space<hbm>> -> memref<384xf32, #tpu.memory_space<hbm>>
        %dma_wait3A_133 = arith.constant 0 : i32
        %dma_wait3A_134 = tpu.memref_slice %arg11[%dma_wait3A_133] : memref<1152xf32, #tpu.memory_space<vmem>> -> memref<384xf32, #tpu.memory_space<vmem>>
        %dma_wait3A_135 = arith.constant 0 : i32
        %dma_wait3A_136 = tpu.memref_slice %arg5[%dma_wait3A_135] : memref<6400000xf32, #tpu.memory_space<hbm>> -> memref<384xf32, #tpu.memory_space<hbm>>
        tpu.wait_dma2 semaphore(%arg15 : memref<!tpu.dma_semaphore, #tpu.memory_space<semaphore_mem>>) src(%dma_wait3A_136 : memref<384xf32, #tpu.memory_space<hbm>>) dst(%dma_wait3A_134 : memref<384xf32, #tpu.memory_space<vmem>>)
        %rem3A_137 = arith.constant 3 : i32
        %rem3A_138 = arith.remsi %add3A_89, %rem3A_137 : i32
        %mul3A_139 = arith.constant 384 : i32
        %mul3A_140 = arith.muli %rem3A_138, %mul3A_139 : i32
        %rem3A_141 = arith.constant 2 : i32
        %rem3A_142 = arith.remsi %add3A_89, %rem3A_141 : i32
        %mul3A_143 = arith.constant 384 : i32
        %mul3A_144 = arith.muli %rem3A_142, %mul3A_143 : i32
        %rem3A_145 = arith.constant 2 : i32
        %rem3A_146 = arith.remsi %add3A_89, %rem3A_145 : i32
        %eq3A = arith.constant 0 : i32
        %eq3A_147 = arith.cmpi eq, %rem3A_146, %eq3A : i32
        %convert_element_type3A_148 = arith.extui %eq3A_147 : i1 to i32
        %cond3A_149 = arith.constant 0 : i32
        %cond3A_150 = arith.cmpi ne, %convert_element_type3A_148, %cond3A_149 : i32
        scf.if %cond3A_150 {
          %add3A_155 = arith.constant 0 : i32
          %add3A_156 = arith.addi %mul3A_140, %add3A_155 : i32
          %add3A_157 = arith.constant 0 : i32
          %add3A_158 = arith.addi %mul3A_144, %add3A_157 : i32
          %dma_start3A_159 = arith.constant 0 : i32
          %dma_start3A_160 = tpu.memref_slice %arg12[%add3A_158, %dma_start3A_159] : memref<768x8xf32, #tpu.memory_space<vmem>> -> memref<128x8xf32, #tpu.memory_space<vmem>>
          %dma_start3A_161 = tpu.memref_slice %arg9[%add3A_156] : memref<1152xi32, #tpu.memory_space<vmem>> -> memref<128xi32, #tpu.memory_space<vmem>>
          %dma_start3A_162 = arith.constant 0 : i32
          %dma_start3A_163 = arith.constant 0 : i32
          %dma_start3A_164 = tpu.memref_slice %arg2[%dma_start3A_162, %dma_start3A_163] : memref<100352x8xf32, #tpu.memory_space<hbm>> -> memref<100352x8xf32, #tpu.memory_space<hbm>>
          tpu.enqueue_indirect_dma source(%dma_start3A_164 : memref<100352x8xf32, #tpu.memory_space<hbm>>) target(%dma_start3A_160 : memref<128x8xf32, #tpu.memory_space<vmem>>) offsets(%dma_start3A_161 : memref<128xi32, #tpu.memory_space<vmem>>) semaphore(%arg16 : memref<!tpu.dma_semaphore, #tpu.memory_space<semaphore_mem>>)
          %add3A_165 = arith.constant 0 : i32
          %add3A_166 = arith.addi %mul3A_140, %add3A_165 : i32
          %add3A_167 = arith.constant 0 : i32
          %add3A_168 = arith.addi %mul3A_144, %add3A_167 : i32
          %dma_start3A_169 = arith.constant 0 : i32
          %dma_start3A_170 = tpu.memref_slice %arg13[%add3A_168, %dma_start3A_169] : memref<768x8xf32, #tpu.memory_space<vmem>> -> memref<128x8xf32, #tpu.memory_space<vmem>>
          %dma_start3A_171 = tpu.memref_slice %arg10[%add3A_166] : memref<1152xi32, #tpu.memory_space<vmem>> -> memref<128xi32, #tpu.memory_space<vmem>>
          %dma_start3A_172 = arith.constant 0 : i32
          %dma_start3A_173 = arith.constant 0 : i32
          %dma_start3A_174 = tpu.memref_slice %arg2[%dma_start3A_172, %dma_start3A_173] : memref<100352x8xf32, #tpu.memory_space<hbm>> -> memref<100352x8xf32, #tpu.memory_space<hbm>>
          tpu.enqueue_indirect_dma source(%dma_start3A_174 : memref<100352x8xf32, #tpu.memory_space<hbm>>) target(%dma_start3A_170 : memref<128x8xf32, #tpu.memory_space<vmem>>) offsets(%dma_start3A_171 : memref<128xi32, #tpu.memory_space<vmem>>) semaphore(%arg16 : memref<!tpu.dma_semaphore, #tpu.memory_space<semaphore_mem>>)
          %add3A_175 = arith.constant 128 : i32
          %add3A_176 = arith.addi %mul3A_140, %add3A_175 : i32
          %add3A_177 = arith.constant 128 : i32
          %add3A_178 = arith.addi %mul3A_144, %add3A_177 : i32
          %dma_start3A_179 = arith.constant 0 : i32
          %dma_start3A_180 = tpu.memref_slice %arg12[%add3A_178, %dma_start3A_179] : memref<768x8xf32, #tpu.memory_space<vmem>> -> memref<128x8xf32, #tpu.memory_space<vmem>>
          %dma_start3A_181 = tpu.memref_slice %arg9[%add3A_176] : memref<1152xi32, #tpu.memory_space<vmem>> -> memref<128xi32, #tpu.memory_space<vmem>>
          %dma_start3A_182 = arith.constant 0 : i32
          %dma_start3A_183 = arith.constant 0 : i32
          %dma_start3A_184 = tpu.memref_slice %arg2[%dma_start3A_182, %dma_start3A_183] : memref<100352x8xf32, #tpu.memory_space<hbm>> -> memref<100352x8xf32, #tpu.memory_space<hbm>>
          tpu.enqueue_indirect_dma source(%dma_start3A_184 : memref<100352x8xf32, #tpu.memory_space<hbm>>) target(%dma_start3A_180 : memref<128x8xf32, #tpu.memory_space<vmem>>) offsets(%dma_start3A_181 : memref<128xi32, #tpu.memory_space<vmem>>) semaphore(%arg16 : memref<!tpu.dma_semaphore, #tpu.memory_space<semaphore_mem>>)
          %add3A_185 = arith.constant 128 : i32
          %add3A_186 = arith.addi %mul3A_140, %add3A_185 : i32
          %add3A_187 = arith.constant 128 : i32
          %add3A_188 = arith.addi %mul3A_144, %add3A_187 : i32
          %dma_start3A_189 = arith.constant 0 : i32
          %dma_start3A_190 = tpu.memref_slice %arg13[%add3A_188, %dma_start3A_189] : memref<768x8xf32, #tpu.memory_space<vmem>> -> memref<128x8xf32, #tpu.memory_space<vmem>>
          %dma_start3A_191 = tpu.memref_slice %arg10[%add3A_186] : memref<1152xi32, #tpu.memory_space<vmem>> -> memref<128xi32, #tpu.memory_space<vmem>>
          %dma_start3A_192 = arith.constant 0 : i32
          %dma_start3A_193 = arith.constant 0 : i32
          %dma_start3A_194 = tpu.memref_slice %arg2[%dma_start3A_192, %dma_start3A_193] : memref<100352x8xf32, #tpu.memory_space<hbm>> -> memref<100352x8xf32, #tpu.memory_space<hbm>>
          tpu.enqueue_indirect_dma source(%dma_start3A_194 : memref<100352x8xf32, #tpu.memory_space<hbm>>) target(%dma_start3A_190 : memref<128x8xf32, #tpu.memory_space<vmem>>) offsets(%dma_start3A_191 : memref<128xi32, #tpu.memory_space<vmem>>) semaphore(%arg16 : memref<!tpu.dma_semaphore, #tpu.memory_space<semaphore_mem>>)
          %add3A_195 = arith.constant 256 : i32
          %add3A_196 = arith.addi %mul3A_140, %add3A_195 : i32
          %add3A_197 = arith.constant 256 : i32
          %add3A_198 = arith.addi %mul3A_144, %add3A_197 : i32
          %dma_start3A_199 = arith.constant 0 : i32
          %dma_start3A_200 = tpu.memref_slice %arg12[%add3A_198, %dma_start3A_199] : memref<768x8xf32, #tpu.memory_space<vmem>> -> memref<128x8xf32, #tpu.memory_space<vmem>>
          %dma_start3A_201 = tpu.memref_slice %arg9[%add3A_196] : memref<1152xi32, #tpu.memory_space<vmem>> -> memref<128xi32, #tpu.memory_space<vmem>>
          %dma_start3A_202 = arith.constant 0 : i32
          %dma_start3A_203 = arith.constant 0 : i32
          %dma_start3A_204 = tpu.memref_slice %arg2[%dma_start3A_202, %dma_start3A_203] : memref<100352x8xf32, #tpu.memory_space<hbm>> -> memref<100352x8xf32, #tpu.memory_space<hbm>>
          tpu.enqueue_indirect_dma source(%dma_start3A_204 : memref<100352x8xf32, #tpu.memory_space<hbm>>) target(%dma_start3A_200 : memref<128x8xf32, #tpu.memory_space<vmem>>) offsets(%dma_start3A_201 : memref<128xi32, #tpu.memory_space<vmem>>) semaphore(%arg16 : memref<!tpu.dma_semaphore, #tpu.memory_space<semaphore_mem>>)
          %add3A_205 = arith.constant 256 : i32
          %add3A_206 = arith.addi %mul3A_140, %add3A_205 : i32
          %add3A_207 = arith.constant 256 : i32
          %add3A_208 = arith.addi %mul3A_144, %add3A_207 : i32
          %dma_start3A_209 = arith.constant 0 : i32
          %dma_start3A_210 = tpu.memref_slice %arg13[%add3A_208, %dma_start3A_209] : memref<768x8xf32, #tpu.memory_space<vmem>> -> memref<128x8xf32, #tpu.memory_space<vmem>>
          %dma_start3A_211 = tpu.memref_slice %arg10[%add3A_206] : memref<1152xi32, #tpu.memory_space<vmem>> -> memref<128xi32, #tpu.memory_space<vmem>>
          %dma_start3A_212 = arith.constant 0 : i32
          %dma_start3A_213 = arith.constant 0 : i32
          %dma_start3A_214 = tpu.memref_slice %arg2[%dma_start3A_212, %dma_start3A_213] : memref<100352x8xf32, #tpu.memory_space<hbm>> -> memref<100352x8xf32, #tpu.memory_space<hbm>>
          tpu.enqueue_indirect_dma source(%dma_start3A_214 : memref<100352x8xf32, #tpu.memory_space<hbm>>) target(%dma_start3A_210 : memref<128x8xf32, #tpu.memory_space<vmem>>) offsets(%dma_start3A_211 : memref<128xi32, #tpu.memory_space<vmem>>) semaphore(%arg16 : memref<!tpu.dma_semaphore, #tpu.memory_space<semaphore_mem>>)
        } else {
        }
        %ne3A = arith.constant 0 : i32
        %ne3A_151 = arith.cmpi ne, %rem3A_146, %ne3A : i32
        %convert_element_type3A_152 = arith.extui %ne3A_151 : i1 to i32
        %cond3A_153 = arith.constant 0 : i32
        %cond3A_154 = arith.cmpi ne, %convert_element_type3A_152, %cond3A_153 : i32
        scf.if %cond3A_154 {
          %add3A_155 = arith.constant 0 : i32
          %add3A_156 = arith.addi %mul3A_140, %add3A_155 : i32
          %add3A_157 = arith.constant 0 : i32
          %add3A_158 = arith.addi %mul3A_144, %add3A_157 : i32
          %dma_start3A_159 = arith.constant 0 : i32
          %dma_start3A_160 = tpu.memref_slice %arg12[%add3A_158, %dma_start3A_159] : memref<768x8xf32, #tpu.memory_space<vmem>> -> memref<128x8xf32, #tpu.memory_space<vmem>>
          %dma_start3A_161 = tpu.memref_slice %arg9[%add3A_156] : memref<1152xi32, #tpu.memory_space<vmem>> -> memref<128xi32, #tpu.memory_space<vmem>>
          %dma_start3A_162 = arith.constant 0 : i32
          %dma_start3A_163 = arith.constant 0 : i32
          %dma_start3A_164 = tpu.memref_slice %arg2[%dma_start3A_162, %dma_start3A_163] : memref<100352x8xf32, #tpu.memory_space<hbm>> -> memref<100352x8xf32, #tpu.memory_space<hbm>>
          tpu.enqueue_indirect_dma source(%dma_start3A_164 : memref<100352x8xf32, #tpu.memory_space<hbm>>) target(%dma_start3A_160 : memref<128x8xf32, #tpu.memory_space<vmem>>) offsets(%dma_start3A_161 : memref<128xi32, #tpu.memory_space<vmem>>) semaphore(%arg17 : memref<!tpu.dma_semaphore, #tpu.memory_space<semaphore_mem>>)
          %add3A_165 = arith.constant 0 : i32
          %add3A_166 = arith.addi %mul3A_140, %add3A_165 : i32
          %add3A_167 = arith.constant 0 : i32
          %add3A_168 = arith.addi %mul3A_144, %add3A_167 : i32
          %dma_start3A_169 = arith.constant 0 : i32
          %dma_start3A_170 = tpu.memref_slice %arg13[%add3A_168, %dma_start3A_169] : memref<768x8xf32, #tpu.memory_space<vmem>> -> memref<128x8xf32, #tpu.memory_space<vmem>>
          %dma_start3A_171 = tpu.memref_slice %arg10[%add3A_166] : memref<1152xi32, #tpu.memory_space<vmem>> -> memref<128xi32, #tpu.memory_space<vmem>>
          %dma_start3A_172 = arith.constant 0 : i32
          %dma_start3A_173 = arith.constant 0 : i32
          %dma_start3A_174 = tpu.memref_slice %arg2[%dma_start3A_172, %dma_start3A_173] : memref<100352x8xf32, #tpu.memory_space<hbm>> -> memref<100352x8xf32, #tpu.memory_space<hbm>>
          tpu.enqueue_indirect_dma source(%dma_start3A_174 : memref<100352x8xf32, #tpu.memory_space<hbm>>) target(%dma_start3A_170 : memref<128x8xf32, #tpu.memory_space<vmem>>) offsets(%dma_start3A_171 : memref<128xi32, #tpu.memory_space<vmem>>) semaphore(%arg17 : memref<!tpu.dma_semaphore, #tpu.memory_space<semaphore_mem>>)
          %add3A_175 = arith.constant 128 : i32
          %add3A_176 = arith.addi %mul3A_140, %add3A_175 : i32
          %add3A_177 = arith.constant 128 : i32
          %add3A_178 = arith.addi %mul3A_144, %add3A_177 : i32
          %dma_start3A_179 = arith.constant 0 : i32
          %dma_start3A_180 = tpu.memref_slice %arg12[%add3A_178, %dma_start3A_179] : memref<768x8xf32, #tpu.memory_space<vmem>> -> memref<128x8xf32, #tpu.memory_space<vmem>>
          %dma_start3A_181 = tpu.memref_slice %arg9[%add3A_176] : memref<1152xi32, #tpu.memory_space<vmem>> -> memref<128xi32, #tpu.memory_space<vmem>>
          %dma_start3A_182 = arith.constant 0 : i32
          %dma_start3A_183 = arith.constant 0 : i32
          %dma_start3A_184 = tpu.memref_slice %arg2[%dma_start3A_182, %dma_start3A_183] : memref<100352x8xf32, #tpu.memory_space<hbm>> -> memref<100352x8xf32, #tpu.memory_space<hbm>>
          tpu.enqueue_indirect_dma source(%dma_start3A_184 : memref<100352x8xf32, #tpu.memory_space<hbm>>) target(%dma_start3A_180 : memref<128x8xf32, #tpu.memory_space<vmem>>) offsets(%dma_start3A_181 : memref<128xi32, #tpu.memory_space<vmem>>) semaphore(%arg17 : memref<!tpu.dma_semaphore, #tpu.memory_space<semaphore_mem>>)
          %add3A_185 = arith.constant 128 : i32
          %add3A_186 = arith.addi %mul3A_140, %add3A_185 : i32
          %add3A_187 = arith.constant 128 : i32
          %add3A_188 = arith.addi %mul3A_144, %add3A_187 : i32
          %dma_start3A_189 = arith.constant 0 : i32
          %dma_start3A_190 = tpu.memref_slice %arg13[%add3A_188, %dma_start3A_189] : memref<768x8xf32, #tpu.memory_space<vmem>> -> memref<128x8xf32, #tpu.memory_space<vmem>>
          %dma_start3A_191 = tpu.memref_slice %arg10[%add3A_186] : memref<1152xi32, #tpu.memory_space<vmem>> -> memref<128xi32, #tpu.memory_space<vmem>>
          %dma_start3A_192 = arith.constant 0 : i32
          %dma_start3A_193 = arith.constant 0 : i32
          %dma_start3A_194 = tpu.memref_slice %arg2[%dma_start3A_192, %dma_start3A_193] : memref<100352x8xf32, #tpu.memory_space<hbm>> -> memref<100352x8xf32, #tpu.memory_space<hbm>>
          tpu.enqueue_indirect_dma source(%dma_start3A_194 : memref<100352x8xf32, #tpu.memory_space<hbm>>) target(%dma_start3A_190 : memref<128x8xf32, #tpu.memory_space<vmem>>) offsets(%dma_start3A_191 : memref<128xi32, #tpu.memory_space<vmem>>) semaphore(%arg17 : memref<!tpu.dma_semaphore, #tpu.memory_space<semaphore_mem>>)
          %add3A_195 = arith.constant 256 : i32
          %add3A_196 = arith.addi %mul3A_140, %add3A_195 : i32
          %add3A_197 = arith.constant 256 : i32
          %add3A_198 = arith.addi %mul3A_144, %add3A_197 : i32
          %dma_start3A_199 = arith.constant 0 : i32
          %dma_start3A_200 = tpu.memref_slice %arg12[%add3A_198, %dma_start3A_199] : memref<768x8xf32, #tpu.memory_space<vmem>> -> memref<128x8xf32, #tpu.memory_space<vmem>>
          %dma_start3A_201 = tpu.memref_slice %arg9[%add3A_196] : memref<1152xi32, #tpu.memory_space<vmem>> -> memref<128xi32, #tpu.memory_space<vmem>>
          %dma_start3A_202 = arith.constant 0 : i32
          %dma_start3A_203 = arith.constant 0 : i32
          %dma_start3A_204 = tpu.memref_slice %arg2[%dma_start3A_202, %dma_start3A_203] : memref<100352x8xf32, #tpu.memory_space<hbm>> -> memref<100352x8xf32, #tpu.memory_space<hbm>>
          tpu.enqueue_indirect_dma source(%dma_start3A_204 : memref<100352x8xf32, #tpu.memory_space<hbm>>) target(%dma_start3A_200 : memref<128x8xf32, #tpu.memory_space<vmem>>) offsets(%dma_start3A_201 : memref<128xi32, #tpu.memory_space<vmem>>) semaphore(%arg17 : memref<!tpu.dma_semaphore, #tpu.memory_space<semaphore_mem>>)
          %add3A_205 = arith.constant 256 : i32
          %add3A_206 = arith.addi %mul3A_140, %add3A_205 : i32
          %add3A_207 = arith.constant 256 : i32
          %add3A_208 = arith.addi %mul3A_144, %add3A_207 : i32
          %dma_start3A_209 = arith.constant 0 : i32
          %dma_start3A_210 = tpu.memref_slice %arg13[%add3A_208, %dma_start3A_209] : memref<768x8xf32, #tpu.memory_space<vmem>> -> memref<128x8xf32, #tpu.memory_space<vmem>>
          %dma_start3A_211 = tpu.memref_slice %arg10[%add3A_206] : memref<1152xi32, #tpu.memory_space<vmem>> -> memref<128xi32, #tpu.memory_space<vmem>>
          %dma_start3A_212 = arith.constant 0 : i32
          %dma_start3A_213 = arith.constant 0 : i32
          %dma_start3A_214 = tpu.memref_slice %arg2[%dma_start3A_212, %dma_start3A_213] : memref<100352x8xf32, #tpu.memory_space<hbm>> -> memref<100352x8xf32, #tpu.memory_space<hbm>>
          tpu.enqueue_indirect_dma source(%dma_start3A_214 : memref<100352x8xf32, #tpu.memory_space<hbm>>) target(%dma_start3A_210 : memref<128x8xf32, #tpu.memory_space<vmem>>) offsets(%dma_start3A_211 : memref<128xi32, #tpu.memory_space<vmem>>) semaphore(%arg17 : memref<!tpu.dma_semaphore, #tpu.memory_space<semaphore_mem>>)
        } else {
        }
      } else {
      }
      %ge3A = arith.constant 1 : i32
      %ge3A_92 = arith.cmpi sge, %add3A_89, %ge3A : i32
      %convert_element_type3A_93 = arith.extui %ge3A_92 : i1 to i32
      %cond3A_94 = arith.constant 0 : i32
      %cond3A_95 = arith.cmpi ne, %convert_element_type3A_93, %cond3A_94 : i32
      scf.if %cond3A_95 {
        %add3A_113 = arith.constant 1 : i32
        %add3A_114 = arith.addi %add3A_89, %add3A_113 : i32
        %rem3A_115 = arith.constant 2 : i32
        %rem3A_116 = arith.remsi %add3A_114, %rem3A_115 : i32
        %eq3A = arith.constant 0 : i32
        %eq3A_117 = arith.cmpi eq, %rem3A_116, %eq3A : i32
        %convert_element_type3A_118 = arith.extui %eq3A_117 : i1 to i32
        %cond3A_119 = arith.constant 0 : i32
        %cond3A_120 = arith.cmpi ne, %convert_element_type3A_118, %cond3A_119 : i32
        scf.if %cond3A_120 {
          %dma_wait3A_125 = arith.constant 0 : i32
          %dma_wait3A_126 = arith.constant 0 : i32
          %dma_wait3A_127 = tpu.memref_slice %arg12[%dma_wait3A_125, %dma_wait3A_126] : memref<768x8xf32, #tpu.memory_space<vmem>> -> memref<128x8xf32, #tpu.memory_space<vmem>>
          %dma_wait3A_128 = arith.constant 0 : i32
          %dma_wait3A_129 = tpu.memref_slice %arg9[%dma_wait3A_128] : memref<1152xi32, #tpu.memory_space<vmem>> -> memref<128xi32, #tpu.memory_space<vmem>>
          %dma_wait3A_130 = arith.constant 0 : i32
          %dma_wait3A_131 = arith.constant 0 : i32
          %dma_wait3A_132 = tpu.memref_slice %arg2[%dma_wait3A_130, %dma_wait3A_131] : memref<100352x8xf32, #tpu.memory_space<hbm>> -> memref<100352x8xf32, #tpu.memory_space<hbm>>
          tpu.wait_indirect_dma semaphore(%arg16 : memref<!tpu.dma_semaphore, #tpu.memory_space<semaphore_mem>>) src(%dma_wait3A_132 : memref<100352x8xf32, #tpu.memory_space<hbm>>) dst(%dma_wait3A_127 : memref<128x8xf32, #tpu.memory_space<vmem>>)
          %dma_wait3A_133 = arith.constant 0 : i32
          %dma_wait3A_134 = arith.constant 0 : i32
          %dma_wait3A_135 = tpu.memref_slice %arg12[%dma_wait3A_133, %dma_wait3A_134] : memref<768x8xf32, #tpu.memory_space<vmem>> -> memref<128x8xf32, #tpu.memory_space<vmem>>
          %dma_wait3A_136 = arith.constant 0 : i32
          %dma_wait3A_137 = tpu.memref_slice %arg9[%dma_wait3A_136] : memref<1152xi32, #tpu.memory_space<vmem>> -> memref<128xi32, #tpu.memory_space<vmem>>
          %dma_wait3A_138 = arith.constant 0 : i32
          %dma_wait3A_139 = arith.constant 0 : i32
          %dma_wait3A_140 = tpu.memref_slice %arg2[%dma_wait3A_138, %dma_wait3A_139] : memref<100352x8xf32, #tpu.memory_space<hbm>> -> memref<100352x8xf32, #tpu.memory_space<hbm>>
          tpu.wait_indirect_dma semaphore(%arg16 : memref<!tpu.dma_semaphore, #tpu.memory_space<semaphore_mem>>) src(%dma_wait3A_140 : memref<100352x8xf32, #tpu.memory_space<hbm>>) dst(%dma_wait3A_135 : memref<128x8xf32, #tpu.memory_space<vmem>>)
          %dma_wait3A_141 = arith.constant 0 : i32
          %dma_wait3A_142 = arith.constant 0 : i32
          %dma_wait3A_143 = tpu.memref_slice %arg12[%dma_wait3A_141, %dma_wait3A_142] : memref<768x8xf32, #tpu.memory_space<vmem>> -> memref<128x8xf32, #tpu.memory_space<vmem>>
          %dma_wait3A_144 = arith.constant 0 : i32
          %dma_wait3A_145 = tpu.memref_slice %arg9[%dma_wait3A_144] : memref<1152xi32, #tpu.memory_space<vmem>> -> memref<128xi32, #tpu.memory_space<vmem>>
          %dma_wait3A_146 = arith.constant 0 : i32
          %dma_wait3A_147 = arith.constant 0 : i32
          %dma_wait3A_148 = tpu.memref_slice %arg2[%dma_wait3A_146, %dma_wait3A_147] : memref<100352x8xf32, #tpu.memory_space<hbm>> -> memref<100352x8xf32, #tpu.memory_space<hbm>>
          tpu.wait_indirect_dma semaphore(%arg16 : memref<!tpu.dma_semaphore, #tpu.memory_space<semaphore_mem>>) src(%dma_wait3A_148 : memref<100352x8xf32, #tpu.memory_space<hbm>>) dst(%dma_wait3A_143 : memref<128x8xf32, #tpu.memory_space<vmem>>)
          %dma_wait3A_149 = arith.constant 0 : i32
          %dma_wait3A_150 = arith.constant 0 : i32
          %dma_wait3A_151 = tpu.memref_slice %arg12[%dma_wait3A_149, %dma_wait3A_150] : memref<768x8xf32, #tpu.memory_space<vmem>> -> memref<128x8xf32, #tpu.memory_space<vmem>>
          %dma_wait3A_152 = arith.constant 0 : i32
          %dma_wait3A_153 = tpu.memref_slice %arg9[%dma_wait3A_152] : memref<1152xi32, #tpu.memory_space<vmem>> -> memref<128xi32, #tpu.memory_space<vmem>>
          %dma_wait3A_154 = arith.constant 0 : i32
          %dma_wait3A_155 = arith.constant 0 : i32
          %dma_wait3A_156 = tpu.memref_slice %arg2[%dma_wait3A_154, %dma_wait3A_155] : memref<100352x8xf32, #tpu.memory_space<hbm>> -> memref<100352x8xf32, #tpu.memory_space<hbm>>
          tpu.wait_indirect_dma semaphore(%arg16 : memref<!tpu.dma_semaphore, #tpu.memory_space<semaphore_mem>>) src(%dma_wait3A_156 : memref<100352x8xf32, #tpu.memory_space<hbm>>) dst(%dma_wait3A_151 : memref<128x8xf32, #tpu.memory_space<vmem>>)
          %dma_wait3A_157 = arith.constant 0 : i32
          %dma_wait3A_158 = arith.constant 0 : i32
          %dma_wait3A_159 = tpu.memref_slice %arg12[%dma_wait3A_157, %dma_wait3A_158] : memref<768x8xf32, #tpu.memory_space<vmem>> -> memref<128x8xf32, #tpu.memory_space<vmem>>
          %dma_wait3A_160 = arith.constant 0 : i32
          %dma_wait3A_161 = tpu.memref_slice %arg9[%dma_wait3A_160] : memref<1152xi32, #tpu.memory_space<vmem>> -> memref<128xi32, #tpu.memory_space<vmem>>
          %dma_wait3A_162 = arith.constant 0 : i32
          %dma_wait3A_163 = arith.constant 0 : i32
          %dma_wait3A_164 = tpu.memref_slice %arg2[%dma_wait3A_162, %dma_wait3A_163] : memref<100352x8xf32, #tpu.memory_space<hbm>> -> memref<100352x8xf32, #tpu.memory_space<hbm>>
          tpu.wait_indirect_dma semaphore(%arg16 : memref<!tpu.dma_semaphore, #tpu.memory_space<semaphore_mem>>) src(%dma_wait3A_164 : memref<100352x8xf32, #tpu.memory_space<hbm>>) dst(%dma_wait3A_159 : memref<128x8xf32, #tpu.memory_space<vmem>>)
          %dma_wait3A_165 = arith.constant 0 : i32
          %dma_wait3A_166 = arith.constant 0 : i32
          %dma_wait3A_167 = tpu.memref_slice %arg12[%dma_wait3A_165, %dma_wait3A_166] : memref<768x8xf32, #tpu.memory_space<vmem>> -> memref<128x8xf32, #tpu.memory_space<vmem>>
          %dma_wait3A_168 = arith.constant 0 : i32
          %dma_wait3A_169 = tpu.memref_slice %arg9[%dma_wait3A_168] : memref<1152xi32, #tpu.memory_space<vmem>> -> memref<128xi32, #tpu.memory_space<vmem>>
          %dma_wait3A_170 = arith.constant 0 : i32
          %dma_wait3A_171 = arith.constant 0 : i32
          %dma_wait3A_172 = tpu.memref_slice %arg2[%dma_wait3A_170, %dma_wait3A_171] : memref<100352x8xf32, #tpu.memory_space<hbm>> -> memref<100352x8xf32, #tpu.memory_space<hbm>>
          tpu.wait_indirect_dma semaphore(%arg16 : memref<!tpu.dma_semaphore, #tpu.memory_space<semaphore_mem>>) src(%dma_wait3A_172 : memref<100352x8xf32, #tpu.memory_space<hbm>>) dst(%dma_wait3A_167 : memref<128x8xf32, #tpu.memory_space<vmem>>)
        } else {
        }
        %ne3A = arith.constant 0 : i32
        %ne3A_121 = arith.cmpi ne, %rem3A_116, %ne3A : i32
        %convert_element_type3A_122 = arith.extui %ne3A_121 : i1 to i32
        %cond3A_123 = arith.constant 0 : i32
        %cond3A_124 = arith.cmpi ne, %convert_element_type3A_122, %cond3A_123 : i32
        scf.if %cond3A_124 {
          %dma_wait3A_125 = arith.constant 0 : i32
          %dma_wait3A_126 = arith.constant 0 : i32
          %dma_wait3A_127 = tpu.memref_slice %arg12[%dma_wait3A_125, %dma_wait3A_126] : memref<768x8xf32, #tpu.memory_space<vmem>> -> memref<128x8xf32, #tpu.memory_space<vmem>>
          %dma_wait3A_128 = arith.constant 0 : i32
          %dma_wait3A_129 = tpu.memref_slice %arg9[%dma_wait3A_128] : memref<1152xi32, #tpu.memory_space<vmem>> -> memref<128xi32, #tpu.memory_space<vmem>>
          %dma_wait3A_130 = arith.constant 0 : i32
          %dma_wait3A_131 = arith.constant 0 : i32
          %dma_wait3A_132 = tpu.memref_slice %arg2[%dma_wait3A_130, %dma_wait3A_131] : memref<100352x8xf32, #tpu.memory_space<hbm>> -> memref<100352x8xf32, #tpu.memory_space<hbm>>
          tpu.wait_indirect_dma semaphore(%arg17 : memref<!tpu.dma_semaphore, #tpu.memory_space<semaphore_mem>>) src(%dma_wait3A_132 : memref<100352x8xf32, #tpu.memory_space<hbm>>) dst(%dma_wait3A_127 : memref<128x8xf32, #tpu.memory_space<vmem>>)
          %dma_wait3A_133 = arith.constant 0 : i32
          %dma_wait3A_134 = arith.constant 0 : i32
          %dma_wait3A_135 = tpu.memref_slice %arg12[%dma_wait3A_133, %dma_wait3A_134] : memref<768x8xf32, #tpu.memory_space<vmem>> -> memref<128x8xf32, #tpu.memory_space<vmem>>
          %dma_wait3A_136 = arith.constant 0 : i32
          %dma_wait3A_137 = tpu.memref_slice %arg9[%dma_wait3A_136] : memref<1152xi32, #tpu.memory_space<vmem>> -> memref<128xi32, #tpu.memory_space<vmem>>
          %dma_wait3A_138 = arith.constant 0 : i32
          %dma_wait3A_139 = arith.constant 0 : i32
          %dma_wait3A_140 = tpu.memref_slice %arg2[%dma_wait3A_138, %dma_wait3A_139] : memref<100352x8xf32, #tpu.memory_space<hbm>> -> memref<100352x8xf32, #tpu.memory_space<hbm>>
          tpu.wait_indirect_dma semaphore(%arg17 : memref<!tpu.dma_semaphore, #tpu.memory_space<semaphore_mem>>) src(%dma_wait3A_140 : memref<100352x8xf32, #tpu.memory_space<hbm>>) dst(%dma_wait3A_135 : memref<128x8xf32, #tpu.memory_space<vmem>>)
          %dma_wait3A_141 = arith.constant 0 : i32
          %dma_wait3A_142 = arith.constant 0 : i32
          %dma_wait3A_143 = tpu.memref_slice %arg12[%dma_wait3A_141, %dma_wait3A_142] : memref<768x8xf32, #tpu.memory_space<vmem>> -> memref<128x8xf32, #tpu.memory_space<vmem>>
          %dma_wait3A_144 = arith.constant 0 : i32
          %dma_wait3A_145 = tpu.memref_slice %arg9[%dma_wait3A_144] : memref<1152xi32, #tpu.memory_space<vmem>> -> memref<128xi32, #tpu.memory_space<vmem>>
          %dma_wait3A_146 = arith.constant 0 : i32
          %dma_wait3A_147 = arith.constant 0 : i32
          %dma_wait3A_148 = tpu.memref_slice %arg2[%dma_wait3A_146, %dma_wait3A_147] : memref<100352x8xf32, #tpu.memory_space<hbm>> -> memref<100352x8xf32, #tpu.memory_space<hbm>>
          tpu.wait_indirect_dma semaphore(%arg17 : memref<!tpu.dma_semaphore, #tpu.memory_space<semaphore_mem>>) src(%dma_wait3A_148 : memref<100352x8xf32, #tpu.memory_space<hbm>>) dst(%dma_wait3A_143 : memref<128x8xf32, #tpu.memory_space<vmem>>)
          %dma_wait3A_149 = arith.constant 0 : i32
          %dma_wait3A_150 = arith.constant 0 : i32
          %dma_wait3A_151 = tpu.memref_slice %arg12[%dma_wait3A_149, %dma_wait3A_150] : memref<768x8xf32, #tpu.memory_space<vmem>> -> memref<128x8xf32, #tpu.memory_space<vmem>>
          %dma_wait3A_152 = arith.constant 0 : i32
          %dma_wait3A_153 = tpu.memref_slice %arg9[%dma_wait3A_152] : memref<1152xi32, #tpu.memory_space<vmem>> -> memref<128xi32, #tpu.memory_space<vmem>>
          %dma_wait3A_154 = arith.constant 0 : i32
          %dma_wait3A_155 = arith.constant 0 : i32
          %dma_wait3A_156 = tpu.memref_slice %arg2[%dma_wait3A_154, %dma_wait3A_155] : memref<100352x8xf32, #tpu.memory_space<hbm>> -> memref<100352x8xf32, #tpu.memory_space<hbm>>
          tpu.wait_indirect_dma semaphore(%arg17 : memref<!tpu.dma_semaphore, #tpu.memory_space<semaphore_mem>>) src(%dma_wait3A_156 : memref<100352x8xf32, #tpu.memory_space<hbm>>) dst(%dma_wait3A_151 : memref<128x8xf32, #tpu.memory_space<vmem>>)
          %dma_wait3A_157 = arith.constant 0 : i32
          %dma_wait3A_158 = arith.constant 0 : i32
          %dma_wait3A_159 = tpu.memref_slice %arg12[%dma_wait3A_157, %dma_wait3A_158] : memref<768x8xf32, #tpu.memory_space<vmem>> -> memref<128x8xf32, #tpu.memory_space<vmem>>
          %dma_wait3A_160 = arith.constant 0 : i32
          %dma_wait3A_161 = tpu.memref_slice %arg9[%dma_wait3A_160] : memref<1152xi32, #tpu.memory_space<vmem>> -> memref<128xi32, #tpu.memory_space<vmem>>
          %dma_wait3A_162 = arith.constant 0 : i32
          %dma_wait3A_163 = arith.constant 0 : i32
          %dma_wait3A_164 = tpu.memref_slice %arg2[%dma_wait3A_162, %dma_wait3A_163] : memref<100352x8xf32, #tpu.memory_space<hbm>> -> memref<100352x8xf32, #tpu.memory_space<hbm>>
          tpu.wait_indirect_dma semaphore(%arg17 : memref<!tpu.dma_semaphore, #tpu.memory_space<semaphore_mem>>) src(%dma_wait3A_164 : memref<100352x8xf32, #tpu.memory_space<hbm>>) dst(%dma_wait3A_159 : memref<128x8xf32, #tpu.memory_space<vmem>>)
          %dma_wait3A_165 = arith.constant 0 : i32
          %dma_wait3A_166 = arith.constant 0 : i32
          %dma_wait3A_167 = tpu.memref_slice %arg12[%dma_wait3A_165, %dma_wait3A_166] : memref<768x8xf32, #tpu.memory_space<vmem>> -> memref<128x8xf32, #tpu.memory_space<vmem>>
          %dma_wait3A_168 = arith.constant 0 : i32
          %dma_wait3A_169 = tpu.memref_slice %arg9[%dma_wait3A_168] : memref<1152xi32, #tpu.memory_space<vmem>> -> memref<128xi32, #tpu.memory_space<vmem>>
          %dma_wait3A_170 = arith.constant 0 : i32
          %dma_wait3A_171 = arith.constant 0 : i32
          %dma_wait3A_172 = tpu.memref_slice %arg2[%dma_wait3A_170, %dma_wait3A_171] : memref<100352x8xf32, #tpu.memory_space<hbm>> -> memref<100352x8xf32, #tpu.memory_space<hbm>>
          tpu.wait_indirect_dma semaphore(%arg17 : memref<!tpu.dma_semaphore, #tpu.memory_space<semaphore_mem>>) src(%dma_wait3A_172 : memref<100352x8xf32, #tpu.memory_space<hbm>>) dst(%dma_wait3A_167 : memref<128x8xf32, #tpu.memory_space<vmem>>)
        } else {
        }
      } else {
      }
      %ge3A_96 = arith.constant 2 : i32
      %ge3A_97 = arith.cmpi sge, %add3A_89, %ge3A_96 : i32
      %convert_element_type3A_98 = arith.extui %ge3A_97 : i1 to i32
      %cond3A_99 = arith.constant 0 : i32
      %cond3A_100 = arith.cmpi ne, %convert_element_type3A_98, %cond3A_99 : i32
      scf.if %cond3A_100 {
        %dma_wait3A_113 = arith.constant 0 : i32
        %dma_wait3A_114 = arith.constant 0 : i32
        %dma_wait3A_115 = tpu.memref_slice %arg14[%dma_wait3A_113, %dma_wait3A_114] : memref<768x16xf32, #tpu.memory_space<vmem>> -> memref<128x16xf32, #tpu.memory_space<vmem>>
        %dma_wait3A_116 = arith.constant 0 : i32
        %dma_wait3A_117 = tpu.memref_slice %arg9[%dma_wait3A_116] : memref<1152xi32, #tpu.memory_space<vmem>> -> memref<128xi32, #tpu.memory_space<vmem>>
        %dma_wait3A_118 = arith.constant 0 : i32
        %dma_wait3A_119 = arith.constant 0 : i32
        %dma_wait3A_120 = tpu.memref_slice %arg8[%dma_wait3A_118, %dma_wait3A_119] : memref<100352x16xf32, #tpu.memory_space<vmem_shared>> -> memref<100352x16xf32, #tpu.memory_space<vmem_shared>>
        tpu.wait_indirect_dma semaphore(%arg18 : memref<!tpu.dma_semaphore, #tpu.memory_space<semaphore_mem>>) src(%dma_wait3A_115 : memref<128x16xf32, #tpu.memory_space<vmem>>) dst(%dma_wait3A_120 : memref<100352x16xf32, #tpu.memory_space<vmem_shared>>)
        %dma_wait3A_121 = arith.constant 0 : i32
        %dma_wait3A_122 = arith.constant 0 : i32
        %dma_wait3A_123 = tpu.memref_slice %arg14[%dma_wait3A_121, %dma_wait3A_122] : memref<768x16xf32, #tpu.memory_space<vmem>> -> memref<128x16xf32, #tpu.memory_space<vmem>>
        %dma_wait3A_124 = arith.constant 0 : i32
        %dma_wait3A_125 = tpu.memref_slice %arg9[%dma_wait3A_124] : memref<1152xi32, #tpu.memory_space<vmem>> -> memref<128xi32, #tpu.memory_space<vmem>>
        %dma_wait3A_126 = arith.constant 0 : i32
        %dma_wait3A_127 = arith.constant 0 : i32
        %dma_wait3A_128 = tpu.memref_slice %arg8[%dma_wait3A_126, %dma_wait3A_127] : memref<100352x16xf32, #tpu.memory_space<vmem_shared>> -> memref<100352x16xf32, #tpu.memory_space<vmem_shared>>
        tpu.wait_indirect_dma semaphore(%arg18 : memref<!tpu.dma_semaphore, #tpu.memory_space<semaphore_mem>>) src(%dma_wait3A_123 : memref<128x16xf32, #tpu.memory_space<vmem>>) dst(%dma_wait3A_128 : memref<100352x16xf32, #tpu.memory_space<vmem_shared>>)
        %dma_wait3A_129 = arith.constant 0 : i32
        %dma_wait3A_130 = arith.constant 0 : i32
        %dma_wait3A_131 = tpu.memref_slice %arg14[%dma_wait3A_129, %dma_wait3A_130] : memref<768x16xf32, #tpu.memory_space<vmem>> -> memref<128x16xf32, #tpu.memory_space<vmem>>
        %dma_wait3A_132 = arith.constant 0 : i32
        %dma_wait3A_133 = tpu.memref_slice %arg9[%dma_wait3A_132] : memref<1152xi32, #tpu.memory_space<vmem>> -> memref<128xi32, #tpu.memory_space<vmem>>
        %dma_wait3A_134 = arith.constant 0 : i32
        %dma_wait3A_135 = arith.constant 0 : i32
        %dma_wait3A_136 = tpu.memref_slice %arg8[%dma_wait3A_134, %dma_wait3A_135] : memref<100352x16xf32, #tpu.memory_space<vmem_shared>> -> memref<100352x16xf32, #tpu.memory_space<vmem_shared>>
        tpu.wait_indirect_dma semaphore(%arg18 : memref<!tpu.dma_semaphore, #tpu.memory_space<semaphore_mem>>) src(%dma_wait3A_131 : memref<128x16xf32, #tpu.memory_space<vmem>>) dst(%dma_wait3A_136 : memref<100352x16xf32, #tpu.memory_space<vmem_shared>>)
      } else {
      }
      %add3A_101 = arith.constant 1 : i32
      %add3A_102 = arith.addi %add3A_89, %add3A_101 : i32
      %lt3A_103 = arith.constant 520 : i32
      %lt3A_104 = arith.cmpi slt, %add3A_102, %lt3A_103 : i32
      %convert_element_type3A_105 = arith.extui %lt3A_104 : i1 to i32
      %cond3A_106 = arith.constant 0 : i32
      %cond3A_107 = arith.cmpi ne, %convert_element_type3A_105, %cond3A_106 : i32
      scf.if %cond3A_107 {
        %add3A_113 = arith.constant 1 : i32
        %add3A_114 = arith.addi %add3A_89, %add3A_113 : i32
        %rem3A_115 = arith.constant 3 : i32
        %rem3A_116 = arith.remsi %add3A_114, %rem3A_115 : i32
        %mul3A_117 = arith.constant 384 : i32
        %mul3A_118 = arith.muli %rem3A_116, %mul3A_117 : i32
        %mul3A_119 = arith.constant 384 : i32
        %mul3A_120 = arith.muli %add3A_114, %mul3A_119 : i32
        %add3A_121 = arith.addi %mul3A_4, %mul3A_120 : i32
        %dma_start3A_122 = tpu.memref_slice %arg9[%mul3A_118] : memref<1152xi32, #tpu.memory_space<vmem>> -> memref<384xi32, #tpu.memory_space<vmem>>
        %dma_start3A_123 = tpu.memref_slice %arg3[%add3A_121] : memref<6400000xi32, #tpu.memory_space<hbm>> -> memref<384xi32, #tpu.memory_space<hbm>>
        %dma_start3A_124 = tpu.memref_slice %arg9[%mul3A_118] : memref<1152xi32, #tpu.memory_space<vmem>> -> memref<384xi32, #tpu.memory_space<vmem>>
        %dma_start3A_125 = tpu.memref_slice %arg3[%add3A_121] : memref<6400000xi32, #tpu.memory_space<hbm>> -> memref<384xi32, #tpu.memory_space<hbm>>
        tpu.enqueue_dma source(%dma_start3A_125 : memref<384xi32, #tpu.memory_space<hbm>>) target(%dma_start3A_124 : memref<384xi32, #tpu.memory_space<vmem>>) target_semaphore(%arg15 : memref<!tpu.dma_semaphore, #tpu.memory_space<semaphore_mem>>)
        %dma_start3A_126 = tpu.memref_slice %arg10[%mul3A_118] : memref<1152xi32, #tpu.memory_space<vmem>> -> memref<384xi32, #tpu.memory_space<vmem>>
        %dma_start3A_127 = tpu.memref_slice %arg4[%add3A_121] : memref<6400000xi32, #tpu.memory_space<hbm>> -> memref<384xi32, #tpu.memory_space<hbm>>
        %dma_start3A_128 = tpu.memref_slice %arg10[%mul3A_118] : memref<1152xi32, #tpu.memory_space<vmem>> -> memref<384xi32, #tpu.memory_space<vmem>>
        %dma_start3A_129 = tpu.memref_slice %arg4[%add3A_121] : memref<6400000xi32, #tpu.memory_space<hbm>> -> memref<384xi32, #tpu.memory_space<hbm>>
        tpu.enqueue_dma source(%dma_start3A_129 : memref<384xi32, #tpu.memory_space<hbm>>) target(%dma_start3A_128 : memref<384xi32, #tpu.memory_space<vmem>>) target_semaphore(%arg15 : memref<!tpu.dma_semaphore, #tpu.memory_space<semaphore_mem>>)
        %dma_start3A_130 = tpu.memref_slice %arg11[%mul3A_118] : memref<1152xf32, #tpu.memory_space<vmem>> -> memref<384xf32, #tpu.memory_space<vmem>>
        %dma_start3A_131 = tpu.memref_slice %arg5[%add3A_121] : memref<6400000xf32, #tpu.memory_space<hbm>> -> memref<384xf32, #tpu.memory_space<hbm>>
        %dma_start3A_132 = tpu.memref_slice %arg11[%mul3A_118] : memref<1152xf32, #tpu.memory_space<vmem>> -> memref<384xf32, #tpu.memory_space<vmem>>
        %dma_start3A_133 = tpu.memref_slice %arg5[%add3A_121] : memref<6400000xf32, #tpu.memory_space<hbm>> -> memref<384xf32, #tpu.memory_space<hbm>>
        tpu.enqueue_dma source(%dma_start3A_133 : memref<384xf32, #tpu.memory_space<hbm>>) target(%dma_start3A_132 : memref<384xf32, #tpu.memory_space<vmem>>) target_semaphore(%arg15 : memref<!tpu.dma_semaphore, #tpu.memory_space<semaphore_mem>>)
      } else {
      }
      %ge3A_108 = arith.constant 1 : i32
      %ge3A_109 = arith.cmpi sge, %add3A_89, %ge3A_108 : i32
      %convert_element_type3A_110 = arith.extui %ge3A_109 : i1 to i32
      %cond3A_111 = arith.constant 0 : i32
      %cond3A_112 = arith.cmpi ne, %convert_element_type3A_110, %cond3A_111 : i32
      scf.if %cond3A_112 {
        %sub3A = arith.constant 1 : i32
        %sub3A_113 = arith.subi %add3A_89, %sub3A : i32
        %rem3A_114 = arith.constant 3 : i32
        %rem3A_115 = arith.remsi %sub3A_113, %rem3A_114 : i32
        %mul3A_116 = arith.constant 384 : i32
        %mul3A_117 = arith.muli %rem3A_115, %mul3A_116 : i32
        %rem3A_118 = arith.constant 2 : i32
        %rem3A_119 = arith.remsi %sub3A_113, %rem3A_118 : i32
        %mul3A_120 = arith.constant 384 : i32
        %mul3A_121 = arith.muli %rem3A_119, %mul3A_120 : i32
        %scan3A_122 = arith.constant 0 : i32
        %scan3A_123 = arith.constant 24 : i32
        %scan3A_124 = arith.addi %scan3A_122, %scan3A_123 : i32
        %scan3A_125 = arith.constant 1 : i32
        scf.for %scan3A_167 = %scan3A_122 to %scan3A_124 step %scan3A_125  : i32 {
          %mul3A_168 = arith.constant 1 : i32
          %mul3A_169 = arith.muli %scan3A_167, %mul3A_168 : i32
          %add3A_170 = arith.constant 0 : i32
          %add3A_171 = arith.addi %add3A_170, %mul3A_169 : i32
          %mul3A_172 = arith.constant 16 : i32
          %mul3A_173 = arith.muli %add3A_171, %mul3A_172 : i32
          %add3A_174 = arith.addi %mul3A_121, %mul3A_173 : i32
          %add3A_175 = vector.broadcast %add3A_174 : i32 to vector<16xi32>
          %add3A_176 = arith.addi %add3A_175, %iota3A : vector<16xi32>
          %broadcast_in_dim3A_177 = arith.constant 0 : i32
          %broadcast_in_dim3A_178 = vector.broadcast %broadcast_in_dim3A_177 : i32 to vector<16xi32>
          %gather3A = tpu.vector_load_idx %arg12[%add3A_176, %broadcast_in_dim3A_178] : memref<768x8xf32, #tpu.memory_space<vmem>>[vector<16xi32>, vector<16xi32>], vector<16xf32>,
          %broadcast_in_dim3A_179 = arith.constant 1 : i32
          %broadcast_in_dim3A_180 = vector.broadcast %broadcast_in_dim3A_179 : i32 to vector<16xi32>
          %gather3A_181 = tpu.vector_load_idx %arg12[%add3A_176, %broadcast_in_dim3A_180] : memref<768x8xf32, #tpu.memory_space<vmem>>[vector<16xi32>, vector<16xi32>], vector<16xf32>,
          %broadcast_in_dim3A_182 = arith.constant 2 : i32
          %broadcast_in_dim3A_183 = vector.broadcast %broadcast_in_dim3A_182 : i32 to vector<16xi32>
          %gather3A_184 = tpu.vector_load_idx %arg12[%add3A_176, %broadcast_in_dim3A_183] : memref<768x8xf32, #tpu.memory_space<vmem>>[vector<16xi32>, vector<16xi32>], vector<16xf32>,
          %broadcast_in_dim3A_185 = arith.constant 3 : i32
          %broadcast_in_dim3A_186 = vector.broadcast %broadcast_in_dim3A_185 : i32 to vector<16xi32>
          %gather3A_187 = tpu.vector_load_idx %arg12[%add3A_176, %broadcast_in_dim3A_186] : memref<768x8xf32, #tpu.memory_space<vmem>>[vector<16xi32>, vector<16xi32>], vector<16xf32>,
          %broadcast_in_dim3A_188 = arith.constant 4 : i32
          %broadcast_in_dim3A_189 = vector.broadcast %broadcast_in_dim3A_188 : i32 to vector<16xi32>
          %gather3A_190 = tpu.vector_load_idx %arg12[%add3A_176, %broadcast_in_dim3A_189] : memref<768x8xf32, #tpu.memory_space<vmem>>[vector<16xi32>, vector<16xi32>], vector<16xf32>,
          %broadcast_in_dim3A_191 = arith.constant 5 : i32
          %broadcast_in_dim3A_192 = vector.broadcast %broadcast_in_dim3A_191 : i32 to vector<16xi32>
          %gather3A_193 = tpu.vector_load_idx %arg12[%add3A_176, %broadcast_in_dim3A_192] : memref<768x8xf32, #tpu.memory_space<vmem>>[vector<16xi32>, vector<16xi32>], vector<16xf32>,
          %broadcast_in_dim3A_194 = arith.constant 0 : i32
          %broadcast_in_dim3A_195 = vector.broadcast %broadcast_in_dim3A_194 : i32 to vector<16xi32>
          %gather3A_196 = tpu.vector_load_idx %arg13[%add3A_176, %broadcast_in_dim3A_195] : memref<768x8xf32, #tpu.memory_space<vmem>>[vector<16xi32>, vector<16xi32>], vector<16xf32>,
          %broadcast_in_dim3A_197 = arith.constant 1 : i32
          %broadcast_in_dim3A_198 = vector.broadcast %broadcast_in_dim3A_197 : i32 to vector<16xi32>
          %gather3A_199 = tpu.vector_load_idx %arg13[%add3A_176, %broadcast_in_dim3A_198] : memref<768x8xf32, #tpu.memory_space<vmem>>[vector<16xi32>, vector<16xi32>], vector<16xf32>,
          %broadcast_in_dim3A_200 = arith.constant 2 : i32
          %broadcast_in_dim3A_201 = vector.broadcast %broadcast_in_dim3A_200 : i32 to vector<16xi32>
          %gather3A_202 = tpu.vector_load_idx %arg13[%add3A_176, %broadcast_in_dim3A_201] : memref<768x8xf32, #tpu.memory_space<vmem>>[vector<16xi32>, vector<16xi32>], vector<16xf32>,
          %broadcast_in_dim3A_203 = arith.constant 3 : i32
          %broadcast_in_dim3A_204 = vector.broadcast %broadcast_in_dim3A_203 : i32 to vector<16xi32>
          %gather3A_205 = tpu.vector_load_idx %arg13[%add3A_176, %broadcast_in_dim3A_204] : memref<768x8xf32, #tpu.memory_space<vmem>>[vector<16xi32>, vector<16xi32>], vector<16xf32>,
          %broadcast_in_dim3A_206 = arith.constant 4 : i32
          %broadcast_in_dim3A_207 = vector.broadcast %broadcast_in_dim3A_206 : i32 to vector<16xi32>
          %gather3A_208 = tpu.vector_load_idx %arg13[%add3A_176, %broadcast_in_dim3A_207] : memref<768x8xf32, #tpu.memory_space<vmem>>[vector<16xi32>, vector<16xi32>], vector<16xf32>,
          %broadcast_in_dim3A_209 = arith.constant 5 : i32
          %broadcast_in_dim3A_210 = vector.broadcast %broadcast_in_dim3A_209 : i32 to vector<16xi32>
          %gather3A_211 = tpu.vector_load_idx %arg13[%add3A_176, %broadcast_in_dim3A_210] : memref<768x8xf32, #tpu.memory_space<vmem>>[vector<16xi32>, vector<16xi32>], vector<16xf32>,
          %mul3A_212 = arith.constant 16 : i32
          %mul3A_213 = arith.muli %add3A_171, %mul3A_212 : i32
          %add3A_214 = arith.addi %mul3A_117, %mul3A_213 : i32
          %get3A = arith.index_cast %add3A_214 : i32 to index
          %get3A_215 = tpu.vector_load %arg11[%get3A] {strides = array<i32>} : memref<1152xf32, #tpu.memory_space<vmem>>, vector<16xf32>,
          %sub3A_216 = arith.subf %gather3A_196, %gather3A : vector<16xf32>
          %sub3A_217 = arith.subf %gather3A_199, %gather3A_181 : vector<16xf32>
          %sub3A_218 = arith.subf %gather3A_202, %gather3A_184 : vector<16xf32>
          %mul3A_219 = arith.mulf %sub3A_216, %sub3A_216 : vector<16xf32>
          %mul3A_220 = arith.mulf %sub3A_217, %sub3A_217 : vector<16xf32>
          %add3A_221 = arith.addf %mul3A_219, %mul3A_220 : vector<16xf32>
          %mul3A_222 = arith.mulf %sub3A_218, %sub3A_218 : vector<16xf32>
          %add3A_223 = arith.addf %add3A_221, %mul3A_222 : vector<16xf32>
          %add3A_224 = arith.constant 9.99999993E-9 : f32
          %add3A_225 = vector.broadcast %add3A_224 : f32 to vector<16xf32>
          %add3A_226 = arith.addf %add3A_223, %add3A_225 : vector<16xf32>
          %div3A = arith.constant 1.000000e+00 : f32
          %div3A_227 = vector.broadcast %div3A : f32 to vector<16xf32>
          %div3A_228 = arith.divf %div3A_227, %add3A_226 : vector<16xf32>
          %mul3A_229 = arith.mulf %sub3A_216, %div3A_228 : vector<16xf32>
          %mul3A_230 = arith.mulf %sub3A_217, %div3A_228 : vector<16xf32>
          %mul3A_231 = arith.mulf %sub3A_218, %div3A_228 : vector<16xf32>
          %sub3A_232 = arith.subf %gather3A_205, %gather3A_187 : vector<16xf32>
          %mul3A_233 = arith.mulf %get3A_215, %sub3A_232 : vector<16xf32>
          %sub3A_234 = arith.subf %gather3A_208, %gather3A_190 : vector<16xf32>
          %mul3A_235 = arith.mulf %get3A_215, %sub3A_234 : vector<16xf32>
          %sub3A_236 = arith.subf %gather3A_211, %gather3A_193 : vector<16xf32>
          %mul3A_237 = arith.mulf %get3A_215, %sub3A_236 : vector<16xf32>
          %broadcast_in_dim3A_238 = arith.constant 0 : i32
          %broadcast_in_dim3A_239 = vector.broadcast %broadcast_in_dim3A_238 : i32 to vector<16xi32>
          %mul3A_240 = arith.mulf %mul3A_233, %mul3A_229 : vector<16xf32>
          tpu.vector_store_idx %arg14[%add3A_176, %broadcast_in_dim3A_239], %mul3A_240 : memref<768x16xf32, #tpu.memory_space<vmem>>[vector<16xi32>, vector<16xi32>], vector<16xf32>,
          %broadcast_in_dim3A_241 = arith.constant 1 : i32
          %broadcast_in_dim3A_242 = vector.broadcast %broadcast_in_dim3A_241 : i32 to vector<16xi32>
          %mul3A_243 = arith.mulf %mul3A_233, %mul3A_230 : vector<16xf32>
          tpu.vector_store_idx %arg14[%add3A_176, %broadcast_in_dim3A_242], %mul3A_243 : memref<768x16xf32, #tpu.memory_space<vmem>>[vector<16xi32>, vector<16xi32>], vector<16xf32>,
          %broadcast_in_dim3A_244 = arith.constant 2 : i32
          %broadcast_in_dim3A_245 = vector.broadcast %broadcast_in_dim3A_244 : i32 to vector<16xi32>
          %mul3A_246 = arith.mulf %mul3A_233, %mul3A_231 : vector<16xf32>
          tpu.vector_store_idx %arg14[%add3A_176, %broadcast_in_dim3A_245], %mul3A_246 : memref<768x16xf32, #tpu.memory_space<vmem>>[vector<16xi32>, vector<16xi32>], vector<16xf32>,
          %broadcast_in_dim3A_247 = arith.constant 3 : i32
          %broadcast_in_dim3A_248 = vector.broadcast %broadcast_in_dim3A_247 : i32 to vector<16xi32>
          %mul3A_249 = arith.mulf %mul3A_235, %mul3A_229 : vector<16xf32>
          tpu.vector_store_idx %arg14[%add3A_176, %broadcast_in_dim3A_248], %mul3A_249 : memref<768x16xf32, #tpu.memory_space<vmem>>[vector<16xi32>, vector<16xi32>], vector<16xf32>,
          %broadcast_in_dim3A_250 = arith.constant 4 : i32
          %broadcast_in_dim3A_251 = vector.broadcast %broadcast_in_dim3A_250 : i32 to vector<16xi32>
          %mul3A_252 = arith.mulf %mul3A_235, %mul3A_230 : vector<16xf32>
          tpu.vector_store_idx %arg14[%add3A_176, %broadcast_in_dim3A_251], %mul3A_252 : memref<768x16xf32, #tpu.memory_space<vmem>>[vector<16xi32>, vector<16xi32>], vector<16xf32>,
          %broadcast_in_dim3A_253 = arith.constant 5 : i32
          %broadcast_in_dim3A_254 = vector.broadcast %broadcast_in_dim3A_253 : i32 to vector<16xi32>
          %mul3A_255 = arith.mulf %mul3A_235, %mul3A_231 : vector<16xf32>
          tpu.vector_store_idx %arg14[%add3A_176, %broadcast_in_dim3A_254], %mul3A_255 : memref<768x16xf32, #tpu.memory_space<vmem>>[vector<16xi32>, vector<16xi32>], vector<16xf32>,
          %broadcast_in_dim3A_256 = arith.constant 6 : i32
          %broadcast_in_dim3A_257 = vector.broadcast %broadcast_in_dim3A_256 : i32 to vector<16xi32>
          %mul3A_258 = arith.mulf %mul3A_237, %mul3A_229 : vector<16xf32>
          tpu.vector_store_idx %arg14[%add3A_176, %broadcast_in_dim3A_257], %mul3A_258 : memref<768x16xf32, #tpu.memory_space<vmem>>[vector<16xi32>, vector<16xi32>], vector<16xf32>,
          %broadcast_in_dim3A_259 = arith.constant 7 : i32
          %broadcast_in_dim3A_260 = vector.broadcast %broadcast_in_dim3A_259 : i32 to vector<16xi32>
          %mul3A_261 = arith.mulf %mul3A_237, %mul3A_230 : vector<16xf32>
          tpu.vector_store_idx %arg14[%add3A_176, %broadcast_in_dim3A_260], %mul3A_261 : memref<768x16xf32, #tpu.memory_space<vmem>>[vector<16xi32>, vector<16xi32>], vector<16xf32>,
          %broadcast_in_dim3A_262 = arith.constant 8 : i32
          %broadcast_in_dim3A_263 = vector.broadcast %broadcast_in_dim3A_262 : i32 to vector<16xi32>
          %mul3A_264 = arith.mulf %mul3A_237, %mul3A_231 : vector<16xf32>
          tpu.vector_store_idx %arg14[%add3A_176, %broadcast_in_dim3A_263], %mul3A_264 : memref<768x16xf32, #tpu.memory_space<vmem>>[vector<16xi32>, vector<16xi32>], vector<16xf32>,
        }
        %scan3A_126 = arith.constant 24 : i32
        %sub3A_127 = arith.constant 1 : i32
        %sub3A_128 = arith.subi %add3A_89, %sub3A_127 : i32
        %rem3A_129 = arith.constant 3 : i32
        %rem3A_130 = arith.remsi %sub3A_128, %rem3A_129 : i32
        %mul3A_131 = arith.constant 384 : i32
        %mul3A_132 = arith.muli %rem3A_130, %mul3A_131 : i32
        %rem3A_133 = arith.constant 2 : i32
        %rem3A_134 = arith.remsi %sub3A_128, %rem3A_133 : i32
        %mul3A_135 = arith.constant 384 : i32
        %mul3A_136 = arith.muli %rem3A_134, %mul3A_135 : i32
        %add3A_137 = arith.constant 0 : i32
        %add3A_138 = arith.addi %mul3A_136, %add3A_137 : i32
        %add3A_139 = arith.constant 0 : i32
        %add3A_140 = arith.addi %mul3A_132, %add3A_139 : i32
        %dma_start3A_141 = arith.constant 0 : i32
        %dma_start3A_142 = tpu.memref_slice %arg14[%add3A_138, %dma_start3A_141] : memref<768x16xf32, #tpu.memory_space<vmem>> -> memref<128x16xf32, #tpu.memory_space<vmem>>
        %dma_start3A_143 = tpu.memref_slice %arg9[%add3A_140] : memref<1152xi32, #tpu.memory_space<vmem>> -> memref<128xi32, #tpu.memory_space<vmem>>
        %dma_start3A_144 = arith.constant 0 : i32
        %dma_start3A_145 = arith.constant 0 : i32
        %dma_start3A_146 = tpu.memref_slice %arg8[%dma_start3A_144, %dma_start3A_145] : memref<100352x16xf32, #tpu.memory_space<vmem_shared>> -> memref<100352x16xf32, #tpu.memory_space<vmem_shared>>
        tpu.enqueue_indirect_dma source(%dma_start3A_142 : memref<128x16xf32, #tpu.memory_space<vmem>>) target(%dma_start3A_146 : memref<100352x16xf32, #tpu.memory_space<vmem_shared>>) offsets(%dma_start3A_143 : memref<128xi32, #tpu.memory_space<vmem>>) semaphore(%arg18 : memref<!tpu.dma_semaphore, #tpu.memory_space<semaphore_mem>>) {add = true}
        %add3A_147 = arith.constant 128 : i32
        %add3A_148 = arith.addi %mul3A_136, %add3A_147 : i32
        %add3A_149 = arith.constant 128 : i32
        %add3A_150 = arith.addi %mul3A_132, %add3A_149 : i32
        %dma_start3A_151 = arith.constant 0 : i32
        %dma_start3A_152 = tpu.memref_slice %arg14[%add3A_148, %dma_start3A_151] : memref<768x16xf32, #tpu.memory_space<vmem>> -> memref<128x16xf32, #tpu.memory_space<vmem>>
        %dma_start3A_153 = tpu.memref_slice %arg9[%add3A_150] : memref<1152xi32, #tpu.memory_space<vmem>> -> memref<128xi32, #tpu.memory_space<vmem>>
        %dma_start3A_154 = arith.constant 0 : i32
        %dma_start3A_155 = arith.constant 0 : i32
        %dma_start3A_156 = tpu.memref_slice %arg8[%dma_start3A_154, %dma_start3A_155] : memref<100352x16xf32, #tpu.memory_space<vmem_shared>> -> memref<100352x16xf32, #tpu.memory_space<vmem_shared>>
        tpu.enqueue_indirect_dma source(%dma_start3A_152 : memref<128x16xf32, #tpu.memory_space<vmem>>) target(%dma_start3A_156 : memref<100352x16xf32, #tpu.memory_space<vmem_shared>>) offsets(%dma_start3A_153 : memref<128xi32, #tpu.memory_space<vmem>>) semaphore(%arg18 : memref<!tpu.dma_semaphore, #tpu.memory_space<semaphore_mem>>) {add = true}
        %add3A_157 = arith.constant 256 : i32
        %add3A_158 = arith.addi %mul3A_136, %add3A_157 : i32
        %add3A_159 = arith.constant 256 : i32
        %add3A_160 = arith.addi %mul3A_132, %add3A_159 : i32
        %dma_start3A_161 = arith.constant 0 : i32
        %dma_start3A_162 = tpu.memref_slice %arg14[%add3A_158, %dma_start3A_161] : memref<768x16xf32, #tpu.memory_space<vmem>> -> memref<128x16xf32, #tpu.memory_space<vmem>>
        %dma_start3A_163 = tpu.memref_slice %arg9[%add3A_160] : memref<1152xi32, #tpu.memory_space<vmem>> -> memref<128xi32, #tpu.memory_space<vmem>>
        %dma_start3A_164 = arith.constant 0 : i32
        %dma_start3A_165 = arith.constant 0 : i32
        %dma_start3A_166 = tpu.memref_slice %arg8[%dma_start3A_164, %dma_start3A_165] : memref<100352x16xf32, #tpu.memory_space<vmem_shared>> -> memref<100352x16xf32, #tpu.memory_space<vmem_shared>>
        tpu.enqueue_indirect_dma source(%dma_start3A_162 : memref<128x16xf32, #tpu.memory_space<vmem>>) target(%dma_start3A_166 : memref<100352x16xf32, #tpu.memory_space<vmem_shared>>) offsets(%dma_start3A_163 : memref<128xi32, #tpu.memory_space<vmem>>) semaphore(%arg18 : memref<!tpu.dma_semaphore, #tpu.memory_space<semaphore_mem>>) {add = true}
      } else {
      }
    }
    %scan3A_38 = arith.constant 521 : i32
    %dma_wait3A = arith.constant 0 : i32
    %dma_wait3A_39 = arith.constant 0 : i32
    %dma_wait3A_40 = tpu.memref_slice %arg14[%dma_wait3A, %dma_wait3A_39] : memref<768x16xf32, #tpu.memory_space<vmem>> -> memref<128x16xf32, #tpu.memory_space<vmem>>
    %dma_wait3A_41 = arith.constant 0 : i32
    %dma_wait3A_42 = tpu.memref_slice %arg9[%dma_wait3A_41] : memref<1152xi32, #tpu.memory_space<vmem>> -> memref<128xi32, #tpu.memory_space<vmem>>
    %dma_wait3A_43 = arith.constant 0 : i32
    %dma_wait3A_44 = arith.constant 0 : i32
    %dma_wait3A_45 = tpu.memref_slice %arg8[%dma_wait3A_43, %dma_wait3A_44] : memref<100352x16xf32, #tpu.memory_space<vmem_shared>> -> memref<100352x16xf32, #tpu.memory_space<vmem_shared>>
    tpu.wait_indirect_dma semaphore(%arg18 : memref<!tpu.dma_semaphore, #tpu.memory_space<semaphore_mem>>) src(%dma_wait3A_40 : memref<128x16xf32, #tpu.memory_space<vmem>>) dst(%dma_wait3A_45 : memref<100352x16xf32, #tpu.memory_space<vmem_shared>>)
    %dma_wait3A_46 = arith.constant 0 : i32
    %dma_wait3A_47 = arith.constant 0 : i32
    %dma_wait3A_48 = tpu.memref_slice %arg14[%dma_wait3A_46, %dma_wait3A_47] : memref<768x16xf32, #tpu.memory_space<vmem>> -> memref<128x16xf32, #tpu.memory_space<vmem>>
    %dma_wait3A_49 = arith.constant 0 : i32
    %dma_wait3A_50 = tpu.memref_slice %arg9[%dma_wait3A_49] : memref<1152xi32, #tpu.memory_space<vmem>> -> memref<128xi32, #tpu.memory_space<vmem>>
    %dma_wait3A_51 = arith.constant 0 : i32
    %dma_wait3A_52 = arith.constant 0 : i32
    %dma_wait3A_53 = tpu.memref_slice %arg8[%dma_wait3A_51, %dma_wait3A_52] : memref<100352x16xf32, #tpu.memory_space<vmem_shared>> -> memref<100352x16xf32, #tpu.memory_space<vmem_shared>>
    tpu.wait_indirect_dma semaphore(%arg18 : memref<!tpu.dma_semaphore, #tpu.memory_space<semaphore_mem>>) src(%dma_wait3A_48 : memref<128x16xf32, #tpu.memory_space<vmem>>) dst(%dma_wait3A_53 : memref<100352x16xf32, #tpu.memory_space<vmem_shared>>)
    %dma_wait3A_54 = arith.constant 0 : i32
    %dma_wait3A_55 = arith.constant 0 : i32
    %dma_wait3A_56 = tpu.memref_slice %arg14[%dma_wait3A_54, %dma_wait3A_55] : memref<768x16xf32, #tpu.memory_space<vmem>> -> memref<128x16xf32, #tpu.memory_space<vmem>>
    %dma_wait3A_57 = arith.constant 0 : i32
    %dma_wait3A_58 = tpu.memref_slice %arg9[%dma_wait3A_57] : memref<1152xi32, #tpu.memory_space<vmem>> -> memref<128xi32, #tpu.memory_space<vmem>>
    %dma_wait3A_59 = arith.constant 0 : i32
    %dma_wait3A_60 = arith.constant 0 : i32
    %dma_wait3A_61 = tpu.memref_slice %arg8[%dma_wait3A_59, %dma_wait3A_60] : memref<100352x16xf32, #tpu.memory_space<vmem_shared>> -> memref<100352x16xf32, #tpu.memory_space<vmem_shared>>
    tpu.wait_indirect_dma semaphore(%arg18 : memref<!tpu.dma_semaphore, #tpu.memory_space<semaphore_mem>>) src(%dma_wait3A_56 : memref<128x16xf32, #tpu.memory_space<vmem>>) dst(%dma_wait3A_61 : memref<100352x16xf32, #tpu.memory_space<vmem_shared>>)
    %add3A_62 = arith.constant 199680 : i32
    %add3A_63 = arith.addi %mul3A_4, %add3A_62 : i32
    "tpu.region"() ({
      %run_scoped3A = tpu.sem_alloc : memref<!tpu.dma_semaphore, #tpu.memory_space<semaphore_mem>>
      %dma_start3A_85 = arith.constant 0 : i32
      %dma_start3A_86 = tpu.memref_slice %arg9[%dma_start3A_85] : memref<1152xi32, #tpu.memory_space<vmem>> -> memref<320xi32, #tpu.memory_space<vmem>>
      %dma_start3A_87 = tpu.memref_slice %arg3[%add3A_63] : memref<6400000xi32, #tpu.memory_space<hbm>> -> memref<320xi32, #tpu.memory_space<hbm>>
      %dma_start3A_88 = arith.constant 0 : i32
      %dma_start3A_89 = tpu.memref_slice %arg9[%dma_start3A_88] : memref<1152xi32, #tpu.memory_space<vmem>> -> memref<320xi32, #tpu.memory_space<vmem>>
      %dma_start3A_90 = tpu.memref_slice %arg3[%add3A_63] : memref<6400000xi32, #tpu.memory_space<hbm>> -> memref<320xi32, #tpu.memory_space<hbm>>
      tpu.enqueue_dma source(%dma_start3A_90 : memref<320xi32, #tpu.memory_space<hbm>>) target(%dma_start3A_89 : memref<320xi32, #tpu.memory_space<vmem>>) target_semaphore(%run_scoped3A : memref<!tpu.dma_semaphore, #tpu.memory_space<semaphore_mem>>)
      %dma_wait3A_91 = arith.constant 0 : i32
      %dma_wait3A_92 = tpu.memref_slice %arg9[%dma_wait3A_91] : memref<1152xi32, #tpu.memory_space<vmem>> -> memref<320xi32, #tpu.memory_space<vmem>>
      %dma_wait3A_93 = tpu.memref_slice %arg3[%add3A_63] : memref<6400000xi32, #tpu.memory_space<hbm>> -> memref<320xi32, #tpu.memory_space<hbm>>
      %dma_wait3A_94 = arith.constant 0 : i32
      %dma_wait3A_95 = tpu.memref_slice %arg9[%dma_wait3A_94] : memref<1152xi32, #tpu.memory_space<vmem>> -> memref<320xi32, #tpu.memory_space<vmem>>
      %dma_wait3A_96 = tpu.memref_slice %arg3[%add3A_63] : memref<6400000xi32, #tpu.memory_space<hbm>> -> memref<320xi32, #tpu.memory_space<hbm>>
      tpu.wait_dma2 semaphore(%run_scoped3A : memref<!tpu.dma_semaphore, #tpu.memory_space<semaphore_mem>>) src(%dma_wait3A_96 : memref<320xi32, #tpu.memory_space<hbm>>) dst(%dma_wait3A_95 : memref<320xi32, #tpu.memory_space<vmem>>)
      tpu.yield
    }) : () -> ()
    "tpu.region"() ({
      %run_scoped3A = tpu.sem_alloc : memref<!tpu.dma_semaphore, #tpu.memory_space<semaphore_mem>>
      %dma_start3A_85 = arith.constant 0 : i32
      %dma_start3A_86 = tpu.memref_slice %arg10[%dma_start3A_85] : memref<1152xi32, #tpu.memory_space<vmem>> -> memref<320xi32, #tpu.memory_space<vmem>>
      %dma_start3A_87 = tpu.memref_slice %arg4[%add3A_63] : memref<6400000xi32, #tpu.memory_space<hbm>> -> memref<320xi32, #tpu.memory_space<hbm>>
      %dma_start3A_88 = arith.constant 0 : i32
      %dma_start3A_89 = tpu.memref_slice %arg10[%dma_start3A_88] : memref<1152xi32, #tpu.memory_space<vmem>> -> memref<320xi32, #tpu.memory_space<vmem>>
      %dma_start3A_90 = tpu.memref_slice %arg4[%add3A_63] : memref<6400000xi32, #tpu.memory_space<hbm>> -> memref<320xi32, #tpu.memory_space<hbm>>
      tpu.enqueue_dma source(%dma_start3A_90 : memref<320xi32, #tpu.memory_space<hbm>>) target(%dma_start3A_89 : memref<320xi32, #tpu.memory_space<vmem>>) target_semaphore(%run_scoped3A : memref<!tpu.dma_semaphore, #tpu.memory_space<semaphore_mem>>)
      %dma_wait3A_91 = arith.constant 0 : i32
      %dma_wait3A_92 = tpu.memref_slice %arg10[%dma_wait3A_91] : memref<1152xi32, #tpu.memory_space<vmem>> -> memref<320xi32, #tpu.memory_space<vmem>>
      %dma_wait3A_93 = tpu.memref_slice %arg4[%add3A_63] : memref<6400000xi32, #tpu.memory_space<hbm>> -> memref<320xi32, #tpu.memory_space<hbm>>
      %dma_wait3A_94 = arith.constant 0 : i32
      %dma_wait3A_95 = tpu.memref_slice %arg10[%dma_wait3A_94] : memref<1152xi32, #tpu.memory_space<vmem>> -> memref<320xi32, #tpu.memory_space<vmem>>
      %dma_wait3A_96 = tpu.memref_slice %arg4[%add3A_63] : memref<6400000xi32, #tpu.memory_space<hbm>> -> memref<320xi32, #tpu.memory_space<hbm>>
      tpu.wait_dma2 semaphore(%run_scoped3A : memref<!tpu.dma_semaphore, #tpu.memory_space<semaphore_mem>>) src(%dma_wait3A_96 : memref<320xi32, #tpu.memory_space<hbm>>) dst(%dma_wait3A_95 : memref<320xi32, #tpu.memory_space<vmem>>)
      tpu.yield
    }) : () -> ()
    "tpu.region"() ({
      %run_scoped3A = tpu.sem_alloc : memref<!tpu.dma_semaphore, #tpu.memory_space<semaphore_mem>>
      %dma_start3A_85 = arith.constant 0 : i32
      %dma_start3A_86 = tpu.memref_slice %arg11[%dma_start3A_85] : memref<1152xf32, #tpu.memory_space<vmem>> -> memref<320xf32, #tpu.memory_space<vmem>>
      %dma_start3A_87 = tpu.memref_slice %arg5[%add3A_63] : memref<6400000xf32, #tpu.memory_space<hbm>> -> memref<320xf32, #tpu.memory_space<hbm>>
      %dma_start3A_88 = arith.constant 0 : i32
      %dma_start3A_89 = tpu.memref_slice %arg11[%dma_start3A_88] : memref<1152xf32, #tpu.memory_space<vmem>> -> memref<320xf32, #tpu.memory_space<vmem>>
      %dma_start3A_90 = tpu.memref_slice %arg5[%add3A_63] : memref<6400000xf32, #tpu.memory_space<hbm>> -> memref<320xf32, #tpu.memory_space<hbm>>
      tpu.enqueue_dma source(%dma_start3A_90 : memref<320xf32, #tpu.memory_space<hbm>>) target(%dma_start3A_89 : memref<320xf32, #tpu.memory_space<vmem>>) target_semaphore(%run_scoped3A : memref<!tpu.dma_semaphore, #tpu.memory_space<semaphore_mem>>)
      %dma_wait3A_91 = arith.constant 0 : i32
      %dma_wait3A_92 = tpu.memref_slice %arg11[%dma_wait3A_91] : memref<1152xf32, #tpu.memory_space<vmem>> -> memref<320xf32, #tpu.memory_space<vmem>>
      %dma_wait3A_93 = tpu.memref_slice %arg5[%add3A_63] : memref<6400000xf32, #tpu.memory_space<hbm>> -> memref<320xf32, #tpu.memory_space<hbm>>
      %dma_wait3A_94 = arith.constant 0 : i32
      %dma_wait3A_95 = tpu.memref_slice %arg11[%dma_wait3A_94] : memref<1152xf32, #tpu.memory_space<vmem>> -> memref<320xf32, #tpu.memory_space<vmem>>
      %dma_wait3A_96 = tpu.memref_slice %arg5[%add3A_63] : memref<6400000xf32, #tpu.memory_space<hbm>> -> memref<320xf32, #tpu.memory_space<hbm>>
      tpu.wait_dma2 semaphore(%run_scoped3A : memref<!tpu.dma_semaphore, #tpu.memory_space<semaphore_mem>>) src(%dma_wait3A_96 : memref<320xf32, #tpu.memory_space<hbm>>) dst(%dma_wait3A_95 : memref<320xf32, #tpu.memory_space<vmem>>)
      tpu.yield
    }) : () -> ()
    %scan3A_64 = arith.constant 0 : i32
    %scan3A_65 = arith.constant 5 : i32
    %scan3A_66 = arith.addi %scan3A_64, %scan3A_65 : i32
    %scan3A_67 = arith.constant 1 : i32
    scf.for %scan3A_85 = %scan3A_64 to %scan3A_66 step %scan3A_67  : i32 {
      %mul3A_86 = arith.constant 1 : i32
      %mul3A_87 = arith.muli %scan3A_85, %mul3A_86 : i32
      %add3A_88 = arith.constant 0 : i32
      %add3A_89 = arith.addi %add3A_88, %mul3A_87 : i32
      %mul3A_90 = arith.constant 64 : i32
      %mul3A_91 = arith.muli %add3A_89, %mul3A_90 : i32
      %mul3A_92 = arith.constant 64 : i32
      %mul3A_93 = arith.muli %add3A_89, %mul3A_92 : i32
      "tpu.region"() ({
        %run_scoped3A = tpu.sem_alloc : memref<!tpu.dma_semaphore, #tpu.memory_space<semaphore_mem>>
        %dma_start3A_98 = arith.constant 0 : i32
        %dma_start3A_99 = tpu.memref_slice %arg12[%mul3A_93, %dma_start3A_98] : memref<768x8xf32, #tpu.memory_space<vmem>> -> memref<64x8xf32, #tpu.memory_space<vmem>>
        %dma_start3A_100 = tpu.memref_slice %arg9[%mul3A_91] : memref<1152xi32, #tpu.memory_space<vmem>> -> memref<64xi32, #tpu.memory_space<vmem>>
        %dma_start3A_101 = arith.constant 0 : i32
        %dma_start3A_102 = arith.constant 0 : i32
        %dma_start3A_103 = tpu.memref_slice %arg2[%dma_start3A_101, %dma_start3A_102] : memref<100352x8xf32, #tpu.memory_space<hbm>> -> memref<100352x8xf32, #tpu.memory_space<hbm>>
        tpu.enqueue_indirect_dma source(%dma_start3A_103 : memref<100352x8xf32, #tpu.memory_space<hbm>>) target(%dma_start3A_99 : memref<64x8xf32, #tpu.memory_space<vmem>>) offsets(%dma_start3A_100 : memref<64xi32, #tpu.memory_space<vmem>>) semaphore(%run_scoped3A : memref<!tpu.dma_semaphore, #tpu.memory_space<semaphore_mem>>)
        %dma_wait3A_104 = arith.constant 0 : i32
        %dma_wait3A_105 = tpu.memref_slice %arg12[%mul3A_93, %dma_wait3A_104] : memref<768x8xf32, #tpu.memory_space<vmem>> -> memref<64x8xf32, #tpu.memory_space<vmem>>
        %dma_wait3A_106 = tpu.memref_slice %arg9[%mul3A_91] : memref<1152xi32, #tpu.memory_space<vmem>> -> memref<64xi32, #tpu.memory_space<vmem>>
        %dma_wait3A_107 = arith.constant 0 : i32
        %dma_wait3A_108 = arith.constant 0 : i32
        %dma_wait3A_109 = tpu.memref_slice %arg2[%dma_wait3A_107, %dma_wait3A_108] : memref<100352x8xf32, #tpu.memory_space<hbm>> -> memref<100352x8xf32, #tpu.memory_space<hbm>>
        tpu.wait_indirect_dma semaphore(%run_scoped3A : memref<!tpu.dma_semaphore, #tpu.memory_space<semaphore_mem>>) src(%dma_wait3A_109 : memref<100352x8xf32, #tpu.memory_space<hbm>>) dst(%dma_wait3A_105 : memref<64x8xf32, #tpu.memory_space<vmem>>)
        tpu.yield
      }) : () -> ()
      %mul3A_94 = arith.constant 64 : i32
      %mul3A_95 = arith.muli %add3A_89, %mul3A_94 : i32
      %mul3A_96 = arith.constant 64 : i32
      %mul3A_97 = arith.muli %add3A_89, %mul3A_96 : i32
      "tpu.region"() ({
        %run_scoped3A = tpu.sem_alloc : memref<!tpu.dma_semaphore, #tpu.memory_space<semaphore_mem>>
        %dma_start3A_98 = arith.constant 0 : i32
        %dma_start3A_99 = tpu.memref_slice %arg13[%mul3A_97, %dma_start3A_98] : memref<768x8xf32, #tpu.memory_space<vmem>> -> memref<64x8xf32, #tpu.memory_space<vmem>>
        %dma_start3A_100 = tpu.memref_slice %arg10[%mul3A_95] : memref<1152xi32, #tpu.memory_space<vmem>> -> memref<64xi32, #tpu.memory_space<vmem>>
        %dma_start3A_101 = arith.constant 0 : i32
        %dma_start3A_102 = arith.constant 0 : i32
        %dma_start3A_103 = tpu.memref_slice %arg2[%dma_start3A_101, %dma_start3A_102] : memref<100352x8xf32, #tpu.memory_space<hbm>> -> memref<100352x8xf32, #tpu.memory_space<hbm>>
        tpu.enqueue_indirect_dma source(%dma_start3A_103 : memref<100352x8xf32, #tpu.memory_space<hbm>>) target(%dma_start3A_99 : memref<64x8xf32, #tpu.memory_space<vmem>>) offsets(%dma_start3A_100 : memref<64xi32, #tpu.memory_space<vmem>>) semaphore(%run_scoped3A : memref<!tpu.dma_semaphore, #tpu.memory_space<semaphore_mem>>)
        %dma_wait3A_104 = arith.constant 0 : i32
        %dma_wait3A_105 = tpu.memref_slice %arg13[%mul3A_97, %dma_wait3A_104] : memref<768x8xf32, #tpu.memory_space<vmem>> -> memref<64x8xf32, #tpu.memory_space<vmem>>
        %dma_wait3A_106 = tpu.memref_slice %arg10[%mul3A_95] : memref<1152xi32, #tpu.memory_space<vmem>> -> memref<64xi32, #tpu.memory_space<vmem>>
        %dma_wait3A_107 = arith.constant 0 : i32
        %dma_wait3A_108 = arith.constant 0 : i32
        %dma_wait3A_109 = tpu.memref_slice %arg2[%dma_wait3A_107, %dma_wait3A_108] : memref<100352x8xf32, #tpu.memory_space<hbm>> -> memref<100352x8xf32, #tpu.memory_space<hbm>>
        tpu.wait_indirect_dma semaphore(%run_scoped3A : memref<!tpu.dma_semaphore, #tpu.memory_space<semaphore_mem>>) src(%dma_wait3A_109 : memref<100352x8xf32, #tpu.memory_space<hbm>>) dst(%dma_wait3A_105 : memref<64x8xf32, #tpu.memory_space<vmem>>)
        tpu.yield
      }) : () -> ()
    }
    %scan3A_68 = arith.constant 5 : i32
    %scan3A_69 = arith.constant 0 : i32
    %scan3A_70 = arith.constant 20 : i32
    %scan3A_71 = arith.addi %scan3A_69, %scan3A_70 : i32
    %scan3A_72 = arith.constant 1 : i32
    scf.for %scan3A_85 = %scan3A_69 to %scan3A_71 step %scan3A_72  : i32 {
      %mul3A_86 = arith.constant 1 : i32
      %mul3A_87 = arith.muli %scan3A_85, %mul3A_86 : i32
      %add3A_88 = arith.constant 0 : i32
      %add3A_89 = arith.addi %add3A_88, %mul3A_87 : i32
      %mul3A_90 = arith.constant 16 : i32
      %mul3A_91 = arith.muli %add3A_89, %mul3A_90 : i32
      %add3A_92 = vector.broadcast %mul3A_91 : i32 to vector<16xi32>
      %add3A_93 = arith.addi %add3A_92, %iota3A : vector<16xi32>
      %broadcast_in_dim3A_94 = arith.constant 0 : i32
      %broadcast_in_dim3A_95 = vector.broadcast %broadcast_in_dim3A_94 : i32 to vector<16xi32>
      %gather3A = tpu.vector_load_idx %arg12[%add3A_93, %broadcast_in_dim3A_95] : memref<768x8xf32, #tpu.memory_space<vmem>>[vector<16xi32>, vector<16xi32>], vector<16xf32>,
      %broadcast_in_dim3A_96 = arith.constant 1 : i32
      %broadcast_in_dim3A_97 = vector.broadcast %broadcast_in_dim3A_96 : i32 to vector<16xi32>
      %gather3A_98 = tpu.vector_load_idx %arg12[%add3A_93, %broadcast_in_dim3A_97] : memref<768x8xf32, #tpu.memory_space<vmem>>[vector<16xi32>, vector<16xi32>], vector<16xf32>,
      %broadcast_in_dim3A_99 = arith.constant 2 : i32
      %broadcast_in_dim3A_100 = vector.broadcast %broadcast_in_dim3A_99 : i32 to vector<16xi32>
      %gather3A_101 = tpu.vector_load_idx %arg12[%add3A_93, %broadcast_in_dim3A_100] : memref<768x8xf32, #tpu.memory_space<vmem>>[vector<16xi32>, vector<16xi32>], vector<16xf32>,
      %broadcast_in_dim3A_102 = arith.constant 3 : i32
      %broadcast_in_dim3A_103 = vector.broadcast %broadcast_in_dim3A_102 : i32 to vector<16xi32>
      %gather3A_104 = tpu.vector_load_idx %arg12[%add3A_93, %broadcast_in_dim3A_103] : memref<768x8xf32, #tpu.memory_space<vmem>>[vector<16xi32>, vector<16xi32>], vector<16xf32>,
      %broadcast_in_dim3A_105 = arith.constant 4 : i32
      %broadcast_in_dim3A_106 = vector.broadcast %broadcast_in_dim3A_105 : i32 to vector<16xi32>
      %gather3A_107 = tpu.vector_load_idx %arg12[%add3A_93, %broadcast_in_dim3A_106] : memref<768x8xf32, #tpu.memory_space<vmem>>[vector<16xi32>, vector<16xi32>], vector<16xf32>,
      %broadcast_in_dim3A_108 = arith.constant 5 : i32
      %broadcast_in_dim3A_109 = vector.broadcast %broadcast_in_dim3A_108 : i32 to vector<16xi32>
      %gather3A_110 = tpu.vector_load_idx %arg12[%add3A_93, %broadcast_in_dim3A_109] : memref<768x8xf32, #tpu.memory_space<vmem>>[vector<16xi32>, vector<16xi32>], vector<16xf32>,
      %broadcast_in_dim3A_111 = arith.constant 0 : i32
      %broadcast_in_dim3A_112 = vector.broadcast %broadcast_in_dim3A_111 : i32 to vector<16xi32>
      %gather3A_113 = tpu.vector_load_idx %arg13[%add3A_93, %broadcast_in_dim3A_112] : memref<768x8xf32, #tpu.memory_space<vmem>>[vector<16xi32>, vector<16xi32>], vector<16xf32>,
      %broadcast_in_dim3A_114 = arith.constant 1 : i32
      %broadcast_in_dim3A_115 = vector.broadcast %broadcast_in_dim3A_114 : i32 to vector<16xi32>
      %gather3A_116 = tpu.vector_load_idx %arg13[%add3A_93, %broadcast_in_dim3A_115] : memref<768x8xf32, #tpu.memory_space<vmem>>[vector<16xi32>, vector<16xi32>], vector<16xf32>,
      %broadcast_in_dim3A_117 = arith.constant 2 : i32
      %broadcast_in_dim3A_118 = vector.broadcast %broadcast_in_dim3A_117 : i32 to vector<16xi32>
      %gather3A_119 = tpu.vector_load_idx %arg13[%add3A_93, %broadcast_in_dim3A_118] : memref<768x8xf32, #tpu.memory_space<vmem>>[vector<16xi32>, vector<16xi32>], vector<16xf32>,
      %broadcast_in_dim3A_120 = arith.constant 3 : i32
      %broadcast_in_dim3A_121 = vector.broadcast %broadcast_in_dim3A_120 : i32 to vector<16xi32>
      %gather3A_122 = tpu.vector_load_idx %arg13[%add3A_93, %broadcast_in_dim3A_121] : memref<768x8xf32, #tpu.memory_space<vmem>>[vector<16xi32>, vector<16xi32>], vector<16xf32>,
      %broadcast_in_dim3A_123 = arith.constant 4 : i32
      %broadcast_in_dim3A_124 = vector.broadcast %broadcast_in_dim3A_123 : i32 to vector<16xi32>
      %gather3A_125 = tpu.vector_load_idx %arg13[%add3A_93, %broadcast_in_dim3A_124] : memref<768x8xf32, #tpu.memory_space<vmem>>[vector<16xi32>, vector<16xi32>], vector<16xf32>,
      %broadcast_in_dim3A_126 = arith.constant 5 : i32
      %broadcast_in_dim3A_127 = vector.broadcast %broadcast_in_dim3A_126 : i32 to vector<16xi32>
      %gather3A_128 = tpu.vector_load_idx %arg13[%add3A_93, %broadcast_in_dim3A_127] : memref<768x8xf32, #tpu.memory_space<vmem>>[vector<16xi32>, vector<16xi32>], vector<16xf32>,
      %mul3A_129 = arith.constant 16 : i32
      %mul3A_130 = arith.muli %add3A_89, %mul3A_129 : i32
      %get3A = arith.index_cast %mul3A_130 : i32 to index
      %get3A_131 = tpu.vector_load %arg11[%get3A] {strides = array<i32>} : memref<1152xf32, #tpu.memory_space<vmem>>, vector<16xf32>,
      %sub3A = arith.subf %gather3A_113, %gather3A : vector<16xf32>
      %sub3A_132 = arith.subf %gather3A_116, %gather3A_98 : vector<16xf32>
      %sub3A_133 = arith.subf %gather3A_119, %gather3A_101 : vector<16xf32>
      %mul3A_134 = arith.mulf %sub3A, %sub3A : vector<16xf32>
      %mul3A_135 = arith.mulf %sub3A_132, %sub3A_132 : vector<16xf32>
      %add3A_136 = arith.addf %mul3A_134, %mul3A_135 : vector<16xf32>
      %mul3A_137 = arith.mulf %sub3A_133, %sub3A_133 : vector<16xf32>
      %add3A_138 = arith.addf %add3A_136, %mul3A_137 : vector<16xf32>
      %add3A_139 = arith.constant 9.99999993E-9 : f32
      %add3A_140 = vector.broadcast %add3A_139 : f32 to vector<16xf32>
      %add3A_141 = arith.addf %add3A_138, %add3A_140 : vector<16xf32>
      %div3A = arith.constant 1.000000e+00 : f32
      %div3A_142 = vector.broadcast %div3A : f32 to vector<16xf32>
      %div3A_143 = arith.divf %div3A_142, %add3A_141 : vector<16xf32>
      %mul3A_144 = arith.mulf %sub3A, %div3A_143 : vector<16xf32>
      %mul3A_145 = arith.mulf %sub3A_132, %div3A_143 : vector<16xf32>
      %mul3A_146 = arith.mulf %sub3A_133, %div3A_143 : vector<16xf32>
      %sub3A_147 = arith.subf %gather3A_122, %gather3A_104 : vector<16xf32>
      %mul3A_148 = arith.mulf %get3A_131, %sub3A_147 : vector<16xf32>
      %sub3A_149 = arith.subf %gather3A_125, %gather3A_107 : vector<16xf32>
      %mul3A_150 = arith.mulf %get3A_131, %sub3A_149 : vector<16xf32>
      %sub3A_151 = arith.subf %gather3A_128, %gather3A_110 : vector<16xf32>
      %mul3A_152 = arith.mulf %get3A_131, %sub3A_151 : vector<16xf32>
      %broadcast_in_dim3A_153 = arith.constant 0 : i32
      %broadcast_in_dim3A_154 = vector.broadcast %broadcast_in_dim3A_153 : i32 to vector<16xi32>
      %mul3A_155 = arith.mulf %mul3A_148, %mul3A_144 : vector<16xf32>
      tpu.vector_store_idx %arg14[%add3A_93, %broadcast_in_dim3A_154], %mul3A_155 : memref<768x16xf32, #tpu.memory_space<vmem>>[vector<16xi32>, vector<16xi32>], vector<16xf32>,
      %broadcast_in_dim3A_156 = arith.constant 1 : i32
      %broadcast_in_dim3A_157 = vector.broadcast %broadcast_in_dim3A_156 : i32 to vector<16xi32>
      %mul3A_158 = arith.mulf %mul3A_148, %mul3A_145 : vector<16xf32>
      tpu.vector_store_idx %arg14[%add3A_93, %broadcast_in_dim3A_157], %mul3A_158 : memref<768x16xf32, #tpu.memory_space<vmem>>[vector<16xi32>, vector<16xi32>], vector<16xf32>,
      %broadcast_in_dim3A_159 = arith.constant 2 : i32
      %broadcast_in_dim3A_160 = vector.broadcast %broadcast_in_dim3A_159 : i32 to vector<16xi32>
      %mul3A_161 = arith.mulf %mul3A_148, %mul3A_146 : vector<16xf32>
      tpu.vector_store_idx %arg14[%add3A_93, %broadcast_in_dim3A_160], %mul3A_161 : memref<768x16xf32, #tpu.memory_space<vmem>>[vector<16xi32>, vector<16xi32>], vector<16xf32>,
      %broadcast_in_dim3A_162 = arith.constant 3 : i32
      %broadcast_in_dim3A_163 = vector.broadcast %broadcast_in_dim3A_162 : i32 to vector<16xi32>
      %mul3A_164 = arith.mulf %mul3A_150, %mul3A_144 : vector<16xf32>
      tpu.vector_store_idx %arg14[%add3A_93, %broadcast_in_dim3A_163], %mul3A_164 : memref<768x16xf32, #tpu.memory_space<vmem>>[vector<16xi32>, vector<16xi32>], vector<16xf32>,
      %broadcast_in_dim3A_165 = arith.constant 4 : i32
      %broadcast_in_dim3A_166 = vector.broadcast %broadcast_in_dim3A_165 : i32 to vector<16xi32>
      %mul3A_167 = arith.mulf %mul3A_150, %mul3A_145 : vector<16xf32>
      tpu.vector_store_idx %arg14[%add3A_93, %broadcast_in_dim3A_166], %mul3A_167 : memref<768x16xf32, #tpu.memory_space<vmem>>[vector<16xi32>, vector<16xi32>], vector<16xf32>,
      %broadcast_in_dim3A_168 = arith.constant 5 : i32
      %broadcast_in_dim3A_169 = vector.broadcast %broadcast_in_dim3A_168 : i32 to vector<16xi32>
      %mul3A_170 = arith.mulf %mul3A_150, %mul3A_146 : vector<16xf32>
      tpu.vector_store_idx %arg14[%add3A_93, %broadcast_in_dim3A_169], %mul3A_170 : memref<768x16xf32, #tpu.memory_space<vmem>>[vector<16xi32>, vector<16xi32>], vector<16xf32>,
      %broadcast_in_dim3A_171 = arith.constant 6 : i32
      %broadcast_in_dim3A_172 = vector.broadcast %broadcast_in_dim3A_171 : i32 to vector<16xi32>
      %mul3A_173 = arith.mulf %mul3A_152, %mul3A_144 : vector<16xf32>
      tpu.vector_store_idx %arg14[%add3A_93, %broadcast_in_dim3A_172], %mul3A_173 : memref<768x16xf32, #tpu.memory_space<vmem>>[vector<16xi32>, vector<16xi32>], vector<16xf32>,
      %broadcast_in_dim3A_174 = arith.constant 7 : i32
      %broadcast_in_dim3A_175 = vector.broadcast %broadcast_in_dim3A_174 : i32 to vector<16xi32>
      %mul3A_176 = arith.mulf %mul3A_152, %mul3A_145 : vector<16xf32>
      tpu.vector_store_idx %arg14[%add3A_93, %broadcast_in_dim3A_175], %mul3A_176 : memref<768x16xf32, #tpu.memory_space<vmem>>[vector<16xi32>, vector<16xi32>], vector<16xf32>,
      %broadcast_in_dim3A_177 = arith.constant 8 : i32
      %broadcast_in_dim3A_178 = vector.broadcast %broadcast_in_dim3A_177 : i32 to vector<16xi32>
      %mul3A_179 = arith.mulf %mul3A_152, %mul3A_146 : vector<16xf32>
      tpu.vector_store_idx %arg14[%add3A_93, %broadcast_in_dim3A_178], %mul3A_179 : memref<768x16xf32, #tpu.memory_space<vmem>>[vector<16xi32>, vector<16xi32>], vector<16xf32>,
    }
    %scan3A_73 = arith.constant 20 : i32
    %scan3A_74 = arith.constant 0 : i32
    %scan3A_75 = arith.constant 5 : i32
    %scan3A_76 = arith.addi %scan3A_74, %scan3A_75 : i32
    %scan3A_77 = arith.constant 1 : i32
    scf.for %scan3A_85 = %scan3A_74 to %scan3A_76 step %scan3A_77  : i32 {
      %mul3A_86 = arith.constant 1 : i32
      %mul3A_87 = arith.muli %scan3A_85, %mul3A_86 : i32
      %add3A_88 = arith.constant 0 : i32
      %add3A_89 = arith.addi %add3A_88, %mul3A_87 : i32
      %mul3A_90 = arith.constant 64 : i32
      %mul3A_91 = arith.muli %add3A_89, %mul3A_90 : i32
      %mul3A_92 = arith.constant 64 : i32
      %mul3A_93 = arith.muli %add3A_89, %mul3A_92 : i32
      "tpu.region"() ({
        %run_scoped3A = tpu.sem_alloc : memref<!tpu.dma_semaphore, #tpu.memory_space<semaphore_mem>>
        %dma_start3A_94 = arith.constant 0 : i32
        %dma_start3A_95 = tpu.memref_slice %arg14[%mul3A_91, %dma_start3A_94] : memref<768x16xf32, #tpu.memory_space<vmem>> -> memref<64x16xf32, #tpu.memory_space<vmem>>
        %dma_start3A_96 = tpu.memref_slice %arg9[%mul3A_93] : memref<1152xi32, #tpu.memory_space<vmem>> -> memref<64xi32, #tpu.memory_space<vmem>>
        %dma_start3A_97 = arith.constant 0 : i32
        %dma_start3A_98 = arith.constant 0 : i32
        %dma_start3A_99 = tpu.memref_slice %arg8[%dma_start3A_97, %dma_start3A_98] : memref<100352x16xf32, #tpu.memory_space<vmem_shared>> -> memref<100352x16xf32, #tpu.memory_space<vmem_shared>>
        tpu.enqueue_indirect_dma source(%dma_start3A_95 : memref<64x16xf32, #tpu.memory_space<vmem>>) target(%dma_start3A_99 : memref<100352x16xf32, #tpu.memory_space<vmem_shared>>) offsets(%dma_start3A_96 : memref<64xi32, #tpu.memory_space<vmem>>) semaphore(%run_scoped3A : memref<!tpu.dma_semaphore, #tpu.memory_space<semaphore_mem>>) {add = true}
        %dma_wait3A_100 = arith.constant 0 : i32
        %dma_wait3A_101 = tpu.memref_slice %arg14[%mul3A_91, %dma_wait3A_100] : memref<768x16xf32, #tpu.memory_space<vmem>> -> memref<64x16xf32, #tpu.memory_space<vmem>>
        %dma_wait3A_102 = tpu.memref_slice %arg9[%mul3A_93] : memref<1152xi32, #tpu.memory_space<vmem>> -> memref<64xi32, #tpu.memory_space<vmem>>
        %dma_wait3A_103 = arith.constant 0 : i32
        %dma_wait3A_104 = arith.constant 0 : i32
        %dma_wait3A_105 = tpu.memref_slice %arg8[%dma_wait3A_103, %dma_wait3A_104] : memref<100352x16xf32, #tpu.memory_space<vmem_shared>> -> memref<100352x16xf32, #tpu.memory_space<vmem_shared>>
        tpu.wait_indirect_dma semaphore(%run_scoped3A : memref<!tpu.dma_semaphore, #tpu.memory_space<semaphore_mem>>) src(%dma_wait3A_101 : memref<64x16xf32, #tpu.memory_space<vmem>>) dst(%dma_wait3A_105 : memref<100352x16xf32, #tpu.memory_space<vmem_shared>>)
        tpu.yield
      }) : () -> ()
    }
    %scan3A_78 = arith.constant 5 : i32
    %barrier3A_79 = arith.constant 0 : index
    tpu.barrier barrier_id(%barrier3A_79)
    %scan3A_80 = arith.constant 0 : i32
    %scan3A_81 = arith.constant 4 : i32
    %scan3A_82 = arith.addi %scan3A_80, %scan3A_81 : i32
    %scan3A_83 = arith.constant 1 : i32
    scf.for %scan3A_85 = %scan3A_80 to %scan3A_82 step %scan3A_83  : i32 {
      %mul3A_86 = arith.constant 1 : i32
      %mul3A_87 = arith.muli %scan3A_85, %mul3A_86 : i32
      %add3A_88 = arith.constant 0 : i32
      %add3A_89 = arith.addi %add3A_88, %mul3A_87 : i32
      %mul3A_90 = arith.constant 1568 : i32
      %mul3A_91 = arith.muli %add3A_89, %mul3A_90 : i32
      %add3A_92 = arith.addi %mul3A_2, %mul3A_91 : i32
      %mul3A_93 = arith.constant 1568 : i32
      %mul3A_94 = arith.muli %add3A_89, %mul3A_93 : i32
      %add3A_95 = arith.addi %mul3A_2, %mul3A_94 : i32
      "tpu.region"() ({
        %run_scoped3A = tpu.sem_alloc : memref<!tpu.dma_semaphore, #tpu.memory_space<semaphore_mem>>
        %dma_start3A_96 = arith.constant 0 : i32
        %dma_start3A_97 = tpu.memref_slice %arg7[%arg0, %add3A_95, %dma_start3A_96] : memref<2x100352x16xf32, #tpu.memory_space<hbm>> -> memref<1x1568x16xf32, #tpu.memory_space<hbm>>
        %dma_start3A_98 = tpu.memref_squeeze %dma_start3A_97 : memref<1x1568x16xf32, #tpu.memory_space<hbm>> -> memref<1568x16xf32, #tpu.memory_space<hbm>>
        %dma_start3A_99 = arith.constant 0 : i32
        %dma_start3A_100 = tpu.memref_slice %arg8[%add3A_92, %dma_start3A_99] : memref<100352x16xf32, #tpu.memory_space<vmem_shared>> -> memref<1568x16xf32, #tpu.memory_space<vmem_shared>>
        tpu.enqueue_dma source(%dma_start3A_100 : memref<1568x16xf32, #tpu.memory_space<vmem_shared>>) target(%dma_start3A_98 : memref<1568x16xf32, #tpu.memory_space<hbm>>) target_semaphore(%run_scoped3A : memref<!tpu.dma_semaphore, #tpu.memory_space<semaphore_mem>>)
        %dma_wait3A_101 = arith.constant 0 : i32
        %dma_wait3A_102 = tpu.memref_slice %arg7[%arg0, %add3A_95, %dma_wait3A_101] : memref<2x100352x16xf32, #tpu.memory_space<hbm>> -> memref<1x1568x16xf32, #tpu.memory_space<hbm>>
        %dma_wait3A_103 = tpu.memref_squeeze %dma_wait3A_102 : memref<1x1568x16xf32, #tpu.memory_space<hbm>> -> memref<1568x16xf32, #tpu.memory_space<hbm>>
        %dma_wait3A_104 = arith.constant 0 : i32
        %dma_wait3A_105 = tpu.memref_slice %arg8[%add3A_92, %dma_wait3A_104] : memref<100352x16xf32, #tpu.memory_space<vmem_shared>> -> memref<1568x16xf32, #tpu.memory_space<vmem_shared>>
        tpu.wait_dma2 semaphore(%run_scoped3A : memref<!tpu.dma_semaphore, #tpu.memory_space<semaphore_mem>>) src(%dma_wait3A_105 : memref<1568x16xf32, #tpu.memory_space<vmem_shared>>) dst(%dma_wait3A_103 : memref<1568x16xf32, #tpu.memory_space<hbm>>)
        tpu.yield
      }) : () -> ()
    }
    %scan3A_84 = arith.constant 4 : i32
    return
  }
}

#map = affine_map<(d0, d1) -> (0, 0)>
#map1 = affine_map<(d0, d1) -> (0)>
#map2 = affine_map<(d0, d1) -> (0, 0, 0)>
module attributes {stable_mosaic.version = 14 : i64} {
  func.func @mcl_div_pass(%arg0: i32, %arg1: i32, %arg2: memref<100352x16xf32, #tpu.memory_space<hbm>>, %arg3: memref<6400000xi32, #tpu.memory_space<hbm>>, %arg4: memref<6400000xi32, #tpu.memory_space<hbm>>, %arg5: memref<1568x8xf32, #tpu.memory_space<hbm>>, %arg6: memref<2x100352x8xf32, #tpu.memory_space<hbm>>, %arg7: memref<100352x8xf32, #tpu.memory_space<vmem_shared>>, %arg8: memref<2688xi32, #tpu.memory_space<vmem>>, %arg9: memref<2688xi32, #tpu.memory_space<vmem>>, %arg10: memref<1792x16xf32, #tpu.memory_space<vmem>>, %arg11: memref<1792x16xf32, #tpu.memory_space<vmem>>, %arg12: memref<1792x8xf32, #tpu.memory_space<vmem>>, %arg13: memref<!tpu.dma_semaphore, #tpu.memory_space<semaphore_mem>>, %arg14: memref<!tpu.dma_semaphore, #tpu.memory_space<semaphore_mem>>, %arg15: memref<!tpu.dma_semaphore, #tpu.memory_space<semaphore_mem>>, %arg16: memref<!tpu.dma_semaphore, #tpu.memory_space<semaphore_mem>>) attributes {dimension_semantics = [#tpu.dimension_semantics<core_parallel>, #tpu.dimension_semantics<subcore_parallel>], iteration_bounds = array<i64: 2, 16>, scalar_prefetch = 0 : i64, scratch_operands = 10 : i64, tpu.core_type = #tpu.core_type<sc_vector_subcore>, window_params = [{transform_indices = #map}, {transform_indices = #map1}, {transform_indices = #map1}, {transform_indices = #map}, {transform_indices = #map2}]} {
    %mul3A = arith.constant 16 : i32
    %mul3A_0 = arith.muli %arg0, %mul3A : i32
    %add3A = arith.addi %mul3A_0, %arg1 : i32
    %mul3A_1 = arith.constant 6272 : i32
    %mul3A_2 = arith.muli %arg1, %mul3A_1 : i32
    %mul3A_3 = arith.constant 200000 : i32
    %mul3A_4 = arith.muli %add3A, %mul3A_3 : i32
    %iota3A = tpu.iota {dimensions = array<i32: 0>} : vector<16xi32>
    %broadcast_in_dim3A = arith.constant 0.000000e+00 : f32
    %broadcast_in_dim3A_5 = vector.broadcast %broadcast_in_dim3A : f32 to vector<16xf32>
    %scan3A = arith.constant 0 : i32
    %scan3A_6 = arith.constant 4 : i32
    %scan3A_7 = arith.addi %scan3A, %scan3A_6 : i32
    %scan3A_8 = arith.constant 1 : i32
    scf.for %scan3A_111 = %scan3A to %scan3A_7 step %scan3A_8  : i32 {
      %mul3A_112 = arith.constant 1 : i32
      %mul3A_113 = arith.muli %scan3A_111, %mul3A_112 : i32
      %add3A_114 = arith.constant 0 : i32
      %add3A_115 = arith.addi %add3A_114, %mul3A_113 : i32
      %mul3A_116 = arith.constant 1568 : i32
      %mul3A_117 = arith.muli %add3A_115, %mul3A_116 : i32
      %add3A_118 = arith.addi %mul3A_2, %mul3A_117 : i32
      "tpu.region"() ({
        %run_scoped3A = tpu.sem_alloc : memref<!tpu.dma_semaphore, #tpu.memory_space<semaphore_mem>>
        %dma_start3A_119 = arith.constant 0 : i32
        %dma_start3A_120 = tpu.memref_slice %arg7[%add3A_118, %dma_start3A_119] : memref<100352x8xf32, #tpu.memory_space<vmem_shared>> -> memref<1568x8xf32, #tpu.memory_space<vmem_shared>>
        %dma_start3A_121 = arith.constant 0 : i32
        %dma_start3A_122 = arith.constant 0 : i32
        %dma_start3A_123 = tpu.memref_slice %arg5[%dma_start3A_121, %dma_start3A_122] : memref<1568x8xf32, #tpu.memory_space<hbm>> -> memref<1568x8xf32, #tpu.memory_space<hbm>>
        tpu.enqueue_dma source(%dma_start3A_123 : memref<1568x8xf32, #tpu.memory_space<hbm>>) target(%dma_start3A_120 : memref<1568x8xf32, #tpu.memory_space<vmem_shared>>) target_semaphore(%run_scoped3A : memref<!tpu.dma_semaphore, #tpu.memory_space<semaphore_mem>>)
        %dma_wait3A_124 = arith.constant 0 : i32
        %dma_wait3A_125 = tpu.memref_slice %arg7[%add3A_118, %dma_wait3A_124] : memref<100352x8xf32, #tpu.memory_space<vmem_shared>> -> memref<1568x8xf32, #tpu.memory_space<vmem_shared>>
        %dma_wait3A_126 = arith.constant 0 : i32
        %dma_wait3A_127 = arith.constant 0 : i32
        %dma_wait3A_128 = tpu.memref_slice %arg5[%dma_wait3A_126, %dma_wait3A_127] : memref<1568x8xf32, #tpu.memory_space<hbm>> -> memref<1568x8xf32, #tpu.memory_space<hbm>>
        tpu.wait_dma2 semaphore(%run_scoped3A : memref<!tpu.dma_semaphore, #tpu.memory_space<semaphore_mem>>) src(%dma_wait3A_128 : memref<1568x8xf32, #tpu.memory_space<hbm>>) dst(%dma_wait3A_125 : memref<1568x8xf32, #tpu.memory_space<vmem_shared>>)
        tpu.yield
      }) : () -> ()
    }
    %scan3A_9 = arith.constant 4 : i32
    %scan3A_10 = arith.constant 0 : i32
    %scan3A_11 = arith.constant 112 : i32
    %scan3A_12 = arith.addi %scan3A_10, %scan3A_11 : i32
    %scan3A_13 = arith.constant 1 : i32
    scf.for %scan3A_111 = %scan3A_10 to %scan3A_12 step %scan3A_13  : i32 {
      %mul3A_112 = arith.constant 1 : i32
      %mul3A_113 = arith.muli %scan3A_111, %mul3A_112 : i32
      %add3A_114 = arith.constant 0 : i32
      %add3A_115 = arith.addi %add3A_114, %mul3A_113 : i32
      %mul3A_116 = arith.constant 16 : i32
      %mul3A_117 = arith.muli %add3A_115, %mul3A_116 : i32
      %add3A_118 = vector.broadcast %mul3A_117 : i32 to vector<16xi32>
      %add3A_119 = arith.addi %add3A_118, %iota3A : vector<16xi32>
      %broadcast_in_dim3A_120 = arith.constant 3 : i32
      %broadcast_in_dim3A_121 = vector.broadcast %broadcast_in_dim3A_120 : i32 to vector<16xi32>
      tpu.vector_store_idx %arg12[%add3A_119, %broadcast_in_dim3A_121], %broadcast_in_dim3A_5 : memref<1792x8xf32, #tpu.memory_space<vmem>>[vector<16xi32>, vector<16xi32>], vector<16xf32>,
      %broadcast_in_dim3A_122 = arith.constant 4 : i32
      %broadcast_in_dim3A_123 = vector.broadcast %broadcast_in_dim3A_122 : i32 to vector<16xi32>
      tpu.vector_store_idx %arg12[%add3A_119, %broadcast_in_dim3A_123], %broadcast_in_dim3A_5 : memref<1792x8xf32, #tpu.memory_space<vmem>>[vector<16xi32>, vector<16xi32>], vector<16xf32>,
      %broadcast_in_dim3A_124 = arith.constant 5 : i32
      %broadcast_in_dim3A_125 = vector.broadcast %broadcast_in_dim3A_124 : i32 to vector<16xi32>
      tpu.vector_store_idx %arg12[%add3A_119, %broadcast_in_dim3A_125], %broadcast_in_dim3A_5 : memref<1792x8xf32, #tpu.memory_space<vmem>>[vector<16xi32>, vector<16xi32>], vector<16xf32>,
      %broadcast_in_dim3A_126 = arith.constant 6 : i32
      %broadcast_in_dim3A_127 = vector.broadcast %broadcast_in_dim3A_126 : i32 to vector<16xi32>
      tpu.vector_store_idx %arg12[%add3A_119, %broadcast_in_dim3A_127], %broadcast_in_dim3A_5 : memref<1792x8xf32, #tpu.memory_space<vmem>>[vector<16xi32>, vector<16xi32>], vector<16xf32>,
      %broadcast_in_dim3A_128 = arith.constant 7 : i32
      %broadcast_in_dim3A_129 = vector.broadcast %broadcast_in_dim3A_128 : i32 to vector<16xi32>
      tpu.vector_store_idx %arg12[%add3A_119, %broadcast_in_dim3A_129], %broadcast_in_dim3A_5 : memref<1792x8xf32, #tpu.memory_space<vmem>>[vector<16xi32>, vector<16xi32>], vector<16xf32>,
    }
    %scan3A_14 = arith.constant 112 : i32
    %barrier3A = arith.constant 0 : index
    tpu.barrier barrier_id(%barrier3A)
    %rem3A = arith.constant 0 : i32
    %rem3A_15 = arith.constant 3 : i32
    %rem3A_16 = arith.remsi %rem3A, %rem3A_15 : i32
    %mul3A_17 = arith.constant 896 : i32
    %mul3A_18 = arith.muli %rem3A_16, %mul3A_17 : i32
    %add3A_19 = arith.constant 0 : i32
    %add3A_20 = arith.addi %mul3A_4, %add3A_19 : i32
    %dma_start3A = tpu.memref_slice %arg8[%mul3A_18] : memref<2688xi32, #tpu.memory_space<vmem>> -> memref<896xi32, #tpu.memory_space<vmem>>
    %dma_start3A_21 = tpu.memref_slice %arg3[%add3A_20] : memref<6400000xi32, #tpu.memory_space<hbm>> -> memref<896xi32, #tpu.memory_space<hbm>>
    %dma_start3A_22 = tpu.memref_slice %arg8[%mul3A_18] : memref<2688xi32, #tpu.memory_space<vmem>> -> memref<896xi32, #tpu.memory_space<vmem>>
    %dma_start3A_23 = tpu.memref_slice %arg3[%add3A_20] : memref<6400000xi32, #tpu.memory_space<hbm>> -> memref<896xi32, #tpu.memory_space<hbm>>
    tpu.enqueue_dma source(%dma_start3A_23 : memref<896xi32, #tpu.memory_space<hbm>>) target(%dma_start3A_22 : memref<896xi32, #tpu.memory_space<vmem>>) target_semaphore(%arg13 : memref<!tpu.dma_semaphore, #tpu.memory_space<semaphore_mem>>)
    %dma_start3A_24 = tpu.memref_slice %arg9[%mul3A_18] : memref<2688xi32, #tpu.memory_space<vmem>> -> memref<896xi32, #tpu.memory_space<vmem>>
    %dma_start3A_25 = tpu.memref_slice %arg4[%add3A_20] : memref<6400000xi32, #tpu.memory_space<hbm>> -> memref<896xi32, #tpu.memory_space<hbm>>
    %dma_start3A_26 = tpu.memref_slice %arg9[%mul3A_18] : memref<2688xi32, #tpu.memory_space<vmem>> -> memref<896xi32, #tpu.memory_space<vmem>>
    %dma_start3A_27 = tpu.memref_slice %arg4[%add3A_20] : memref<6400000xi32, #tpu.memory_space<hbm>> -> memref<896xi32, #tpu.memory_space<hbm>>
    tpu.enqueue_dma source(%dma_start3A_27 : memref<896xi32, #tpu.memory_space<hbm>>) target(%dma_start3A_26 : memref<896xi32, #tpu.memory_space<vmem>>) target_semaphore(%arg13 : memref<!tpu.dma_semaphore, #tpu.memory_space<semaphore_mem>>)
    %scan3A_28 = arith.constant 0 : i32
    %scan3A_29 = arith.constant 224 : i32
    %scan3A_30 = arith.addi %scan3A_28, %scan3A_29 : i32
    %scan3A_31 = arith.constant 1 : i32
    scf.for %scan3A_111 = %scan3A_28 to %scan3A_30 step %scan3A_31  : i32 {
      %mul3A_112 = arith.constant 1 : i32
      %mul3A_113 = arith.muli %scan3A_111, %mul3A_112 : i32
      %add3A_114 = arith.constant 0 : i32
      %add3A_115 = arith.addi %add3A_114, %mul3A_113 : i32
      %lt3A = arith.constant 223 : i32
      %lt3A_116 = arith.cmpi slt, %add3A_115, %lt3A : i32
      %convert_element_type3A = arith.extui %lt3A_116 : i1 to i32
      %cond3A = arith.constant 0 : i32
      %cond3A_117 = arith.cmpi ne, %convert_element_type3A, %cond3A : i32
      scf.if %cond3A_117 {
        %dma_wait3A_139 = arith.constant 0 : i32
        %dma_wait3A_140 = tpu.memref_slice %arg8[%dma_wait3A_139] : memref<2688xi32, #tpu.memory_space<vmem>> -> memref<896xi32, #tpu.memory_space<vmem>>
        %dma_wait3A_141 = arith.constant 0 : i32
        %dma_wait3A_142 = tpu.memref_slice %arg3[%dma_wait3A_141] : memref<6400000xi32, #tpu.memory_space<hbm>> -> memref<896xi32, #tpu.memory_space<hbm>>
        %dma_wait3A_143 = arith.constant 0 : i32
        %dma_wait3A_144 = tpu.memref_slice %arg8[%dma_wait3A_143] : memref<2688xi32, #tpu.memory_space<vmem>> -> memref<896xi32, #tpu.memory_space<vmem>>
        %dma_wait3A_145 = arith.constant 0 : i32
        %dma_wait3A_146 = tpu.memref_slice %arg3[%dma_wait3A_145] : memref<6400000xi32, #tpu.memory_space<hbm>> -> memref<896xi32, #tpu.memory_space<hbm>>
        tpu.wait_dma2 semaphore(%arg13 : memref<!tpu.dma_semaphore, #tpu.memory_space<semaphore_mem>>) src(%dma_wait3A_146 : memref<896xi32, #tpu.memory_space<hbm>>) dst(%dma_wait3A_144 : memref<896xi32, #tpu.memory_space<vmem>>)
        %dma_wait3A_147 = arith.constant 0 : i32
        %dma_wait3A_148 = tpu.memref_slice %arg9[%dma_wait3A_147] : memref<2688xi32, #tpu.memory_space<vmem>> -> memref<896xi32, #tpu.memory_space<vmem>>
        %dma_wait3A_149 = arith.constant 0 : i32
        %dma_wait3A_150 = tpu.memref_slice %arg4[%dma_wait3A_149] : memref<6400000xi32, #tpu.memory_space<hbm>> -> memref<896xi32, #tpu.memory_space<hbm>>
        %dma_wait3A_151 = arith.constant 0 : i32
        %dma_wait3A_152 = tpu.memref_slice %arg9[%dma_wait3A_151] : memref<2688xi32, #tpu.memory_space<vmem>> -> memref<896xi32, #tpu.memory_space<vmem>>
        %dma_wait3A_153 = arith.constant 0 : i32
        %dma_wait3A_154 = tpu.memref_slice %arg4[%dma_wait3A_153] : memref<6400000xi32, #tpu.memory_space<hbm>> -> memref<896xi32, #tpu.memory_space<hbm>>
        tpu.wait_dma2 semaphore(%arg13 : memref<!tpu.dma_semaphore, #tpu.memory_space<semaphore_mem>>) src(%dma_wait3A_154 : memref<896xi32, #tpu.memory_space<hbm>>) dst(%dma_wait3A_152 : memref<896xi32, #tpu.memory_space<vmem>>)
        %rem3A_155 = arith.constant 3 : i32
        %rem3A_156 = arith.remsi %add3A_115, %rem3A_155 : i32
        %mul3A_157 = arith.constant 896 : i32
        %mul3A_158 = arith.muli %rem3A_156, %mul3A_157 : i32
        %rem3A_159 = arith.constant 2 : i32
        %rem3A_160 = arith.remsi %add3A_115, %rem3A_159 : i32
        %mul3A_161 = arith.constant 896 : i32
        %mul3A_162 = arith.muli %rem3A_160, %mul3A_161 : i32
        %rem3A_163 = arith.constant 2 : i32
        %rem3A_164 = arith.remsi %add3A_115, %rem3A_163 : i32
        %eq3A = arith.constant 0 : i32
        %eq3A_165 = arith.cmpi eq, %rem3A_164, %eq3A : i32
        %convert_element_type3A_166 = arith.extui %eq3A_165 : i1 to i32
        %cond3A_167 = arith.constant 0 : i32
        %cond3A_168 = arith.cmpi ne, %convert_element_type3A_166, %cond3A_167 : i32
        scf.if %cond3A_168 {
          %add3A_173 = arith.constant 0 : i32
          %add3A_174 = arith.addi %mul3A_158, %add3A_173 : i32
          %add3A_175 = arith.constant 0 : i32
          %add3A_176 = arith.addi %mul3A_162, %add3A_175 : i32
          %dma_start3A_177 = arith.constant 0 : i32
          %dma_start3A_178 = tpu.memref_slice %arg10[%add3A_176, %dma_start3A_177] : memref<1792x16xf32, #tpu.memory_space<vmem>> -> memref<128x16xf32, #tpu.memory_space<vmem>>
          %dma_start3A_179 = tpu.memref_slice %arg8[%add3A_174] : memref<2688xi32, #tpu.memory_space<vmem>> -> memref<128xi32, #tpu.memory_space<vmem>>
          %dma_start3A_180 = arith.constant 0 : i32
          %dma_start3A_181 = arith.constant 0 : i32
          %dma_start3A_182 = tpu.memref_slice %arg2[%dma_start3A_180, %dma_start3A_181] : memref<100352x16xf32, #tpu.memory_space<hbm>> -> memref<100352x16xf32, #tpu.memory_space<hbm>>
          tpu.enqueue_indirect_dma source(%dma_start3A_182 : memref<100352x16xf32, #tpu.memory_space<hbm>>) target(%dma_start3A_178 : memref<128x16xf32, #tpu.memory_space<vmem>>) offsets(%dma_start3A_179 : memref<128xi32, #tpu.memory_space<vmem>>) semaphore(%arg14 : memref<!tpu.dma_semaphore, #tpu.memory_space<semaphore_mem>>)
          %add3A_183 = arith.constant 0 : i32
          %add3A_184 = arith.addi %mul3A_158, %add3A_183 : i32
          %add3A_185 = arith.constant 0 : i32
          %add3A_186 = arith.addi %mul3A_162, %add3A_185 : i32
          %dma_start3A_187 = arith.constant 0 : i32
          %dma_start3A_188 = tpu.memref_slice %arg11[%add3A_186, %dma_start3A_187] : memref<1792x16xf32, #tpu.memory_space<vmem>> -> memref<128x16xf32, #tpu.memory_space<vmem>>
          %dma_start3A_189 = tpu.memref_slice %arg9[%add3A_184] : memref<2688xi32, #tpu.memory_space<vmem>> -> memref<128xi32, #tpu.memory_space<vmem>>
          %dma_start3A_190 = arith.constant 0 : i32
          %dma_start3A_191 = arith.constant 0 : i32
          %dma_start3A_192 = tpu.memref_slice %arg2[%dma_start3A_190, %dma_start3A_191] : memref<100352x16xf32, #tpu.memory_space<hbm>> -> memref<100352x16xf32, #tpu.memory_space<hbm>>
          tpu.enqueue_indirect_dma source(%dma_start3A_192 : memref<100352x16xf32, #tpu.memory_space<hbm>>) target(%dma_start3A_188 : memref<128x16xf32, #tpu.memory_space<vmem>>) offsets(%dma_start3A_189 : memref<128xi32, #tpu.memory_space<vmem>>) semaphore(%arg14 : memref<!tpu.dma_semaphore, #tpu.memory_space<semaphore_mem>>)
          %add3A_193 = arith.constant 128 : i32
          %add3A_194 = arith.addi %mul3A_158, %add3A_193 : i32
          %add3A_195 = arith.constant 128 : i32
          %add3A_196 = arith.addi %mul3A_162, %add3A_195 : i32
          %dma_start3A_197 = arith.constant 0 : i32
          %dma_start3A_198 = tpu.memref_slice %arg10[%add3A_196, %dma_start3A_197] : memref<1792x16xf32, #tpu.memory_space<vmem>> -> memref<128x16xf32, #tpu.memory_space<vmem>>
          %dma_start3A_199 = tpu.memref_slice %arg8[%add3A_194] : memref<2688xi32, #tpu.memory_space<vmem>> -> memref<128xi32, #tpu.memory_space<vmem>>
          %dma_start3A_200 = arith.constant 0 : i32
          %dma_start3A_201 = arith.constant 0 : i32
          %dma_start3A_202 = tpu.memref_slice %arg2[%dma_start3A_200, %dma_start3A_201] : memref<100352x16xf32, #tpu.memory_space<hbm>> -> memref<100352x16xf32, #tpu.memory_space<hbm>>
          tpu.enqueue_indirect_dma source(%dma_start3A_202 : memref<100352x16xf32, #tpu.memory_space<hbm>>) target(%dma_start3A_198 : memref<128x16xf32, #tpu.memory_space<vmem>>) offsets(%dma_start3A_199 : memref<128xi32, #tpu.memory_space<vmem>>) semaphore(%arg14 : memref<!tpu.dma_semaphore, #tpu.memory_space<semaphore_mem>>)
          %add3A_203 = arith.constant 128 : i32
          %add3A_204 = arith.addi %mul3A_158, %add3A_203 : i32
          %add3A_205 = arith.constant 128 : i32
          %add3A_206 = arith.addi %mul3A_162, %add3A_205 : i32
          %dma_start3A_207 = arith.constant 0 : i32
          %dma_start3A_208 = tpu.memref_slice %arg11[%add3A_206, %dma_start3A_207] : memref<1792x16xf32, #tpu.memory_space<vmem>> -> memref<128x16xf32, #tpu.memory_space<vmem>>
          %dma_start3A_209 = tpu.memref_slice %arg9[%add3A_204] : memref<2688xi32, #tpu.memory_space<vmem>> -> memref<128xi32, #tpu.memory_space<vmem>>
          %dma_start3A_210 = arith.constant 0 : i32
          %dma_start3A_211 = arith.constant 0 : i32
          %dma_start3A_212 = tpu.memref_slice %arg2[%dma_start3A_210, %dma_start3A_211] : memref<100352x16xf32, #tpu.memory_space<hbm>> -> memref<100352x16xf32, #tpu.memory_space<hbm>>
          tpu.enqueue_indirect_dma source(%dma_start3A_212 : memref<100352x16xf32, #tpu.memory_space<hbm>>) target(%dma_start3A_208 : memref<128x16xf32, #tpu.memory_space<vmem>>) offsets(%dma_start3A_209 : memref<128xi32, #tpu.memory_space<vmem>>) semaphore(%arg14 : memref<!tpu.dma_semaphore, #tpu.memory_space<semaphore_mem>>)
          %add3A_213 = arith.constant 256 : i32
          %add3A_214 = arith.addi %mul3A_158, %add3A_213 : i32
          %add3A_215 = arith.constant 256 : i32
          %add3A_216 = arith.addi %mul3A_162, %add3A_215 : i32
          %dma_start3A_217 = arith.constant 0 : i32
          %dma_start3A_218 = tpu.memref_slice %arg10[%add3A_216, %dma_start3A_217] : memref<1792x16xf32, #tpu.memory_space<vmem>> -> memref<128x16xf32, #tpu.memory_space<vmem>>
          %dma_start3A_219 = tpu.memref_slice %arg8[%add3A_214] : memref<2688xi32, #tpu.memory_space<vmem>> -> memref<128xi32, #tpu.memory_space<vmem>>
          %dma_start3A_220 = arith.constant 0 : i32
          %dma_start3A_221 = arith.constant 0 : i32
          %dma_start3A_222 = tpu.memref_slice %arg2[%dma_start3A_220, %dma_start3A_221] : memref<100352x16xf32, #tpu.memory_space<hbm>> -> memref<100352x16xf32, #tpu.memory_space<hbm>>
          tpu.enqueue_indirect_dma source(%dma_start3A_222 : memref<100352x16xf32, #tpu.memory_space<hbm>>) target(%dma_start3A_218 : memref<128x16xf32, #tpu.memory_space<vmem>>) offsets(%dma_start3A_219 : memref<128xi32, #tpu.memory_space<vmem>>) semaphore(%arg14 : memref<!tpu.dma_semaphore, #tpu.memory_space<semaphore_mem>>)
          %add3A_223 = arith.constant 256 : i32
          %add3A_224 = arith.addi %mul3A_158, %add3A_223 : i32
          %add3A_225 = arith.constant 256 : i32
          %add3A_226 = arith.addi %mul3A_162, %add3A_225 : i32
          %dma_start3A_227 = arith.constant 0 : i32
          %dma_start3A_228 = tpu.memref_slice %arg11[%add3A_226, %dma_start3A_227] : memref<1792x16xf32, #tpu.memory_space<vmem>> -> memref<128x16xf32, #tpu.memory_space<vmem>>
          %dma_start3A_229 = tpu.memref_slice %arg9[%add3A_224] : memref<2688xi32, #tpu.memory_space<vmem>> -> memref<128xi32, #tpu.memory_space<vmem>>
          %dma_start3A_230 = arith.constant 0 : i32
          %dma_start3A_231 = arith.constant 0 : i32
          %dma_start3A_232 = tpu.memref_slice %arg2[%dma_start3A_230, %dma_start3A_231] : memref<100352x16xf32, #tpu.memory_space<hbm>> -> memref<100352x16xf32, #tpu.memory_space<hbm>>
          tpu.enqueue_indirect_dma source(%dma_start3A_232 : memref<100352x16xf32, #tpu.memory_space<hbm>>) target(%dma_start3A_228 : memref<128x16xf32, #tpu.memory_space<vmem>>) offsets(%dma_start3A_229 : memref<128xi32, #tpu.memory_space<vmem>>) semaphore(%arg14 : memref<!tpu.dma_semaphore, #tpu.memory_space<semaphore_mem>>)
          %add3A_233 = arith.constant 384 : i32
          %add3A_234 = arith.addi %mul3A_158, %add3A_233 : i32
          %add3A_235 = arith.constant 384 : i32
          %add3A_236 = arith.addi %mul3A_162, %add3A_235 : i32
          %dma_start3A_237 = arith.constant 0 : i32
          %dma_start3A_238 = tpu.memref_slice %arg10[%add3A_236, %dma_start3A_237] : memref<1792x16xf32, #tpu.memory_space<vmem>> -> memref<128x16xf32, #tpu.memory_space<vmem>>
          %dma_start3A_239 = tpu.memref_slice %arg8[%add3A_234] : memref<2688xi32, #tpu.memory_space<vmem>> -> memref<128xi32, #tpu.memory_space<vmem>>
          %dma_start3A_240 = arith.constant 0 : i32
          %dma_start3A_241 = arith.constant 0 : i32
          %dma_start3A_242 = tpu.memref_slice %arg2[%dma_start3A_240, %dma_start3A_241] : memref<100352x16xf32, #tpu.memory_space<hbm>> -> memref<100352x16xf32, #tpu.memory_space<hbm>>
          tpu.enqueue_indirect_dma source(%dma_start3A_242 : memref<100352x16xf32, #tpu.memory_space<hbm>>) target(%dma_start3A_238 : memref<128x16xf32, #tpu.memory_space<vmem>>) offsets(%dma_start3A_239 : memref<128xi32, #tpu.memory_space<vmem>>) semaphore(%arg14 : memref<!tpu.dma_semaphore, #tpu.memory_space<semaphore_mem>>)
          %add3A_243 = arith.constant 384 : i32
          %add3A_244 = arith.addi %mul3A_158, %add3A_243 : i32
          %add3A_245 = arith.constant 384 : i32
          %add3A_246 = arith.addi %mul3A_162, %add3A_245 : i32
          %dma_start3A_247 = arith.constant 0 : i32
          %dma_start3A_248 = tpu.memref_slice %arg11[%add3A_246, %dma_start3A_247] : memref<1792x16xf32, #tpu.memory_space<vmem>> -> memref<128x16xf32, #tpu.memory_space<vmem>>
          %dma_start3A_249 = tpu.memref_slice %arg9[%add3A_244] : memref<2688xi32, #tpu.memory_space<vmem>> -> memref<128xi32, #tpu.memory_space<vmem>>
          %dma_start3A_250 = arith.constant 0 : i32
          %dma_start3A_251 = arith.constant 0 : i32
          %dma_start3A_252 = tpu.memref_slice %arg2[%dma_start3A_250, %dma_start3A_251] : memref<100352x16xf32, #tpu.memory_space<hbm>> -> memref<100352x16xf32, #tpu.memory_space<hbm>>
          tpu.enqueue_indirect_dma source(%dma_start3A_252 : memref<100352x16xf32, #tpu.memory_space<hbm>>) target(%dma_start3A_248 : memref<128x16xf32, #tpu.memory_space<vmem>>) offsets(%dma_start3A_249 : memref<128xi32, #tpu.memory_space<vmem>>) semaphore(%arg14 : memref<!tpu.dma_semaphore, #tpu.memory_space<semaphore_mem>>)
          %add3A_253 = arith.constant 512 : i32
          %add3A_254 = arith.addi %mul3A_158, %add3A_253 : i32
          %add3A_255 = arith.constant 512 : i32
          %add3A_256 = arith.addi %mul3A_162, %add3A_255 : i32
          %dma_start3A_257 = arith.constant 0 : i32
          %dma_start3A_258 = tpu.memref_slice %arg10[%add3A_256, %dma_start3A_257] : memref<1792x16xf32, #tpu.memory_space<vmem>> -> memref<128x16xf32, #tpu.memory_space<vmem>>
          %dma_start3A_259 = tpu.memref_slice %arg8[%add3A_254] : memref<2688xi32, #tpu.memory_space<vmem>> -> memref<128xi32, #tpu.memory_space<vmem>>
          %dma_start3A_260 = arith.constant 0 : i32
          %dma_start3A_261 = arith.constant 0 : i32
          %dma_start3A_262 = tpu.memref_slice %arg2[%dma_start3A_260, %dma_start3A_261] : memref<100352x16xf32, #tpu.memory_space<hbm>> -> memref<100352x16xf32, #tpu.memory_space<hbm>>
          tpu.enqueue_indirect_dma source(%dma_start3A_262 : memref<100352x16xf32, #tpu.memory_space<hbm>>) target(%dma_start3A_258 : memref<128x16xf32, #tpu.memory_space<vmem>>) offsets(%dma_start3A_259 : memref<128xi32, #tpu.memory_space<vmem>>) semaphore(%arg14 : memref<!tpu.dma_semaphore, #tpu.memory_space<semaphore_mem>>)
          %add3A_263 = arith.constant 512 : i32
          %add3A_264 = arith.addi %mul3A_158, %add3A_263 : i32
          %add3A_265 = arith.constant 512 : i32
          %add3A_266 = arith.addi %mul3A_162, %add3A_265 : i32
          %dma_start3A_267 = arith.constant 0 : i32
          %dma_start3A_268 = tpu.memref_slice %arg11[%add3A_266, %dma_start3A_267] : memref<1792x16xf32, #tpu.memory_space<vmem>> -> memref<128x16xf32, #tpu.memory_space<vmem>>
          %dma_start3A_269 = tpu.memref_slice %arg9[%add3A_264] : memref<2688xi32, #tpu.memory_space<vmem>> -> memref<128xi32, #tpu.memory_space<vmem>>
          %dma_start3A_270 = arith.constant 0 : i32
          %dma_start3A_271 = arith.constant 0 : i32
          %dma_start3A_272 = tpu.memref_slice %arg2[%dma_start3A_270, %dma_start3A_271] : memref<100352x16xf32, #tpu.memory_space<hbm>> -> memref<100352x16xf32, #tpu.memory_space<hbm>>
          tpu.enqueue_indirect_dma source(%dma_start3A_272 : memref<100352x16xf32, #tpu.memory_space<hbm>>) target(%dma_start3A_268 : memref<128x16xf32, #tpu.memory_space<vmem>>) offsets(%dma_start3A_269 : memref<128xi32, #tpu.memory_space<vmem>>) semaphore(%arg14 : memref<!tpu.dma_semaphore, #tpu.memory_space<semaphore_mem>>)
          %add3A_273 = arith.constant 640 : i32
          %add3A_274 = arith.addi %mul3A_158, %add3A_273 : i32
          %add3A_275 = arith.constant 640 : i32
          %add3A_276 = arith.addi %mul3A_162, %add3A_275 : i32
          %dma_start3A_277 = arith.constant 0 : i32
          %dma_start3A_278 = tpu.memref_slice %arg10[%add3A_276, %dma_start3A_277] : memref<1792x16xf32, #tpu.memory_space<vmem>> -> memref<128x16xf32, #tpu.memory_space<vmem>>
          %dma_start3A_279 = tpu.memref_slice %arg8[%add3A_274] : memref<2688xi32, #tpu.memory_space<vmem>> -> memref<128xi32, #tpu.memory_space<vmem>>
          %dma_start3A_280 = arith.constant 0 : i32
          %dma_start3A_281 = arith.constant 0 : i32
          %dma_start3A_282 = tpu.memref_slice %arg2[%dma_start3A_280, %dma_start3A_281] : memref<100352x16xf32, #tpu.memory_space<hbm>> -> memref<100352x16xf32, #tpu.memory_space<hbm>>
          tpu.enqueue_indirect_dma source(%dma_start3A_282 : memref<100352x16xf32, #tpu.memory_space<hbm>>) target(%dma_start3A_278 : memref<128x16xf32, #tpu.memory_space<vmem>>) offsets(%dma_start3A_279 : memref<128xi32, #tpu.memory_space<vmem>>) semaphore(%arg14 : memref<!tpu.dma_semaphore, #tpu.memory_space<semaphore_mem>>)
          %add3A_283 = arith.constant 640 : i32
          %add3A_284 = arith.addi %mul3A_158, %add3A_283 : i32
          %add3A_285 = arith.constant 640 : i32
          %add3A_286 = arith.addi %mul3A_162, %add3A_285 : i32
          %dma_start3A_287 = arith.constant 0 : i32
          %dma_start3A_288 = tpu.memref_slice %arg11[%add3A_286, %dma_start3A_287] : memref<1792x16xf32, #tpu.memory_space<vmem>> -> memref<128x16xf32, #tpu.memory_space<vmem>>
          %dma_start3A_289 = tpu.memref_slice %arg9[%add3A_284] : memref<2688xi32, #tpu.memory_space<vmem>> -> memref<128xi32, #tpu.memory_space<vmem>>
          %dma_start3A_290 = arith.constant 0 : i32
          %dma_start3A_291 = arith.constant 0 : i32
          %dma_start3A_292 = tpu.memref_slice %arg2[%dma_start3A_290, %dma_start3A_291] : memref<100352x16xf32, #tpu.memory_space<hbm>> -> memref<100352x16xf32, #tpu.memory_space<hbm>>
          tpu.enqueue_indirect_dma source(%dma_start3A_292 : memref<100352x16xf32, #tpu.memory_space<hbm>>) target(%dma_start3A_288 : memref<128x16xf32, #tpu.memory_space<vmem>>) offsets(%dma_start3A_289 : memref<128xi32, #tpu.memory_space<vmem>>) semaphore(%arg14 : memref<!tpu.dma_semaphore, #tpu.memory_space<semaphore_mem>>)
          %add3A_293 = arith.constant 768 : i32
          %add3A_294 = arith.addi %mul3A_158, %add3A_293 : i32
          %add3A_295 = arith.constant 768 : i32
          %add3A_296 = arith.addi %mul3A_162, %add3A_295 : i32
          %dma_start3A_297 = arith.constant 0 : i32
          %dma_start3A_298 = tpu.memref_slice %arg10[%add3A_296, %dma_start3A_297] : memref<1792x16xf32, #tpu.memory_space<vmem>> -> memref<128x16xf32, #tpu.memory_space<vmem>>
          %dma_start3A_299 = tpu.memref_slice %arg8[%add3A_294] : memref<2688xi32, #tpu.memory_space<vmem>> -> memref<128xi32, #tpu.memory_space<vmem>>
          %dma_start3A_300 = arith.constant 0 : i32
          %dma_start3A_301 = arith.constant 0 : i32
          %dma_start3A_302 = tpu.memref_slice %arg2[%dma_start3A_300, %dma_start3A_301] : memref<100352x16xf32, #tpu.memory_space<hbm>> -> memref<100352x16xf32, #tpu.memory_space<hbm>>
          tpu.enqueue_indirect_dma source(%dma_start3A_302 : memref<100352x16xf32, #tpu.memory_space<hbm>>) target(%dma_start3A_298 : memref<128x16xf32, #tpu.memory_space<vmem>>) offsets(%dma_start3A_299 : memref<128xi32, #tpu.memory_space<vmem>>) semaphore(%arg14 : memref<!tpu.dma_semaphore, #tpu.memory_space<semaphore_mem>>)
          %add3A_303 = arith.constant 768 : i32
          %add3A_304 = arith.addi %mul3A_158, %add3A_303 : i32
          %add3A_305 = arith.constant 768 : i32
          %add3A_306 = arith.addi %mul3A_162, %add3A_305 : i32
          %dma_start3A_307 = arith.constant 0 : i32
          %dma_start3A_308 = tpu.memref_slice %arg11[%add3A_306, %dma_start3A_307] : memref<1792x16xf32, #tpu.memory_space<vmem>> -> memref<128x16xf32, #tpu.memory_space<vmem>>
          %dma_start3A_309 = tpu.memref_slice %arg9[%add3A_304] : memref<2688xi32, #tpu.memory_space<vmem>> -> memref<128xi32, #tpu.memory_space<vmem>>
          %dma_start3A_310 = arith.constant 0 : i32
          %dma_start3A_311 = arith.constant 0 : i32
          %dma_start3A_312 = tpu.memref_slice %arg2[%dma_start3A_310, %dma_start3A_311] : memref<100352x16xf32, #tpu.memory_space<hbm>> -> memref<100352x16xf32, #tpu.memory_space<hbm>>
          tpu.enqueue_indirect_dma source(%dma_start3A_312 : memref<100352x16xf32, #tpu.memory_space<hbm>>) target(%dma_start3A_308 : memref<128x16xf32, #tpu.memory_space<vmem>>) offsets(%dma_start3A_309 : memref<128xi32, #tpu.memory_space<vmem>>) semaphore(%arg14 : memref<!tpu.dma_semaphore, #tpu.memory_space<semaphore_mem>>)
        } else {
        }
        %ne3A = arith.constant 0 : i32
        %ne3A_169 = arith.cmpi ne, %rem3A_164, %ne3A : i32
        %convert_element_type3A_170 = arith.extui %ne3A_169 : i1 to i32
        %cond3A_171 = arith.constant 0 : i32
        %cond3A_172 = arith.cmpi ne, %convert_element_type3A_170, %cond3A_171 : i32
        scf.if %cond3A_172 {
          %add3A_173 = arith.constant 0 : i32
          %add3A_174 = arith.addi %mul3A_158, %add3A_173 : i32
          %add3A_175 = arith.constant 0 : i32
          %add3A_176 = arith.addi %mul3A_162, %add3A_175 : i32
          %dma_start3A_177 = arith.constant 0 : i32
          %dma_start3A_178 = tpu.memref_slice %arg10[%add3A_176, %dma_start3A_177] : memref<1792x16xf32, #tpu.memory_space<vmem>> -> memref<128x16xf32, #tpu.memory_space<vmem>>
          %dma_start3A_179 = tpu.memref_slice %arg8[%add3A_174] : memref<2688xi32, #tpu.memory_space<vmem>> -> memref<128xi32, #tpu.memory_space<vmem>>
          %dma_start3A_180 = arith.constant 0 : i32
          %dma_start3A_181 = arith.constant 0 : i32
          %dma_start3A_182 = tpu.memref_slice %arg2[%dma_start3A_180, %dma_start3A_181] : memref<100352x16xf32, #tpu.memory_space<hbm>> -> memref<100352x16xf32, #tpu.memory_space<hbm>>
          tpu.enqueue_indirect_dma source(%dma_start3A_182 : memref<100352x16xf32, #tpu.memory_space<hbm>>) target(%dma_start3A_178 : memref<128x16xf32, #tpu.memory_space<vmem>>) offsets(%dma_start3A_179 : memref<128xi32, #tpu.memory_space<vmem>>) semaphore(%arg15 : memref<!tpu.dma_semaphore, #tpu.memory_space<semaphore_mem>>)
          %add3A_183 = arith.constant 0 : i32
          %add3A_184 = arith.addi %mul3A_158, %add3A_183 : i32
          %add3A_185 = arith.constant 0 : i32
          %add3A_186 = arith.addi %mul3A_162, %add3A_185 : i32
          %dma_start3A_187 = arith.constant 0 : i32
          %dma_start3A_188 = tpu.memref_slice %arg11[%add3A_186, %dma_start3A_187] : memref<1792x16xf32, #tpu.memory_space<vmem>> -> memref<128x16xf32, #tpu.memory_space<vmem>>
          %dma_start3A_189 = tpu.memref_slice %arg9[%add3A_184] : memref<2688xi32, #tpu.memory_space<vmem>> -> memref<128xi32, #tpu.memory_space<vmem>>
          %dma_start3A_190 = arith.constant 0 : i32
          %dma_start3A_191 = arith.constant 0 : i32
          %dma_start3A_192 = tpu.memref_slice %arg2[%dma_start3A_190, %dma_start3A_191] : memref<100352x16xf32, #tpu.memory_space<hbm>> -> memref<100352x16xf32, #tpu.memory_space<hbm>>
          tpu.enqueue_indirect_dma source(%dma_start3A_192 : memref<100352x16xf32, #tpu.memory_space<hbm>>) target(%dma_start3A_188 : memref<128x16xf32, #tpu.memory_space<vmem>>) offsets(%dma_start3A_189 : memref<128xi32, #tpu.memory_space<vmem>>) semaphore(%arg15 : memref<!tpu.dma_semaphore, #tpu.memory_space<semaphore_mem>>)
          %add3A_193 = arith.constant 128 : i32
          %add3A_194 = arith.addi %mul3A_158, %add3A_193 : i32
          %add3A_195 = arith.constant 128 : i32
          %add3A_196 = arith.addi %mul3A_162, %add3A_195 : i32
          %dma_start3A_197 = arith.constant 0 : i32
          %dma_start3A_198 = tpu.memref_slice %arg10[%add3A_196, %dma_start3A_197] : memref<1792x16xf32, #tpu.memory_space<vmem>> -> memref<128x16xf32, #tpu.memory_space<vmem>>
          %dma_start3A_199 = tpu.memref_slice %arg8[%add3A_194] : memref<2688xi32, #tpu.memory_space<vmem>> -> memref<128xi32, #tpu.memory_space<vmem>>
          %dma_start3A_200 = arith.constant 0 : i32
          %dma_start3A_201 = arith.constant 0 : i32
          %dma_start3A_202 = tpu.memref_slice %arg2[%dma_start3A_200, %dma_start3A_201] : memref<100352x16xf32, #tpu.memory_space<hbm>> -> memref<100352x16xf32, #tpu.memory_space<hbm>>
          tpu.enqueue_indirect_dma source(%dma_start3A_202 : memref<100352x16xf32, #tpu.memory_space<hbm>>) target(%dma_start3A_198 : memref<128x16xf32, #tpu.memory_space<vmem>>) offsets(%dma_start3A_199 : memref<128xi32, #tpu.memory_space<vmem>>) semaphore(%arg15 : memref<!tpu.dma_semaphore, #tpu.memory_space<semaphore_mem>>)
          %add3A_203 = arith.constant 128 : i32
          %add3A_204 = arith.addi %mul3A_158, %add3A_203 : i32
          %add3A_205 = arith.constant 128 : i32
          %add3A_206 = arith.addi %mul3A_162, %add3A_205 : i32
          %dma_start3A_207 = arith.constant 0 : i32
          %dma_start3A_208 = tpu.memref_slice %arg11[%add3A_206, %dma_start3A_207] : memref<1792x16xf32, #tpu.memory_space<vmem>> -> memref<128x16xf32, #tpu.memory_space<vmem>>
          %dma_start3A_209 = tpu.memref_slice %arg9[%add3A_204] : memref<2688xi32, #tpu.memory_space<vmem>> -> memref<128xi32, #tpu.memory_space<vmem>>
          %dma_start3A_210 = arith.constant 0 : i32
          %dma_start3A_211 = arith.constant 0 : i32
          %dma_start3A_212 = tpu.memref_slice %arg2[%dma_start3A_210, %dma_start3A_211] : memref<100352x16xf32, #tpu.memory_space<hbm>> -> memref<100352x16xf32, #tpu.memory_space<hbm>>
          tpu.enqueue_indirect_dma source(%dma_start3A_212 : memref<100352x16xf32, #tpu.memory_space<hbm>>) target(%dma_start3A_208 : memref<128x16xf32, #tpu.memory_space<vmem>>) offsets(%dma_start3A_209 : memref<128xi32, #tpu.memory_space<vmem>>) semaphore(%arg15 : memref<!tpu.dma_semaphore, #tpu.memory_space<semaphore_mem>>)
          %add3A_213 = arith.constant 256 : i32
          %add3A_214 = arith.addi %mul3A_158, %add3A_213 : i32
          %add3A_215 = arith.constant 256 : i32
          %add3A_216 = arith.addi %mul3A_162, %add3A_215 : i32
          %dma_start3A_217 = arith.constant 0 : i32
          %dma_start3A_218 = tpu.memref_slice %arg10[%add3A_216, %dma_start3A_217] : memref<1792x16xf32, #tpu.memory_space<vmem>> -> memref<128x16xf32, #tpu.memory_space<vmem>>
          %dma_start3A_219 = tpu.memref_slice %arg8[%add3A_214] : memref<2688xi32, #tpu.memory_space<vmem>> -> memref<128xi32, #tpu.memory_space<vmem>>
          %dma_start3A_220 = arith.constant 0 : i32
          %dma_start3A_221 = arith.constant 0 : i32
          %dma_start3A_222 = tpu.memref_slice %arg2[%dma_start3A_220, %dma_start3A_221] : memref<100352x16xf32, #tpu.memory_space<hbm>> -> memref<100352x16xf32, #tpu.memory_space<hbm>>
          tpu.enqueue_indirect_dma source(%dma_start3A_222 : memref<100352x16xf32, #tpu.memory_space<hbm>>) target(%dma_start3A_218 : memref<128x16xf32, #tpu.memory_space<vmem>>) offsets(%dma_start3A_219 : memref<128xi32, #tpu.memory_space<vmem>>) semaphore(%arg15 : memref<!tpu.dma_semaphore, #tpu.memory_space<semaphore_mem>>)
          %add3A_223 = arith.constant 256 : i32
          %add3A_224 = arith.addi %mul3A_158, %add3A_223 : i32
          %add3A_225 = arith.constant 256 : i32
          %add3A_226 = arith.addi %mul3A_162, %add3A_225 : i32
          %dma_start3A_227 = arith.constant 0 : i32
          %dma_start3A_228 = tpu.memref_slice %arg11[%add3A_226, %dma_start3A_227] : memref<1792x16xf32, #tpu.memory_space<vmem>> -> memref<128x16xf32, #tpu.memory_space<vmem>>
          %dma_start3A_229 = tpu.memref_slice %arg9[%add3A_224] : memref<2688xi32, #tpu.memory_space<vmem>> -> memref<128xi32, #tpu.memory_space<vmem>>
          %dma_start3A_230 = arith.constant 0 : i32
          %dma_start3A_231 = arith.constant 0 : i32
          %dma_start3A_232 = tpu.memref_slice %arg2[%dma_start3A_230, %dma_start3A_231] : memref<100352x16xf32, #tpu.memory_space<hbm>> -> memref<100352x16xf32, #tpu.memory_space<hbm>>
          tpu.enqueue_indirect_dma source(%dma_start3A_232 : memref<100352x16xf32, #tpu.memory_space<hbm>>) target(%dma_start3A_228 : memref<128x16xf32, #tpu.memory_space<vmem>>) offsets(%dma_start3A_229 : memref<128xi32, #tpu.memory_space<vmem>>) semaphore(%arg15 : memref<!tpu.dma_semaphore, #tpu.memory_space<semaphore_mem>>)
          %add3A_233 = arith.constant 384 : i32
          %add3A_234 = arith.addi %mul3A_158, %add3A_233 : i32
          %add3A_235 = arith.constant 384 : i32
          %add3A_236 = arith.addi %mul3A_162, %add3A_235 : i32
          %dma_start3A_237 = arith.constant 0 : i32
          %dma_start3A_238 = tpu.memref_slice %arg10[%add3A_236, %dma_start3A_237] : memref<1792x16xf32, #tpu.memory_space<vmem>> -> memref<128x16xf32, #tpu.memory_space<vmem>>
          %dma_start3A_239 = tpu.memref_slice %arg8[%add3A_234] : memref<2688xi32, #tpu.memory_space<vmem>> -> memref<128xi32, #tpu.memory_space<vmem>>
          %dma_start3A_240 = arith.constant 0 : i32
          %dma_start3A_241 = arith.constant 0 : i32
          %dma_start3A_242 = tpu.memref_slice %arg2[%dma_start3A_240, %dma_start3A_241] : memref<100352x16xf32, #tpu.memory_space<hbm>> -> memref<100352x16xf32, #tpu.memory_space<hbm>>
          tpu.enqueue_indirect_dma source(%dma_start3A_242 : memref<100352x16xf32, #tpu.memory_space<hbm>>) target(%dma_start3A_238 : memref<128x16xf32, #tpu.memory_space<vmem>>) offsets(%dma_start3A_239 : memref<128xi32, #tpu.memory_space<vmem>>) semaphore(%arg15 : memref<!tpu.dma_semaphore, #tpu.memory_space<semaphore_mem>>)
          %add3A_243 = arith.constant 384 : i32
          %add3A_244 = arith.addi %mul3A_158, %add3A_243 : i32
          %add3A_245 = arith.constant 384 : i32
          %add3A_246 = arith.addi %mul3A_162, %add3A_245 : i32
          %dma_start3A_247 = arith.constant 0 : i32
          %dma_start3A_248 = tpu.memref_slice %arg11[%add3A_246, %dma_start3A_247] : memref<1792x16xf32, #tpu.memory_space<vmem>> -> memref<128x16xf32, #tpu.memory_space<vmem>>
          %dma_start3A_249 = tpu.memref_slice %arg9[%add3A_244] : memref<2688xi32, #tpu.memory_space<vmem>> -> memref<128xi32, #tpu.memory_space<vmem>>
          %dma_start3A_250 = arith.constant 0 : i32
          %dma_start3A_251 = arith.constant 0 : i32
          %dma_start3A_252 = tpu.memref_slice %arg2[%dma_start3A_250, %dma_start3A_251] : memref<100352x16xf32, #tpu.memory_space<hbm>> -> memref<100352x16xf32, #tpu.memory_space<hbm>>
          tpu.enqueue_indirect_dma source(%dma_start3A_252 : memref<100352x16xf32, #tpu.memory_space<hbm>>) target(%dma_start3A_248 : memref<128x16xf32, #tpu.memory_space<vmem>>) offsets(%dma_start3A_249 : memref<128xi32, #tpu.memory_space<vmem>>) semaphore(%arg15 : memref<!tpu.dma_semaphore, #tpu.memory_space<semaphore_mem>>)
          %add3A_253 = arith.constant 512 : i32
          %add3A_254 = arith.addi %mul3A_158, %add3A_253 : i32
          %add3A_255 = arith.constant 512 : i32
          %add3A_256 = arith.addi %mul3A_162, %add3A_255 : i32
          %dma_start3A_257 = arith.constant 0 : i32
          %dma_start3A_258 = tpu.memref_slice %arg10[%add3A_256, %dma_start3A_257] : memref<1792x16xf32, #tpu.memory_space<vmem>> -> memref<128x16xf32, #tpu.memory_space<vmem>>
          %dma_start3A_259 = tpu.memref_slice %arg8[%add3A_254] : memref<2688xi32, #tpu.memory_space<vmem>> -> memref<128xi32, #tpu.memory_space<vmem>>
          %dma_start3A_260 = arith.constant 0 : i32
          %dma_start3A_261 = arith.constant 0 : i32
          %dma_start3A_262 = tpu.memref_slice %arg2[%dma_start3A_260, %dma_start3A_261] : memref<100352x16xf32, #tpu.memory_space<hbm>> -> memref<100352x16xf32, #tpu.memory_space<hbm>>
          tpu.enqueue_indirect_dma source(%dma_start3A_262 : memref<100352x16xf32, #tpu.memory_space<hbm>>) target(%dma_start3A_258 : memref<128x16xf32, #tpu.memory_space<vmem>>) offsets(%dma_start3A_259 : memref<128xi32, #tpu.memory_space<vmem>>) semaphore(%arg15 : memref<!tpu.dma_semaphore, #tpu.memory_space<semaphore_mem>>)
          %add3A_263 = arith.constant 512 : i32
          %add3A_264 = arith.addi %mul3A_158, %add3A_263 : i32
          %add3A_265 = arith.constant 512 : i32
          %add3A_266 = arith.addi %mul3A_162, %add3A_265 : i32
          %dma_start3A_267 = arith.constant 0 : i32
          %dma_start3A_268 = tpu.memref_slice %arg11[%add3A_266, %dma_start3A_267] : memref<1792x16xf32, #tpu.memory_space<vmem>> -> memref<128x16xf32, #tpu.memory_space<vmem>>
          %dma_start3A_269 = tpu.memref_slice %arg9[%add3A_264] : memref<2688xi32, #tpu.memory_space<vmem>> -> memref<128xi32, #tpu.memory_space<vmem>>
          %dma_start3A_270 = arith.constant 0 : i32
          %dma_start3A_271 = arith.constant 0 : i32
          %dma_start3A_272 = tpu.memref_slice %arg2[%dma_start3A_270, %dma_start3A_271] : memref<100352x16xf32, #tpu.memory_space<hbm>> -> memref<100352x16xf32, #tpu.memory_space<hbm>>
          tpu.enqueue_indirect_dma source(%dma_start3A_272 : memref<100352x16xf32, #tpu.memory_space<hbm>>) target(%dma_start3A_268 : memref<128x16xf32, #tpu.memory_space<vmem>>) offsets(%dma_start3A_269 : memref<128xi32, #tpu.memory_space<vmem>>) semaphore(%arg15 : memref<!tpu.dma_semaphore, #tpu.memory_space<semaphore_mem>>)
          %add3A_273 = arith.constant 640 : i32
          %add3A_274 = arith.addi %mul3A_158, %add3A_273 : i32
          %add3A_275 = arith.constant 640 : i32
          %add3A_276 = arith.addi %mul3A_162, %add3A_275 : i32
          %dma_start3A_277 = arith.constant 0 : i32
          %dma_start3A_278 = tpu.memref_slice %arg10[%add3A_276, %dma_start3A_277] : memref<1792x16xf32, #tpu.memory_space<vmem>> -> memref<128x16xf32, #tpu.memory_space<vmem>>
          %dma_start3A_279 = tpu.memref_slice %arg8[%add3A_274] : memref<2688xi32, #tpu.memory_space<vmem>> -> memref<128xi32, #tpu.memory_space<vmem>>
          %dma_start3A_280 = arith.constant 0 : i32
          %dma_start3A_281 = arith.constant 0 : i32
          %dma_start3A_282 = tpu.memref_slice %arg2[%dma_start3A_280, %dma_start3A_281] : memref<100352x16xf32, #tpu.memory_space<hbm>> -> memref<100352x16xf32, #tpu.memory_space<hbm>>
          tpu.enqueue_indirect_dma source(%dma_start3A_282 : memref<100352x16xf32, #tpu.memory_space<hbm>>) target(%dma_start3A_278 : memref<128x16xf32, #tpu.memory_space<vmem>>) offsets(%dma_start3A_279 : memref<128xi32, #tpu.memory_space<vmem>>) semaphore(%arg15 : memref<!tpu.dma_semaphore, #tpu.memory_space<semaphore_mem>>)
          %add3A_283 = arith.constant 640 : i32
          %add3A_284 = arith.addi %mul3A_158, %add3A_283 : i32
          %add3A_285 = arith.constant 640 : i32
          %add3A_286 = arith.addi %mul3A_162, %add3A_285 : i32
          %dma_start3A_287 = arith.constant 0 : i32
          %dma_start3A_288 = tpu.memref_slice %arg11[%add3A_286, %dma_start3A_287] : memref<1792x16xf32, #tpu.memory_space<vmem>> -> memref<128x16xf32, #tpu.memory_space<vmem>>
          %dma_start3A_289 = tpu.memref_slice %arg9[%add3A_284] : memref<2688xi32, #tpu.memory_space<vmem>> -> memref<128xi32, #tpu.memory_space<vmem>>
          %dma_start3A_290 = arith.constant 0 : i32
          %dma_start3A_291 = arith.constant 0 : i32
          %dma_start3A_292 = tpu.memref_slice %arg2[%dma_start3A_290, %dma_start3A_291] : memref<100352x16xf32, #tpu.memory_space<hbm>> -> memref<100352x16xf32, #tpu.memory_space<hbm>>
          tpu.enqueue_indirect_dma source(%dma_start3A_292 : memref<100352x16xf32, #tpu.memory_space<hbm>>) target(%dma_start3A_288 : memref<128x16xf32, #tpu.memory_space<vmem>>) offsets(%dma_start3A_289 : memref<128xi32, #tpu.memory_space<vmem>>) semaphore(%arg15 : memref<!tpu.dma_semaphore, #tpu.memory_space<semaphore_mem>>)
          %add3A_293 = arith.constant 768 : i32
          %add3A_294 = arith.addi %mul3A_158, %add3A_293 : i32
          %add3A_295 = arith.constant 768 : i32
          %add3A_296 = arith.addi %mul3A_162, %add3A_295 : i32
          %dma_start3A_297 = arith.constant 0 : i32
          %dma_start3A_298 = tpu.memref_slice %arg10[%add3A_296, %dma_start3A_297] : memref<1792x16xf32, #tpu.memory_space<vmem>> -> memref<128x16xf32, #tpu.memory_space<vmem>>
          %dma_start3A_299 = tpu.memref_slice %arg8[%add3A_294] : memref<2688xi32, #tpu.memory_space<vmem>> -> memref<128xi32, #tpu.memory_space<vmem>>
          %dma_start3A_300 = arith.constant 0 : i32
          %dma_start3A_301 = arith.constant 0 : i32
          %dma_start3A_302 = tpu.memref_slice %arg2[%dma_start3A_300, %dma_start3A_301] : memref<100352x16xf32, #tpu.memory_space<hbm>> -> memref<100352x16xf32, #tpu.memory_space<hbm>>
          tpu.enqueue_indirect_dma source(%dma_start3A_302 : memref<100352x16xf32, #tpu.memory_space<hbm>>) target(%dma_start3A_298 : memref<128x16xf32, #tpu.memory_space<vmem>>) offsets(%dma_start3A_299 : memref<128xi32, #tpu.memory_space<vmem>>) semaphore(%arg15 : memref<!tpu.dma_semaphore, #tpu.memory_space<semaphore_mem>>)
          %add3A_303 = arith.constant 768 : i32
          %add3A_304 = arith.addi %mul3A_158, %add3A_303 : i32
          %add3A_305 = arith.constant 768 : i32
          %add3A_306 = arith.addi %mul3A_162, %add3A_305 : i32
          %dma_start3A_307 = arith.constant 0 : i32
          %dma_start3A_308 = tpu.memref_slice %arg11[%add3A_306, %dma_start3A_307] : memref<1792x16xf32, #tpu.memory_space<vmem>> -> memref<128x16xf32, #tpu.memory_space<vmem>>
          %dma_start3A_309 = tpu.memref_slice %arg9[%add3A_304] : memref<2688xi32, #tpu.memory_space<vmem>> -> memref<128xi32, #tpu.memory_space<vmem>>
          %dma_start3A_310 = arith.constant 0 : i32
          %dma_start3A_311 = arith.constant 0 : i32
          %dma_start3A_312 = tpu.memref_slice %arg2[%dma_start3A_310, %dma_start3A_311] : memref<100352x16xf32, #tpu.memory_space<hbm>> -> memref<100352x16xf32, #tpu.memory_space<hbm>>
          tpu.enqueue_indirect_dma source(%dma_start3A_312 : memref<100352x16xf32, #tpu.memory_space<hbm>>) target(%dma_start3A_308 : memref<128x16xf32, #tpu.memory_space<vmem>>) offsets(%dma_start3A_309 : memref<128xi32, #tpu.memory_space<vmem>>) semaphore(%arg15 : memref<!tpu.dma_semaphore, #tpu.memory_space<semaphore_mem>>)
        } else {
        }
      } else {
      }
      %ge3A = arith.constant 1 : i32
      %ge3A_118 = arith.cmpi sge, %add3A_115, %ge3A : i32
      %convert_element_type3A_119 = arith.extui %ge3A_118 : i1 to i32
      %cond3A_120 = arith.constant 0 : i32
      %cond3A_121 = arith.cmpi ne, %convert_element_type3A_119, %cond3A_120 : i32
      scf.if %cond3A_121 {
        %add3A_139 = arith.constant 1 : i32
        %add3A_140 = arith.addi %add3A_115, %add3A_139 : i32
        %rem3A_141 = arith.constant 2 : i32
        %rem3A_142 = arith.remsi %add3A_140, %rem3A_141 : i32
        %eq3A = arith.constant 0 : i32
        %eq3A_143 = arith.cmpi eq, %rem3A_142, %eq3A : i32
        %convert_element_type3A_144 = arith.extui %eq3A_143 : i1 to i32
        %cond3A_145 = arith.constant 0 : i32
        %cond3A_146 = arith.cmpi ne, %convert_element_type3A_144, %cond3A_145 : i32
        scf.if %cond3A_146 {
          %dma_wait3A_151 = arith.constant 0 : i32
          %dma_wait3A_152 = arith.constant 0 : i32
          %dma_wait3A_153 = tpu.memref_slice %arg10[%dma_wait3A_151, %dma_wait3A_152] : memref<1792x16xf32, #tpu.memory_space<vmem>> -> memref<128x16xf32, #tpu.memory_space<vmem>>
          %dma_wait3A_154 = arith.constant 0 : i32
          %dma_wait3A_155 = tpu.memref_slice %arg8[%dma_wait3A_154] : memref<2688xi32, #tpu.memory_space<vmem>> -> memref<128xi32, #tpu.memory_space<vmem>>
          %dma_wait3A_156 = arith.constant 0 : i32
          %dma_wait3A_157 = arith.constant 0 : i32
          %dma_wait3A_158 = tpu.memref_slice %arg2[%dma_wait3A_156, %dma_wait3A_157] : memref<100352x16xf32, #tpu.memory_space<hbm>> -> memref<100352x16xf32, #tpu.memory_space<hbm>>
          tpu.wait_indirect_dma semaphore(%arg14 : memref<!tpu.dma_semaphore, #tpu.memory_space<semaphore_mem>>) src(%dma_wait3A_158 : memref<100352x16xf32, #tpu.memory_space<hbm>>) dst(%dma_wait3A_153 : memref<128x16xf32, #tpu.memory_space<vmem>>)
          %dma_wait3A_159 = arith.constant 0 : i32
          %dma_wait3A_160 = arith.constant 0 : i32
          %dma_wait3A_161 = tpu.memref_slice %arg10[%dma_wait3A_159, %dma_wait3A_160] : memref<1792x16xf32, #tpu.memory_space<vmem>> -> memref<128x16xf32, #tpu.memory_space<vmem>>
          %dma_wait3A_162 = arith.constant 0 : i32
          %dma_wait3A_163 = tpu.memref_slice %arg8[%dma_wait3A_162] : memref<2688xi32, #tpu.memory_space<vmem>> -> memref<128xi32, #tpu.memory_space<vmem>>
          %dma_wait3A_164 = arith.constant 0 : i32
          %dma_wait3A_165 = arith.constant 0 : i32
          %dma_wait3A_166 = tpu.memref_slice %arg2[%dma_wait3A_164, %dma_wait3A_165] : memref<100352x16xf32, #tpu.memory_space<hbm>> -> memref<100352x16xf32, #tpu.memory_space<hbm>>
          tpu.wait_indirect_dma semaphore(%arg14 : memref<!tpu.dma_semaphore, #tpu.memory_space<semaphore_mem>>) src(%dma_wait3A_166 : memref<100352x16xf32, #tpu.memory_space<hbm>>) dst(%dma_wait3A_161 : memref<128x16xf32, #tpu.memory_space<vmem>>)
          %dma_wait3A_167 = arith.constant 0 : i32
          %dma_wait3A_168 = arith.constant 0 : i32
          %dma_wait3A_169 = tpu.memref_slice %arg10[%dma_wait3A_167, %dma_wait3A_168] : memref<1792x16xf32, #tpu.memory_space<vmem>> -> memref<128x16xf32, #tpu.memory_space<vmem>>
          %dma_wait3A_170 = arith.constant 0 : i32
          %dma_wait3A_171 = tpu.memref_slice %arg8[%dma_wait3A_170] : memref<2688xi32, #tpu.memory_space<vmem>> -> memref<128xi32, #tpu.memory_space<vmem>>
          %dma_wait3A_172 = arith.constant 0 : i32
          %dma_wait3A_173 = arith.constant 0 : i32
          %dma_wait3A_174 = tpu.memref_slice %arg2[%dma_wait3A_172, %dma_wait3A_173] : memref<100352x16xf32, #tpu.memory_space<hbm>> -> memref<100352x16xf32, #tpu.memory_space<hbm>>
          tpu.wait_indirect_dma semaphore(%arg14 : memref<!tpu.dma_semaphore, #tpu.memory_space<semaphore_mem>>) src(%dma_wait3A_174 : memref<100352x16xf32, #tpu.memory_space<hbm>>) dst(%dma_wait3A_169 : memref<128x16xf32, #tpu.memory_space<vmem>>)
          %dma_wait3A_175 = arith.constant 0 : i32
          %dma_wait3A_176 = arith.constant 0 : i32
          %dma_wait3A_177 = tpu.memref_slice %arg10[%dma_wait3A_175, %dma_wait3A_176] : memref<1792x16xf32, #tpu.memory_space<vmem>> -> memref<128x16xf32, #tpu.memory_space<vmem>>
          %dma_wait3A_178 = arith.constant 0 : i32
          %dma_wait3A_179 = tpu.memref_slice %arg8[%dma_wait3A_178] : memref<2688xi32, #tpu.memory_space<vmem>> -> memref<128xi32, #tpu.memory_space<vmem>>
          %dma_wait3A_180 = arith.constant 0 : i32
          %dma_wait3A_181 = arith.constant 0 : i32
          %dma_wait3A_182 = tpu.memref_slice %arg2[%dma_wait3A_180, %dma_wait3A_181] : memref<100352x16xf32, #tpu.memory_space<hbm>> -> memref<100352x16xf32, #tpu.memory_space<hbm>>
          tpu.wait_indirect_dma semaphore(%arg14 : memref<!tpu.dma_semaphore, #tpu.memory_space<semaphore_mem>>) src(%dma_wait3A_182 : memref<100352x16xf32, #tpu.memory_space<hbm>>) dst(%dma_wait3A_177 : memref<128x16xf32, #tpu.memory_space<vmem>>)
          %dma_wait3A_183 = arith.constant 0 : i32
          %dma_wait3A_184 = arith.constant 0 : i32
          %dma_wait3A_185 = tpu.memref_slice %arg10[%dma_wait3A_183, %dma_wait3A_184] : memref<1792x16xf32, #tpu.memory_space<vmem>> -> memref<128x16xf32, #tpu.memory_space<vmem>>
          %dma_wait3A_186 = arith.constant 0 : i32
          %dma_wait3A_187 = tpu.memref_slice %arg8[%dma_wait3A_186] : memref<2688xi32, #tpu.memory_space<vmem>> -> memref<128xi32, #tpu.memory_space<vmem>>
          %dma_wait3A_188 = arith.constant 0 : i32
          %dma_wait3A_189 = arith.constant 0 : i32
          %dma_wait3A_190 = tpu.memref_slice %arg2[%dma_wait3A_188, %dma_wait3A_189] : memref<100352x16xf32, #tpu.memory_space<hbm>> -> memref<100352x16xf32, #tpu.memory_space<hbm>>
          tpu.wait_indirect_dma semaphore(%arg14 : memref<!tpu.dma_semaphore, #tpu.memory_space<semaphore_mem>>) src(%dma_wait3A_190 : memref<100352x16xf32, #tpu.memory_space<hbm>>) dst(%dma_wait3A_185 : memref<128x16xf32, #tpu.memory_space<vmem>>)
          %dma_wait3A_191 = arith.constant 0 : i32
          %dma_wait3A_192 = arith.constant 0 : i32
          %dma_wait3A_193 = tpu.memref_slice %arg10[%dma_wait3A_191, %dma_wait3A_192] : memref<1792x16xf32, #tpu.memory_space<vmem>> -> memref<128x16xf32, #tpu.memory_space<vmem>>
          %dma_wait3A_194 = arith.constant 0 : i32
          %dma_wait3A_195 = tpu.memref_slice %arg8[%dma_wait3A_194] : memref<2688xi32, #tpu.memory_space<vmem>> -> memref<128xi32, #tpu.memory_space<vmem>>
          %dma_wait3A_196 = arith.constant 0 : i32
          %dma_wait3A_197 = arith.constant 0 : i32
          %dma_wait3A_198 = tpu.memref_slice %arg2[%dma_wait3A_196, %dma_wait3A_197] : memref<100352x16xf32, #tpu.memory_space<hbm>> -> memref<100352x16xf32, #tpu.memory_space<hbm>>
          tpu.wait_indirect_dma semaphore(%arg14 : memref<!tpu.dma_semaphore, #tpu.memory_space<semaphore_mem>>) src(%dma_wait3A_198 : memref<100352x16xf32, #tpu.memory_space<hbm>>) dst(%dma_wait3A_193 : memref<128x16xf32, #tpu.memory_space<vmem>>)
          %dma_wait3A_199 = arith.constant 0 : i32
          %dma_wait3A_200 = arith.constant 0 : i32
          %dma_wait3A_201 = tpu.memref_slice %arg10[%dma_wait3A_199, %dma_wait3A_200] : memref<1792x16xf32, #tpu.memory_space<vmem>> -> memref<128x16xf32, #tpu.memory_space<vmem>>
          %dma_wait3A_202 = arith.constant 0 : i32
          %dma_wait3A_203 = tpu.memref_slice %arg8[%dma_wait3A_202] : memref<2688xi32, #tpu.memory_space<vmem>> -> memref<128xi32, #tpu.memory_space<vmem>>
          %dma_wait3A_204 = arith.constant 0 : i32
          %dma_wait3A_205 = arith.constant 0 : i32
          %dma_wait3A_206 = tpu.memref_slice %arg2[%dma_wait3A_204, %dma_wait3A_205] : memref<100352x16xf32, #tpu.memory_space<hbm>> -> memref<100352x16xf32, #tpu.memory_space<hbm>>
          tpu.wait_indirect_dma semaphore(%arg14 : memref<!tpu.dma_semaphore, #tpu.memory_space<semaphore_mem>>) src(%dma_wait3A_206 : memref<100352x16xf32, #tpu.memory_space<hbm>>) dst(%dma_wait3A_201 : memref<128x16xf32, #tpu.memory_space<vmem>>)
          %dma_wait3A_207 = arith.constant 0 : i32
          %dma_wait3A_208 = arith.constant 0 : i32
          %dma_wait3A_209 = tpu.memref_slice %arg10[%dma_wait3A_207, %dma_wait3A_208] : memref<1792x16xf32, #tpu.memory_space<vmem>> -> memref<128x16xf32, #tpu.memory_space<vmem>>
          %dma_wait3A_210 = arith.constant 0 : i32
          %dma_wait3A_211 = tpu.memref_slice %arg8[%dma_wait3A_210] : memref<2688xi32, #tpu.memory_space<vmem>> -> memref<128xi32, #tpu.memory_space<vmem>>
          %dma_wait3A_212 = arith.constant 0 : i32
          %dma_wait3A_213 = arith.constant 0 : i32
          %dma_wait3A_214 = tpu.memref_slice %arg2[%dma_wait3A_212, %dma_wait3A_213] : memref<100352x16xf32, #tpu.memory_space<hbm>> -> memref<100352x16xf32, #tpu.memory_space<hbm>>
          tpu.wait_indirect_dma semaphore(%arg14 : memref<!tpu.dma_semaphore, #tpu.memory_space<semaphore_mem>>) src(%dma_wait3A_214 : memref<100352x16xf32, #tpu.memory_space<hbm>>) dst(%dma_wait3A_209 : memref<128x16xf32, #tpu.memory_space<vmem>>)
          %dma_wait3A_215 = arith.constant 0 : i32
          %dma_wait3A_216 = arith.constant 0 : i32
          %dma_wait3A_217 = tpu.memref_slice %arg10[%dma_wait3A_215, %dma_wait3A_216] : memref<1792x16xf32, #tpu.memory_space<vmem>> -> memref<128x16xf32, #tpu.memory_space<vmem>>
          %dma_wait3A_218 = arith.constant 0 : i32
          %dma_wait3A_219 = tpu.memref_slice %arg8[%dma_wait3A_218] : memref<2688xi32, #tpu.memory_space<vmem>> -> memref<128xi32, #tpu.memory_space<vmem>>
          %dma_wait3A_220 = arith.constant 0 : i32
          %dma_wait3A_221 = arith.constant 0 : i32
          %dma_wait3A_222 = tpu.memref_slice %arg2[%dma_wait3A_220, %dma_wait3A_221] : memref<100352x16xf32, #tpu.memory_space<hbm>> -> memref<100352x16xf32, #tpu.memory_space<hbm>>
          tpu.wait_indirect_dma semaphore(%arg14 : memref<!tpu.dma_semaphore, #tpu.memory_space<semaphore_mem>>) src(%dma_wait3A_222 : memref<100352x16xf32, #tpu.memory_space<hbm>>) dst(%dma_wait3A_217 : memref<128x16xf32, #tpu.memory_space<vmem>>)
          %dma_wait3A_223 = arith.constant 0 : i32
          %dma_wait3A_224 = arith.constant 0 : i32
          %dma_wait3A_225 = tpu.memref_slice %arg10[%dma_wait3A_223, %dma_wait3A_224] : memref<1792x16xf32, #tpu.memory_space<vmem>> -> memref<128x16xf32, #tpu.memory_space<vmem>>
          %dma_wait3A_226 = arith.constant 0 : i32
          %dma_wait3A_227 = tpu.memref_slice %arg8[%dma_wait3A_226] : memref<2688xi32, #tpu.memory_space<vmem>> -> memref<128xi32, #tpu.memory_space<vmem>>
          %dma_wait3A_228 = arith.constant 0 : i32
          %dma_wait3A_229 = arith.constant 0 : i32
          %dma_wait3A_230 = tpu.memref_slice %arg2[%dma_wait3A_228, %dma_wait3A_229] : memref<100352x16xf32, #tpu.memory_space<hbm>> -> memref<100352x16xf32, #tpu.memory_space<hbm>>
          tpu.wait_indirect_dma semaphore(%arg14 : memref<!tpu.dma_semaphore, #tpu.memory_space<semaphore_mem>>) src(%dma_wait3A_230 : memref<100352x16xf32, #tpu.memory_space<hbm>>) dst(%dma_wait3A_225 : memref<128x16xf32, #tpu.memory_space<vmem>>)
          %dma_wait3A_231 = arith.constant 0 : i32
          %dma_wait3A_232 = arith.constant 0 : i32
          %dma_wait3A_233 = tpu.memref_slice %arg10[%dma_wait3A_231, %dma_wait3A_232] : memref<1792x16xf32, #tpu.memory_space<vmem>> -> memref<128x16xf32, #tpu.memory_space<vmem>>
          %dma_wait3A_234 = arith.constant 0 : i32
          %dma_wait3A_235 = tpu.memref_slice %arg8[%dma_wait3A_234] : memref<2688xi32, #tpu.memory_space<vmem>> -> memref<128xi32, #tpu.memory_space<vmem>>
          %dma_wait3A_236 = arith.constant 0 : i32
          %dma_wait3A_237 = arith.constant 0 : i32
          %dma_wait3A_238 = tpu.memref_slice %arg2[%dma_wait3A_236, %dma_wait3A_237] : memref<100352x16xf32, #tpu.memory_space<hbm>> -> memref<100352x16xf32, #tpu.memory_space<hbm>>
          tpu.wait_indirect_dma semaphore(%arg14 : memref<!tpu.dma_semaphore, #tpu.memory_space<semaphore_mem>>) src(%dma_wait3A_238 : memref<100352x16xf32, #tpu.memory_space<hbm>>) dst(%dma_wait3A_233 : memref<128x16xf32, #tpu.memory_space<vmem>>)
          %dma_wait3A_239 = arith.constant 0 : i32
          %dma_wait3A_240 = arith.constant 0 : i32
          %dma_wait3A_241 = tpu.memref_slice %arg10[%dma_wait3A_239, %dma_wait3A_240] : memref<1792x16xf32, #tpu.memory_space<vmem>> -> memref<128x16xf32, #tpu.memory_space<vmem>>
          %dma_wait3A_242 = arith.constant 0 : i32
          %dma_wait3A_243 = tpu.memref_slice %arg8[%dma_wait3A_242] : memref<2688xi32, #tpu.memory_space<vmem>> -> memref<128xi32, #tpu.memory_space<vmem>>
          %dma_wait3A_244 = arith.constant 0 : i32
          %dma_wait3A_245 = arith.constant 0 : i32
          %dma_wait3A_246 = tpu.memref_slice %arg2[%dma_wait3A_244, %dma_wait3A_245] : memref<100352x16xf32, #tpu.memory_space<hbm>> -> memref<100352x16xf32, #tpu.memory_space<hbm>>
          tpu.wait_indirect_dma semaphore(%arg14 : memref<!tpu.dma_semaphore, #tpu.memory_space<semaphore_mem>>) src(%dma_wait3A_246 : memref<100352x16xf32, #tpu.memory_space<hbm>>) dst(%dma_wait3A_241 : memref<128x16xf32, #tpu.memory_space<vmem>>)
          %dma_wait3A_247 = arith.constant 0 : i32
          %dma_wait3A_248 = arith.constant 0 : i32
          %dma_wait3A_249 = tpu.memref_slice %arg10[%dma_wait3A_247, %dma_wait3A_248] : memref<1792x16xf32, #tpu.memory_space<vmem>> -> memref<128x16xf32, #tpu.memory_space<vmem>>
          %dma_wait3A_250 = arith.constant 0 : i32
          %dma_wait3A_251 = tpu.memref_slice %arg8[%dma_wait3A_250] : memref<2688xi32, #tpu.memory_space<vmem>> -> memref<128xi32, #tpu.memory_space<vmem>>
          %dma_wait3A_252 = arith.constant 0 : i32
          %dma_wait3A_253 = arith.constant 0 : i32
          %dma_wait3A_254 = tpu.memref_slice %arg2[%dma_wait3A_252, %dma_wait3A_253] : memref<100352x16xf32, #tpu.memory_space<hbm>> -> memref<100352x16xf32, #tpu.memory_space<hbm>>
          tpu.wait_indirect_dma semaphore(%arg14 : memref<!tpu.dma_semaphore, #tpu.memory_space<semaphore_mem>>) src(%dma_wait3A_254 : memref<100352x16xf32, #tpu.memory_space<hbm>>) dst(%dma_wait3A_249 : memref<128x16xf32, #tpu.memory_space<vmem>>)
          %dma_wait3A_255 = arith.constant 0 : i32
          %dma_wait3A_256 = arith.constant 0 : i32
          %dma_wait3A_257 = tpu.memref_slice %arg10[%dma_wait3A_255, %dma_wait3A_256] : memref<1792x16xf32, #tpu.memory_space<vmem>> -> memref<128x16xf32, #tpu.memory_space<vmem>>
          %dma_wait3A_258 = arith.constant 0 : i32
          %dma_wait3A_259 = tpu.memref_slice %arg8[%dma_wait3A_258] : memref<2688xi32, #tpu.memory_space<vmem>> -> memref<128xi32, #tpu.memory_space<vmem>>
          %dma_wait3A_260 = arith.constant 0 : i32
          %dma_wait3A_261 = arith.constant 0 : i32
          %dma_wait3A_262 = tpu.memref_slice %arg2[%dma_wait3A_260, %dma_wait3A_261] : memref<100352x16xf32, #tpu.memory_space<hbm>> -> memref<100352x16xf32, #tpu.memory_space<hbm>>
          tpu.wait_indirect_dma semaphore(%arg14 : memref<!tpu.dma_semaphore, #tpu.memory_space<semaphore_mem>>) src(%dma_wait3A_262 : memref<100352x16xf32, #tpu.memory_space<hbm>>) dst(%dma_wait3A_257 : memref<128x16xf32, #tpu.memory_space<vmem>>)
        } else {
        }
        %ne3A = arith.constant 0 : i32
        %ne3A_147 = arith.cmpi ne, %rem3A_142, %ne3A : i32
        %convert_element_type3A_148 = arith.extui %ne3A_147 : i1 to i32
        %cond3A_149 = arith.constant 0 : i32
        %cond3A_150 = arith.cmpi ne, %convert_element_type3A_148, %cond3A_149 : i32
        scf.if %cond3A_150 {
          %dma_wait3A_151 = arith.constant 0 : i32
          %dma_wait3A_152 = arith.constant 0 : i32
          %dma_wait3A_153 = tpu.memref_slice %arg10[%dma_wait3A_151, %dma_wait3A_152] : memref<1792x16xf32, #tpu.memory_space<vmem>> -> memref<128x16xf32, #tpu.memory_space<vmem>>
          %dma_wait3A_154 = arith.constant 0 : i32
          %dma_wait3A_155 = tpu.memref_slice %arg8[%dma_wait3A_154] : memref<2688xi32, #tpu.memory_space<vmem>> -> memref<128xi32, #tpu.memory_space<vmem>>
          %dma_wait3A_156 = arith.constant 0 : i32
          %dma_wait3A_157 = arith.constant 0 : i32
          %dma_wait3A_158 = tpu.memref_slice %arg2[%dma_wait3A_156, %dma_wait3A_157] : memref<100352x16xf32, #tpu.memory_space<hbm>> -> memref<100352x16xf32, #tpu.memory_space<hbm>>
          tpu.wait_indirect_dma semaphore(%arg15 : memref<!tpu.dma_semaphore, #tpu.memory_space<semaphore_mem>>) src(%dma_wait3A_158 : memref<100352x16xf32, #tpu.memory_space<hbm>>) dst(%dma_wait3A_153 : memref<128x16xf32, #tpu.memory_space<vmem>>)
          %dma_wait3A_159 = arith.constant 0 : i32
          %dma_wait3A_160 = arith.constant 0 : i32
          %dma_wait3A_161 = tpu.memref_slice %arg10[%dma_wait3A_159, %dma_wait3A_160] : memref<1792x16xf32, #tpu.memory_space<vmem>> -> memref<128x16xf32, #tpu.memory_space<vmem>>
          %dma_wait3A_162 = arith.constant 0 : i32
          %dma_wait3A_163 = tpu.memref_slice %arg8[%dma_wait3A_162] : memref<2688xi32, #tpu.memory_space<vmem>> -> memref<128xi32, #tpu.memory_space<vmem>>
          %dma_wait3A_164 = arith.constant 0 : i32
          %dma_wait3A_165 = arith.constant 0 : i32
          %dma_wait3A_166 = tpu.memref_slice %arg2[%dma_wait3A_164, %dma_wait3A_165] : memref<100352x16xf32, #tpu.memory_space<hbm>> -> memref<100352x16xf32, #tpu.memory_space<hbm>>
          tpu.wait_indirect_dma semaphore(%arg15 : memref<!tpu.dma_semaphore, #tpu.memory_space<semaphore_mem>>) src(%dma_wait3A_166 : memref<100352x16xf32, #tpu.memory_space<hbm>>) dst(%dma_wait3A_161 : memref<128x16xf32, #tpu.memory_space<vmem>>)
          %dma_wait3A_167 = arith.constant 0 : i32
          %dma_wait3A_168 = arith.constant 0 : i32
          %dma_wait3A_169 = tpu.memref_slice %arg10[%dma_wait3A_167, %dma_wait3A_168] : memref<1792x16xf32, #tpu.memory_space<vmem>> -> memref<128x16xf32, #tpu.memory_space<vmem>>
          %dma_wait3A_170 = arith.constant 0 : i32
          %dma_wait3A_171 = tpu.memref_slice %arg8[%dma_wait3A_170] : memref<2688xi32, #tpu.memory_space<vmem>> -> memref<128xi32, #tpu.memory_space<vmem>>
          %dma_wait3A_172 = arith.constant 0 : i32
          %dma_wait3A_173 = arith.constant 0 : i32
          %dma_wait3A_174 = tpu.memref_slice %arg2[%dma_wait3A_172, %dma_wait3A_173] : memref<100352x16xf32, #tpu.memory_space<hbm>> -> memref<100352x16xf32, #tpu.memory_space<hbm>>
          tpu.wait_indirect_dma semaphore(%arg15 : memref<!tpu.dma_semaphore, #tpu.memory_space<semaphore_mem>>) src(%dma_wait3A_174 : memref<100352x16xf32, #tpu.memory_space<hbm>>) dst(%dma_wait3A_169 : memref<128x16xf32, #tpu.memory_space<vmem>>)
          %dma_wait3A_175 = arith.constant 0 : i32
          %dma_wait3A_176 = arith.constant 0 : i32
          %dma_wait3A_177 = tpu.memref_slice %arg10[%dma_wait3A_175, %dma_wait3A_176] : memref<1792x16xf32, #tpu.memory_space<vmem>> -> memref<128x16xf32, #tpu.memory_space<vmem>>
          %dma_wait3A_178 = arith.constant 0 : i32
          %dma_wait3A_179 = tpu.memref_slice %arg8[%dma_wait3A_178] : memref<2688xi32, #tpu.memory_space<vmem>> -> memref<128xi32, #tpu.memory_space<vmem>>
          %dma_wait3A_180 = arith.constant 0 : i32
          %dma_wait3A_181 = arith.constant 0 : i32
          %dma_wait3A_182 = tpu.memref_slice %arg2[%dma_wait3A_180, %dma_wait3A_181] : memref<100352x16xf32, #tpu.memory_space<hbm>> -> memref<100352x16xf32, #tpu.memory_space<hbm>>
          tpu.wait_indirect_dma semaphore(%arg15 : memref<!tpu.dma_semaphore, #tpu.memory_space<semaphore_mem>>) src(%dma_wait3A_182 : memref<100352x16xf32, #tpu.memory_space<hbm>>) dst(%dma_wait3A_177 : memref<128x16xf32, #tpu.memory_space<vmem>>)
          %dma_wait3A_183 = arith.constant 0 : i32
          %dma_wait3A_184 = arith.constant 0 : i32
          %dma_wait3A_185 = tpu.memref_slice %arg10[%dma_wait3A_183, %dma_wait3A_184] : memref<1792x16xf32, #tpu.memory_space<vmem>> -> memref<128x16xf32, #tpu.memory_space<vmem>>
          %dma_wait3A_186 = arith.constant 0 : i32
          %dma_wait3A_187 = tpu.memref_slice %arg8[%dma_wait3A_186] : memref<2688xi32, #tpu.memory_space<vmem>> -> memref<128xi32, #tpu.memory_space<vmem>>
          %dma_wait3A_188 = arith.constant 0 : i32
          %dma_wait3A_189 = arith.constant 0 : i32
          %dma_wait3A_190 = tpu.memref_slice %arg2[%dma_wait3A_188, %dma_wait3A_189] : memref<100352x16xf32, #tpu.memory_space<hbm>> -> memref<100352x16xf32, #tpu.memory_space<hbm>>
          tpu.wait_indirect_dma semaphore(%arg15 : memref<!tpu.dma_semaphore, #tpu.memory_space<semaphore_mem>>) src(%dma_wait3A_190 : memref<100352x16xf32, #tpu.memory_space<hbm>>) dst(%dma_wait3A_185 : memref<128x16xf32, #tpu.memory_space<vmem>>)
          %dma_wait3A_191 = arith.constant 0 : i32
          %dma_wait3A_192 = arith.constant 0 : i32
          %dma_wait3A_193 = tpu.memref_slice %arg10[%dma_wait3A_191, %dma_wait3A_192] : memref<1792x16xf32, #tpu.memory_space<vmem>> -> memref<128x16xf32, #tpu.memory_space<vmem>>
          %dma_wait3A_194 = arith.constant 0 : i32
          %dma_wait3A_195 = tpu.memref_slice %arg8[%dma_wait3A_194] : memref<2688xi32, #tpu.memory_space<vmem>> -> memref<128xi32, #tpu.memory_space<vmem>>
          %dma_wait3A_196 = arith.constant 0 : i32
          %dma_wait3A_197 = arith.constant 0 : i32
          %dma_wait3A_198 = tpu.memref_slice %arg2[%dma_wait3A_196, %dma_wait3A_197] : memref<100352x16xf32, #tpu.memory_space<hbm>> -> memref<100352x16xf32, #tpu.memory_space<hbm>>
          tpu.wait_indirect_dma semaphore(%arg15 : memref<!tpu.dma_semaphore, #tpu.memory_space<semaphore_mem>>) src(%dma_wait3A_198 : memref<100352x16xf32, #tpu.memory_space<hbm>>) dst(%dma_wait3A_193 : memref<128x16xf32, #tpu.memory_space<vmem>>)
          %dma_wait3A_199 = arith.constant 0 : i32
          %dma_wait3A_200 = arith.constant 0 : i32
          %dma_wait3A_201 = tpu.memref_slice %arg10[%dma_wait3A_199, %dma_wait3A_200] : memref<1792x16xf32, #tpu.memory_space<vmem>> -> memref<128x16xf32, #tpu.memory_space<vmem>>
          %dma_wait3A_202 = arith.constant 0 : i32
          %dma_wait3A_203 = tpu.memref_slice %arg8[%dma_wait3A_202] : memref<2688xi32, #tpu.memory_space<vmem>> -> memref<128xi32, #tpu.memory_space<vmem>>
          %dma_wait3A_204 = arith.constant 0 : i32
          %dma_wait3A_205 = arith.constant 0 : i32
          %dma_wait3A_206 = tpu.memref_slice %arg2[%dma_wait3A_204, %dma_wait3A_205] : memref<100352x16xf32, #tpu.memory_space<hbm>> -> memref<100352x16xf32, #tpu.memory_space<hbm>>
          tpu.wait_indirect_dma semaphore(%arg15 : memref<!tpu.dma_semaphore, #tpu.memory_space<semaphore_mem>>) src(%dma_wait3A_206 : memref<100352x16xf32, #tpu.memory_space<hbm>>) dst(%dma_wait3A_201 : memref<128x16xf32, #tpu.memory_space<vmem>>)
          %dma_wait3A_207 = arith.constant 0 : i32
          %dma_wait3A_208 = arith.constant 0 : i32
          %dma_wait3A_209 = tpu.memref_slice %arg10[%dma_wait3A_207, %dma_wait3A_208] : memref<1792x16xf32, #tpu.memory_space<vmem>> -> memref<128x16xf32, #tpu.memory_space<vmem>>
          %dma_wait3A_210 = arith.constant 0 : i32
          %dma_wait3A_211 = tpu.memref_slice %arg8[%dma_wait3A_210] : memref<2688xi32, #tpu.memory_space<vmem>> -> memref<128xi32, #tpu.memory_space<vmem>>
          %dma_wait3A_212 = arith.constant 0 : i32
          %dma_wait3A_213 = arith.constant 0 : i32
          %dma_wait3A_214 = tpu.memref_slice %arg2[%dma_wait3A_212, %dma_wait3A_213] : memref<100352x16xf32, #tpu.memory_space<hbm>> -> memref<100352x16xf32, #tpu.memory_space<hbm>>
          tpu.wait_indirect_dma semaphore(%arg15 : memref<!tpu.dma_semaphore, #tpu.memory_space<semaphore_mem>>) src(%dma_wait3A_214 : memref<100352x16xf32, #tpu.memory_space<hbm>>) dst(%dma_wait3A_209 : memref<128x16xf32, #tpu.memory_space<vmem>>)
          %dma_wait3A_215 = arith.constant 0 : i32
          %dma_wait3A_216 = arith.constant 0 : i32
          %dma_wait3A_217 = tpu.memref_slice %arg10[%dma_wait3A_215, %dma_wait3A_216] : memref<1792x16xf32, #tpu.memory_space<vmem>> -> memref<128x16xf32, #tpu.memory_space<vmem>>
          %dma_wait3A_218 = arith.constant 0 : i32
          %dma_wait3A_219 = tpu.memref_slice %arg8[%dma_wait3A_218] : memref<2688xi32, #tpu.memory_space<vmem>> -> memref<128xi32, #tpu.memory_space<vmem>>
          %dma_wait3A_220 = arith.constant 0 : i32
          %dma_wait3A_221 = arith.constant 0 : i32
          %dma_wait3A_222 = tpu.memref_slice %arg2[%dma_wait3A_220, %dma_wait3A_221] : memref<100352x16xf32, #tpu.memory_space<hbm>> -> memref<100352x16xf32, #tpu.memory_space<hbm>>
          tpu.wait_indirect_dma semaphore(%arg15 : memref<!tpu.dma_semaphore, #tpu.memory_space<semaphore_mem>>) src(%dma_wait3A_222 : memref<100352x16xf32, #tpu.memory_space<hbm>>) dst(%dma_wait3A_217 : memref<128x16xf32, #tpu.memory_space<vmem>>)
          %dma_wait3A_223 = arith.constant 0 : i32
          %dma_wait3A_224 = arith.constant 0 : i32
          %dma_wait3A_225 = tpu.memref_slice %arg10[%dma_wait3A_223, %dma_wait3A_224] : memref<1792x16xf32, #tpu.memory_space<vmem>> -> memref<128x16xf32, #tpu.memory_space<vmem>>
          %dma_wait3A_226 = arith.constant 0 : i32
          %dma_wait3A_227 = tpu.memref_slice %arg8[%dma_wait3A_226] : memref<2688xi32, #tpu.memory_space<vmem>> -> memref<128xi32, #tpu.memory_space<vmem>>
          %dma_wait3A_228 = arith.constant 0 : i32
          %dma_wait3A_229 = arith.constant 0 : i32
          %dma_wait3A_230 = tpu.memref_slice %arg2[%dma_wait3A_228, %dma_wait3A_229] : memref<100352x16xf32, #tpu.memory_space<hbm>> -> memref<100352x16xf32, #tpu.memory_space<hbm>>
          tpu.wait_indirect_dma semaphore(%arg15 : memref<!tpu.dma_semaphore, #tpu.memory_space<semaphore_mem>>) src(%dma_wait3A_230 : memref<100352x16xf32, #tpu.memory_space<hbm>>) dst(%dma_wait3A_225 : memref<128x16xf32, #tpu.memory_space<vmem>>)
          %dma_wait3A_231 = arith.constant 0 : i32
          %dma_wait3A_232 = arith.constant 0 : i32
          %dma_wait3A_233 = tpu.memref_slice %arg10[%dma_wait3A_231, %dma_wait3A_232] : memref<1792x16xf32, #tpu.memory_space<vmem>> -> memref<128x16xf32, #tpu.memory_space<vmem>>
          %dma_wait3A_234 = arith.constant 0 : i32
          %dma_wait3A_235 = tpu.memref_slice %arg8[%dma_wait3A_234] : memref<2688xi32, #tpu.memory_space<vmem>> -> memref<128xi32, #tpu.memory_space<vmem>>
          %dma_wait3A_236 = arith.constant 0 : i32
          %dma_wait3A_237 = arith.constant 0 : i32
          %dma_wait3A_238 = tpu.memref_slice %arg2[%dma_wait3A_236, %dma_wait3A_237] : memref<100352x16xf32, #tpu.memory_space<hbm>> -> memref<100352x16xf32, #tpu.memory_space<hbm>>
          tpu.wait_indirect_dma semaphore(%arg15 : memref<!tpu.dma_semaphore, #tpu.memory_space<semaphore_mem>>) src(%dma_wait3A_238 : memref<100352x16xf32, #tpu.memory_space<hbm>>) dst(%dma_wait3A_233 : memref<128x16xf32, #tpu.memory_space<vmem>>)
          %dma_wait3A_239 = arith.constant 0 : i32
          %dma_wait3A_240 = arith.constant 0 : i32
          %dma_wait3A_241 = tpu.memref_slice %arg10[%dma_wait3A_239, %dma_wait3A_240] : memref<1792x16xf32, #tpu.memory_space<vmem>> -> memref<128x16xf32, #tpu.memory_space<vmem>>
          %dma_wait3A_242 = arith.constant 0 : i32
          %dma_wait3A_243 = tpu.memref_slice %arg8[%dma_wait3A_242] : memref<2688xi32, #tpu.memory_space<vmem>> -> memref<128xi32, #tpu.memory_space<vmem>>
          %dma_wait3A_244 = arith.constant 0 : i32
          %dma_wait3A_245 = arith.constant 0 : i32
          %dma_wait3A_246 = tpu.memref_slice %arg2[%dma_wait3A_244, %dma_wait3A_245] : memref<100352x16xf32, #tpu.memory_space<hbm>> -> memref<100352x16xf32, #tpu.memory_space<hbm>>
          tpu.wait_indirect_dma semaphore(%arg15 : memref<!tpu.dma_semaphore, #tpu.memory_space<semaphore_mem>>) src(%dma_wait3A_246 : memref<100352x16xf32, #tpu.memory_space<hbm>>) dst(%dma_wait3A_241 : memref<128x16xf32, #tpu.memory_space<vmem>>)
          %dma_wait3A_247 = arith.constant 0 : i32
          %dma_wait3A_248 = arith.constant 0 : i32
          %dma_wait3A_249 = tpu.memref_slice %arg10[%dma_wait3A_247, %dma_wait3A_248] : memref<1792x16xf32, #tpu.memory_space<vmem>> -> memref<128x16xf32, #tpu.memory_space<vmem>>
          %dma_wait3A_250 = arith.constant 0 : i32
          %dma_wait3A_251 = tpu.memref_slice %arg8[%dma_wait3A_250] : memref<2688xi32, #tpu.memory_space<vmem>> -> memref<128xi32, #tpu.memory_space<vmem>>
          %dma_wait3A_252 = arith.constant 0 : i32
          %dma_wait3A_253 = arith.constant 0 : i32
          %dma_wait3A_254 = tpu.memref_slice %arg2[%dma_wait3A_252, %dma_wait3A_253] : memref<100352x16xf32, #tpu.memory_space<hbm>> -> memref<100352x16xf32, #tpu.memory_space<hbm>>
          tpu.wait_indirect_dma semaphore(%arg15 : memref<!tpu.dma_semaphore, #tpu.memory_space<semaphore_mem>>) src(%dma_wait3A_254 : memref<100352x16xf32, #tpu.memory_space<hbm>>) dst(%dma_wait3A_249 : memref<128x16xf32, #tpu.memory_space<vmem>>)
          %dma_wait3A_255 = arith.constant 0 : i32
          %dma_wait3A_256 = arith.constant 0 : i32
          %dma_wait3A_257 = tpu.memref_slice %arg10[%dma_wait3A_255, %dma_wait3A_256] : memref<1792x16xf32, #tpu.memory_space<vmem>> -> memref<128x16xf32, #tpu.memory_space<vmem>>
          %dma_wait3A_258 = arith.constant 0 : i32
          %dma_wait3A_259 = tpu.memref_slice %arg8[%dma_wait3A_258] : memref<2688xi32, #tpu.memory_space<vmem>> -> memref<128xi32, #tpu.memory_space<vmem>>
          %dma_wait3A_260 = arith.constant 0 : i32
          %dma_wait3A_261 = arith.constant 0 : i32
          %dma_wait3A_262 = tpu.memref_slice %arg2[%dma_wait3A_260, %dma_wait3A_261] : memref<100352x16xf32, #tpu.memory_space<hbm>> -> memref<100352x16xf32, #tpu.memory_space<hbm>>
          tpu.wait_indirect_dma semaphore(%arg15 : memref<!tpu.dma_semaphore, #tpu.memory_space<semaphore_mem>>) src(%dma_wait3A_262 : memref<100352x16xf32, #tpu.memory_space<hbm>>) dst(%dma_wait3A_257 : memref<128x16xf32, #tpu.memory_space<vmem>>)
        } else {
        }
      } else {
      }
      %ge3A_122 = arith.constant 2 : i32
      %ge3A_123 = arith.cmpi sge, %add3A_115, %ge3A_122 : i32
      %convert_element_type3A_124 = arith.extui %ge3A_123 : i1 to i32
      %cond3A_125 = arith.constant 0 : i32
      %cond3A_126 = arith.cmpi ne, %convert_element_type3A_124, %cond3A_125 : i32
      scf.if %cond3A_126 {
        %dma_wait3A_139 = arith.constant 0 : i32
        %dma_wait3A_140 = arith.constant 0 : i32
        %dma_wait3A_141 = tpu.memref_slice %arg12[%dma_wait3A_139, %dma_wait3A_140] : memref<1792x8xf32, #tpu.memory_space<vmem>> -> memref<128x8xf32, #tpu.memory_space<vmem>>
        %dma_wait3A_142 = arith.constant 0 : i32
        %dma_wait3A_143 = tpu.memref_slice %arg8[%dma_wait3A_142] : memref<2688xi32, #tpu.memory_space<vmem>> -> memref<128xi32, #tpu.memory_space<vmem>>
        %dma_wait3A_144 = arith.constant 0 : i32
        %dma_wait3A_145 = arith.constant 0 : i32
        %dma_wait3A_146 = tpu.memref_slice %arg7[%dma_wait3A_144, %dma_wait3A_145] : memref<100352x8xf32, #tpu.memory_space<vmem_shared>> -> memref<100352x8xf32, #tpu.memory_space<vmem_shared>>
        tpu.wait_indirect_dma semaphore(%arg16 : memref<!tpu.dma_semaphore, #tpu.memory_space<semaphore_mem>>) src(%dma_wait3A_141 : memref<128x8xf32, #tpu.memory_space<vmem>>) dst(%dma_wait3A_146 : memref<100352x8xf32, #tpu.memory_space<vmem_shared>>)
        %dma_wait3A_147 = arith.constant 0 : i32
        %dma_wait3A_148 = arith.constant 0 : i32
        %dma_wait3A_149 = tpu.memref_slice %arg12[%dma_wait3A_147, %dma_wait3A_148] : memref<1792x8xf32, #tpu.memory_space<vmem>> -> memref<128x8xf32, #tpu.memory_space<vmem>>
        %dma_wait3A_150 = arith.constant 0 : i32
        %dma_wait3A_151 = tpu.memref_slice %arg8[%dma_wait3A_150] : memref<2688xi32, #tpu.memory_space<vmem>> -> memref<128xi32, #tpu.memory_space<vmem>>
        %dma_wait3A_152 = arith.constant 0 : i32
        %dma_wait3A_153 = arith.constant 0 : i32
        %dma_wait3A_154 = tpu.memref_slice %arg7[%dma_wait3A_152, %dma_wait3A_153] : memref<100352x8xf32, #tpu.memory_space<vmem_shared>> -> memref<100352x8xf32, #tpu.memory_space<vmem_shared>>
        tpu.wait_indirect_dma semaphore(%arg16 : memref<!tpu.dma_semaphore, #tpu.memory_space<semaphore_mem>>) src(%dma_wait3A_149 : memref<128x8xf32, #tpu.memory_space<vmem>>) dst(%dma_wait3A_154 : memref<100352x8xf32, #tpu.memory_space<vmem_shared>>)
        %dma_wait3A_155 = arith.constant 0 : i32
        %dma_wait3A_156 = arith.constant 0 : i32
        %dma_wait3A_157 = tpu.memref_slice %arg12[%dma_wait3A_155, %dma_wait3A_156] : memref<1792x8xf32, #tpu.memory_space<vmem>> -> memref<128x8xf32, #tpu.memory_space<vmem>>
        %dma_wait3A_158 = arith.constant 0 : i32
        %dma_wait3A_159 = tpu.memref_slice %arg8[%dma_wait3A_158] : memref<2688xi32, #tpu.memory_space<vmem>> -> memref<128xi32, #tpu.memory_space<vmem>>
        %dma_wait3A_160 = arith.constant 0 : i32
        %dma_wait3A_161 = arith.constant 0 : i32
        %dma_wait3A_162 = tpu.memref_slice %arg7[%dma_wait3A_160, %dma_wait3A_161] : memref<100352x8xf32, #tpu.memory_space<vmem_shared>> -> memref<100352x8xf32, #tpu.memory_space<vmem_shared>>
        tpu.wait_indirect_dma semaphore(%arg16 : memref<!tpu.dma_semaphore, #tpu.memory_space<semaphore_mem>>) src(%dma_wait3A_157 : memref<128x8xf32, #tpu.memory_space<vmem>>) dst(%dma_wait3A_162 : memref<100352x8xf32, #tpu.memory_space<vmem_shared>>)
        %dma_wait3A_163 = arith.constant 0 : i32
        %dma_wait3A_164 = arith.constant 0 : i32
        %dma_wait3A_165 = tpu.memref_slice %arg12[%dma_wait3A_163, %dma_wait3A_164] : memref<1792x8xf32, #tpu.memory_space<vmem>> -> memref<128x8xf32, #tpu.memory_space<vmem>>
        %dma_wait3A_166 = arith.constant 0 : i32
        %dma_wait3A_167 = tpu.memref_slice %arg8[%dma_wait3A_166] : memref<2688xi32, #tpu.memory_space<vmem>> -> memref<128xi32, #tpu.memory_space<vmem>>
        %dma_wait3A_168 = arith.constant 0 : i32
        %dma_wait3A_169 = arith.constant 0 : i32
        %dma_wait3A_170 = tpu.memref_slice %arg7[%dma_wait3A_168, %dma_wait3A_169] : memref<100352x8xf32, #tpu.memory_space<vmem_shared>> -> memref<100352x8xf32, #tpu.memory_space<vmem_shared>>
        tpu.wait_indirect_dma semaphore(%arg16 : memref<!tpu.dma_semaphore, #tpu.memory_space<semaphore_mem>>) src(%dma_wait3A_165 : memref<128x8xf32, #tpu.memory_space<vmem>>) dst(%dma_wait3A_170 : memref<100352x8xf32, #tpu.memory_space<vmem_shared>>)
        %dma_wait3A_171 = arith.constant 0 : i32
        %dma_wait3A_172 = arith.constant 0 : i32
        %dma_wait3A_173 = tpu.memref_slice %arg12[%dma_wait3A_171, %dma_wait3A_172] : memref<1792x8xf32, #tpu.memory_space<vmem>> -> memref<128x8xf32, #tpu.memory_space<vmem>>
        %dma_wait3A_174 = arith.constant 0 : i32
        %dma_wait3A_175 = tpu.memref_slice %arg8[%dma_wait3A_174] : memref<2688xi32, #tpu.memory_space<vmem>> -> memref<128xi32, #tpu.memory_space<vmem>>
        %dma_wait3A_176 = arith.constant 0 : i32
        %dma_wait3A_177 = arith.constant 0 : i32
        %dma_wait3A_178 = tpu.memref_slice %arg7[%dma_wait3A_176, %dma_wait3A_177] : memref<100352x8xf32, #tpu.memory_space<vmem_shared>> -> memref<100352x8xf32, #tpu.memory_space<vmem_shared>>
        tpu.wait_indirect_dma semaphore(%arg16 : memref<!tpu.dma_semaphore, #tpu.memory_space<semaphore_mem>>) src(%dma_wait3A_173 : memref<128x8xf32, #tpu.memory_space<vmem>>) dst(%dma_wait3A_178 : memref<100352x8xf32, #tpu.memory_space<vmem_shared>>)
        %dma_wait3A_179 = arith.constant 0 : i32
        %dma_wait3A_180 = arith.constant 0 : i32
        %dma_wait3A_181 = tpu.memref_slice %arg12[%dma_wait3A_179, %dma_wait3A_180] : memref<1792x8xf32, #tpu.memory_space<vmem>> -> memref<128x8xf32, #tpu.memory_space<vmem>>
        %dma_wait3A_182 = arith.constant 0 : i32
        %dma_wait3A_183 = tpu.memref_slice %arg8[%dma_wait3A_182] : memref<2688xi32, #tpu.memory_space<vmem>> -> memref<128xi32, #tpu.memory_space<vmem>>
        %dma_wait3A_184 = arith.constant 0 : i32
        %dma_wait3A_185 = arith.constant 0 : i32
        %dma_wait3A_186 = tpu.memref_slice %arg7[%dma_wait3A_184, %dma_wait3A_185] : memref<100352x8xf32, #tpu.memory_space<vmem_shared>> -> memref<100352x8xf32, #tpu.memory_space<vmem_shared>>
        tpu.wait_indirect_dma semaphore(%arg16 : memref<!tpu.dma_semaphore, #tpu.memory_space<semaphore_mem>>) src(%dma_wait3A_181 : memref<128x8xf32, #tpu.memory_space<vmem>>) dst(%dma_wait3A_186 : memref<100352x8xf32, #tpu.memory_space<vmem_shared>>)
        %dma_wait3A_187 = arith.constant 0 : i32
        %dma_wait3A_188 = arith.constant 0 : i32
        %dma_wait3A_189 = tpu.memref_slice %arg12[%dma_wait3A_187, %dma_wait3A_188] : memref<1792x8xf32, #tpu.memory_space<vmem>> -> memref<128x8xf32, #tpu.memory_space<vmem>>
        %dma_wait3A_190 = arith.constant 0 : i32
        %dma_wait3A_191 = tpu.memref_slice %arg8[%dma_wait3A_190] : memref<2688xi32, #tpu.memory_space<vmem>> -> memref<128xi32, #tpu.memory_space<vmem>>
        %dma_wait3A_192 = arith.constant 0 : i32
        %dma_wait3A_193 = arith.constant 0 : i32
        %dma_wait3A_194 = tpu.memref_slice %arg7[%dma_wait3A_192, %dma_wait3A_193] : memref<100352x8xf32, #tpu.memory_space<vmem_shared>> -> memref<100352x8xf32, #tpu.memory_space<vmem_shared>>
        tpu.wait_indirect_dma semaphore(%arg16 : memref<!tpu.dma_semaphore, #tpu.memory_space<semaphore_mem>>) src(%dma_wait3A_189 : memref<128x8xf32, #tpu.memory_space<vmem>>) dst(%dma_wait3A_194 : memref<100352x8xf32, #tpu.memory_space<vmem_shared>>)
      } else {
      }
      %add3A_127 = arith.constant 1 : i32
      %add3A_128 = arith.addi %add3A_115, %add3A_127 : i32
      %lt3A_129 = arith.constant 223 : i32
      %lt3A_130 = arith.cmpi slt, %add3A_128, %lt3A_129 : i32
      %convert_element_type3A_131 = arith.extui %lt3A_130 : i1 to i32
      %cond3A_132 = arith.constant 0 : i32
      %cond3A_133 = arith.cmpi ne, %convert_element_type3A_131, %cond3A_132 : i32
      scf.if %cond3A_133 {
        %add3A_139 = arith.constant 1 : i32
        %add3A_140 = arith.addi %add3A_115, %add3A_139 : i32
        %rem3A_141 = arith.constant 3 : i32
        %rem3A_142 = arith.remsi %add3A_140, %rem3A_141 : i32
        %mul3A_143 = arith.constant 896 : i32
        %mul3A_144 = arith.muli %rem3A_142, %mul3A_143 : i32
        %mul3A_145 = arith.constant 896 : i32
        %mul3A_146 = arith.muli %add3A_140, %mul3A_145 : i32
        %add3A_147 = arith.addi %mul3A_4, %mul3A_146 : i32
        %dma_start3A_148 = tpu.memref_slice %arg8[%mul3A_144] : memref<2688xi32, #tpu.memory_space<vmem>> -> memref<896xi32, #tpu.memory_space<vmem>>
        %dma_start3A_149 = tpu.memref_slice %arg3[%add3A_147] : memref<6400000xi32, #tpu.memory_space<hbm>> -> memref<896xi32, #tpu.memory_space<hbm>>
        %dma_start3A_150 = tpu.memref_slice %arg8[%mul3A_144] : memref<2688xi32, #tpu.memory_space<vmem>> -> memref<896xi32, #tpu.memory_space<vmem>>
        %dma_start3A_151 = tpu.memref_slice %arg3[%add3A_147] : memref<6400000xi32, #tpu.memory_space<hbm>> -> memref<896xi32, #tpu.memory_space<hbm>>
        tpu.enqueue_dma source(%dma_start3A_151 : memref<896xi32, #tpu.memory_space<hbm>>) target(%dma_start3A_150 : memref<896xi32, #tpu.memory_space<vmem>>) target_semaphore(%arg13 : memref<!tpu.dma_semaphore, #tpu.memory_space<semaphore_mem>>)
        %dma_start3A_152 = tpu.memref_slice %arg9[%mul3A_144] : memref<2688xi32, #tpu.memory_space<vmem>> -> memref<896xi32, #tpu.memory_space<vmem>>
        %dma_start3A_153 = tpu.memref_slice %arg4[%add3A_147] : memref<6400000xi32, #tpu.memory_space<hbm>> -> memref<896xi32, #tpu.memory_space<hbm>>
        %dma_start3A_154 = tpu.memref_slice %arg9[%mul3A_144] : memref<2688xi32, #tpu.memory_space<vmem>> -> memref<896xi32, #tpu.memory_space<vmem>>
        %dma_start3A_155 = tpu.memref_slice %arg4[%add3A_147] : memref<6400000xi32, #tpu.memory_space<hbm>> -> memref<896xi32, #tpu.memory_space<hbm>>
        tpu.enqueue_dma source(%dma_start3A_155 : memref<896xi32, #tpu.memory_space<hbm>>) target(%dma_start3A_154 : memref<896xi32, #tpu.memory_space<vmem>>) target_semaphore(%arg13 : memref<!tpu.dma_semaphore, #tpu.memory_space<semaphore_mem>>)
      } else {
      }
      %ge3A_134 = arith.constant 1 : i32
      %ge3A_135 = arith.cmpi sge, %add3A_115, %ge3A_134 : i32
      %convert_element_type3A_136 = arith.extui %ge3A_135 : i1 to i32
      %cond3A_137 = arith.constant 0 : i32
      %cond3A_138 = arith.cmpi ne, %convert_element_type3A_136, %cond3A_137 : i32
      scf.if %cond3A_138 {
        %sub3A = arith.constant 1 : i32
        %sub3A_139 = arith.subi %add3A_115, %sub3A : i32
        %rem3A_140 = arith.constant 2 : i32
        %rem3A_141 = arith.remsi %sub3A_139, %rem3A_140 : i32
        %mul3A_142 = arith.constant 896 : i32
        %mul3A_143 = arith.muli %rem3A_141, %mul3A_142 : i32
        %scan3A_144 = arith.constant 0 : i32
        %scan3A_145 = arith.constant 56 : i32
        %scan3A_146 = arith.addi %scan3A_144, %scan3A_145 : i32
        %scan3A_147 = arith.constant 1 : i32
        scf.for %scan3A_229 = %scan3A_144 to %scan3A_146 step %scan3A_147  : i32 {
          %mul3A_230 = arith.constant 1 : i32
          %mul3A_231 = arith.muli %scan3A_229, %mul3A_230 : i32
          %add3A_232 = arith.constant 0 : i32
          %add3A_233 = arith.addi %add3A_232, %mul3A_231 : i32
          %mul3A_234 = arith.constant 16 : i32
          %mul3A_235 = arith.muli %add3A_233, %mul3A_234 : i32
          %add3A_236 = arith.addi %mul3A_143, %mul3A_235 : i32
          %add3A_237 = vector.broadcast %add3A_236 : i32 to vector<16xi32>
          %add3A_238 = arith.addi %add3A_237, %iota3A : vector<16xi32>
          %broadcast_in_dim3A_239 = arith.constant 0 : i32
          %broadcast_in_dim3A_240 = vector.broadcast %broadcast_in_dim3A_239 : i32 to vector<16xi32>
          %gather3A = tpu.vector_load_idx %arg10[%add3A_238, %broadcast_in_dim3A_240] : memref<1792x16xf32, #tpu.memory_space<vmem>>[vector<16xi32>, vector<16xi32>], vector<16xf32>,
          %broadcast_in_dim3A_241 = arith.constant 1 : i32
          %broadcast_in_dim3A_242 = vector.broadcast %broadcast_in_dim3A_241 : i32 to vector<16xi32>
          %gather3A_243 = tpu.vector_load_idx %arg10[%add3A_238, %broadcast_in_dim3A_242] : memref<1792x16xf32, #tpu.memory_space<vmem>>[vector<16xi32>, vector<16xi32>], vector<16xf32>,
          %broadcast_in_dim3A_244 = arith.constant 2 : i32
          %broadcast_in_dim3A_245 = vector.broadcast %broadcast_in_dim3A_244 : i32 to vector<16xi32>
          %gather3A_246 = tpu.vector_load_idx %arg10[%add3A_238, %broadcast_in_dim3A_245] : memref<1792x16xf32, #tpu.memory_space<vmem>>[vector<16xi32>, vector<16xi32>], vector<16xf32>,
          %broadcast_in_dim3A_247 = arith.constant 3 : i32
          %broadcast_in_dim3A_248 = vector.broadcast %broadcast_in_dim3A_247 : i32 to vector<16xi32>
          %gather3A_249 = tpu.vector_load_idx %arg10[%add3A_238, %broadcast_in_dim3A_248] : memref<1792x16xf32, #tpu.memory_space<vmem>>[vector<16xi32>, vector<16xi32>], vector<16xf32>,
          %broadcast_in_dim3A_250 = arith.constant 4 : i32
          %broadcast_in_dim3A_251 = vector.broadcast %broadcast_in_dim3A_250 : i32 to vector<16xi32>
          %gather3A_252 = tpu.vector_load_idx %arg10[%add3A_238, %broadcast_in_dim3A_251] : memref<1792x16xf32, #tpu.memory_space<vmem>>[vector<16xi32>, vector<16xi32>], vector<16xf32>,
          %broadcast_in_dim3A_253 = arith.constant 5 : i32
          %broadcast_in_dim3A_254 = vector.broadcast %broadcast_in_dim3A_253 : i32 to vector<16xi32>
          %gather3A_255 = tpu.vector_load_idx %arg10[%add3A_238, %broadcast_in_dim3A_254] : memref<1792x16xf32, #tpu.memory_space<vmem>>[vector<16xi32>, vector<16xi32>], vector<16xf32>,
          %broadcast_in_dim3A_256 = arith.constant 6 : i32
          %broadcast_in_dim3A_257 = vector.broadcast %broadcast_in_dim3A_256 : i32 to vector<16xi32>
          %gather3A_258 = tpu.vector_load_idx %arg10[%add3A_238, %broadcast_in_dim3A_257] : memref<1792x16xf32, #tpu.memory_space<vmem>>[vector<16xi32>, vector<16xi32>], vector<16xf32>,
          %broadcast_in_dim3A_259 = arith.constant 7 : i32
          %broadcast_in_dim3A_260 = vector.broadcast %broadcast_in_dim3A_259 : i32 to vector<16xi32>
          %gather3A_261 = tpu.vector_load_idx %arg10[%add3A_238, %broadcast_in_dim3A_260] : memref<1792x16xf32, #tpu.memory_space<vmem>>[vector<16xi32>, vector<16xi32>], vector<16xf32>,
          %broadcast_in_dim3A_262 = arith.constant 8 : i32
          %broadcast_in_dim3A_263 = vector.broadcast %broadcast_in_dim3A_262 : i32 to vector<16xi32>
          %gather3A_264 = tpu.vector_load_idx %arg10[%add3A_238, %broadcast_in_dim3A_263] : memref<1792x16xf32, #tpu.memory_space<vmem>>[vector<16xi32>, vector<16xi32>], vector<16xf32>,
          %broadcast_in_dim3A_265 = arith.constant 9 : i32
          %broadcast_in_dim3A_266 = vector.broadcast %broadcast_in_dim3A_265 : i32 to vector<16xi32>
          %gather3A_267 = tpu.vector_load_idx %arg10[%add3A_238, %broadcast_in_dim3A_266] : memref<1792x16xf32, #tpu.memory_space<vmem>>[vector<16xi32>, vector<16xi32>], vector<16xf32>,
          %broadcast_in_dim3A_268 = arith.constant 10 : i32
          %broadcast_in_dim3A_269 = vector.broadcast %broadcast_in_dim3A_268 : i32 to vector<16xi32>
          %gather3A_270 = tpu.vector_load_idx %arg10[%add3A_238, %broadcast_in_dim3A_269] : memref<1792x16xf32, #tpu.memory_space<vmem>>[vector<16xi32>, vector<16xi32>], vector<16xf32>,
          %broadcast_in_dim3A_271 = arith.constant 11 : i32
          %broadcast_in_dim3A_272 = vector.broadcast %broadcast_in_dim3A_271 : i32 to vector<16xi32>
          %gather3A_273 = tpu.vector_load_idx %arg10[%add3A_238, %broadcast_in_dim3A_272] : memref<1792x16xf32, #tpu.memory_space<vmem>>[vector<16xi32>, vector<16xi32>], vector<16xf32>,
          %broadcast_in_dim3A_274 = arith.constant 0 : i32
          %broadcast_in_dim3A_275 = vector.broadcast %broadcast_in_dim3A_274 : i32 to vector<16xi32>
          %gather3A_276 = tpu.vector_load_idx %arg11[%add3A_238, %broadcast_in_dim3A_275] : memref<1792x16xf32, #tpu.memory_space<vmem>>[vector<16xi32>, vector<16xi32>], vector<16xf32>,
          %broadcast_in_dim3A_277 = arith.constant 1 : i32
          %broadcast_in_dim3A_278 = vector.broadcast %broadcast_in_dim3A_277 : i32 to vector<16xi32>
          %gather3A_279 = tpu.vector_load_idx %arg11[%add3A_238, %broadcast_in_dim3A_278] : memref<1792x16xf32, #tpu.memory_space<vmem>>[vector<16xi32>, vector<16xi32>], vector<16xf32>,
          %broadcast_in_dim3A_280 = arith.constant 2 : i32
          %broadcast_in_dim3A_281 = vector.broadcast %broadcast_in_dim3A_280 : i32 to vector<16xi32>
          %gather3A_282 = tpu.vector_load_idx %arg11[%add3A_238, %broadcast_in_dim3A_281] : memref<1792x16xf32, #tpu.memory_space<vmem>>[vector<16xi32>, vector<16xi32>], vector<16xf32>,
          %broadcast_in_dim3A_283 = arith.constant 3 : i32
          %broadcast_in_dim3A_284 = vector.broadcast %broadcast_in_dim3A_283 : i32 to vector<16xi32>
          %gather3A_285 = tpu.vector_load_idx %arg11[%add3A_238, %broadcast_in_dim3A_284] : memref<1792x16xf32, #tpu.memory_space<vmem>>[vector<16xi32>, vector<16xi32>], vector<16xf32>,
          %broadcast_in_dim3A_286 = arith.constant 4 : i32
          %broadcast_in_dim3A_287 = vector.broadcast %broadcast_in_dim3A_286 : i32 to vector<16xi32>
          %gather3A_288 = tpu.vector_load_idx %arg11[%add3A_238, %broadcast_in_dim3A_287] : memref<1792x16xf32, #tpu.memory_space<vmem>>[vector<16xi32>, vector<16xi32>], vector<16xf32>,
          %broadcast_in_dim3A_289 = arith.constant 5 : i32
          %broadcast_in_dim3A_290 = vector.broadcast %broadcast_in_dim3A_289 : i32 to vector<16xi32>
          %gather3A_291 = tpu.vector_load_idx %arg11[%add3A_238, %broadcast_in_dim3A_290] : memref<1792x16xf32, #tpu.memory_space<vmem>>[vector<16xi32>, vector<16xi32>], vector<16xf32>,
          %broadcast_in_dim3A_292 = arith.constant 6 : i32
          %broadcast_in_dim3A_293 = vector.broadcast %broadcast_in_dim3A_292 : i32 to vector<16xi32>
          %gather3A_294 = tpu.vector_load_idx %arg11[%add3A_238, %broadcast_in_dim3A_293] : memref<1792x16xf32, #tpu.memory_space<vmem>>[vector<16xi32>, vector<16xi32>], vector<16xf32>,
          %broadcast_in_dim3A_295 = arith.constant 7 : i32
          %broadcast_in_dim3A_296 = vector.broadcast %broadcast_in_dim3A_295 : i32 to vector<16xi32>
          %gather3A_297 = tpu.vector_load_idx %arg11[%add3A_238, %broadcast_in_dim3A_296] : memref<1792x16xf32, #tpu.memory_space<vmem>>[vector<16xi32>, vector<16xi32>], vector<16xf32>,
          %broadcast_in_dim3A_298 = arith.constant 8 : i32
          %broadcast_in_dim3A_299 = vector.broadcast %broadcast_in_dim3A_298 : i32 to vector<16xi32>
          %gather3A_300 = tpu.vector_load_idx %arg11[%add3A_238, %broadcast_in_dim3A_299] : memref<1792x16xf32, #tpu.memory_space<vmem>>[vector<16xi32>, vector<16xi32>], vector<16xf32>,
          %broadcast_in_dim3A_301 = arith.constant 9 : i32
          %broadcast_in_dim3A_302 = vector.broadcast %broadcast_in_dim3A_301 : i32 to vector<16xi32>
          %gather3A_303 = tpu.vector_load_idx %arg11[%add3A_238, %broadcast_in_dim3A_302] : memref<1792x16xf32, #tpu.memory_space<vmem>>[vector<16xi32>, vector<16xi32>], vector<16xf32>,
          %broadcast_in_dim3A_304 = arith.constant 10 : i32
          %broadcast_in_dim3A_305 = vector.broadcast %broadcast_in_dim3A_304 : i32 to vector<16xi32>
          %gather3A_306 = tpu.vector_load_idx %arg11[%add3A_238, %broadcast_in_dim3A_305] : memref<1792x16xf32, #tpu.memory_space<vmem>>[vector<16xi32>, vector<16xi32>], vector<16xf32>,
          %broadcast_in_dim3A_307 = arith.constant 11 : i32
          %broadcast_in_dim3A_308 = vector.broadcast %broadcast_in_dim3A_307 : i32 to vector<16xi32>
          %gather3A_309 = tpu.vector_load_idx %arg11[%add3A_238, %broadcast_in_dim3A_308] : memref<1792x16xf32, #tpu.memory_space<vmem>>[vector<16xi32>, vector<16xi32>], vector<16xf32>,
          %sub3A_310 = arith.subf %gather3A_276, %gather3A : vector<16xf32>
          %sub3A_311 = arith.subf %gather3A_279, %gather3A_243 : vector<16xf32>
          %sub3A_312 = arith.subf %gather3A_282, %gather3A_246 : vector<16xf32>
          %mul3A_313 = arith.mulf %sub3A_310, %sub3A_310 : vector<16xf32>
          %mul3A_314 = arith.mulf %sub3A_311, %sub3A_311 : vector<16xf32>
          %add3A_315 = arith.addf %mul3A_313, %mul3A_314 : vector<16xf32>
          %mul3A_316 = arith.mulf %sub3A_312, %sub3A_312 : vector<16xf32>
          %add3A_317 = arith.addf %add3A_315, %mul3A_316 : vector<16xf32>
          %add3A_318 = arith.constant 9.99999993E-9 : f32
          %add3A_319 = vector.broadcast %add3A_318 : f32 to vector<16xf32>
          %add3A_320 = arith.addf %add3A_317, %add3A_319 : vector<16xf32>
          %div3A = arith.constant 1.000000e+00 : f32
          %div3A_321 = vector.broadcast %div3A : f32 to vector<16xf32>
          %div3A_322 = arith.divf %div3A_321, %add3A_320 : vector<16xf32>
          %mul3A_323 = arith.mulf %sub3A_310, %div3A_322 : vector<16xf32>
          %mul3A_324 = arith.mulf %sub3A_311, %div3A_322 : vector<16xf32>
          %mul3A_325 = arith.mulf %sub3A_312, %div3A_322 : vector<16xf32>
          %sub3A_326 = arith.subf %gather3A_285, %gather3A_249 : vector<16xf32>
          %mul3A_327 = arith.mulf %sub3A_326, %mul3A_323 : vector<16xf32>
          %sub3A_328 = arith.subf %gather3A_288, %gather3A_252 : vector<16xf32>
          %mul3A_329 = arith.mulf %sub3A_328, %mul3A_324 : vector<16xf32>
          %add3A_330 = arith.addf %mul3A_327, %mul3A_329 : vector<16xf32>
          %sub3A_331 = arith.subf %gather3A_291, %gather3A_255 : vector<16xf32>
          %mul3A_332 = arith.mulf %sub3A_331, %mul3A_325 : vector<16xf32>
          %add3A_333 = arith.addf %add3A_330, %mul3A_332 : vector<16xf32>
          %broadcast_in_dim3A_334 = arith.constant 0 : i32
          %broadcast_in_dim3A_335 = vector.broadcast %broadcast_in_dim3A_334 : i32 to vector<16xi32>
          tpu.vector_store_idx %arg12[%add3A_238, %broadcast_in_dim3A_335], %add3A_333 : memref<1792x8xf32, #tpu.memory_space<vmem>>[vector<16xi32>, vector<16xi32>], vector<16xf32>,
          %sub3A_336 = arith.subf %gather3A_294, %gather3A_258 : vector<16xf32>
          %mul3A_337 = arith.mulf %sub3A_336, %mul3A_323 : vector<16xf32>
          %sub3A_338 = arith.subf %gather3A_297, %gather3A_261 : vector<16xf32>
          %mul3A_339 = arith.mulf %sub3A_338, %mul3A_324 : vector<16xf32>
          %add3A_340 = arith.addf %mul3A_337, %mul3A_339 : vector<16xf32>
          %sub3A_341 = arith.subf %gather3A_300, %gather3A_264 : vector<16xf32>
          %mul3A_342 = arith.mulf %sub3A_341, %mul3A_325 : vector<16xf32>
          %add3A_343 = arith.addf %add3A_340, %mul3A_342 : vector<16xf32>
          %broadcast_in_dim3A_344 = arith.constant 1 : i32
          %broadcast_in_dim3A_345 = vector.broadcast %broadcast_in_dim3A_344 : i32 to vector<16xi32>
          tpu.vector_store_idx %arg12[%add3A_238, %broadcast_in_dim3A_345], %add3A_343 : memref<1792x8xf32, #tpu.memory_space<vmem>>[vector<16xi32>, vector<16xi32>], vector<16xf32>,
          %sub3A_346 = arith.subf %gather3A_303, %gather3A_267 : vector<16xf32>
          %mul3A_347 = arith.mulf %sub3A_346, %mul3A_323 : vector<16xf32>
          %sub3A_348 = arith.subf %gather3A_306, %gather3A_270 : vector<16xf32>
          %mul3A_349 = arith.mulf %sub3A_348, %mul3A_324 : vector<16xf32>
          %add3A_350 = arith.addf %mul3A_347, %mul3A_349 : vector<16xf32>
          %sub3A_351 = arith.subf %gather3A_309, %gather3A_273 : vector<16xf32>
          %mul3A_352 = arith.mulf %sub3A_351, %mul3A_325 : vector<16xf32>
          %add3A_353 = arith.addf %add3A_350, %mul3A_352 : vector<16xf32>
          %broadcast_in_dim3A_354 = arith.constant 2 : i32
          %broadcast_in_dim3A_355 = vector.broadcast %broadcast_in_dim3A_354 : i32 to vector<16xi32>
          tpu.vector_store_idx %arg12[%add3A_238, %broadcast_in_dim3A_355], %add3A_353 : memref<1792x8xf32, #tpu.memory_space<vmem>>[vector<16xi32>, vector<16xi32>], vector<16xf32>,
        }
        %scan3A_148 = arith.constant 56 : i32
        %sub3A_149 = arith.constant 1 : i32
        %sub3A_150 = arith.subi %add3A_115, %sub3A_149 : i32
        %rem3A_151 = arith.constant 3 : i32
        %rem3A_152 = arith.remsi %sub3A_150, %rem3A_151 : i32
        %mul3A_153 = arith.constant 896 : i32
        %mul3A_154 = arith.muli %rem3A_152, %mul3A_153 : i32
        %rem3A_155 = arith.constant 2 : i32
        %rem3A_156 = arith.remsi %sub3A_150, %rem3A_155 : i32
        %mul3A_157 = arith.constant 896 : i32
        %mul3A_158 = arith.muli %rem3A_156, %mul3A_157 : i32
        %add3A_159 = arith.constant 0 : i32
        %add3A_160 = arith.addi %mul3A_158, %add3A_159 : i32
        %add3A_161 = arith.constant 0 : i32
        %add3A_162 = arith.addi %mul3A_154, %add3A_161 : i32
        %dma_start3A_163 = arith.constant 0 : i32
        %dma_start3A_164 = tpu.memref_slice %arg12[%add3A_160, %dma_start3A_163] : memref<1792x8xf32, #tpu.memory_space<vmem>> -> memref<128x8xf32, #tpu.memory_space<vmem>>
        %dma_start3A_165 = tpu.memref_slice %arg8[%add3A_162] : memref<2688xi32, #tpu.memory_space<vmem>> -> memref<128xi32, #tpu.memory_space<vmem>>
        %dma_start3A_166 = arith.constant 0 : i32
        %dma_start3A_167 = arith.constant 0 : i32
        %dma_start3A_168 = tpu.memref_slice %arg7[%dma_start3A_166, %dma_start3A_167] : memref<100352x8xf32, #tpu.memory_space<vmem_shared>> -> memref<100352x8xf32, #tpu.memory_space<vmem_shared>>
        tpu.enqueue_indirect_dma source(%dma_start3A_164 : memref<128x8xf32, #tpu.memory_space<vmem>>) target(%dma_start3A_168 : memref<100352x8xf32, #tpu.memory_space<vmem_shared>>) offsets(%dma_start3A_165 : memref<128xi32, #tpu.memory_space<vmem>>) semaphore(%arg16 : memref<!tpu.dma_semaphore, #tpu.memory_space<semaphore_mem>>) {add = true}
        %add3A_169 = arith.constant 128 : i32
        %add3A_170 = arith.addi %mul3A_158, %add3A_169 : i32
        %add3A_171 = arith.constant 128 : i32
        %add3A_172 = arith.addi %mul3A_154, %add3A_171 : i32
        %dma_start3A_173 = arith.constant 0 : i32
        %dma_start3A_174 = tpu.memref_slice %arg12[%add3A_170, %dma_start3A_173] : memref<1792x8xf32, #tpu.memory_space<vmem>> -> memref<128x8xf32, #tpu.memory_space<vmem>>
        %dma_start3A_175 = tpu.memref_slice %arg8[%add3A_172] : memref<2688xi32, #tpu.memory_space<vmem>> -> memref<128xi32, #tpu.memory_space<vmem>>
        %dma_start3A_176 = arith.constant 0 : i32
        %dma_start3A_177 = arith.constant 0 : i32
        %dma_start3A_178 = tpu.memref_slice %arg7[%dma_start3A_176, %dma_start3A_177] : memref<100352x8xf32, #tpu.memory_space<vmem_shared>> -> memref<100352x8xf32, #tpu.memory_space<vmem_shared>>
        tpu.enqueue_indirect_dma source(%dma_start3A_174 : memref<128x8xf32, #tpu.memory_space<vmem>>) target(%dma_start3A_178 : memref<100352x8xf32, #tpu.memory_space<vmem_shared>>) offsets(%dma_start3A_175 : memref<128xi32, #tpu.memory_space<vmem>>) semaphore(%arg16 : memref<!tpu.dma_semaphore, #tpu.memory_space<semaphore_mem>>) {add = true}
        %add3A_179 = arith.constant 256 : i32
        %add3A_180 = arith.addi %mul3A_158, %add3A_179 : i32
        %add3A_181 = arith.constant 256 : i32
        %add3A_182 = arith.addi %mul3A_154, %add3A_181 : i32
        %dma_start3A_183 = arith.constant 0 : i32
        %dma_start3A_184 = tpu.memref_slice %arg12[%add3A_180, %dma_start3A_183] : memref<1792x8xf32, #tpu.memory_space<vmem>> -> memref<128x8xf32, #tpu.memory_space<vmem>>
        %dma_start3A_185 = tpu.memref_slice %arg8[%add3A_182] : memref<2688xi32, #tpu.memory_space<vmem>> -> memref<128xi32, #tpu.memory_space<vmem>>
        %dma_start3A_186 = arith.constant 0 : i32
        %dma_start3A_187 = arith.constant 0 : i32
        %dma_start3A_188 = tpu.memref_slice %arg7[%dma_start3A_186, %dma_start3A_187] : memref<100352x8xf32, #tpu.memory_space<vmem_shared>> -> memref<100352x8xf32, #tpu.memory_space<vmem_shared>>
        tpu.enqueue_indirect_dma source(%dma_start3A_184 : memref<128x8xf32, #tpu.memory_space<vmem>>) target(%dma_start3A_188 : memref<100352x8xf32, #tpu.memory_space<vmem_shared>>) offsets(%dma_start3A_185 : memref<128xi32, #tpu.memory_space<vmem>>) semaphore(%arg16 : memref<!tpu.dma_semaphore, #tpu.memory_space<semaphore_mem>>) {add = true}
        %add3A_189 = arith.constant 384 : i32
        %add3A_190 = arith.addi %mul3A_158, %add3A_189 : i32
        %add3A_191 = arith.constant 384 : i32
        %add3A_192 = arith.addi %mul3A_154, %add3A_191 : i32
        %dma_start3A_193 = arith.constant 0 : i32
        %dma_start3A_194 = tpu.memref_slice %arg12[%add3A_190, %dma_start3A_193] : memref<1792x8xf32, #tpu.memory_space<vmem>> -> memref<128x8xf32, #tpu.memory_space<vmem>>
        %dma_start3A_195 = tpu.memref_slice %arg8[%add3A_192] : memref<2688xi32, #tpu.memory_space<vmem>> -> memref<128xi32, #tpu.memory_space<vmem>>
        %dma_start3A_196 = arith.constant 0 : i32
        %dma_start3A_197 = arith.constant 0 : i32
        %dma_start3A_198 = tpu.memref_slice %arg7[%dma_start3A_196, %dma_start3A_197] : memref<100352x8xf32, #tpu.memory_space<vmem_shared>> -> memref<100352x8xf32, #tpu.memory_space<vmem_shared>>
        tpu.enqueue_indirect_dma source(%dma_start3A_194 : memref<128x8xf32, #tpu.memory_space<vmem>>) target(%dma_start3A_198 : memref<100352x8xf32, #tpu.memory_space<vmem_shared>>) offsets(%dma_start3A_195 : memref<128xi32, #tpu.memory_space<vmem>>) semaphore(%arg16 : memref<!tpu.dma_semaphore, #tpu.memory_space<semaphore_mem>>) {add = true}
        %add3A_199 = arith.constant 512 : i32
        %add3A_200 = arith.addi %mul3A_158, %add3A_199 : i32
        %add3A_201 = arith.constant 512 : i32
        %add3A_202 = arith.addi %mul3A_154, %add3A_201 : i32
        %dma_start3A_203 = arith.constant 0 : i32
        %dma_start3A_204 = tpu.memref_slice %arg12[%add3A_200, %dma_start3A_203] : memref<1792x8xf32, #tpu.memory_space<vmem>> -> memref<128x8xf32, #tpu.memory_space<vmem>>
        %dma_start3A_205 = tpu.memref_slice %arg8[%add3A_202] : memref<2688xi32, #tpu.memory_space<vmem>> -> memref<128xi32, #tpu.memory_space<vmem>>
        %dma_start3A_206 = arith.constant 0 : i32
        %dma_start3A_207 = arith.constant 0 : i32
        %dma_start3A_208 = tpu.memref_slice %arg7[%dma_start3A_206, %dma_start3A_207] : memref<100352x8xf32, #tpu.memory_space<vmem_shared>> -> memref<100352x8xf32, #tpu.memory_space<vmem_shared>>
        tpu.enqueue_indirect_dma source(%dma_start3A_204 : memref<128x8xf32, #tpu.memory_space<vmem>>) target(%dma_start3A_208 : memref<100352x8xf32, #tpu.memory_space<vmem_shared>>) offsets(%dma_start3A_205 : memref<128xi32, #tpu.memory_space<vmem>>) semaphore(%arg16 : memref<!tpu.dma_semaphore, #tpu.memory_space<semaphore_mem>>) {add = true}
        %add3A_209 = arith.constant 640 : i32
        %add3A_210 = arith.addi %mul3A_158, %add3A_209 : i32
        %add3A_211 = arith.constant 640 : i32
        %add3A_212 = arith.addi %mul3A_154, %add3A_211 : i32
        %dma_start3A_213 = arith.constant 0 : i32
        %dma_start3A_214 = tpu.memref_slice %arg12[%add3A_210, %dma_start3A_213] : memref<1792x8xf32, #tpu.memory_space<vmem>> -> memref<128x8xf32, #tpu.memory_space<vmem>>
        %dma_start3A_215 = tpu.memref_slice %arg8[%add3A_212] : memref<2688xi32, #tpu.memory_space<vmem>> -> memref<128xi32, #tpu.memory_space<vmem>>
        %dma_start3A_216 = arith.constant 0 : i32
        %dma_start3A_217 = arith.constant 0 : i32
        %dma_start3A_218 = tpu.memref_slice %arg7[%dma_start3A_216, %dma_start3A_217] : memref<100352x8xf32, #tpu.memory_space<vmem_shared>> -> memref<100352x8xf32, #tpu.memory_space<vmem_shared>>
        tpu.enqueue_indirect_dma source(%dma_start3A_214 : memref<128x8xf32, #tpu.memory_space<vmem>>) target(%dma_start3A_218 : memref<100352x8xf32, #tpu.memory_space<vmem_shared>>) offsets(%dma_start3A_215 : memref<128xi32, #tpu.memory_space<vmem>>) semaphore(%arg16 : memref<!tpu.dma_semaphore, #tpu.memory_space<semaphore_mem>>) {add = true}
        %add3A_219 = arith.constant 768 : i32
        %add3A_220 = arith.addi %mul3A_158, %add3A_219 : i32
        %add3A_221 = arith.constant 768 : i32
        %add3A_222 = arith.addi %mul3A_154, %add3A_221 : i32
        %dma_start3A_223 = arith.constant 0 : i32
        %dma_start3A_224 = tpu.memref_slice %arg12[%add3A_220, %dma_start3A_223] : memref<1792x8xf32, #tpu.memory_space<vmem>> -> memref<128x8xf32, #tpu.memory_space<vmem>>
        %dma_start3A_225 = tpu.memref_slice %arg8[%add3A_222] : memref<2688xi32, #tpu.memory_space<vmem>> -> memref<128xi32, #tpu.memory_space<vmem>>
        %dma_start3A_226 = arith.constant 0 : i32
        %dma_start3A_227 = arith.constant 0 : i32
        %dma_start3A_228 = tpu.memref_slice %arg7[%dma_start3A_226, %dma_start3A_227] : memref<100352x8xf32, #tpu.memory_space<vmem_shared>> -> memref<100352x8xf32, #tpu.memory_space<vmem_shared>>
        tpu.enqueue_indirect_dma source(%dma_start3A_224 : memref<128x8xf32, #tpu.memory_space<vmem>>) target(%dma_start3A_228 : memref<100352x8xf32, #tpu.memory_space<vmem_shared>>) offsets(%dma_start3A_225 : memref<128xi32, #tpu.memory_space<vmem>>) semaphore(%arg16 : memref<!tpu.dma_semaphore, #tpu.memory_space<semaphore_mem>>) {add = true}
      } else {
      }
    }
    %scan3A_32 = arith.constant 224 : i32
    %dma_wait3A = arith.constant 0 : i32
    %dma_wait3A_33 = arith.constant 0 : i32
    %dma_wait3A_34 = tpu.memref_slice %arg12[%dma_wait3A, %dma_wait3A_33] : memref<1792x8xf32, #tpu.memory_space<vmem>> -> memref<128x8xf32, #tpu.memory_space<vmem>>
    %dma_wait3A_35 = arith.constant 0 : i32
    %dma_wait3A_36 = tpu.memref_slice %arg8[%dma_wait3A_35] : memref<2688xi32, #tpu.memory_space<vmem>> -> memref<128xi32, #tpu.memory_space<vmem>>
    %dma_wait3A_37 = arith.constant 0 : i32
    %dma_wait3A_38 = arith.constant 0 : i32
    %dma_wait3A_39 = tpu.memref_slice %arg7[%dma_wait3A_37, %dma_wait3A_38] : memref<100352x8xf32, #tpu.memory_space<vmem_shared>> -> memref<100352x8xf32, #tpu.memory_space<vmem_shared>>
    tpu.wait_indirect_dma semaphore(%arg16 : memref<!tpu.dma_semaphore, #tpu.memory_space<semaphore_mem>>) src(%dma_wait3A_34 : memref<128x8xf32, #tpu.memory_space<vmem>>) dst(%dma_wait3A_39 : memref<100352x8xf32, #tpu.memory_space<vmem_shared>>)
    %dma_wait3A_40 = arith.constant 0 : i32
    %dma_wait3A_41 = arith.constant 0 : i32
    %dma_wait3A_42 = tpu.memref_slice %arg12[%dma_wait3A_40, %dma_wait3A_41] : memref<1792x8xf32, #tpu.memory_space<vmem>> -> memref<128x8xf32, #tpu.memory_space<vmem>>
    %dma_wait3A_43 = arith.constant 0 : i32
    %dma_wait3A_44 = tpu.memref_slice %arg8[%dma_wait3A_43] : memref<2688xi32, #tpu.memory_space<vmem>> -> memref<128xi32, #tpu.memory_space<vmem>>
    %dma_wait3A_45 = arith.constant 0 : i32
    %dma_wait3A_46 = arith.constant 0 : i32
    %dma_wait3A_47 = tpu.memref_slice %arg7[%dma_wait3A_45, %dma_wait3A_46] : memref<100352x8xf32, #tpu.memory_space<vmem_shared>> -> memref<100352x8xf32, #tpu.memory_space<vmem_shared>>
    tpu.wait_indirect_dma semaphore(%arg16 : memref<!tpu.dma_semaphore, #tpu.memory_space<semaphore_mem>>) src(%dma_wait3A_42 : memref<128x8xf32, #tpu.memory_space<vmem>>) dst(%dma_wait3A_47 : memref<100352x8xf32, #tpu.memory_space<vmem_shared>>)
    %dma_wait3A_48 = arith.constant 0 : i32
    %dma_wait3A_49 = arith.constant 0 : i32
    %dma_wait3A_50 = tpu.memref_slice %arg12[%dma_wait3A_48, %dma_wait3A_49] : memref<1792x8xf32, #tpu.memory_space<vmem>> -> memref<128x8xf32, #tpu.memory_space<vmem>>
    %dma_wait3A_51 = arith.constant 0 : i32
    %dma_wait3A_52 = tpu.memref_slice %arg8[%dma_wait3A_51] : memref<2688xi32, #tpu.memory_space<vmem>> -> memref<128xi32, #tpu.memory_space<vmem>>
    %dma_wait3A_53 = arith.constant 0 : i32
    %dma_wait3A_54 = arith.constant 0 : i32
    %dma_wait3A_55 = tpu.memref_slice %arg7[%dma_wait3A_53, %dma_wait3A_54] : memref<100352x8xf32, #tpu.memory_space<vmem_shared>> -> memref<100352x8xf32, #tpu.memory_space<vmem_shared>>
    tpu.wait_indirect_dma semaphore(%arg16 : memref<!tpu.dma_semaphore, #tpu.memory_space<semaphore_mem>>) src(%dma_wait3A_50 : memref<128x8xf32, #tpu.memory_space<vmem>>) dst(%dma_wait3A_55 : memref<100352x8xf32, #tpu.memory_space<vmem_shared>>)
    %dma_wait3A_56 = arith.constant 0 : i32
    %dma_wait3A_57 = arith.constant 0 : i32
    %dma_wait3A_58 = tpu.memref_slice %arg12[%dma_wait3A_56, %dma_wait3A_57] : memref<1792x8xf32, #tpu.memory_space<vmem>> -> memref<128x8xf32, #tpu.memory_space<vmem>>
    %dma_wait3A_59 = arith.constant 0 : i32
    %dma_wait3A_60 = tpu.memref_slice %arg8[%dma_wait3A_59] : memref<2688xi32, #tpu.memory_space<vmem>> -> memref<128xi32, #tpu.memory_space<vmem>>
    %dma_wait3A_61 = arith.constant 0 : i32
    %dma_wait3A_62 = arith.constant 0 : i32
    %dma_wait3A_63 = tpu.memref_slice %arg7[%dma_wait3A_61, %dma_wait3A_62] : memref<100352x8xf32, #tpu.memory_space<vmem_shared>> -> memref<100352x8xf32, #tpu.memory_space<vmem_shared>>
    tpu.wait_indirect_dma semaphore(%arg16 : memref<!tpu.dma_semaphore, #tpu.memory_space<semaphore_mem>>) src(%dma_wait3A_58 : memref<128x8xf32, #tpu.memory_space<vmem>>) dst(%dma_wait3A_63 : memref<100352x8xf32, #tpu.memory_space<vmem_shared>>)
    %dma_wait3A_64 = arith.constant 0 : i32
    %dma_wait3A_65 = arith.constant 0 : i32
    %dma_wait3A_66 = tpu.memref_slice %arg12[%dma_wait3A_64, %dma_wait3A_65] : memref<1792x8xf32, #tpu.memory_space<vmem>> -> memref<128x8xf32, #tpu.memory_space<vmem>>
    %dma_wait3A_67 = arith.constant 0 : i32
    %dma_wait3A_68 = tpu.memref_slice %arg8[%dma_wait3A_67] : memref<2688xi32, #tpu.memory_space<vmem>> -> memref<128xi32, #tpu.memory_space<vmem>>
    %dma_wait3A_69 = arith.constant 0 : i32
    %dma_wait3A_70 = arith.constant 0 : i32
    %dma_wait3A_71 = tpu.memref_slice %arg7[%dma_wait3A_69, %dma_wait3A_70] : memref<100352x8xf32, #tpu.memory_space<vmem_shared>> -> memref<100352x8xf32, #tpu.memory_space<vmem_shared>>
    tpu.wait_indirect_dma semaphore(%arg16 : memref<!tpu.dma_semaphore, #tpu.memory_space<semaphore_mem>>) src(%dma_wait3A_66 : memref<128x8xf32, #tpu.memory_space<vmem>>) dst(%dma_wait3A_71 : memref<100352x8xf32, #tpu.memory_space<vmem_shared>>)
    %dma_wait3A_72 = arith.constant 0 : i32
    %dma_wait3A_73 = arith.constant 0 : i32
    %dma_wait3A_74 = tpu.memref_slice %arg12[%dma_wait3A_72, %dma_wait3A_73] : memref<1792x8xf32, #tpu.memory_space<vmem>> -> memref<128x8xf32, #tpu.memory_space<vmem>>
    %dma_wait3A_75 = arith.constant 0 : i32
    %dma_wait3A_76 = tpu.memref_slice %arg8[%dma_wait3A_75] : memref<2688xi32, #tpu.memory_space<vmem>> -> memref<128xi32, #tpu.memory_space<vmem>>
    %dma_wait3A_77 = arith.constant 0 : i32
    %dma_wait3A_78 = arith.constant 0 : i32
    %dma_wait3A_79 = tpu.memref_slice %arg7[%dma_wait3A_77, %dma_wait3A_78] : memref<100352x8xf32, #tpu.memory_space<vmem_shared>> -> memref<100352x8xf32, #tpu.memory_space<vmem_shared>>
    tpu.wait_indirect_dma semaphore(%arg16 : memref<!tpu.dma_semaphore, #tpu.memory_space<semaphore_mem>>) src(%dma_wait3A_74 : memref<128x8xf32, #tpu.memory_space<vmem>>) dst(%dma_wait3A_79 : memref<100352x8xf32, #tpu.memory_space<vmem_shared>>)
    %dma_wait3A_80 = arith.constant 0 : i32
    %dma_wait3A_81 = arith.constant 0 : i32
    %dma_wait3A_82 = tpu.memref_slice %arg12[%dma_wait3A_80, %dma_wait3A_81] : memref<1792x8xf32, #tpu.memory_space<vmem>> -> memref<128x8xf32, #tpu.memory_space<vmem>>
    %dma_wait3A_83 = arith.constant 0 : i32
    %dma_wait3A_84 = tpu.memref_slice %arg8[%dma_wait3A_83] : memref<2688xi32, #tpu.memory_space<vmem>> -> memref<128xi32, #tpu.memory_space<vmem>>
    %dma_wait3A_85 = arith.constant 0 : i32
    %dma_wait3A_86 = arith.constant 0 : i32
    %dma_wait3A_87 = tpu.memref_slice %arg7[%dma_wait3A_85, %dma_wait3A_86] : memref<100352x8xf32, #tpu.memory_space<vmem_shared>> -> memref<100352x8xf32, #tpu.memory_space<vmem_shared>>
    tpu.wait_indirect_dma semaphore(%arg16 : memref<!tpu.dma_semaphore, #tpu.memory_space<semaphore_mem>>) src(%dma_wait3A_82 : memref<128x8xf32, #tpu.memory_space<vmem>>) dst(%dma_wait3A_87 : memref<100352x8xf32, #tpu.memory_space<vmem_shared>>)
    %add3A_88 = arith.constant 199808 : i32
    %add3A_89 = arith.addi %mul3A_4, %add3A_88 : i32
    "tpu.region"() ({
      %run_scoped3A = tpu.sem_alloc : memref<!tpu.dma_semaphore, #tpu.memory_space<semaphore_mem>>
      %dma_start3A_111 = arith.constant 0 : i32
      %dma_start3A_112 = tpu.memref_slice %arg8[%dma_start3A_111] : memref<2688xi32, #tpu.memory_space<vmem>> -> memref<192xi32, #tpu.memory_space<vmem>>
      %dma_start3A_113 = tpu.memref_slice %arg3[%add3A_89] : memref<6400000xi32, #tpu.memory_space<hbm>> -> memref<192xi32, #tpu.memory_space<hbm>>
      %dma_start3A_114 = arith.constant 0 : i32
      %dma_start3A_115 = tpu.memref_slice %arg8[%dma_start3A_114] : memref<2688xi32, #tpu.memory_space<vmem>> -> memref<192xi32, #tpu.memory_space<vmem>>
      %dma_start3A_116 = tpu.memref_slice %arg3[%add3A_89] : memref<6400000xi32, #tpu.memory_space<hbm>> -> memref<192xi32, #tpu.memory_space<hbm>>
      tpu.enqueue_dma source(%dma_start3A_116 : memref<192xi32, #tpu.memory_space<hbm>>) target(%dma_start3A_115 : memref<192xi32, #tpu.memory_space<vmem>>) target_semaphore(%run_scoped3A : memref<!tpu.dma_semaphore, #tpu.memory_space<semaphore_mem>>)
      %dma_wait3A_117 = arith.constant 0 : i32
      %dma_wait3A_118 = tpu.memref_slice %arg8[%dma_wait3A_117] : memref<2688xi32, #tpu.memory_space<vmem>> -> memref<192xi32, #tpu.memory_space<vmem>>
      %dma_wait3A_119 = tpu.memref_slice %arg3[%add3A_89] : memref<6400000xi32, #tpu.memory_space<hbm>> -> memref<192xi32, #tpu.memory_space<hbm>>
      %dma_wait3A_120 = arith.constant 0 : i32
      %dma_wait3A_121 = tpu.memref_slice %arg8[%dma_wait3A_120] : memref<2688xi32, #tpu.memory_space<vmem>> -> memref<192xi32, #tpu.memory_space<vmem>>
      %dma_wait3A_122 = tpu.memref_slice %arg3[%add3A_89] : memref<6400000xi32, #tpu.memory_space<hbm>> -> memref<192xi32, #tpu.memory_space<hbm>>
      tpu.wait_dma2 semaphore(%run_scoped3A : memref<!tpu.dma_semaphore, #tpu.memory_space<semaphore_mem>>) src(%dma_wait3A_122 : memref<192xi32, #tpu.memory_space<hbm>>) dst(%dma_wait3A_121 : memref<192xi32, #tpu.memory_space<vmem>>)
      tpu.yield
    }) : () -> ()
    "tpu.region"() ({
      %run_scoped3A = tpu.sem_alloc : memref<!tpu.dma_semaphore, #tpu.memory_space<semaphore_mem>>
      %dma_start3A_111 = arith.constant 0 : i32
      %dma_start3A_112 = tpu.memref_slice %arg9[%dma_start3A_111] : memref<2688xi32, #tpu.memory_space<vmem>> -> memref<192xi32, #tpu.memory_space<vmem>>
      %dma_start3A_113 = tpu.memref_slice %arg4[%add3A_89] : memref<6400000xi32, #tpu.memory_space<hbm>> -> memref<192xi32, #tpu.memory_space<hbm>>
      %dma_start3A_114 = arith.constant 0 : i32
      %dma_start3A_115 = tpu.memref_slice %arg9[%dma_start3A_114] : memref<2688xi32, #tpu.memory_space<vmem>> -> memref<192xi32, #tpu.memory_space<vmem>>
      %dma_start3A_116 = tpu.memref_slice %arg4[%add3A_89] : memref<6400000xi32, #tpu.memory_space<hbm>> -> memref<192xi32, #tpu.memory_space<hbm>>
      tpu.enqueue_dma source(%dma_start3A_116 : memref<192xi32, #tpu.memory_space<hbm>>) target(%dma_start3A_115 : memref<192xi32, #tpu.memory_space<vmem>>) target_semaphore(%run_scoped3A : memref<!tpu.dma_semaphore, #tpu.memory_space<semaphore_mem>>)
      %dma_wait3A_117 = arith.constant 0 : i32
      %dma_wait3A_118 = tpu.memref_slice %arg9[%dma_wait3A_117] : memref<2688xi32, #tpu.memory_space<vmem>> -> memref<192xi32, #tpu.memory_space<vmem>>
      %dma_wait3A_119 = tpu.memref_slice %arg4[%add3A_89] : memref<6400000xi32, #tpu.memory_space<hbm>> -> memref<192xi32, #tpu.memory_space<hbm>>
      %dma_wait3A_120 = arith.constant 0 : i32
      %dma_wait3A_121 = tpu.memref_slice %arg9[%dma_wait3A_120] : memref<2688xi32, #tpu.memory_space<vmem>> -> memref<192xi32, #tpu.memory_space<vmem>>
      %dma_wait3A_122 = tpu.memref_slice %arg4[%add3A_89] : memref<6400000xi32, #tpu.memory_space<hbm>> -> memref<192xi32, #tpu.memory_space<hbm>>
      tpu.wait_dma2 semaphore(%run_scoped3A : memref<!tpu.dma_semaphore, #tpu.memory_space<semaphore_mem>>) src(%dma_wait3A_122 : memref<192xi32, #tpu.memory_space<hbm>>) dst(%dma_wait3A_121 : memref<192xi32, #tpu.memory_space<vmem>>)
      tpu.yield
    }) : () -> ()
    %scan3A_90 = arith.constant 0 : i32
    %scan3A_91 = arith.constant 3 : i32
    %scan3A_92 = arith.addi %scan3A_90, %scan3A_91 : i32
    %scan3A_93 = arith.constant 1 : i32
    scf.for %scan3A_111 = %scan3A_90 to %scan3A_92 step %scan3A_93  : i32 {
      %mul3A_112 = arith.constant 1 : i32
      %mul3A_113 = arith.muli %scan3A_111, %mul3A_112 : i32
      %add3A_114 = arith.constant 0 : i32
      %add3A_115 = arith.addi %add3A_114, %mul3A_113 : i32
      %mul3A_116 = arith.constant 64 : i32
      %mul3A_117 = arith.muli %add3A_115, %mul3A_116 : i32
      %mul3A_118 = arith.constant 64 : i32
      %mul3A_119 = arith.muli %add3A_115, %mul3A_118 : i32
      "tpu.region"() ({
        %run_scoped3A = tpu.sem_alloc : memref<!tpu.dma_semaphore, #tpu.memory_space<semaphore_mem>>
        %dma_start3A_124 = arith.constant 0 : i32
        %dma_start3A_125 = tpu.memref_slice %arg10[%mul3A_119, %dma_start3A_124] : memref<1792x16xf32, #tpu.memory_space<vmem>> -> memref<64x16xf32, #tpu.memory_space<vmem>>
        %dma_start3A_126 = tpu.memref_slice %arg8[%mul3A_117] : memref<2688xi32, #tpu.memory_space<vmem>> -> memref<64xi32, #tpu.memory_space<vmem>>
        %dma_start3A_127 = arith.constant 0 : i32
        %dma_start3A_128 = arith.constant 0 : i32
        %dma_start3A_129 = tpu.memref_slice %arg2[%dma_start3A_127, %dma_start3A_128] : memref<100352x16xf32, #tpu.memory_space<hbm>> -> memref<100352x16xf32, #tpu.memory_space<hbm>>
        tpu.enqueue_indirect_dma source(%dma_start3A_129 : memref<100352x16xf32, #tpu.memory_space<hbm>>) target(%dma_start3A_125 : memref<64x16xf32, #tpu.memory_space<vmem>>) offsets(%dma_start3A_126 : memref<64xi32, #tpu.memory_space<vmem>>) semaphore(%run_scoped3A : memref<!tpu.dma_semaphore, #tpu.memory_space<semaphore_mem>>)
        %dma_wait3A_130 = arith.constant 0 : i32
        %dma_wait3A_131 = tpu.memref_slice %arg10[%mul3A_119, %dma_wait3A_130] : memref<1792x16xf32, #tpu.memory_space<vmem>> -> memref<64x16xf32, #tpu.memory_space<vmem>>
        %dma_wait3A_132 = tpu.memref_slice %arg8[%mul3A_117] : memref<2688xi32, #tpu.memory_space<vmem>> -> memref<64xi32, #tpu.memory_space<vmem>>
        %dma_wait3A_133 = arith.constant 0 : i32
        %dma_wait3A_134 = arith.constant 0 : i32
        %dma_wait3A_135 = tpu.memref_slice %arg2[%dma_wait3A_133, %dma_wait3A_134] : memref<100352x16xf32, #tpu.memory_space<hbm>> -> memref<100352x16xf32, #tpu.memory_space<hbm>>
        tpu.wait_indirect_dma semaphore(%run_scoped3A : memref<!tpu.dma_semaphore, #tpu.memory_space<semaphore_mem>>) src(%dma_wait3A_135 : memref<100352x16xf32, #tpu.memory_space<hbm>>) dst(%dma_wait3A_131 : memref<64x16xf32, #tpu.memory_space<vmem>>)
        tpu.yield
      }) : () -> ()
      %mul3A_120 = arith.constant 64 : i32
      %mul3A_121 = arith.muli %add3A_115, %mul3A_120 : i32
      %mul3A_122 = arith.constant 64 : i32
      %mul3A_123 = arith.muli %add3A_115, %mul3A_122 : i32
      "tpu.region"() ({
        %run_scoped3A = tpu.sem_alloc : memref<!tpu.dma_semaphore, #tpu.memory_space<semaphore_mem>>
        %dma_start3A_124 = arith.constant 0 : i32
        %dma_start3A_125 = tpu.memref_slice %arg11[%mul3A_123, %dma_start3A_124] : memref<1792x16xf32, #tpu.memory_space<vmem>> -> memref<64x16xf32, #tpu.memory_space<vmem>>
        %dma_start3A_126 = tpu.memref_slice %arg9[%mul3A_121] : memref<2688xi32, #tpu.memory_space<vmem>> -> memref<64xi32, #tpu.memory_space<vmem>>
        %dma_start3A_127 = arith.constant 0 : i32
        %dma_start3A_128 = arith.constant 0 : i32
        %dma_start3A_129 = tpu.memref_slice %arg2[%dma_start3A_127, %dma_start3A_128] : memref<100352x16xf32, #tpu.memory_space<hbm>> -> memref<100352x16xf32, #tpu.memory_space<hbm>>
        tpu.enqueue_indirect_dma source(%dma_start3A_129 : memref<100352x16xf32, #tpu.memory_space<hbm>>) target(%dma_start3A_125 : memref<64x16xf32, #tpu.memory_space<vmem>>) offsets(%dma_start3A_126 : memref<64xi32, #tpu.memory_space<vmem>>) semaphore(%run_scoped3A : memref<!tpu.dma_semaphore, #tpu.memory_space<semaphore_mem>>)
        %dma_wait3A_130 = arith.constant 0 : i32
        %dma_wait3A_131 = tpu.memref_slice %arg11[%mul3A_123, %dma_wait3A_130] : memref<1792x16xf32, #tpu.memory_space<vmem>> -> memref<64x16xf32, #tpu.memory_space<vmem>>
        %dma_wait3A_132 = tpu.memref_slice %arg9[%mul3A_121] : memref<2688xi32, #tpu.memory_space<vmem>> -> memref<64xi32, #tpu.memory_space<vmem>>
        %dma_wait3A_133 = arith.constant 0 : i32
        %dma_wait3A_134 = arith.constant 0 : i32
        %dma_wait3A_135 = tpu.memref_slice %arg2[%dma_wait3A_133, %dma_wait3A_134] : memref<100352x16xf32, #tpu.memory_space<hbm>> -> memref<100352x16xf32, #tpu.memory_space<hbm>>
        tpu.wait_indirect_dma semaphore(%run_scoped3A : memref<!tpu.dma_semaphore, #tpu.memory_space<semaphore_mem>>) src(%dma_wait3A_135 : memref<100352x16xf32, #tpu.memory_space<hbm>>) dst(%dma_wait3A_131 : memref<64x16xf32, #tpu.memory_space<vmem>>)
        tpu.yield
      }) : () -> ()
    }
    %scan3A_94 = arith.constant 3 : i32
    %scan3A_95 = arith.constant 0 : i32
    %scan3A_96 = arith.constant 12 : i32
    %scan3A_97 = arith.addi %scan3A_95, %scan3A_96 : i32
    %scan3A_98 = arith.constant 1 : i32
    scf.for %scan3A_111 = %scan3A_95 to %scan3A_97 step %scan3A_98  : i32 {
      %mul3A_112 = arith.constant 1 : i32
      %mul3A_113 = arith.muli %scan3A_111, %mul3A_112 : i32
      %add3A_114 = arith.constant 0 : i32
      %add3A_115 = arith.addi %add3A_114, %mul3A_113 : i32
      %mul3A_116 = arith.constant 16 : i32
      %mul3A_117 = arith.muli %add3A_115, %mul3A_116 : i32
      %add3A_118 = vector.broadcast %mul3A_117 : i32 to vector<16xi32>
      %add3A_119 = arith.addi %add3A_118, %iota3A : vector<16xi32>
      %broadcast_in_dim3A_120 = arith.constant 0 : i32
      %broadcast_in_dim3A_121 = vector.broadcast %broadcast_in_dim3A_120 : i32 to vector<16xi32>
      %gather3A = tpu.vector_load_idx %arg10[%add3A_119, %broadcast_in_dim3A_121] : memref<1792x16xf32, #tpu.memory_space<vmem>>[vector<16xi32>, vector<16xi32>], vector<16xf32>,
      %broadcast_in_dim3A_122 = arith.constant 1 : i32
      %broadcast_in_dim3A_123 = vector.broadcast %broadcast_in_dim3A_122 : i32 to vector<16xi32>
      %gather3A_124 = tpu.vector_load_idx %arg10[%add3A_119, %broadcast_in_dim3A_123] : memref<1792x16xf32, #tpu.memory_space<vmem>>[vector<16xi32>, vector<16xi32>], vector<16xf32>,
      %broadcast_in_dim3A_125 = arith.constant 2 : i32
      %broadcast_in_dim3A_126 = vector.broadcast %broadcast_in_dim3A_125 : i32 to vector<16xi32>
      %gather3A_127 = tpu.vector_load_idx %arg10[%add3A_119, %broadcast_in_dim3A_126] : memref<1792x16xf32, #tpu.memory_space<vmem>>[vector<16xi32>, vector<16xi32>], vector<16xf32>,
      %broadcast_in_dim3A_128 = arith.constant 3 : i32
      %broadcast_in_dim3A_129 = vector.broadcast %broadcast_in_dim3A_128 : i32 to vector<16xi32>
      %gather3A_130 = tpu.vector_load_idx %arg10[%add3A_119, %broadcast_in_dim3A_129] : memref<1792x16xf32, #tpu.memory_space<vmem>>[vector<16xi32>, vector<16xi32>], vector<16xf32>,
      %broadcast_in_dim3A_131 = arith.constant 4 : i32
      %broadcast_in_dim3A_132 = vector.broadcast %broadcast_in_dim3A_131 : i32 to vector<16xi32>
      %gather3A_133 = tpu.vector_load_idx %arg10[%add3A_119, %broadcast_in_dim3A_132] : memref<1792x16xf32, #tpu.memory_space<vmem>>[vector<16xi32>, vector<16xi32>], vector<16xf32>,
      %broadcast_in_dim3A_134 = arith.constant 5 : i32
      %broadcast_in_dim3A_135 = vector.broadcast %broadcast_in_dim3A_134 : i32 to vector<16xi32>
      %gather3A_136 = tpu.vector_load_idx %arg10[%add3A_119, %broadcast_in_dim3A_135] : memref<1792x16xf32, #tpu.memory_space<vmem>>[vector<16xi32>, vector<16xi32>], vector<16xf32>,
      %broadcast_in_dim3A_137 = arith.constant 6 : i32
      %broadcast_in_dim3A_138 = vector.broadcast %broadcast_in_dim3A_137 : i32 to vector<16xi32>
      %gather3A_139 = tpu.vector_load_idx %arg10[%add3A_119, %broadcast_in_dim3A_138] : memref<1792x16xf32, #tpu.memory_space<vmem>>[vector<16xi32>, vector<16xi32>], vector<16xf32>,
      %broadcast_in_dim3A_140 = arith.constant 7 : i32
      %broadcast_in_dim3A_141 = vector.broadcast %broadcast_in_dim3A_140 : i32 to vector<16xi32>
      %gather3A_142 = tpu.vector_load_idx %arg10[%add3A_119, %broadcast_in_dim3A_141] : memref<1792x16xf32, #tpu.memory_space<vmem>>[vector<16xi32>, vector<16xi32>], vector<16xf32>,
      %broadcast_in_dim3A_143 = arith.constant 8 : i32
      %broadcast_in_dim3A_144 = vector.broadcast %broadcast_in_dim3A_143 : i32 to vector<16xi32>
      %gather3A_145 = tpu.vector_load_idx %arg10[%add3A_119, %broadcast_in_dim3A_144] : memref<1792x16xf32, #tpu.memory_space<vmem>>[vector<16xi32>, vector<16xi32>], vector<16xf32>,
      %broadcast_in_dim3A_146 = arith.constant 9 : i32
      %broadcast_in_dim3A_147 = vector.broadcast %broadcast_in_dim3A_146 : i32 to vector<16xi32>
      %gather3A_148 = tpu.vector_load_idx %arg10[%add3A_119, %broadcast_in_dim3A_147] : memref<1792x16xf32, #tpu.memory_space<vmem>>[vector<16xi32>, vector<16xi32>], vector<16xf32>,
      %broadcast_in_dim3A_149 = arith.constant 10 : i32
      %broadcast_in_dim3A_150 = vector.broadcast %broadcast_in_dim3A_149 : i32 to vector<16xi32>
      %gather3A_151 = tpu.vector_load_idx %arg10[%add3A_119, %broadcast_in_dim3A_150] : memref<1792x16xf32, #tpu.memory_space<vmem>>[vector<16xi32>, vector<16xi32>], vector<16xf32>,
      %broadcast_in_dim3A_152 = arith.constant 11 : i32
      %broadcast_in_dim3A_153 = vector.broadcast %broadcast_in_dim3A_152 : i32 to vector<16xi32>
      %gather3A_154 = tpu.vector_load_idx %arg10[%add3A_119, %broadcast_in_dim3A_153] : memref<1792x16xf32, #tpu.memory_space<vmem>>[vector<16xi32>, vector<16xi32>], vector<16xf32>,
      %broadcast_in_dim3A_155 = arith.constant 0 : i32
      %broadcast_in_dim3A_156 = vector.broadcast %broadcast_in_dim3A_155 : i32 to vector<16xi32>
      %gather3A_157 = tpu.vector_load_idx %arg11[%add3A_119, %broadcast_in_dim3A_156] : memref<1792x16xf32, #tpu.memory_space<vmem>>[vector<16xi32>, vector<16xi32>], vector<16xf32>,
      %broadcast_in_dim3A_158 = arith.constant 1 : i32
      %broadcast_in_dim3A_159 = vector.broadcast %broadcast_in_dim3A_158 : i32 to vector<16xi32>
      %gather3A_160 = tpu.vector_load_idx %arg11[%add3A_119, %broadcast_in_dim3A_159] : memref<1792x16xf32, #tpu.memory_space<vmem>>[vector<16xi32>, vector<16xi32>], vector<16xf32>,
      %broadcast_in_dim3A_161 = arith.constant 2 : i32
      %broadcast_in_dim3A_162 = vector.broadcast %broadcast_in_dim3A_161 : i32 to vector<16xi32>
      %gather3A_163 = tpu.vector_load_idx %arg11[%add3A_119, %broadcast_in_dim3A_162] : memref<1792x16xf32, #tpu.memory_space<vmem>>[vector<16xi32>, vector<16xi32>], vector<16xf32>,
      %broadcast_in_dim3A_164 = arith.constant 3 : i32
      %broadcast_in_dim3A_165 = vector.broadcast %broadcast_in_dim3A_164 : i32 to vector<16xi32>
      %gather3A_166 = tpu.vector_load_idx %arg11[%add3A_119, %broadcast_in_dim3A_165] : memref<1792x16xf32, #tpu.memory_space<vmem>>[vector<16xi32>, vector<16xi32>], vector<16xf32>,
      %broadcast_in_dim3A_167 = arith.constant 4 : i32
      %broadcast_in_dim3A_168 = vector.broadcast %broadcast_in_dim3A_167 : i32 to vector<16xi32>
      %gather3A_169 = tpu.vector_load_idx %arg11[%add3A_119, %broadcast_in_dim3A_168] : memref<1792x16xf32, #tpu.memory_space<vmem>>[vector<16xi32>, vector<16xi32>], vector<16xf32>,
      %broadcast_in_dim3A_170 = arith.constant 5 : i32
      %broadcast_in_dim3A_171 = vector.broadcast %broadcast_in_dim3A_170 : i32 to vector<16xi32>
      %gather3A_172 = tpu.vector_load_idx %arg11[%add3A_119, %broadcast_in_dim3A_171] : memref<1792x16xf32, #tpu.memory_space<vmem>>[vector<16xi32>, vector<16xi32>], vector<16xf32>,
      %broadcast_in_dim3A_173 = arith.constant 6 : i32
      %broadcast_in_dim3A_174 = vector.broadcast %broadcast_in_dim3A_173 : i32 to vector<16xi32>
      %gather3A_175 = tpu.vector_load_idx %arg11[%add3A_119, %broadcast_in_dim3A_174] : memref<1792x16xf32, #tpu.memory_space<vmem>>[vector<16xi32>, vector<16xi32>], vector<16xf32>,
      %broadcast_in_dim3A_176 = arith.constant 7 : i32
      %broadcast_in_dim3A_177 = vector.broadcast %broadcast_in_dim3A_176 : i32 to vector<16xi32>
      %gather3A_178 = tpu.vector_load_idx %arg11[%add3A_119, %broadcast_in_dim3A_177] : memref<1792x16xf32, #tpu.memory_space<vmem>>[vector<16xi32>, vector<16xi32>], vector<16xf32>,
      %broadcast_in_dim3A_179 = arith.constant 8 : i32
      %broadcast_in_dim3A_180 = vector.broadcast %broadcast_in_dim3A_179 : i32 to vector<16xi32>
      %gather3A_181 = tpu.vector_load_idx %arg11[%add3A_119, %broadcast_in_dim3A_180] : memref<1792x16xf32, #tpu.memory_space<vmem>>[vector<16xi32>, vector<16xi32>], vector<16xf32>,
      %broadcast_in_dim3A_182 = arith.constant 9 : i32
      %broadcast_in_dim3A_183 = vector.broadcast %broadcast_in_dim3A_182 : i32 to vector<16xi32>
      %gather3A_184 = tpu.vector_load_idx %arg11[%add3A_119, %broadcast_in_dim3A_183] : memref<1792x16xf32, #tpu.memory_space<vmem>>[vector<16xi32>, vector<16xi32>], vector<16xf32>,
      %broadcast_in_dim3A_185 = arith.constant 10 : i32
      %broadcast_in_dim3A_186 = vector.broadcast %broadcast_in_dim3A_185 : i32 to vector<16xi32>
      %gather3A_187 = tpu.vector_load_idx %arg11[%add3A_119, %broadcast_in_dim3A_186] : memref<1792x16xf32, #tpu.memory_space<vmem>>[vector<16xi32>, vector<16xi32>], vector<16xf32>,
      %broadcast_in_dim3A_188 = arith.constant 11 : i32
      %broadcast_in_dim3A_189 = vector.broadcast %broadcast_in_dim3A_188 : i32 to vector<16xi32>
      %gather3A_190 = tpu.vector_load_idx %arg11[%add3A_119, %broadcast_in_dim3A_189] : memref<1792x16xf32, #tpu.memory_space<vmem>>[vector<16xi32>, vector<16xi32>], vector<16xf32>,
      %sub3A = arith.subf %gather3A_157, %gather3A : vector<16xf32>
      %sub3A_191 = arith.subf %gather3A_160, %gather3A_124 : vector<16xf32>
      %sub3A_192 = arith.subf %gather3A_163, %gather3A_127 : vector<16xf32>
      %mul3A_193 = arith.mulf %sub3A, %sub3A : vector<16xf32>
      %mul3A_194 = arith.mulf %sub3A_191, %sub3A_191 : vector<16xf32>
      %add3A_195 = arith.addf %mul3A_193, %mul3A_194 : vector<16xf32>
      %mul3A_196 = arith.mulf %sub3A_192, %sub3A_192 : vector<16xf32>
      %add3A_197 = arith.addf %add3A_195, %mul3A_196 : vector<16xf32>
      %add3A_198 = arith.constant 9.99999993E-9 : f32
      %add3A_199 = vector.broadcast %add3A_198 : f32 to vector<16xf32>
      %add3A_200 = arith.addf %add3A_197, %add3A_199 : vector<16xf32>
      %div3A = arith.constant 1.000000e+00 : f32
      %div3A_201 = vector.broadcast %div3A : f32 to vector<16xf32>
      %div3A_202 = arith.divf %div3A_201, %add3A_200 : vector<16xf32>
      %mul3A_203 = arith.mulf %sub3A, %div3A_202 : vector<16xf32>
      %mul3A_204 = arith.mulf %sub3A_191, %div3A_202 : vector<16xf32>
      %mul3A_205 = arith.mulf %sub3A_192, %div3A_202 : vector<16xf32>
      %sub3A_206 = arith.subf %gather3A_166, %gather3A_130 : vector<16xf32>
      %mul3A_207 = arith.mulf %sub3A_206, %mul3A_203 : vector<16xf32>
      %sub3A_208 = arith.subf %gather3A_169, %gather3A_133 : vector<16xf32>
      %mul3A_209 = arith.mulf %sub3A_208, %mul3A_204 : vector<16xf32>
      %add3A_210 = arith.addf %mul3A_207, %mul3A_209 : vector<16xf32>
      %sub3A_211 = arith.subf %gather3A_172, %gather3A_136 : vector<16xf32>
      %mul3A_212 = arith.mulf %sub3A_211, %mul3A_205 : vector<16xf32>
      %add3A_213 = arith.addf %add3A_210, %mul3A_212 : vector<16xf32>
      %broadcast_in_dim3A_214 = arith.constant 0 : i32
      %broadcast_in_dim3A_215 = vector.broadcast %broadcast_in_dim3A_214 : i32 to vector<16xi32>
      tpu.vector_store_idx %arg12[%add3A_119, %broadcast_in_dim3A_215], %add3A_213 : memref<1792x8xf32, #tpu.memory_space<vmem>>[vector<16xi32>, vector<16xi32>], vector<16xf32>,
      %sub3A_216 = arith.subf %gather3A_175, %gather3A_139 : vector<16xf32>
      %mul3A_217 = arith.mulf %sub3A_216, %mul3A_203 : vector<16xf32>
      %sub3A_218 = arith.subf %gather3A_178, %gather3A_142 : vector<16xf32>
      %mul3A_219 = arith.mulf %sub3A_218, %mul3A_204 : vector<16xf32>
      %add3A_220 = arith.addf %mul3A_217, %mul3A_219 : vector<16xf32>
      %sub3A_221 = arith.subf %gather3A_181, %gather3A_145 : vector<16xf32>
      %mul3A_222 = arith.mulf %sub3A_221, %mul3A_205 : vector<16xf32>
      %add3A_223 = arith.addf %add3A_220, %mul3A_222 : vector<16xf32>
      %broadcast_in_dim3A_224 = arith.constant 1 : i32
      %broadcast_in_dim3A_225 = vector.broadcast %broadcast_in_dim3A_224 : i32 to vector<16xi32>
      tpu.vector_store_idx %arg12[%add3A_119, %broadcast_in_dim3A_225], %add3A_223 : memref<1792x8xf32, #tpu.memory_space<vmem>>[vector<16xi32>, vector<16xi32>], vector<16xf32>,
      %sub3A_226 = arith.subf %gather3A_184, %gather3A_148 : vector<16xf32>
      %mul3A_227 = arith.mulf %sub3A_226, %mul3A_203 : vector<16xf32>
      %sub3A_228 = arith.subf %gather3A_187, %gather3A_151 : vector<16xf32>
      %mul3A_229 = arith.mulf %sub3A_228, %mul3A_204 : vector<16xf32>
      %add3A_230 = arith.addf %mul3A_227, %mul3A_229 : vector<16xf32>
      %sub3A_231 = arith.subf %gather3A_190, %gather3A_154 : vector<16xf32>
      %mul3A_232 = arith.mulf %sub3A_231, %mul3A_205 : vector<16xf32>
      %add3A_233 = arith.addf %add3A_230, %mul3A_232 : vector<16xf32>
      %broadcast_in_dim3A_234 = arith.constant 2 : i32
      %broadcast_in_dim3A_235 = vector.broadcast %broadcast_in_dim3A_234 : i32 to vector<16xi32>
      tpu.vector_store_idx %arg12[%add3A_119, %broadcast_in_dim3A_235], %add3A_233 : memref<1792x8xf32, #tpu.memory_space<vmem>>[vector<16xi32>, vector<16xi32>], vector<16xf32>,
    }
    %scan3A_99 = arith.constant 12 : i32
    %scan3A_100 = arith.constant 0 : i32
    %scan3A_101 = arith.constant 3 : i32
    %scan3A_102 = arith.addi %scan3A_100, %scan3A_101 : i32
    %scan3A_103 = arith.constant 1 : i32
    scf.for %scan3A_111 = %scan3A_100 to %scan3A_102 step %scan3A_103  : i32 {
      %mul3A_112 = arith.constant 1 : i32
      %mul3A_113 = arith.muli %scan3A_111, %mul3A_112 : i32
      %add3A_114 = arith.constant 0 : i32
      %add3A_115 = arith.addi %add3A_114, %mul3A_113 : i32
      %mul3A_116 = arith.constant 64 : i32
      %mul3A_117 = arith.muli %add3A_115, %mul3A_116 : i32
      %mul3A_118 = arith.constant 64 : i32
      %mul3A_119 = arith.muli %add3A_115, %mul3A_118 : i32
      "tpu.region"() ({
        %run_scoped3A = tpu.sem_alloc : memref<!tpu.dma_semaphore, #tpu.memory_space<semaphore_mem>>
        %dma_start3A_120 = arith.constant 0 : i32
        %dma_start3A_121 = tpu.memref_slice %arg12[%mul3A_117, %dma_start3A_120] : memref<1792x8xf32, #tpu.memory_space<vmem>> -> memref<64x8xf32, #tpu.memory_space<vmem>>
        %dma_start3A_122 = tpu.memref_slice %arg8[%mul3A_119] : memref<2688xi32, #tpu.memory_space<vmem>> -> memref<64xi32, #tpu.memory_space<vmem>>
        %dma_start3A_123 = arith.constant 0 : i32
        %dma_start3A_124 = arith.constant 0 : i32
        %dma_start3A_125 = tpu.memref_slice %arg7[%dma_start3A_123, %dma_start3A_124] : memref<100352x8xf32, #tpu.memory_space<vmem_shared>> -> memref<100352x8xf32, #tpu.memory_space<vmem_shared>>
        tpu.enqueue_indirect_dma source(%dma_start3A_121 : memref<64x8xf32, #tpu.memory_space<vmem>>) target(%dma_start3A_125 : memref<100352x8xf32, #tpu.memory_space<vmem_shared>>) offsets(%dma_start3A_122 : memref<64xi32, #tpu.memory_space<vmem>>) semaphore(%run_scoped3A : memref<!tpu.dma_semaphore, #tpu.memory_space<semaphore_mem>>) {add = true}
        %dma_wait3A_126 = arith.constant 0 : i32
        %dma_wait3A_127 = tpu.memref_slice %arg12[%mul3A_117, %dma_wait3A_126] : memref<1792x8xf32, #tpu.memory_space<vmem>> -> memref<64x8xf32, #tpu.memory_space<vmem>>
        %dma_wait3A_128 = tpu.memref_slice %arg8[%mul3A_119] : memref<2688xi32, #tpu.memory_space<vmem>> -> memref<64xi32, #tpu.memory_space<vmem>>
        %dma_wait3A_129 = arith.constant 0 : i32
        %dma_wait3A_130 = arith.constant 0 : i32
        %dma_wait3A_131 = tpu.memref_slice %arg7[%dma_wait3A_129, %dma_wait3A_130] : memref<100352x8xf32, #tpu.memory_space<vmem_shared>> -> memref<100352x8xf32, #tpu.memory_space<vmem_shared>>
        tpu.wait_indirect_dma semaphore(%run_scoped3A : memref<!tpu.dma_semaphore, #tpu.memory_space<semaphore_mem>>) src(%dma_wait3A_127 : memref<64x8xf32, #tpu.memory_space<vmem>>) dst(%dma_wait3A_131 : memref<100352x8xf32, #tpu.memory_space<vmem_shared>>)
        tpu.yield
      }) : () -> ()
    }
    %scan3A_104 = arith.constant 3 : i32
    %barrier3A_105 = arith.constant 0 : index
    tpu.barrier barrier_id(%barrier3A_105)
    %scan3A_106 = arith.constant 0 : i32
    %scan3A_107 = arith.constant 7 : i32
    %scan3A_108 = arith.addi %scan3A_106, %scan3A_107 : i32
    %scan3A_109 = arith.constant 1 : i32
    scf.for %scan3A_111 = %scan3A_106 to %scan3A_108 step %scan3A_109  : i32 {
      %mul3A_112 = arith.constant 1 : i32
      %mul3A_113 = arith.muli %scan3A_111, %mul3A_112 : i32
      %add3A_114 = arith.constant 0 : i32
      %add3A_115 = arith.addi %add3A_114, %mul3A_113 : i32
      %mul3A_116 = arith.constant 896 : i32
      %mul3A_117 = arith.muli %add3A_115, %mul3A_116 : i32
      %add3A_118 = arith.addi %mul3A_2, %mul3A_117 : i32
      "tpu.region"() ({
        %run_scoped3A = tpu.sem_alloc : memref<!tpu.dma_semaphore, #tpu.memory_space<semaphore_mem>>
        %dma_start3A_124 = arith.constant 0 : i32
        %dma_start3A_125 = arith.constant 0 : i32
        %dma_start3A_126 = tpu.memref_slice %arg12[%dma_start3A_124, %dma_start3A_125] : memref<1792x8xf32, #tpu.memory_space<vmem>> -> memref<896x8xf32, #tpu.memory_space<vmem>>
        %dma_start3A_127 = arith.constant 0 : i32
        %dma_start3A_128 = tpu.memref_slice %arg7[%add3A_118, %dma_start3A_127] : memref<100352x8xf32, #tpu.memory_space<vmem_shared>> -> memref<896x8xf32, #tpu.memory_space<vmem_shared>>
        %dma_start3A_129 = arith.constant 0 : i32
        %dma_start3A_130 = arith.constant 0 : i32
        %dma_start3A_131 = tpu.memref_slice %arg12[%dma_start3A_129, %dma_start3A_130] : memref<1792x8xf32, #tpu.memory_space<vmem>> -> memref<896x8xf32, #tpu.memory_space<vmem>>
        %dma_start3A_132 = arith.constant 0 : i32
        %dma_start3A_133 = tpu.memref_slice %arg7[%add3A_118, %dma_start3A_132] : memref<100352x8xf32, #tpu.memory_space<vmem_shared>> -> memref<896x8xf32, #tpu.memory_space<vmem_shared>>
        tpu.enqueue_dma source(%dma_start3A_133 : memref<896x8xf32, #tpu.memory_space<vmem_shared>>) target(%dma_start3A_131 : memref<896x8xf32, #tpu.memory_space<vmem>>) target_semaphore(%run_scoped3A : memref<!tpu.dma_semaphore, #tpu.memory_space<semaphore_mem>>)
        %dma_wait3A_134 = arith.constant 0 : i32
        %dma_wait3A_135 = arith.constant 0 : i32
        %dma_wait3A_136 = tpu.memref_slice %arg12[%dma_wait3A_134, %dma_wait3A_135] : memref<1792x8xf32, #tpu.memory_space<vmem>> -> memref<896x8xf32, #tpu.memory_space<vmem>>
        %dma_wait3A_137 = arith.constant 0 : i32
        %dma_wait3A_138 = tpu.memref_slice %arg7[%add3A_118, %dma_wait3A_137] : memref<100352x8xf32, #tpu.memory_space<vmem_shared>> -> memref<896x8xf32, #tpu.memory_space<vmem_shared>>
        %dma_wait3A_139 = arith.constant 0 : i32
        %dma_wait3A_140 = arith.constant 0 : i32
        %dma_wait3A_141 = tpu.memref_slice %arg12[%dma_wait3A_139, %dma_wait3A_140] : memref<1792x8xf32, #tpu.memory_space<vmem>> -> memref<896x8xf32, #tpu.memory_space<vmem>>
        %dma_wait3A_142 = arith.constant 0 : i32
        %dma_wait3A_143 = tpu.memref_slice %arg7[%add3A_118, %dma_wait3A_142] : memref<100352x8xf32, #tpu.memory_space<vmem_shared>> -> memref<896x8xf32, #tpu.memory_space<vmem_shared>>
        tpu.wait_dma2 semaphore(%run_scoped3A : memref<!tpu.dma_semaphore, #tpu.memory_space<semaphore_mem>>) src(%dma_wait3A_143 : memref<896x8xf32, #tpu.memory_space<vmem_shared>>) dst(%dma_wait3A_141 : memref<896x8xf32, #tpu.memory_space<vmem>>)
        tpu.yield
      }) : () -> ()
      "tpu.region"() ({
        %run_scoped3A = tpu.sem_alloc : memref<!tpu.dma_semaphore, #tpu.memory_space<semaphore_mem>>
        %dma_start3A_124 = arith.constant 0 : i32
        %dma_start3A_125 = arith.constant 0 : i32
        %dma_start3A_126 = tpu.memref_slice %arg10[%dma_start3A_124, %dma_start3A_125] : memref<1792x16xf32, #tpu.memory_space<vmem>> -> memref<896x16xf32, #tpu.memory_space<vmem>>
        %dma_start3A_127 = arith.constant 0 : i32
        %dma_start3A_128 = tpu.memref_slice %arg2[%add3A_118, %dma_start3A_127] : memref<100352x16xf32, #tpu.memory_space<hbm>> -> memref<896x16xf32, #tpu.memory_space<hbm>>
        %dma_start3A_129 = arith.constant 0 : i32
        %dma_start3A_130 = arith.constant 0 : i32
        %dma_start3A_131 = tpu.memref_slice %arg10[%dma_start3A_129, %dma_start3A_130] : memref<1792x16xf32, #tpu.memory_space<vmem>> -> memref<896x16xf32, #tpu.memory_space<vmem>>
        %dma_start3A_132 = arith.constant 0 : i32
        %dma_start3A_133 = tpu.memref_slice %arg2[%add3A_118, %dma_start3A_132] : memref<100352x16xf32, #tpu.memory_space<hbm>> -> memref<896x16xf32, #tpu.memory_space<hbm>>
        tpu.enqueue_dma source(%dma_start3A_133 : memref<896x16xf32, #tpu.memory_space<hbm>>) target(%dma_start3A_131 : memref<896x16xf32, #tpu.memory_space<vmem>>) target_semaphore(%run_scoped3A : memref<!tpu.dma_semaphore, #tpu.memory_space<semaphore_mem>>)
        %dma_wait3A_134 = arith.constant 0 : i32
        %dma_wait3A_135 = arith.constant 0 : i32
        %dma_wait3A_136 = tpu.memref_slice %arg10[%dma_wait3A_134, %dma_wait3A_135] : memref<1792x16xf32, #tpu.memory_space<vmem>> -> memref<896x16xf32, #tpu.memory_space<vmem>>
        %dma_wait3A_137 = arith.constant 0 : i32
        %dma_wait3A_138 = tpu.memref_slice %arg2[%add3A_118, %dma_wait3A_137] : memref<100352x16xf32, #tpu.memory_space<hbm>> -> memref<896x16xf32, #tpu.memory_space<hbm>>
        %dma_wait3A_139 = arith.constant 0 : i32
        %dma_wait3A_140 = arith.constant 0 : i32
        %dma_wait3A_141 = tpu.memref_slice %arg10[%dma_wait3A_139, %dma_wait3A_140] : memref<1792x16xf32, #tpu.memory_space<vmem>> -> memref<896x16xf32, #tpu.memory_space<vmem>>
        %dma_wait3A_142 = arith.constant 0 : i32
        %dma_wait3A_143 = tpu.memref_slice %arg2[%add3A_118, %dma_wait3A_142] : memref<100352x16xf32, #tpu.memory_space<hbm>> -> memref<896x16xf32, #tpu.memory_space<hbm>>
        tpu.wait_dma2 semaphore(%run_scoped3A : memref<!tpu.dma_semaphore, #tpu.memory_space<semaphore_mem>>) src(%dma_wait3A_143 : memref<896x16xf32, #tpu.memory_space<hbm>>) dst(%dma_wait3A_141 : memref<896x16xf32, #tpu.memory_space<vmem>>)
        tpu.yield
      }) : () -> ()
      %scan3A_119 = arith.constant 0 : i32
      %scan3A_120 = arith.constant 56 : i32
      %scan3A_121 = arith.addi %scan3A_119, %scan3A_120 : i32
      %scan3A_122 = arith.constant 1 : i32
      scf.for %scan3A_124 = %scan3A_119 to %scan3A_121 step %scan3A_122  : i32 {
        %mul3A_125 = arith.constant 1 : i32
        %mul3A_126 = arith.muli %scan3A_124, %mul3A_125 : i32
        %add3A_127 = arith.constant 0 : i32
        %add3A_128 = arith.addi %add3A_127, %mul3A_126 : i32
        %mul3A_129 = arith.constant 16 : i32
        %mul3A_130 = arith.muli %add3A_128, %mul3A_129 : i32
        %add3A_131 = vector.broadcast %mul3A_130 : i32 to vector<16xi32>
        %add3A_132 = arith.addi %add3A_131, %iota3A : vector<16xi32>
        %broadcast_in_dim3A_133 = arith.constant 12 : i32
        %broadcast_in_dim3A_134 = vector.broadcast %broadcast_in_dim3A_133 : i32 to vector<16xi32>
        %gather3A = tpu.vector_load_idx %arg10[%add3A_132, %broadcast_in_dim3A_134] : memref<1792x16xf32, #tpu.memory_space<vmem>>[vector<16xi32>, vector<16xi32>], vector<16xf32>,
        %broadcast_in_dim3A_135 = arith.constant 0 : i32
        %broadcast_in_dim3A_136 = vector.broadcast %broadcast_in_dim3A_135 : i32 to vector<16xi32>
        %gather3A_137 = tpu.vector_load_idx %arg12[%add3A_132, %broadcast_in_dim3A_136] : memref<1792x8xf32, #tpu.memory_space<vmem>>[vector<16xi32>, vector<16xi32>], vector<16xf32>,
        %mul3A_138 = arith.mulf %gather3A_137, %gather3A : vector<16xf32>
        %broadcast_in_dim3A_139 = arith.constant 0 : i32
        %broadcast_in_dim3A_140 = vector.broadcast %broadcast_in_dim3A_139 : i32 to vector<16xi32>
        tpu.vector_store_idx %arg12[%add3A_132, %broadcast_in_dim3A_140], %mul3A_138 : memref<1792x8xf32, #tpu.memory_space<vmem>>[vector<16xi32>, vector<16xi32>], vector<16xf32>,
        %broadcast_in_dim3A_141 = arith.constant 1 : i32
        %broadcast_in_dim3A_142 = vector.broadcast %broadcast_in_dim3A_141 : i32 to vector<16xi32>
        %gather3A_143 = tpu.vector_load_idx %arg12[%add3A_132, %broadcast_in_dim3A_142] : memref<1792x8xf32, #tpu.memory_space<vmem>>[vector<16xi32>, vector<16xi32>], vector<16xf32>,
        %mul3A_144 = arith.mulf %gather3A_143, %gather3A : vector<16xf32>
        %broadcast_in_dim3A_145 = arith.constant 1 : i32
        %broadcast_in_dim3A_146 = vector.broadcast %broadcast_in_dim3A_145 : i32 to vector<16xi32>
        tpu.vector_store_idx %arg12[%add3A_132, %broadcast_in_dim3A_146], %mul3A_144 : memref<1792x8xf32, #tpu.memory_space<vmem>>[vector<16xi32>, vector<16xi32>], vector<16xf32>,
        %broadcast_in_dim3A_147 = arith.constant 2 : i32
        %broadcast_in_dim3A_148 = vector.broadcast %broadcast_in_dim3A_147 : i32 to vector<16xi32>
        %gather3A_149 = tpu.vector_load_idx %arg12[%add3A_132, %broadcast_in_dim3A_148] : memref<1792x8xf32, #tpu.memory_space<vmem>>[vector<16xi32>, vector<16xi32>], vector<16xf32>,
        %mul3A_150 = arith.mulf %gather3A_149, %gather3A : vector<16xf32>
        %broadcast_in_dim3A_151 = arith.constant 2 : i32
        %broadcast_in_dim3A_152 = vector.broadcast %broadcast_in_dim3A_151 : i32 to vector<16xi32>
        tpu.vector_store_idx %arg12[%add3A_132, %broadcast_in_dim3A_152], %mul3A_150 : memref<1792x8xf32, #tpu.memory_space<vmem>>[vector<16xi32>, vector<16xi32>], vector<16xf32>,
      }
      %scan3A_123 = arith.constant 56 : i32
      "tpu.region"() ({
        %run_scoped3A = tpu.sem_alloc : memref<!tpu.dma_semaphore, #tpu.memory_space<semaphore_mem>>
        %dma_start3A_124 = arith.constant 0 : i32
        %dma_start3A_125 = arith.constant 0 : i32
        %dma_start3A_126 = tpu.memref_slice %arg12[%dma_start3A_124, %dma_start3A_125] : memref<1792x8xf32, #tpu.memory_space<vmem>> -> memref<896x8xf32, #tpu.memory_space<vmem>>
        %dma_start3A_127 = arith.constant 0 : i32
        %dma_start3A_128 = tpu.memref_slice %arg6[%arg0, %add3A_118, %dma_start3A_127] : memref<2x100352x8xf32, #tpu.memory_space<hbm>> -> memref<1x896x8xf32, #tpu.memory_space<hbm>>
        %dma_start3A_129 = tpu.memref_squeeze %dma_start3A_128 : memref<1x896x8xf32, #tpu.memory_space<hbm>> -> memref<896x8xf32, #tpu.memory_space<hbm>>
        %dma_start3A_130 = arith.constant 0 : i32
        %dma_start3A_131 = tpu.memref_slice %arg6[%arg0, %add3A_118, %dma_start3A_130] : memref<2x100352x8xf32, #tpu.memory_space<hbm>> -> memref<1x896x8xf32, #tpu.memory_space<hbm>>
        %dma_start3A_132 = tpu.memref_squeeze %dma_start3A_131 : memref<1x896x8xf32, #tpu.memory_space<hbm>> -> memref<896x8xf32, #tpu.memory_space<hbm>>
        %dma_start3A_133 = arith.constant 0 : i32
        %dma_start3A_134 = arith.constant 0 : i32
        %dma_start3A_135 = tpu.memref_slice %arg12[%dma_start3A_133, %dma_start3A_134] : memref<1792x8xf32, #tpu.memory_space<vmem>> -> memref<896x8xf32, #tpu.memory_space<vmem>>
        tpu.enqueue_dma source(%dma_start3A_135 : memref<896x8xf32, #tpu.memory_space<vmem>>) target(%dma_start3A_132 : memref<896x8xf32, #tpu.memory_space<hbm>>) target_semaphore(%run_scoped3A : memref<!tpu.dma_semaphore, #tpu.memory_space<semaphore_mem>>)
        %dma_wait3A_136 = arith.constant 0 : i32
        %dma_wait3A_137 = arith.constant 0 : i32
        %dma_wait3A_138 = tpu.memref_slice %arg12[%dma_wait3A_136, %dma_wait3A_137] : memref<1792x8xf32, #tpu.memory_space<vmem>> -> memref<896x8xf32, #tpu.memory_space<vmem>>
        %dma_wait3A_139 = arith.constant 0 : i32
        %dma_wait3A_140 = tpu.memref_slice %arg6[%arg0, %add3A_118, %dma_wait3A_139] : memref<2x100352x8xf32, #tpu.memory_space<hbm>> -> memref<1x896x8xf32, #tpu.memory_space<hbm>>
        %dma_wait3A_141 = tpu.memref_squeeze %dma_wait3A_140 : memref<1x896x8xf32, #tpu.memory_space<hbm>> -> memref<896x8xf32, #tpu.memory_space<hbm>>
        %dma_wait3A_142 = arith.constant 0 : i32
        %dma_wait3A_143 = tpu.memref_slice %arg6[%arg0, %add3A_118, %dma_wait3A_142] : memref<2x100352x8xf32, #tpu.memory_space<hbm>> -> memref<1x896x8xf32, #tpu.memory_space<hbm>>
        %dma_wait3A_144 = tpu.memref_squeeze %dma_wait3A_143 : memref<1x896x8xf32, #tpu.memory_space<hbm>> -> memref<896x8xf32, #tpu.memory_space<hbm>>
        %dma_wait3A_145 = arith.constant 0 : i32
        %dma_wait3A_146 = arith.constant 0 : i32
        %dma_wait3A_147 = tpu.memref_slice %arg12[%dma_wait3A_145, %dma_wait3A_146] : memref<1792x8xf32, #tpu.memory_space<vmem>> -> memref<896x8xf32, #tpu.memory_space<vmem>>
        tpu.wait_dma2 semaphore(%run_scoped3A : memref<!tpu.dma_semaphore, #tpu.memory_space<semaphore_mem>>) src(%dma_wait3A_147 : memref<896x8xf32, #tpu.memory_space<vmem>>) dst(%dma_wait3A_144 : memref<896x8xf32, #tpu.memory_space<hbm>>)
        tpu.yield
      }) : () -> ()
    }
    %scan3A_110 = arith.constant 7 : i32
    return
  }
}

module attributes {stable_mosaic.version = 14 : i64} {
  func.func @mcl_loss(%arg0: memref<2344x128xf32, #tpu.memory_space<vmem>>, %arg1: memref<2344x128xf32, #tpu.memory_space<vmem>>, %arg2: memref<2344x128xf32, #tpu.memory_space<vmem>>, %arg3: memref<2344x128xf32, #tpu.memory_space<vmem>>, %arg4: memref<1x1xf32, #tpu.memory_space<smem>>) attributes {dimension_semantics = [], scalar_prefetch = 0 : i64, scratch_operands = 0 : i64, tpu.core_type = #tpu.core_type<tc>} {
    %get3A = arith.constant 0 : index
    %get3A_0 = arith.constant 0 : index
    %get3A_1 = vector.load %arg2[%get3A, %get3A_0] : memref<2344x128xf32, #tpu.memory_space<vmem>>, vector<2344x128xf32>
    %get3A_2 = arith.constant 0 : index
    %get3A_3 = arith.constant 0 : index
    %get3A_4 = vector.load %arg3[%get3A_2, %get3A_3] : memref<2344x128xf32, #tpu.memory_space<vmem>>, vector<2344x128xf32>
    %add3A = arith.addf %get3A_1, %get3A_4 : vector<2344x128xf32>
    %mul3A = arith.constant 9.99999997E-7 : f32
    %mul3A_5 = vector.broadcast %mul3A : f32 to vector<2344x128xf32>
    %mul3A_6 = arith.mulf %mul3A_5, %add3A : vector<2344x128xf32>
    %get3A_7 = arith.constant 0 : index
    %get3A_8 = arith.constant 0 : index
    %get3A_9 = vector.load %arg1[%get3A_7, %get3A_8] : memref<2344x128xf32, #tpu.memory_space<vmem>>, vector<2344x128xf32>
    %mul3A_10 = arith.constant 1.000000e-03 : f32
    %mul3A_11 = vector.broadcast %mul3A_10 : f32 to vector<2344x128xf32>
    %mul3A_12 = arith.mulf %get3A_9, %mul3A_11 : vector<2344x128xf32>
    %add3A_13 = arith.addf %mul3A_6, %mul3A_12 : vector<2344x128xf32>
    %mul3A_14 = arith.constant 9.99999974E-6 : f32
    %mul3A_15 = vector.broadcast %mul3A_14 : f32 to vector<2344x128xf32>
    %mul3A_16 = arith.mulf %add3A_13, %mul3A_15 : vector<2344x128xf32>
    %get3A_17 = arith.constant 0 : index
    %get3A_18 = arith.constant 0 : index
    %get3A_19 = vector.load %arg0[%get3A_17, %get3A_18] : memref<2344x128xf32, #tpu.memory_space<vmem>>, vector<2344x128xf32>
    %sub3A = arith.subf %get3A_19, %mul3A_16 : vector<2344x128xf32>
    %mul3A_20 = arith.mulf %sub3A, %sub3A : vector<2344x128xf32>
    %reduce_sum3A = vector.shape_cast %mul3A_20 : vector<2344x128xf32> to vector<1x2344x128xf32>
    %reduce_sum3A_21 = arith.constant dense<0.000000e+00> : vector<1xf32>
    %reduce_sum3A_22 = vector.multi_reduction <add>, %reduce_sum3A, %reduce_sum3A_21 [1, 2] : vector<1x2344x128xf32> to vector<1xf32>
    %reduce_sum3A_23 = vector.shape_cast %reduce_sum3A_22 : vector<1xf32> to vector<1x1x1xf32>
    %reduce_sum3A_24 = vector.extract %reduce_sum3A_23[0, 0, 0] : f32 from vector<1x1x1xf32>
    %mul3A_25 = arith.constant 1.000000e+00 : f32
    %mul3A_26 = arith.mulf %mul3A_25, %reduce_sum3A_24 : f32
    %mul3A_27 = arith.constant 3.33333332E-6 : f32
    %mul3A_28 = arith.mulf %mul3A_26, %mul3A_27 : f32
    %swap3A = arith.constant 0 : index
    %swap3A_29 = arith.constant 0 : index
    %swap3A_30 = memref.load %arg4[%swap3A, %swap3A_29] : memref<1x1xf32, #tpu.memory_space<smem>>
    memref.store %mul3A_28, %arg4[%swap3A, %swap3A_29] : memref<1x1xf32, #tpu.memory_space<smem>>
    return
  }
}

</mosaic_0001>

<sc_bundles>
// kernel: mcl_combine.3.cloned.1.call-start
scs
__scs_entry_jumppad:
0x0: {  	(pc) =	sbr.rel $0x88, $3  }
0x1: {  	(tag) =	ssettag $0x0;
	lr =	simm.s32 $0x1  }
0x2: {  	[smem:$0x3F9B] =	sst lr;
	_ =	strace $0xD0000000  }
0x3: {  	_ = 	snop  }
0x4: {  	_ = 	snop  }
0x5: {  	_ = 	snop  }
0x6: {  	_ = 	snop  }
0x7: {  	_ = 	snop  }
__scs_overlays_trampoline_lowered:
0x8: {  	[smem:$0x3FAA] =	sst s0  }
0x9: {  	[smem:$0x3FAB] =	sst s1  }
0xa: {  	[smem:$0x3FAC] =	sst s2  }
0xb: {  	[smem:$0x3FAD] =	sst s3  }
0xc: {  	[smem:$0x3FAE] =	sst s4  }
0xd: {  	[smem:$0x3FAF] =	sst s5  }
0xe: {  	[smem:$0x3FB0] =	sst s6  }
0xf: {  	[smem:$0x3FB1] =	sst s7  }
0x10: {  	[smem:$0x3FB2] =	sst s8  }
0x11: {  	[smem:$0x3FB3] =	sst s9;
	s0 =	simm.s32 @!p0 $0x0  }
0x12: {  	s1 =	sld [smem:$0x3F99];
	s0 =	simm.s32 @p0 $0x1  }
0x13: {  	[smem:$0x3FB4] =	sst s0;
	s0 =	simm.s32 @!p1 $0x0  }
0x14: {  	s2 =	sld [smem:$0x3F98];
	s0 =	simm.s32 @p1 $0x1  }
0x15: {  	[smem:$0x3FB5] =	sst s0;
	s0 =	simm.s32 @!p2 $0x0  }
0x16: {  	s3 =	sld [smem:$0x3FDB];
	s0 =	simm.s32 @p2 $0x1  }
0x17: {  	s4 =	simm.s32 $0x1BF5;
	[smem:$0x3FB7] =	sst s0  }
0x18: {  	s0 =	sld [smem:$0x3F9A];
	_ =	swait.ge [sflag:s4], $0x0  }
0x19: {  	s7 =	sld [smem:$0x3F9B]  }
0x1a: {  	s8 =	sadd.s32 $0xFFFFE003, lr  }
0x1b: {  	s9 =	sadd.s32 $0xFFFFFEF7, lr;
	s5 =	simm.s32 $0xFFFFFFFF;
	p2 =	slt.u32 s8, $0xFFFFF086  }
0x1c: {  	p1 =	slt.u32 s9, $0xF7A;
	s5 =	simm.s32 @!p2 $0x0  }
0x1d: {  	s5 =	simm.s32 @p1 $0x1;
	p0 =	seq.s32 s7, s2  }
0x1e: {  	s7 =	smul.u32 @!p0 $0xF7A, s2;
	p2 =	seq.s32 @!p0 s5, $0x0  }
0x1f: {  	s9 =	smul.u32 $0xF7A, s1;
	s8 =	simm.s32 @!p0 $0x1BF5;
	p2 =	por !p2, p0  }
0x20: {  	[sflag:s8] =	ssyncset.s32 @!p0 $0xFFFFF086;
	s6 =	sadd.s32 @!p0 s3, s7;
	s7 =	simm.s32 @!p0 $0x108  }
0x21: {  	s3 =	sadd.s32 s3, s9;
	s6 =	sadd.s32 @!p0 $0x88, s6;
	s7 =	simm.s32 @p2 $0x1082  }
0x22: {  	[simem:s7], [sflag:s8] =	dma.local @!p0 [hbm:s6], $0xF7A  }
0x23: {  	s9 =	sor.u32 $0xD0000000, s2;
	s6 =	simm.s32 $0x108;
	_ =	swait.ge @!p0 [sflag:s8], $0x0  }
0x24: {  	s3 =	sadd.s32 $0x88, s3;
	s6 =	simm.s32 @!p1 $0x1082;
	[sflag:s4] =	ssyncset.s32 $0xFFFFF086  }
0x25: {  	[simem:s6], [sflag:s4] =	dma.local [hbm:s3], $0xF7A  }
0x26: {  	[smem:$0x3F9B] =	sst s1;
	(tag) =	ssettag s2;
	_ =	strace s9  }
0x27: {  	s1 =	sld [smem:$0x3FAB]  }
0x28: {  	s2 =	sld [smem:$0x3FAC]  }
0x29: {  	s4 =	sld [smem:$0x3FAE]  }
0x2a: {  	p0 =	seq.s32 s5, $0x0;
	s5 =	sld [smem:$0x3FAF]  }
0x2b: {  	s6 =	sld [smem:$0x3FB0]  }
0x2c: {  	s7 =	sld [smem:$0x3FB1]  }
0x2d: {  	s3 =	simm.s32 $0x108;
	s8 =	sld [smem:$0x3FB2]  }
0x2e: {  	s3 =	simm.s32 @!p0 $0x1082;
	s9 =	sld [smem:$0x3FB3]  }
0x2f: {  	lr =	sadd.s32 s0, s3;
	s0 =	sld [smem:$0x3FAA]  }
0x30: {  	s3 =	sld [smem:$0x3FAD]  }
0x31: {  	[smem:$0x3FB6] =	sst s10  }
0x32: {  	s10 =	sld [smem:$0x3FB4];
	_ =	sdelay $0x3  }
0x33: {  	p0 =	seq.s32 s10, $0x1;
	s10 =	sld [smem:$0x3FB6];
	_ =	sdelay $0x3  }
0x34: {  	[smem:$0x3FB6] =	sst s10  }
0x35: {  	s10 =	sld [smem:$0x3FB5];
	_ =	sdelay $0x3  }
0x36: {  	p1 =	seq.s32 s10, $0x1;
	s10 =	sld [smem:$0x3FB6];
	_ =	sdelay $0x3  }
0x37: {  	[smem:$0x3FB6] =	sst s10  }
0x38: {  	s10 =	sld [smem:$0x3FB7]  }
0x39: {  	_ = 	snop;
	(pc) =	sbr.ind lr, $3  }
0x3a: {  	_ = 	snop  }
0x3b: {  	_ = 	snop  }
0x3c: {  	p2 =	seq.s32 s10, $0x1;
	s10 =	sld [smem:$0x3FB6]  }
0x3d: {  	_ =	shalt  }
0x3e: {  	_ =	shalt  }
0x3f: {  	_ =	shalt  }
0x40: {  	_ =	shalt  }
0x41: {  	_ =	shalt  }
0x42: {  	_ =	shalt  }
0x43: {  	_ =	shalt  }
0x44: {  	_ =	shalt  }
0x45: {  	_ =	shalt  }
0x46: {  	_ =	shalt  }
0x47: {  	_ =	shalt  }
0x48: {  	_ =	shalt  }
0x49: {  	_ =	shalt  }
0x4a: {  	_ =	shalt  }
0x4b: {  	_ =	shalt  }
0x4c: {  	_ =	shalt  }
0x4d: {  	_ =	shalt  }
0x4e: {  	_ =	shalt  }
0x4f: {  	_ =	shalt  }
0x50: {  	_ =	shalt  }
0x51: {  	_ =	shalt  }
0x52: {  	_ =	shalt  }
0x53: {  	_ =	shalt  }
0x54: {  	_ =	shalt  }
0x55: {  	_ =	shalt  }
0x56: {  	_ =	shalt  }
0x57: {  	_ =	shalt  }
0x58: {  	_ =	shalt  }
0x59: {  	_ =	shalt  }
0x5a: {  	_ =	shalt  }
0x5b: {  	_ =	shalt  }
0x5c: {  	_ =	shalt  }
0x5d: {  	_ =	shalt  }
0x5e: {  	_ =	shalt  }
0x5f: {  	_ =	shalt  }
0x60: {  	_ =	shalt  }
0x61: {  	_ =	shalt  }
0x62: {  	_ =	shalt  }
0x63: {  	_ =	shalt  }
0x64: {  	_ =	shalt  }
0x65: {  	_ =	shalt  }
0x66: {  	_ =	shalt  }
0x67: {  	_ =	shalt  }
0x68: {  	_ =	shalt  }
0x69: {  	_ =	shalt  }
0x6a: {  	_ =	shalt  }
0x6b: {  	_ =	shalt  }
0x6c: {  	_ =	shalt  }
0x6d: {  	_ =	shalt  }
0x6e: {  	_ =	shalt  }
0x6f: {  	_ =	shalt  }
0x70: {  	_ =	shalt  }
0x71: {  	_ =	shalt  }
0x72: {  	_ =	shalt  }
0x73: {  	_ =	shalt  }
0x74: {  	_ =	shalt  }
0x75: {  	_ =	shalt  }
0x76: {  	_ =	shalt  }
0x77: {  	_ =	shalt  }
0x78: {  	_ =	shalt  }
0x79: {  	_ =	shalt  }
0x7a: {  	_ =	shalt  }
0x7b: {  	_ =	shalt  }
0x7c: {  	_ =	shalt  }
0x7d: {  	_ =	shalt  }
0x7e: {  	_ =	shalt  }
0x7f: {  	_ =	shalt  }
0x80: {  	_ =	shalt  }
0x81: {  	_ =	shalt  }
0x82: {  	_ =	shalt  }
0x83: {  	_ =	shalt  }
0x84: {  	_ =	shalt  }
0x85: {  	_ =	shalt  }
0x86: {  	_ =	shalt  }
0x87: {  	_ =	shalt  }
.Lfunc_end0:
.L_simem_size_0:
called_computation.1_lowered:
.L_overlay_start_0:
0x88: {  	s2 =	sld [smem:$0x3FD9]  }
0x89: {  	s3 =	sld [smem:$0x3FFE];
	_ =	sdelay $0x1  }
0x8a: {  	s1 =	srdreg.scid  }
0x8b: {  	s0 =	sand.u32 $0x1, s1  }
0x8c: {  	s16 =	sshll.u32 s0, $0xA;
	s2 =	sadd.s32 s3, s2  }
0x8d: {  	s2 =	sadd.s32 s2, s16  }
0x8e: {  	[smem:$0x3FC2] =	sst s2  }
0x8f: {  	_ = 	snop  }
0x90: {  	(tm) =	ssettm $0x1  }
0x91: {  	s17 =	sld [smem:$0x3FFB];
	_ =	sdelay $0x3  }
0x92: {  	_ =	strace s17  }
0x93: {  	s2 =	sld [smem:$0x3FFC];
	_ =	sdelay $0x3  }
0x94: {  	_ =	strace s2  }
0x95: {  	s2 =	sld [smem:$0x3FFD];
	_ =	sdelay $0x3  }
0x96: {  	_ =	strace s2  }
0x97: {  	_ =	strace $0x8FFFFFFF  }
0x98: {  	s18 =	sld [smem:$0x3FDB];
	_ =	sdelay $0x1  }
0x99: {  	s19 =	simm.s32 $_scs_section_size  }
0x9a: {  	s4 =	simm.s32 $_size__tile_overlayer_lowered;
	s5 =	simm.s32 $_tile_overlayer_lowered  }
0x9b: {  	s22 =	simm.s32 $0x1BFF;
	s21 =	sshll.u32 s5, $0x1;
	s2 =	sadd.s32 s19, s18  }
0x9c: {  	s6 =	simm.s32 $0x0;
	s20 =	sshll.u32 s4, $0x1;
	s4 =	sadd.s32 s21, s2  }
0x9d: {  	[timem:s6], [sflag:s22] =	dma.local [hbm:s4], s20  }
0x9e: {  	_ =	swait.ge [sflag:s22], s20  }
0x9f: {  	s3 =	ssub.s32 $0x0, s20;
	[sflag:s22] =	ssyncset.done $0x0  }
0xa0: {  	[sflag:s22] =	ssyncadd.s32 s3;
	_ =	sdelay $0x1  }
0xa1: {  	s23 =	simm.s32 $0x1B8B  }
0xa2: {  	_ =	swait.ge [sflag:s23], $0x1  }
0xa3: {  	[sflag:s23] =	ssyncset.done $0x0  }
0xa4: {  	s25 =	simm.s32 $0x1B8E;
	s24 =	sld [smem:$0x3FFE];
	[sflag:s23] =	ssyncadd.s32 $0xFFFFFFFF  }
0xa5: {  	s26 =	simm.s32 $execute0_lowered;
	[smem:$0x3FD2] =	sst s25  }
0xa6: {  	s4 =	sshll.u32 s26, $0x1;
	_ =	strace $0x80000049;
	[dreg:$0x1] =	wrdreg $0xFFFFFFFF  }
0xa7: {  	s28 =	simm.s32 $_size_execute0_lowered;
	s2 =	sadd.s32 s2, s4;
	[dreg:$0x0] =	wrdreg $0x0  }
0xa8: {  	s4 =	sshll.u32 s28, $0x1;
	[dreg:$0x2] =	wrdreg s2  }
0xa9: {  	[dreg:$0x3] =	wrdreg s4  }
0xaa: {  	[dreg:$0x4] =	wrdreg $0xC0  }
0xab: {  	_ =	task [dreg:s6], $0x5FFFF  }
0xac: {  	[dreg:$0x1] =	wrdreg $0xFFFFFFFF  }
0xad: {  	[dreg:$0x0] =	wrdreg $0x60  }
0xae: {  	[dreg:$0x2] =	wrdreg s24  }
0xaf: {  	[dreg:$0x3] =	wrdreg $0x9  }
0xb0: {  	_ =	task.clear_ibuf [dreg:s6], $0x4FFFF;
	_ =	strace $0x90000049  }
0xb1: {  	s29 =	simm.s32 $0x9;
	_ =	strace $0x8000004B  }
0xb2: {  	_ =	swait.ge [sflag:s29], $0x1  }
0xb3: {  	[sflag:s29] =	ssyncadd.s32 $0xFFFFFFFF  }
0xb4: {  	_ =	strace $0x9000004B  }
0xb5: {  	_ =	sfence  }
0xb6: {  	s30 =	sld [smem:$0x0];
	_ =	sdelay $0x2  }
0xb7: {  	s31 =	sshll.u32 s1, $0xD;
	s1 =	sshrl.u32 s1, $0x2  }
0xb8: {  	s3 =	sand.u32 $0x4000, s31;
	s1 =	sadd.s32 s1, s30  }
0xb9: {  	s0 =	sor.u32 s3, s0;
	s1 =	sshll.u32 s1, $0x11  }
0xba: {  	s0 =	sor.u32 s1, s0  }
0xbb: {  	s0 =	sadd.s32 $0x8F2B, s0  }
0xbc: {  	[sflag:s0] =	ssyncadd.remote.s32 $0x1  }
0xbd: {  	_ =	sfence.sel $0xFFFF  }
0xbe: {  	[dreg:$0x0] =	wrdreg $0xFFFFFFFF;
	(pc) =	sbr.abs _section_cstart, $3  }
0xbf: {  	[dreg:$0x1] =	wrdreg $0xFFFFFFFF  }
0xc0: {  	_ =	task.clear_ibuf [dreg:s6], $0x2FFFF;
	_ =	strace $0x9FFFFFFF  }
0xc1: {  	(tm) =	ssettm $0x7FFFFFFF  }
tec
execute0_lowered:
.L_overlay_start_1:
0x0: {  	(tag) =	ssettag $0x1  }
0x1: {  	s7 =	rddreg [dreg:$0x0]  }
0x2: {  	s0 =	rddreg [dreg:$0x1];
	s1 =	simm.s32 $0x0;
	s2 =	srdreg.scid  }
0x3: {  	s10 =	simm.s32 $0x1C00;
	s11 =	simm.s32 $0x3800;
	s12 =	simm.s32 $0x4600  }
0x4: {  	s13 =	simm.s32 $0x0;
	s18 =	simm.s32 $0x0;
	[smem:$0x7FF] =	sst s1  }
0x5: {  	s3 =	sadd.s32 $0x188600, s7;
	s4 =	sadd.s32 $0x265200, s7;
	s5 =	sand.u32 $0x1, s2  }
0x6: {  	s2 =	stileid.u32;
	_ =	strace $0x8000004A;
	s6 =	ssub.s32 $0x2, s5  }
0x7: {  	s8 =	sshll.u32 s5, $0x4;
	s5 =	sadd.s32 $0x1A0E00, s7;
	s9 =	sshrl.u32 s6, $0x1  }
0x8: {  	s7 =	sadd.s32 $0x296200, s7;
	s8 =	sor.u32 s2, s8;
	s9 =	ssub.s32 s6, s9  }
0x9: {  	v0 =	vlaneseq.u32;
	v1 =	vimm.f32 $0.0e+00;
	s6 =	smul.u32 $0xC40, s8;
	s8 =	smax.u32 s9, $0x1;
	s9 =	simm.s32 $0x1  }
.LBB2_1:
0xa: {  	s14 =	simm.s32 $0x0  }
.LBB2_2:
0xb: {  	s15 =	smul.u32 $0x1C0, s14;
	_ =	sdelay $0x1  }
0xc: {  	s16 =	sadd.s32 s6, s15  }
0xd: {  	s15 =	sshll.u32 s16, $0x1  }
0xe: {  	s17 =	sadd.s32 s4, s15  }
0xf: {  	[tilespmem:s18], [sflag:$0x1] =	stream.linear.gather [hbm4b:s17+s18], $0x1C00, $0x38;
	[tilespmem:$0x6200] =	vst v63  }
0x10: {  	_ =	swait.ge [sflag:s9], $0x1C00  }
0x11: {  	[sflag:s9] =	ssyncset.done $0x0  }
0x12: {  	s31 =	sadd.s32 s15, s7;
	[sflag:s9] =	ssyncadd.s32 $0xFFFFE400  }
0x13: {  	[tilespmem:s10], [sflag:$0x1] =	stream.linear.gather [hbm4b:s31+s18], $0x1C00, $0x38;
	[tilespmem:$0x6200] =	vst v63  }
0x14: {  	_ =	swait.ge [sflag:s9], $0x1C00  }
0x15: {  	v2 =	vor.u32 s18, v0;
	[sflag:s9] =	ssyncset.done $0x0  }
0x16: {  	v3 =	vshll.u32 v2, $0x3;
	s16 =	sadd.s32 s3, s16;
	[sflag:s9] =	ssyncadd.s32 $0xFFFFE400  }
0x17: {  	[tilespmem:s11], [sflag:$0x1] =	stream.linear.gather [hbm4b:s16+s18], $0xE00, $0x38;
	[tilespmem:$0x6200] =	vst v63  }
0x18: {  	_ =	swait.ge [sflag:s9], $0xE00  }
0x19: {  	v2 =	vshll.u32 v2, $0x4;
	[sflag:s9] =	ssyncset.done $0x0  }
0x1a: {  	v5 =	vor.u32 $0x9, v2;
	[sflag:s9] =	ssyncadd.s32 $0xFFFFF200  }
0x1b: {  	v4 =	vld.idx.msk [tilespmem:v3+s11+$0x0], $0xffff  }
0x1c: {  	v6 =	vor.u32 $0x1, v3;
	_ =	sdelay $0x2  }
0x1d: {  	v7 =	vld.idx.msk [tilespmem:v5+s1+$0x0], $0xffff  }
0x1e: {  	v8 =	vld.idx.msk [tilespmem:v5+s10+$0x0], $0xffff;
	[tilespmem:v2+s12+$0x0] =	vst.idx.msk $0xffff, v4  }
0x1f: {  	v4 =	vld.idx.msk [tilespmem:v6+s11+$0x0], $0xffff;
	v6 =	vor.u32 $0x1, v2  }
0x20: {  	v3 =	vor.u32 $0x2, v3;
	_ =	sdelay $0x3  }
0x21: {  	[tilespmem:v6+s12+$0x0] =	vst.idx.msk $0xffff, v4  }
0x22: {  	v9 =	vor.u32 $0x2, v2;
	v3 =	vld.idx.msk [tilespmem:v3+s11+$0x0], $0xffff  }
0x23: {  	v4 =	vadd.f32 v8, v7;
	_ =	sdelay $0x1  }
0x24: {  	v4 =	vmax.f32 v4, $1.000000000e+00  }
0x25: {  	(erf) = vrcp.f32 v4  }
0x26: {  	[tilespmem:v9+s12+$0x0] =	vst.idx.msk $0xffff, v3  }
0x27: {  	v3 =	vld.idx.msk [tilespmem:v2+s1+$0x0], $0xffff  }
0x28: {  	v4 =	vld.idx.msk [tilespmem:v2+s10+$0x0], $0xffff;
	_ =	sdelay $0x3  }
0x29: {  	v7 =	vor.u32 $0x3, v2  }
0x2a: {  	v3 =	vadd.f32 v4, v3  }
0x2b: {  	v4 =	vpop (erf)  }
0x2c: {  	v3 =	vmul.f32 v3, v4;
	_ =	sdelay $0x1  }
0x2d: {  	[tilespmem:v7+s12+$0x0] =	vst.idx.msk $0xffff, v3  }
0x2e: {  	v3 =	vld.idx.msk [tilespmem:v6+s1+$0x0], $0xffff  }
0x2f: {  	v6 =	vld.idx.msk [tilespmem:v6+s10+$0x0], $0xffff;
	_ =	sdelay $0x3  }
0x30: {  	v8 =	vor.u32 $0x4, v2  }
0x31: {  	v3 =	vadd.f32 v6, v3;
	_ =	sdelay $0x1  }
0x32: {  	v3 =	vmul.f32 v3, v4;
	_ =	sdelay $0x1  }
0x33: {  	[tilespmem:v8+s12+$0x0] =	vst.idx.msk $0xffff, v3  }
0x34: {  	v3 =	vld.idx.msk [tilespmem:v9+s1+$0x0], $0xffff  }
0x35: {  	v6 =	vld.idx.msk [tilespmem:v9+s10+$0x0], $0xffff;
	_ =	sdelay $0x3  }
0x36: {  	v62 =	vor.u32 $0x5, v2  }
0x37: {  	v3 =	vadd.f32 v6, v3;
	_ =	sdelay $0x1  }
0x38: {  	v3 =	vmul.f32 v3, v4;
	_ =	sdelay $0x1  }
0x39: {  	[tilespmem:v62+s12+$0x0] =	vst.idx.msk $0xffff, v3  }
0x3a: {  	v3 =	vld.idx.msk [tilespmem:v7+s1+$0x0], $0xffff  }
0x3b: {  	v6 =	vld.idx.msk [tilespmem:v7+s10+$0x0], $0xffff;
	_ =	sdelay $0x3  }
0x3c: {  	v7 =	vor.u32 $0x6, v2  }
0x3d: {  	v3 =	vadd.f32 v6, v3;
	_ =	sdelay $0x1  }
0x3e: {  	v3 =	vmul.f32 v3, v4;
	_ =	sdelay $0x1  }
0x3f: {  	[tilespmem:v7+s12+$0x0] =	vst.idx.msk $0xffff, v3  }
0x40: {  	v3 =	vld.idx.msk [tilespmem:v8+s1+$0x0], $0xffff  }
0x41: {  	v6 =	vld.idx.msk [tilespmem:v8+s10+$0x0], $0xffff;
	_ =	sdelay $0x3  }
0x42: {  	v8 =	vor.u32 $0x7, v2  }
0x43: {  	v3 =	vadd.f32 v6, v3;
	_ =	sdelay $0x1  }
0x44: {  	v3 =	vmul.f32 v3, v4;
	_ =	sdelay $0x1  }
0x45: {  	[tilespmem:v8+s12+$0x0] =	vst.idx.msk $0xffff, v3  }
0x46: {  	v3 =	vld.idx.msk [tilespmem:v62+s1+$0x0], $0xffff  }
0x47: {  	v6 =	vld.idx.msk [tilespmem:v62+s10+$0x0], $0xffff;
	_ =	sdelay $0x3  }
0x48: {  	v63 =	vor.u32 $0x8, v2  }
0x49: {  	v3 =	vadd.f32 v6, v3;
	_ =	sdelay $0x1  }
0x4a: {  	v3 =	vmul.f32 v3, v4;
	_ =	sdelay $0x1  }
0x4b: {  	[tilespmem:v63+s12+$0x0] =	vst.idx.msk $0xffff, v3  }
0x4c: {  	v3 =	vld.idx.msk [tilespmem:v7+s1+$0x0], $0xffff  }
0x4d: {  	v6 =	vld.idx.msk [tilespmem:v7+s10+$0x0], $0xffff;
	_ =	sdelay $0x4  }
0x4e: {  	v3 =	vadd.f32 v6, v3;
	_ =	sdelay $0x1  }
0x4f: {  	v3 =	vmul.f32 v3, v4;
	_ =	sdelay $0x1  }
0x50: {  	[tilespmem:v5+s12+$0x0] =	vst.idx.msk $0xffff, v3  }
0x51: {  	v3 =	vld.idx.msk [tilespmem:v8+s1+$0x0], $0xffff  }
0x52: {  	v5 =	vld.idx.msk [tilespmem:v8+s10+$0x0], $0xffff;
	_ =	sdelay $0x3  }
0x53: {  	v6 =	vor.u32 $0xA, v2  }
0x54: {  	v3 =	vadd.f32 v5, v3;
	_ =	sdelay $0x1  }
0x55: {  	v3 =	vmul.f32 v3, v4;
	_ =	sdelay $0x1  }
0x56: {  	[tilespmem:v6+s12+$0x0] =	vst.idx.msk $0xffff, v3  }
0x57: {  	v5 =	vld.idx.msk [tilespmem:v63+s1+$0x0], $0xffff  }
0x58: {  	s16 =	simm.s32 $0x10;
	v3 =	vor.u32 $0xB, v2;
	v6 =	vld.idx.msk [tilespmem:v63+s10+$0x0], $0xffff  }
.LBB2_3:
0x59: {  	_ =	sdelay $0x1  }
0x5a: {  	p0 =	sne.s32 s16, $0x1B0;
	s17 =	smov.u32 s16;
	s16 =	sadd.s32 $0x10, s16  }
0x5b: {  	v7 =	vor.u32 $0xC, v2  }
0x5c: {  	v5 =	vadd.f32 v6, v5;
	v6 =	vor.u32 $0xD, v2  }
0x5d: {  	v8 =	vor.u32 $0xE, v2  }
0x5e: {  	v10 =	vor.u32 $0xF, v2;
	v9 =	vor.u32 s17, v0;
	v5 =	vmul.f32 v5, v4  }
0x5f: {  	v11 =	vshll.u32 v9, $0x3  }
0x60: {  	[tilespmem:v3+s12+$0x0] =	vst.idx.msk $0xffff, v5  }
0x61: {  	[tilespmem:v7+s12+$0x0] =	vst.idx.msk $0xffff, v4  }
0x62: {  	[tilespmem:v6+s12+$0x0] =	vst.idx.msk $0xffff, v1  }
0x63: {  	v2 =	vshll.u32 v9, $0x4;
	[tilespmem:v8+s12+$0x0] =	vst.idx.msk $0xffff, v1  }
0x64: {  	v5 =	vor.u32 $0x9, v2;
	v3 =	vor.u32 $0xB, v2;
	[tilespmem:v10+s12+$0x0] =	vst.idx.msk $0xffff, v1  }
0x65: {  	v4 =	vld.idx.msk [tilespmem:v11+s11+$0x0], $0xffff;
	_ =	sdelay $0x1  }
0x66: {  	v6 =	vor.u32 $0x1, v11;
	_ =	sdelay $0x1  }
0x67: {  	v7 =	vld.idx.msk [tilespmem:v5+s1+$0x0], $0xffff  }
0x68: {  	v8 =	vld.idx.msk [tilespmem:v5+s10+$0x0], $0xffff  }
0x69: {  	[tilespmem:v2+s12+$0x0] =	vst.idx.msk $0xffff, v4  }
0x6a: {  	v4 =	vld.idx.msk [tilespmem:v6+s11+$0x0], $0xffff  }
0x6b: {  	v6 =	vor.u32 $0x1, v2  }
0x6c: {  	v9 =	vor.u32 $0x2, v11;
	_ =	sdelay $0x1  }
0x6d: {  	v7 =	vadd.f32 v8, v7;
	_ =	sdelay $0x1  }
0x6e: {  	v7 =	vmax.f32 v7, $1.000000000e+00;
	[tilespmem:v6+s12+$0x0] =	vst.idx.msk $0xffff, v4  }
0x6f: {  	v4 =	vld.idx.msk [tilespmem:v9+s11+$0x0], $0xffff  }
0x70: {  	v8 =	vor.u32 $0x2, v2;
	_ =	sdelay $0x4  }
0x71: {  	[tilespmem:v8+s12+$0x0] =	vst.idx.msk $0xffff, v4;
	(erf) = vrcp.f32 v7  }
0x72: {  	v4 =	vld.idx.msk [tilespmem:v2+s1+$0x0], $0xffff  }
0x73: {  	v7 =	vld.idx.msk [tilespmem:v2+s10+$0x0], $0xffff;
	_ =	sdelay $0x4  }
0x74: {  	v9 =	vor.u32 $0x3, v2  }
0x75: {  	v7 =	vadd.f32 v7, v4  }
0x76: {  	v4 =	vpop (erf)  }
0x77: {  	v7 =	vmul.f32 v7, v4;
	_ =	sdelay $0x1  }
0x78: {  	[tilespmem:v9+s12+$0x0] =	vst.idx.msk $0xffff, v7  }
0x79: {  	v7 =	vld.idx.msk [tilespmem:v6+s1+$0x0], $0xffff  }
0x7a: {  	v6 =	vld.idx.msk [tilespmem:v6+s10+$0x0], $0xffff;
	_ =	sdelay $0x4  }
0x7b: {  	v10 =	vor.u32 $0x4, v2  }
0x7c: {  	v6 =	vadd.f32 v6, v7;
	_ =	sdelay $0x1  }
0x7d: {  	v6 =	vmul.f32 v6, v4;
	_ =	sdelay $0x1  }
0x7e: {  	[tilespmem:v10+s12+$0x0] =	vst.idx.msk $0xffff, v6  }
0x7f: {  	v6 =	vld.idx.msk [tilespmem:v8+s1+$0x0], $0xffff  }
0x80: {  	v7 =	vld.idx.msk [tilespmem:v8+s10+$0x0], $0xffff;
	_ =	sdelay $0x4  }
0x81: {  	v8 =	vor.u32 $0x5, v2  }
0x82: {  	v6 =	vadd.f32 v7, v6;
	_ =	sdelay $0x1  }
0x83: {  	v6 =	vmul.f32 v6, v4;
	_ =	sdelay $0x1  }
0x84: {  	[tilespmem:v8+s12+$0x0] =	vst.idx.msk $0xffff, v6  }
0x85: {  	v6 =	vld.idx.msk [tilespmem:v9+s1+$0x0], $0xffff  }
0x86: {  	v7 =	vld.idx.msk [tilespmem:v9+s10+$0x0], $0xffff;
	_ =	sdelay $0x4  }
0x87: {  	v9 =	vor.u32 $0x6, v2  }
0x88: {  	v6 =	vadd.f32 v7, v6;
	_ =	sdelay $0x1  }
0x89: {  	v6 =	vmul.f32 v6, v4;
	_ =	sdelay $0x1  }
0x8a: {  	[tilespmem:v9+s12+$0x0] =	vst.idx.msk $0xffff, v6  }
0x8b: {  	v6 =	vld.idx.msk [tilespmem:v10+s1+$0x0], $0xffff  }
0x8c: {  	v7 =	vld.idx.msk [tilespmem:v10+s10+$0x0], $0xffff;
	_ =	sdelay $0x4  }
0x8d: {  	v10 =	vor.u32 $0x7, v2  }
0x8e: {  	v6 =	vadd.f32 v7, v6;
	_ =	sdelay $0x1  }
0x8f: {  	v6 =	vmul.f32 v6, v4;
	_ =	sdelay $0x1  }
0x90: {  	[tilespmem:v10+s12+$0x0] =	vst.idx.msk $0xffff, v6  }
0x91: {  	v6 =	vld.idx.msk [tilespmem:v8+s1+$0x0], $0xffff  }
0x92: {  	v7 =	vld.idx.msk [tilespmem:v8+s10+$0x0], $0xffff;
	_ =	sdelay $0x4  }
0x93: {  	v8 =	vor.u32 $0x8, v2  }
0x94: {  	v6 =	vadd.f32 v7, v6;
	_ =	sdelay $0x1  }
0x95: {  	v6 =	vmul.f32 v6, v4;
	_ =	sdelay $0x1  }
0x96: {  	[tilespmem:v8+s12+$0x0] =	vst.idx.msk $0xffff, v6  }
0x97: {  	v6 =	vld.idx.msk [tilespmem:v9+s1+$0x0], $0xffff  }
0x98: {  	v7 =	vld.idx.msk [tilespmem:v9+s10+$0x0], $0xffff;
	_ =	sdelay $0x5  }
0x99: {  	v6 =	vadd.f32 v7, v6;
	_ =	sdelay $0x1  }
0x9a: {  	v6 =	vmul.f32 v6, v4;
	_ =	sdelay $0x1  }
0x9b: {  	[tilespmem:v5+s12+$0x0] =	vst.idx.msk $0xffff, v6  }
0x9c: {  	v5 =	vld.idx.msk [tilespmem:v10+s1+$0x0], $0xffff  }
0x9d: {  	v6 =	vld.idx.msk [tilespmem:v10+s10+$0x0], $0xffff;
	_ =	sdelay $0x4  }
0x9e: {  	v7 =	vor.u32 $0xA, v2  }
0x9f: {  	v5 =	vadd.f32 v6, v5;
	_ =	sdelay $0x1  }
.Ltmp0:
0xa0: {  	v5 =	vmul.f32 v5, v4;
	(pc) =	sbr.rel @p0 .LBB2_3-.Ltmp0, $4  }
0xa1: {  	_ = 	snop  }
0xa2: {  	[tilespmem:v7+s12+$0x0] =	vst.idx.msk $0xffff, v5  }
0xa3: {  	v5 =	vld.idx.msk [tilespmem:v8+s1+$0x0], $0xffff  }
0xa4: {  	v6 =	vld.idx.msk [tilespmem:v8+s10+$0x0], $0xffff  }
0xa5: {  	_ =	sdelay $0x3  }
0xa6: {  	v7 =	vor.u32 $0xC, v2;
	v5 =	vadd.f32 v6, v5  }
0xa7: {  	v63 =	vor.u32 $0xD, v2  }
0xa8: {  	v8 =	vor.u32 $0xE, v2;
	v5 =	vmul.f32 v5, v4  }
0xa9: {  	v2 =	vor.u32 $0xF, v2  }
0xaa: {  	[tilespmem:v3+s12+$0x0] =	vst.idx.msk $0xffff, v5  }
0xab: {  	[tilespmem:v7+s12+$0x0] =	vst.idx.msk $0xffff, v4  }
0xac: {  	s14 =	sadd.s32 $0x1, s14;
	[tilespmem:v63+s12+$0x0] =	vst.idx.msk $0xffff, v1  }
0xad: {  	p0 =	sne.s32 s14, $0x7;
	[tilespmem:v8+s12+$0x0] =	vst.idx.msk $0xffff, v1  }
.Ltmp1:
0xae: {  	s15 =	sadd.s32 s5, s15;
	[tilespmem:v2+s12+$0x0] =	vst.idx.msk $0xffff, v1;
	(pc) =	sbr.rel @p0 .LBB2_2-.Ltmp1, $4  }
0xaf: {  	[hbm4b:s15+s1] =	stream.linear.scatter [tilespmem:s12], [sflag:$0x1], $0x1C00, $0x38;
	[tilespmem:$0x6200] =	vst v63  }
0xb0: {  	_ =	swait.ge [sflag:s9], $0x1C00  }
0xb1: {  	[sflag:s9] =	ssyncset.done $0x0  }
0xb2: {  	[sflag:s9] =	ssyncadd.s32 $0xFFFFE400  }
0xb3: {  	s13 =	sadd.s32 $0x1, s13  }
0xb4: {  	p0 =	sne.s32 s13, s8  }
.Ltmp2:
0xb5: {  	_ = 	snop;
	(pc) =	sbr.rel @p0 .LBB2_1-.Ltmp2, $1  }
0xb6: {  	_ =	sdelay $0x3  }
0xb7: {  	_ =	sfence.sel $0x180000  }
0xb8: {  	[bflag:$0x0] =	sbarrier.arrive $0xFFFF  }
0xb9: {  	p0 =	sne.s32 s2, $0x0;
	_ =	strace $0x9000004A  }
0xba: {  	s0 =	sadd.s32 @!p0 $0x100000, s0;
	[bflag:$0x2] =	sbarrier.arrive $0xFFFF  }
0xbb: {  	[sflag:s0] =	ssyncadd.tile.s32 @!p0 $0x1;
	_ =	shalt  }
.Lfunc_end2:
_tile_overlayer_lowered:
.L_overlay_start_2:
0xbc: {  	(tag) =	ssettag $0x2  }
0xbd: {  	s0 =	rddreg [dreg:$0x0];
	s2 =	stileid.u32  }
0xbe: {  	s1 =	rddreg [dreg:$0x1];
	p0 =	sne.s32 s2, $0x0  }
0xbf: {  	s3 =	rddreg [dreg:$0x2];
	[bflag:$0x3] =	sbarrier.arrive $0xFFFF;
	s2 =	simm.s32 @!p0 $0x1C01  }
0xc0: {  	[timem:s3], [sflag:s2] =	dma.local @!p0 [hbm:s0], s1  }
0xc1: {  	s0 =	simm.s32 @!p0 $0x1  }
0xc2: {  	_ =	swait.ge @!p0 [sflag:s0], s1  }
0xc3: {  	s1 =	ssub.s32 @!p0 $0x0, s1;
	[sflag:s0] =	ssyncset.done @!p0 $0x0  }
0xc4: {  	[sflag:s0] =	ssyncadd.s32 @!p0 s1  }
0xc5: {  	[bflag:$0x3] =	sbarrier.arrive $0xFFFF  }
0xc6: {  	_ =	shalt  }

// kernel: mcl_div_pass.3.cloned.1.call-start
scs
__scs_entry_jumppad:
0x0: {  	(pc) =	sbr.rel $0x88, $3  }
0x1: {  	(tag) =	ssettag $0x0;
	lr =	simm.s32 $0x1  }
0x2: {  	[smem:$0x3F9B] =	sst lr;
	_ =	strace $0xD0000000  }
0x3: {  	_ = 	snop  }
0x4: {  	_ = 	snop  }
0x5: {  	_ = 	snop  }
0x6: {  	_ = 	snop  }
0x7: {  	_ = 	snop  }
__scs_overlays_trampoline_lowered:
0x8: {  	[smem:$0x3FAA] =	sst s0  }
0x9: {  	[smem:$0x3FAB] =	sst s1  }
0xa: {  	[smem:$0x3FAC] =	sst s2  }
0xb: {  	[smem:$0x3FAD] =	sst s3  }
0xc: {  	[smem:$0x3FAE] =	sst s4  }
0xd: {  	[smem:$0x3FAF] =	sst s5  }
0xe: {  	[smem:$0x3FB0] =	sst s6  }
0xf: {  	[smem:$0x3FB1] =	sst s7  }
0x10: {  	[smem:$0x3FB2] =	sst s8  }
0x11: {  	[smem:$0x3FB3] =	sst s9;
	s0 =	simm.s32 @!p0 $0x0  }
0x12: {  	s1 =	sld [smem:$0x3F99];
	s0 =	simm.s32 @p0 $0x1  }
0x13: {  	[smem:$0x3FB4] =	sst s0;
	s0 =	simm.s32 @!p1 $0x0  }
0x14: {  	s2 =	sld [smem:$0x3F98];
	s0 =	simm.s32 @p1 $0x1  }
0x15: {  	[smem:$0x3FB5] =	sst s0;
	s0 =	simm.s32 @!p2 $0x0  }
0x16: {  	s3 =	sld [smem:$0x3FDB];
	s0 =	simm.s32 @p2 $0x1  }
0x17: {  	s4 =	simm.s32 $0x1BF5;
	[smem:$0x3FB7] =	sst s0  }
0x18: {  	s0 =	sld [smem:$0x3F9A];
	_ =	swait.ge [sflag:s4], $0x0  }
0x19: {  	s7 =	sld [smem:$0x3F9B]  }
0x1a: {  	s8 =	sadd.s32 $0xFFFFE003, lr  }
0x1b: {  	s9 =	sadd.s32 $0xFFFFFEF7, lr;
	s5 =	simm.s32 $0xFFFFFFFF;
	p2 =	slt.u32 s8, $0xFFFFF086  }
0x1c: {  	p1 =	slt.u32 s9, $0xF7A;
	s5 =	simm.s32 @!p2 $0x0  }
0x1d: {  	s5 =	simm.s32 @p1 $0x1;
	p0 =	seq.s32 s7, s2  }
0x1e: {  	s7 =	smul.u32 @!p0 $0xF7A, s2;
	p2 =	seq.s32 @!p0 s5, $0x0  }
0x1f: {  	s9 =	smul.u32 $0xF7A, s1;
	s8 =	simm.s32 @!p0 $0x1BF5;
	p2 =	por !p2, p0  }
0x20: {  	[sflag:s8] =	ssyncset.s32 @!p0 $0xFFFFF086;
	s6 =	sadd.s32 @!p0 s3, s7;
	s7 =	simm.s32 @!p0 $0x108  }
0x21: {  	s3 =	sadd.s32 s3, s9;
	s6 =	sadd.s32 @!p0 $0x88, s6;
	s7 =	simm.s32 @p2 $0x1082  }
0x22: {  	[simem:s7], [sflag:s8] =	dma.local @!p0 [hbm:s6], $0xF7A  }
0x23: {  	s9 =	sor.u32 $0xD0000000, s2;
	s6 =	simm.s32 $0x108;
	_ =	swait.ge @!p0 [sflag:s8], $0x0  }
0x24: {  	s3 =	sadd.s32 $0x88, s3;
	s6 =	simm.s32 @!p1 $0x1082;
	[sflag:s4] =	ssyncset.s32 $0xFFFFF086  }
0x25: {  	[simem:s6], [sflag:s4] =	dma.local [hbm:s3], $0xF7A  }
0x26: {  	[smem:$0x3F9B] =	sst s1;
	(tag) =	ssettag s2;
	_ =	strace s9  }
0x27: {  	s1 =	sld [smem:$0x3FAB]  }
0x28: {  	s2 =	sld [smem:$0x3FAC]  }
0x29: {  	s4 =	sld [smem:$0x3FAE]  }
0x2a: {  	p0 =	seq.s32 s5, $0x0;
	s5 =	sld [smem:$0x3FAF]  }
0x2b: {  	s6 =	sld [smem:$0x3FB0]  }
0x2c: {  	s7 =	sld [smem:$0x3FB1]  }
0x2d: {  	s3 =	simm.s32 $0x108;
	s8 =	sld [smem:$0x3FB2]  }
0x2e: {  	s3 =	simm.s32 @!p0 $0x1082;
	s9 =	sld [smem:$0x3FB3]  }
0x2f: {  	lr =	sadd.s32 s0, s3;
	s0 =	sld [smem:$0x3FAA]  }
0x30: {  	s3 =	sld [smem:$0x3FAD]  }
0x31: {  	[smem:$0x3FB6] =	sst s10  }
0x32: {  	s10 =	sld [smem:$0x3FB4];
	_ =	sdelay $0x3  }
0x33: {  	p0 =	seq.s32 s10, $0x1;
	s10 =	sld [smem:$0x3FB6];
	_ =	sdelay $0x3  }
0x34: {  	[smem:$0x3FB6] =	sst s10  }
0x35: {  	s10 =	sld [smem:$0x3FB5];
	_ =	sdelay $0x3  }
0x36: {  	p1 =	seq.s32 s10, $0x1;
	s10 =	sld [smem:$0x3FB6];
	_ =	sdelay $0x3  }
0x37: {  	[smem:$0x3FB6] =	sst s10  }
0x38: {  	s10 =	sld [smem:$0x3FB7]  }
0x39: {  	_ = 	snop;
	(pc) =	sbr.ind lr, $3  }
0x3a: {  	_ = 	snop  }
0x3b: {  	_ = 	snop  }
0x3c: {  	p2 =	seq.s32 s10, $0x1;
	s10 =	sld [smem:$0x3FB6]  }
0x3d: {  	_ =	shalt  }
0x3e: {  	_ =	shalt  }
0x3f: {  	_ =	shalt  }
0x40: {  	_ =	shalt  }
0x41: {  	_ =	shalt  }
0x42: {  	_ =	shalt  }
0x43: {  	_ =	shalt  }
0x44: {  	_ =	shalt  }
0x45: {  	_ =	shalt  }
0x46: {  	_ =	shalt  }
0x47: {  	_ =	shalt  }
0x48: {  	_ =	shalt  }
0x49: {  	_ =	shalt  }
0x4a: {  	_ =	shalt  }
0x4b: {  	_ =	shalt  }
0x4c: {  	_ =	shalt  }
0x4d: {  	_ =	shalt  }
0x4e: {  	_ =	shalt  }
0x4f: {  	_ =	shalt  }
0x50: {  	_ =	shalt  }
0x51: {  	_ =	shalt  }
0x52: {  	_ =	shalt  }
0x53: {  	_ =	shalt  }
0x54: {  	_ =	shalt  }
0x55: {  	_ =	shalt  }
0x56: {  	_ =	shalt  }
0x57: {  	_ =	shalt  }
0x58: {  	_ =	shalt  }
0x59: {  	_ =	shalt  }
0x5a: {  	_ =	shalt  }
0x5b: {  	_ =	shalt  }
0x5c: {  	_ =	shalt  }
0x5d: {  	_ =	shalt  }
0x5e: {  	_ =	shalt  }
0x5f: {  	_ =	shalt  }
0x60: {  	_ =	shalt  }
0x61: {  	_ =	shalt  }
0x62: {  	_ =	shalt  }
0x63: {  	_ =	shalt  }
0x64: {  	_ =	shalt  }
0x65: {  	_ =	shalt  }
0x66: {  	_ =	shalt  }
0x67: {  	_ =	shalt  }
0x68: {  	_ =	shalt  }
0x69: {  	_ =	shalt  }
0x6a: {  	_ =	shalt  }
0x6b: {  	_ =	shalt  }
0x6c: {  	_ =	shalt  }
0x6d: {  	_ =	shalt  }
0x6e: {  	_ =	shalt  }
0x6f: {  	_ =	shalt  }
0x70: {  	_ =	shalt  }
0x71: {  	_ =	shalt  }
0x72: {  	_ =	shalt  }
0x73: {  	_ =	shalt  }
0x74: {  	_ =	shalt  }
0x75: {  	_ =	shalt  }
0x76: {  	_ =	shalt  }
0x77: {  	_ =	shalt  }
0x78: {  	_ =	shalt  }
0x79: {  	_ =	shalt  }
0x7a: {  	_ =	shalt  }
0x7b: {  	_ =	shalt  }
0x7c: {  	_ =	shalt  }
0x7d: {  	_ =	shalt  }
0x7e: {  	_ =	shalt  }
0x7f: {  	_ =	shalt  }
0x80: {  	_ =	shalt  }
0x81: {  	_ =	shalt  }
0x82: {  	_ =	shalt  }
0x83: {  	_ =	shalt  }
0x84: {  	_ =	shalt  }
0x85: {  	_ =	shalt  }
0x86: {  	_ =	shalt  }
0x87: {  	_ =	shalt  }
.Lfunc_end0:
.L_simem_size_0:
called_computation.2_lowered:
.L_overlay_start_0:
0x88: {  	s2 =	sld [smem:$0x3FD9]  }
0x89: {  	s3 =	sld [smem:$0x3FFE];
	_ =	sdelay $0x1  }
0x8a: {  	s1 =	srdreg.scid  }
0x8b: {  	s0 =	sand.u32 $0x1, s1  }
0x8c: {  	s16 =	sshll.u32 s0, $0xA;
	s2 =	sadd.s32 s3, s2  }
0x8d: {  	s2 =	sadd.s32 s2, s16  }
0x8e: {  	[smem:$0x3FC2] =	sst s2  }
0x8f: {  	_ = 	snop  }
0x90: {  	(tm) =	ssettm $0x1  }
0x91: {  	s17 =	sld [smem:$0x3FFB];
	_ =	sdelay $0x3  }
0x92: {  	_ =	strace s17  }
0x93: {  	s2 =	sld [smem:$0x3FFC];
	_ =	sdelay $0x3  }
0x94: {  	_ =	strace s2  }
0x95: {  	s2 =	sld [smem:$0x3FFD];
	_ =	sdelay $0x3  }
0x96: {  	_ =	strace s2  }
0x97: {  	_ =	strace $0x8FFFFFFF  }
0x98: {  	s18 =	sld [smem:$0x3FDB];
	_ =	sdelay $0x1  }
0x99: {  	s19 =	simm.s32 $_scs_section_size  }
0x9a: {  	s4 =	simm.s32 $_size__tile_overlayer_lowered;
	s5 =	simm.s32 $_tile_overlayer_lowered  }
0x9b: {  	s22 =	simm.s32 $0x1BFF;
	s21 =	sshll.u32 s5, $0x1;
	s2 =	sadd.s32 s19, s18  }
0x9c: {  	s6 =	simm.s32 $0x0;
	s20 =	sshll.u32 s4, $0x1;
	s4 =	sadd.s32 s21, s2  }
0x9d: {  	[timem:s6], [sflag:s22] =	dma.local [hbm:s4], s20  }
0x9e: {  	_ =	swait.ge [sflag:s22], s20  }
0x9f: {  	s3 =	ssub.s32 $0x0, s20;
	[sflag:s22] =	ssyncset.done $0x0  }
0xa0: {  	[sflag:s22] =	ssyncadd.s32 s3;
	_ =	sdelay $0x1  }
0xa1: {  	s23 =	simm.s32 $0x1B8B  }
0xa2: {  	_ =	swait.ge [sflag:s23], $0x1  }
0xa3: {  	[sflag:s23] =	ssyncset.done $0x0  }
0xa4: {  	s25 =	simm.s32 $0x1B8E;
	s24 =	sld [smem:$0x3FFE];
	[sflag:s23] =	ssyncadd.s32 $0xFFFFFFFF  }
0xa5: {  	s26 =	simm.s32 $execute0_lowered;
	[smem:$0x3FD2] =	sst s25  }
0xa6: {  	s4 =	sshll.u32 s26, $0x1;
	_ =	strace $0x8000004C;
	[dreg:$0x1] =	wrdreg $0xFFFFFFFF  }
0xa7: {  	s28 =	simm.s32 $_size_execute0_lowered;
	s2 =	sadd.s32 s2, s4;
	[dreg:$0x0] =	wrdreg $0x0  }
0xa8: {  	s4 =	sshll.u32 s28, $0x1;
	[dreg:$0x2] =	wrdreg s2  }
0xa9: {  	[dreg:$0x3] =	wrdreg s4  }
0xaa: {  	[dreg:$0x4] =	wrdreg $0xC0  }
0xab: {  	_ =	task [dreg:s6], $0x5FFFF  }
0xac: {  	[dreg:$0x1] =	wrdreg $0xFFFFFFFF  }
0xad: {  	[dreg:$0x0] =	wrdreg $0x60  }
0xae: {  	[dreg:$0x2] =	wrdreg s24  }
0xaf: {  	[dreg:$0x3] =	wrdreg $0x0  }
0xb0: {  	[dreg:$0x4] =	wrdreg $0x9  }
0xb1: {  	_ =	task.clear_ibuf [dreg:s6], $0x5FFFF;
	_ =	strace $0x9000004C  }
0xb2: {  	s29 =	simm.s32 $0x9;
	_ =	strace $0x8000004E  }
0xb3: {  	_ =	swait.ge [sflag:s29], $0x1  }
0xb4: {  	[sflag:s29] =	ssyncadd.s32 $0xFFFFFFFF  }
0xb5: {  	_ =	strace $0x9000004E  }
0xb6: {  	_ =	sfence  }
0xb7: {  	s30 =	sld [smem:$0x0];
	_ =	sdelay $0x2  }
0xb8: {  	s31 =	sshll.u32 s1, $0xD;
	s1 =	sshrl.u32 s1, $0x2  }
0xb9: {  	s3 =	sand.u32 $0x4000, s31;
	s1 =	sadd.s32 s1, s30  }
0xba: {  	s0 =	sor.u32 s3, s0;
	s1 =	sshll.u32 s1, $0x11  }
0xbb: {  	s0 =	sor.u32 s1, s0  }
0xbc: {  	s0 =	sadd.s32 $0x8F2B, s0  }
0xbd: {  	[sflag:s0] =	ssyncadd.remote.s32 $0x1  }
0xbe: {  	_ =	sfence.sel $0xFFFF  }
0xbf: {  	[dreg:$0x0] =	wrdreg $0xFFFFFFFF;
	(pc) =	sbr.abs _section_cstart, $3  }
0xc0: {  	[dreg:$0x1] =	wrdreg $0xFFFFFFFF  }
0xc1: {  	_ =	task.clear_ibuf [dreg:s6], $0x2FFFF;
	_ =	strace $0x9FFFFFFF  }
0xc2: {  	(tm) =	ssettm $0x7FFFFFFF  }
0xc3: {  	_ =	shalt  }
tec
execute0_lowered:
.L_overlay_start_1:
0x0: {  	(tag) =	ssettag $0x1  }
0x1: {  	s0 =	rddreg [dreg:$0x0]  }
0x2: {  	s1 =	rddreg [dreg:$0x1];
	s2 =	simm.s32 $0x0  }
0x3: {  	s3 =	srdreg.scid;
	s12 =	stileid.u32;
	s28 =	simm.s32 $0xD900  }
0x4: {  	s29 =	simm.s32 $0x14900;
	[smem:$0x7FF] =	sst s2;
	s4 =	sadd.s32 $0x1A0E00, s0  }
0x5: {  	s3 =	sand.u32 $0x1, s3;
	s5 =	sadd.s32 $0xC5000, s0;
	s11 =	smul.u32 $0x31000, s12  }
0x6: {  	s10 =	sadd.s32 $0x188600, s0;
	s15 =	sshll.u32 s12, $0x6;
	s17 =	smul.u32 $0x1880, s12  }
0x7: {  	_ =	strace $0x8000004D;
	s6 =	sshll.u32 s3, $0x4;
	s8 =	smul.u32 $0x18800, s3  }
0x8: {  	s3 =	ssub.s32 $0x2, s3;
	[dreg:$0x3] =	wrdreg s10;
	s7 =	sor.u32 s12, s6  }
0x9: {  	s6 =	sadd.s32 $0x1A00, s0;
	s9 =	sshrl.u32 s3, $0x1;
	[dreg:$0xe] =	wrdreg s17  }
0xa: {  	s21 =	sshrl.u32 s11, $0x2;
	s17 =	simm.s32 $0xC400;
	s11 =	simm.s32 $0x80  }
0xb: {  	s7 =	smul.u32 $0x30D40, s7;
	s0 =	sadd.s32 s8, s0;
	s8 =	sor.u32 $0x1C05, s15  }
0xc: {  	s3 =	ssub.s32 s3, s9;
	s23 =	sadd.s32 s21, s1;
	[dreg:$0x4] =	wrdreg s8  }
0xd: {  	s15 =	sadd.s32 $0x1D1E00, s0;
	s24 =	smax.u32 s3, $0x1;
	s25 =	sadd.s32 $0x3100, s23  }
0xe: {  	s26 =	sadd.s32 $0x6200, s23;
	[dreg:$0x9] =	wrdreg s24;
	s0 =	sshrl.u32 s25, $0x3  }
0xf: {  	s10 =	sadd.s32 $0x9300, s23;
	s30 =	sshrl.u32 s26, $0x3;
	[dreg:$0xb] =	wrdreg s0  }
0x10: {  	s16 =	sshrl.u32 s7, $0x3;
	s31 =	sshrl.u32 s10, $0x3;
	[dreg:$0xc] =	wrdreg s30  }
0x11: {  	s12 =	simm.s32 $0x1;
	s18 =	sadd.s32 s5, s16;
	[dreg:$0xd] =	wrdreg s31  }
0x12: {  	s19 =	sadd.s32 s6, s16;
	s20 =	sadd.s32 $0x6190, s16;
	[dreg:$0x5] =	wrdreg s18  }
0x13: {  	s3 =	simm.s32 $0x0;
	[dreg:$0x6] =	wrdreg s19;
	s22 =	sadd.s32 s5, s20  }
0x14: {  	s25 =	simm.s32 $0x4;
	s8 =	sadd.s32 s6, s20;
	[dreg:$0x7] =	wrdreg s22  }
0x15: {  	v0 =	vlaneseq.u32;
	s18 =	simm.s32 $0x5;
	[dreg:$0x8] =	wrdreg s8;
	s8 =	sshrl.u32 s23, $0x3  }
0x16: {  	v2 =	vimm.f32 $0.0e+00;
	v1 =	vmul.u32 $0x8, v0;
	s19 =	simm.s32 $0xCE80;
	s22 =	simm.s32 $0x1B900;
	[dreg:$0xa] =	wrdreg s8  }
.LBB2_1:
0x17: {  	[dreg:$0xf] =	wrdreg s3  }
0x18: {  	s0 =	rddreg [dreg:$0x3]  }
0x19: {  	s23 =	rddreg [dreg:$0x4]  }
0x1a: {  	s8 =	rddreg [dreg:$0xa]  }
0x1b: {  	[spmem:s8], [sflag:s23] =	dma.local [hbm:s0], $0x620  }
0x1c: {  	_ =	swait.ge [sflag:s18], $0x620  }
0x1d: {  	[sflag:s18] =	ssyncset.done $0x0  }
0x1e: {  	s24 =	rddreg [dreg:$0xb];
	[sflag:s18] =	ssyncadd.s32 $0xFFFFF9E0  }
0x1f: {  	[spmem:s24], [sflag:s23] =	dma.local [hbm:s0], $0x620  }
0x20: {  	_ =	swait.ge [sflag:s18], $0x620  }
0x21: {  	[sflag:s18] =	ssyncset.done $0x0  }
0x22: {  	s26 =	rddreg [dreg:$0xc];
	[sflag:s18] =	ssyncadd.s32 $0xFFFFF9E0  }
0x23: {  	v3 =	vmov s2;
	[spmem:s26], [sflag:s23] =	dma.local [hbm:s0], $0x620  }
0x24: {  	v3 =	vshll.u32 v3, $0x3;
	_ =	swait.ge [sflag:s18], $0x620  }
0x25: {  	v4 =	vor.u32 v1, v3;
	[sflag:s18] =	ssyncset.done $0x0  }
0x26: {  	v3 =	vor.u32 $0x3, v4;
	s30 =	rddreg [dreg:$0xd];
	[sflag:s18] =	ssyncadd.s32 $0xFFFFF9E0  }
0x27: {  	v6 =	vor.u32 $0x4, v4;
	[spmem:s30], [sflag:s23] =	dma.local [hbm:s0], $0x620  }
0x28: {  	_ =	swait.ge [sflag:s18], $0x620  }
0x29: {  	s31 =	simm.s32 $0x10;
	[sflag:s18] =	ssyncset.done $0x0  }
0x2a: {  	v5 =	vmov s31;
	v8 =	vor.u32 $0x5, v4;
	[sflag:s18] =	ssyncadd.s32 $0xFFFFF9E0  }
0x2b: {  	v7 =	vshll.u32 v5, $0x3;
	v5 =	vor.u32 $0x6, v4;
	[tilespmem:v3+s22+$0x0] =	vst.idx.msk $0xffff, v2  }
0x2c: {  	v3 =	vor.u32 v1, v7;
	[tilespmem:v6+s22+$0x0] =	vst.idx.msk $0xffff, v2;
	v6 =	vor.u32 $0x7, v4  }
0x2d: {  	v7 =	vor.u32 $0x3, v3;
	_ =	sdelay $0x1  }
0x2e: {  	s10 =	simm.s32 $0x20;
	v4 =	vor.u32 $0x4, v3;
	[tilespmem:v8+s22+$0x0] =	vst.idx.msk $0xffff, v2  }
.LBB2_2:
0x2f: {  	v8 =	vmov s10;
	v9 =	vor.u32 $0x5, v3;
	[tilespmem:v5+s22+$0x0] =	vst.idx.msk $0xffff, v2;
	p0 =	sne.s32 s10, $0x6F0  }
.Ltmp0:
0x30: {  	v5 =	vor.u32 $0x6, v3;
	v8 =	vshll.u32 v8, $0x3;
	[tilespmem:v6+s22+$0x0] =	vst.idx.msk $0xffff, v2;
	(pc) =	sbr.rel @p0 .LBB2_2-.Ltmp0, $4  }
0x31: {  	v6 =	vor.u32 $0x7, v3;
	[tilespmem:v7+s22+$0x0] =	vst.idx.msk $0xffff, v2;
	v3 =	vor.u32 v1, v8  }
0x32: {  	v7 =	vor.u32 $0x3, v3  }
0x33: {  	[tilespmem:v4+s22+$0x0] =	vst.idx.msk $0xffff, v2  }
0x34: {  	s10 =	sadd.s32 $0x10, s10;
	v4 =	vor.u32 $0x4, v3;
	[tilespmem:v9+s22+$0x0] =	vst.idx.msk $0xffff, v2  }
0x35: {  	_ =	sdelay $0x2  }
0x36: {  	v8 =	vor.u32 $0x5, v3  }
0x37: {  	[tilespmem:v5+s22+$0x0] =	vst.idx.msk $0xffff, v2;
	v63 =	vor.u32 $0x6, v3  }
0x38: {  	v3 =	vor.u32 $0x7, v3;
	[tilespmem:v6+s22+$0x0] =	vst.idx.msk $0xffff, v2  }
0x39: {  	[tilespmem:v7+s22+$0x0] =	vst.idx.msk $0xffff, v2  }
0x3a: {  	[tilespmem:v4+s22+$0x0] =	vst.idx.msk $0xffff, v2  }
0x3b: {  	[tilespmem:v8+s22+$0x0] =	vst.idx.msk $0xffff, v2  }
0x3c: {  	[tilespmem:v63+s22+$0x0] =	vst.idx.msk $0xffff, v2  }
0x3d: {  	[tilespmem:v3+s22+$0x0] =	vst.idx.msk $0xffff, v2  }
.Ltmp1:
0x3e: {  	[bflag:$0x0] =	sbarrier.arrive $0xFFFF;
	(pc) =	sbr.rel .LBB2_4-.Ltmp1, $4  }
0x3f: {  	s13 =	simm.s32 $0x0;
	s0 =	rddreg [dreg:$0x5]  }
0x40: {  	[tilespmem:s17], [sflag:$0x1] =	stream.linear.gather [hbm4b:s0+s13], $0x380, $0x38;
	[tilespmem:$0x1F100] =	vst v63  }
0x41: {  	s31 =	rddreg [dreg:$0x6]  }
0x42: {  	[tilespmem:s19], [sflag:$0x1] =	stream.linear.gather [hbm4b:s31+s13], $0x380, $0x38;
	[tilespmem:$0x1F100] =	vst v63  }
.LBB2_16:
0x43: {  	p0 =	slt.u32 s10, $0xE0  }
.Ltmp2:
0x44: {  	_ = 	snop;
	(pc) =	sbr.rel @!p0 .LBB2_17-.Ltmp2, $2  }
0x45: {  	_ =	sdelay $0x2  }
0x46: {  	s13 =	smov.u32 s10  }
.LBB2_4:
0x47: {  	p0 =	seq.s32 s13, $0xDF  }
.Ltmp3:
0x48: {  	_ = 	snop;
	(pc) =	sbr.rel @p0 .LBB2_7-.Ltmp3, $2  }
0x49: {  	_ =	sdelay $0x2  }
0x4a: {  	s10 =	simm.s32 $0x2  }
0x4b: {  	s0 =	smul.u32 $0xAB, s13;
	_ =	sdelay $0x1  }
0x4c: {  	s0 =	sshrl.u32 s0, $0x9  }
0x4d: {  	s0 =	sand.u32 $0x7F, s0  }
0x4e: {  	_ =	swait.ge [sflag:s12], $0x380;
	s0 =	smul.u32 $0x3, s0  }
0x4f: {  	[sflag:s12] =	ssyncset.done $0x0  }
0x50: {  	[sflag:s12] =	ssyncadd.s32 $0xFFFFFC80;
	s0 =	ssub.s32 s13, s0  }
0x51: {  	_ =	swait.ge [sflag:s12], $0x380;
	s0 =	sand.u32 $0xFF, s0  }
0x52: {  	s26 =	sand.u32 $0x1, s13;
	[sflag:s12] =	ssyncset.done $0x0;
	s14 =	smul.u32 $0x380, s0  }
0x53: {  	p0 =	seq.s32 s26, $0x0;
	[sflag:s12] =	ssyncadd.s32 $0xFFFFFC80  }
.Ltmp4:
0x54: {  	s8 =	sadd.s32 $0xC400, s14;
	s3 =	sadd.s32 $0xCE80, s14;
	(pc) =	sbr.rel @!p0 .LBB2_6-.Ltmp4, $4  }
0x55: {  	s0 =	sadd.s32 $0xC480, s14;
	s26 =	sadd.s32 $0xCF00, s14;
	s23 =	sadd.s32 $0xC500, s14  }
0x56: {  	s24 =	sadd.s32 $0xCF80, s14;
	s21 =	sadd.s32 $0xC580, s14;
	s20 =	sor.u32 $0xD000, s14  }
0x57: {  	s19 =	sadd.s32 $0xC600, s14;
	s17 =	sadd.s32 $0xD080, s14;
	s31 =	sadd.s32 $0xC680, s14  }
0x58: {  	s30 =	sadd.s32 $0xD100, s14;
	s16 =	sadd.s32 $0xC700, s14;
	s14 =	sadd.s32 $0xD180, s14  }
0x59: {  	[tilespmem:s28], [sflag:$0x2] =	stream.indirect.gather [hbm4b:s4+s11], $0x10, s8, s11, $0xb8;
	[tilespmem:$0x1F100] =	vst v63  }
0x5a: {  	_ = 	snop  }
0x5b: {  	[tilespmem:s29], [sflag:$0x2] =	stream.indirect.gather [hbm4b:s4+s11], $0x10, s3, s11, $0xb8;
	[tilespmem:$0x1F100] =	vst v63  }
0x5c: {  	s9 =	simm.s32 $0xE100  }
0x5d: {  	[tilespmem:s9], [sflag:$0x2] =	stream.indirect.gather [hbm4b:s4+s11], $0x10, s0, s11, $0xb8;
	[tilespmem:$0x1F100] =	vst v63  }
0x5e: {  	s10 =	simm.s32 $0x15100  }
0x5f: {  	[tilespmem:s10], [sflag:$0x2] =	stream.indirect.gather [hbm4b:s4+s11], $0x10, s26, s11, $0xb8;
	[tilespmem:$0x1F100] =	vst v63  }
0x60: {  	s3 =	simm.s32 $0xE900  }
0x61: {  	[tilespmem:s3], [sflag:$0x2] =	stream.indirect.gather [hbm4b:s4+s11], $0x10, s23, s11, $0xb8;
	[tilespmem:$0x1F100] =	vst v63  }
0x62: {  	s8 =	simm.s32 $0x15900  }
0x63: {  	[tilespmem:s8], [sflag:$0x2] =	stream.indirect.gather [hbm4b:s4+s11], $0x10, s24, s11, $0xb8;
	[tilespmem:$0x1F100] =	vst v63  }
0x64: {  	s9 =	simm.s32 $0xF100  }
0x65: {  	[tilespmem:s9], [sflag:$0x2] =	stream.indirect.gather [hbm4b:s4+s11], $0x10, s21, s11, $0xb8;
	[tilespmem:$0x1F100] =	vst v63  }
0x66: {  	s10 =	simm.s32 $0x16100  }
0x67: {  	[tilespmem:s10], [sflag:$0x2] =	stream.indirect.gather [hbm4b:s4+s11], $0x10, s20, s11, $0xb8;
	[tilespmem:$0x1F100] =	vst v63  }
0x68: {  	s21 =	simm.s32 $0xF900  }
0x69: {  	[tilespmem:s21], [sflag:$0x2] =	stream.indirect.gather [hbm4b:s4+s11], $0x10, s19, s11, $0xb8;
	[tilespmem:$0x1F100] =	vst v63  }
0x6a: {  	s23 =	simm.s32 $0x16900  }
0x6b: {  	[tilespmem:s23], [sflag:$0x2] =	stream.indirect.gather [hbm4b:s4+s11], $0x10, s17, s11, $0xb8;
	[tilespmem:$0x1F100] =	vst v63  }
0x6c: {  	s24 =	simm.s32 $0x10100  }
0x6d: {  	[tilespmem:s24], [sflag:$0x2] =	stream.indirect.gather [hbm4b:s4+s11], $0x10, s31, s11, $0xb8;
	[tilespmem:$0x1F100] =	vst v63  }
0x6e: {  	p0 =	seq.s32 s13, $0x0;
	s26 =	simm.s32 $0x17100  }
0x6f: {  	[tilespmem:s26], [sflag:$0x2] =	stream.indirect.gather [hbm4b:s4+s11], $0x10, s30, s11, $0xb8;
	[tilespmem:$0x1F100] =	vst v63  }
.Ltmp5:
0x70: {  	_ = 	snop;
	(pc) =	sbr.rel @!p0 .LBB2_7-.Ltmp5, $4  }
0x71: {  	s30 =	simm.s32 $0x10900  }
0x72: {  	[tilespmem:s30], [sflag:$0x2] =	stream.indirect.gather [hbm4b:s4+s11], $0x10, s16, s11, $0xb8;
	[tilespmem:$0x1F100] =	vst v63  }
0x73: {  	s10 =	simm.s32 $0x3;
	s31 =	simm.s32 $0x17900  }
0x74: {  	[tilespmem:s31], [sflag:$0x2] =	stream.indirect.gather [hbm4b:s4+s11], $0x10, s14, s11, $0xb8;
	[tilespmem:$0x1F100] =	vst v63  }
.Ltmp6:
0x75: {  	(pc) =	sbr.rel .LBB2_11-.Ltmp6, $2  }
0x76: {  	_ =	sdelay $0x2  }
0x77: {  	p0 =	por $0x1, $0x1  }
.LBB2_6:
0x78: {  	s9 =	smov.u32 s7  }
0x79: {  	s7 =	smov.u32 s6;
	s6 =	smov.u32 s5;
	s5 =	simm.s32 $0x11100  }
0x7a: {  	[tilespmem:s5], [sflag:$0x3] =	stream.indirect.gather [hbm4b:s4+s11], $0x10, s8, s11, $0xb8;
	[tilespmem:$0x1F100] =	vst v63  }
0x7b: {  	s5 =	smov.u32 s6  }
0x7c: {  	s6 =	smov.u32 s7;
	s7 =	smov.u32 s9;
	s9 =	simm.s32 $0x18100  }
0x7d: {  	[tilespmem:s9], [sflag:$0x3] =	stream.indirect.gather [hbm4b:s4+s11], $0x10, s3, s11, $0xb8;
	[tilespmem:$0x1F100] =	vst v63  }
0x7e: {  	s8 =	simm.s32 $0x11900  }
0x7f: {  	[tilespmem:s8], [sflag:$0x3] =	stream.indirect.gather [hbm4b:s4+s11], $0x10, s0, s11, $0xb8;
	[tilespmem:$0x1F100] =	vst v63  }
0x80: {  	s9 =	simm.s32 $0x18900  }
0x81: {  	[tilespmem:s9], [sflag:$0x3] =	stream.indirect.gather [hbm4b:s4+s11], $0x10, s26, s11, $0xb8;
	[tilespmem:$0x1F100] =	vst v63  }
0x82: {  	s26 =	simm.s32 $0x12100  }
0x83: {  	[tilespmem:s26], [sflag:$0x3] =	stream.indirect.gather [hbm4b:s4+s11], $0x10, s23, s11, $0xb8;
	[tilespmem:$0x1F100] =	vst v63  }
0x84: {  	s3 =	simm.s32 $0x19100  }
0x85: {  	[tilespmem:s3], [sflag:$0x3] =	stream.indirect.gather [hbm4b:s4+s11], $0x10, s24, s11, $0xb8;
	[tilespmem:$0x1F100] =	vst v63  }
0x86: {  	s8 =	simm.s32 $0x12900  }
0x87: {  	[tilespmem:s8], [sflag:$0x3] =	stream.indirect.gather [hbm4b:s4+s11], $0x10, s21, s11, $0xb8;
	[tilespmem:$0x1F100] =	vst v63  }
0x88: {  	s9 =	simm.s32 $0x19900  }
0x89: {  	[tilespmem:s9], [sflag:$0x3] =	stream.indirect.gather [hbm4b:s4+s11], $0x10, s20, s11, $0xb8;
	[tilespmem:$0x1F100] =	vst v63  }
0x8a: {  	s21 =	simm.s32 $0x13100  }
0x8b: {  	[tilespmem:s21], [sflag:$0x3] =	stream.indirect.gather [hbm4b:s4+s11], $0x10, s19, s11, $0xb8;
	[tilespmem:$0x1F100] =	vst v63  }
0x8c: {  	s23 =	simm.s32 $0x1A100  }
0x8d: {  	[tilespmem:s23], [sflag:$0x3] =	stream.indirect.gather [hbm4b:s4+s11], $0x10, s17, s11, $0xb8;
	[tilespmem:$0x1F100] =	vst v63  }
0x8e: {  	s24 =	simm.s32 $0x13900  }
0x8f: {  	[tilespmem:s24], [sflag:$0x3] =	stream.indirect.gather [hbm4b:s4+s11], $0x10, s31, s11, $0xb8;
	[tilespmem:$0x1F100] =	vst v63  }
0x90: {  	s26 =	simm.s32 $0x1A900  }
0x91: {  	[tilespmem:s26], [sflag:$0x3] =	stream.indirect.gather [hbm4b:s4+s11], $0x10, s30, s11, $0xb8;
	[tilespmem:$0x1F100] =	vst v63  }
0x92: {  	s30 =	simm.s32 $0x14100  }
0x93: {  	[tilespmem:s30], [sflag:$0x3] =	stream.indirect.gather [hbm4b:s4+s11], $0x10, s16, s11, $0xb8;
	[tilespmem:$0x1F100] =	vst v63  }
0x94: {  	s31 =	simm.s32 $0x1B100  }
0x95: {  	[tilespmem:s31], [sflag:$0x3] =	stream.indirect.gather [hbm4b:s4+s11], $0x10, s14, s11, $0xb8;
	[tilespmem:$0x1F100] =	vst v63  }
.LBB2_7:
0x96: {  	_ =	swait.ge [sflag:s10], $0x800  }
0x97: {  	[sflag:s10] =	ssyncset.done $0x0  }
0x98: {  	[sflag:s10] =	ssyncadd.s32 $0xFFFFF800  }
0x99: {  	_ =	swait.ge [sflag:s10], $0x800  }
0x9a: {  	[sflag:s10] =	ssyncset.done $0x0  }
0x9b: {  	[sflag:s10] =	ssyncadd.s32 $0xFFFFF800  }
0x9c: {  	_ =	swait.ge [sflag:s10], $0x800  }
0x9d: {  	[sflag:s10] =	ssyncset.done $0x0  }
0x9e: {  	[sflag:s10] =	ssyncadd.s32 $0xFFFFF800  }
0x9f: {  	_ =	swait.ge [sflag:s10], $0x800  }
0xa0: {  	[sflag:s10] =	ssyncset.done $0x0  }
0xa1: {  	[sflag:s10] =	ssyncadd.s32 $0xFFFFF800  }
0xa2: {  	_ =	swait.ge [sflag:s10], $0x800  }
0xa3: {  	[sflag:s10] =	ssyncset.done $0x0  }
0xa4: {  	[sflag:s10] =	ssyncadd.s32 $0xFFFFF800  }
0xa5: {  	_ =	swait.ge [sflag:s10], $0x800  }
0xa6: {  	[sflag:s10] =	ssyncset.done $0x0  }
0xa7: {  	[sflag:s10] =	ssyncadd.s32 $0xFFFFF800  }
0xa8: {  	_ =	swait.ge [sflag:s10], $0x800  }
0xa9: {  	[sflag:s10] =	ssyncset.done $0x0  }
0xaa: {  	[sflag:s10] =	ssyncadd.s32 $0xFFFFF800  }
0xab: {  	_ =	swait.ge [sflag:s10], $0x800  }
0xac: {  	[sflag:s10] =	ssyncset.done $0x0  }
0xad: {  	[sflag:s10] =	ssyncadd.s32 $0xFFFFF800  }
0xae: {  	_ =	swait.ge [sflag:s10], $0x800  }
0xaf: {  	[sflag:s10] =	ssyncset.done $0x0  }
0xb0: {  	[sflag:s10] =	ssyncadd.s32 $0xFFFFF800  }
0xb1: {  	_ =	swait.ge [sflag:s10], $0x800  }
0xb2: {  	[sflag:s10] =	ssyncset.done $0x0  }
0xb3: {  	[sflag:s10] =	ssyncadd.s32 $0xFFFFF800  }
0xb4: {  	_ =	swait.ge [sflag:s10], $0x800  }
0xb5: {  	[sflag:s10] =	ssyncset.done $0x0  }
0xb6: {  	[sflag:s10] =	ssyncadd.s32 $0xFFFFF800  }
0xb7: {  	_ =	swait.ge [sflag:s10], $0x800  }
0xb8: {  	[sflag:s10] =	ssyncset.done $0x0  }
0xb9: {  	[sflag:s10] =	ssyncadd.s32 $0xFFFFF800  }
0xba: {  	p1 =	sgt.u32 s13, $0x1;
	_ =	swait.ge [sflag:s10], $0x800  }
.Ltmp7:
0xbb: {  	[sflag:s10] =	ssyncset.done $0x0;
	(pc) =	sbr.rel @!p1 .LBB2_11-.Ltmp7, $4  }
0xbc: {  	[sflag:s10] =	ssyncadd.s32 $0xFFFFF800  }
0xbd: {  	_ =	swait.ge [sflag:s10], $0x800  }
0xbe: {  	[sflag:s10] =	ssyncset.done $0x0  }
0xbf: {  	p0 =	por $0x0, $0x0;
	[sflag:s10] =	ssyncadd.s32 $0xFFFFF800  }
0xc0: {  	_ =	swait.ge [sflag:s25], $0x400  }
0xc1: {  	[sflag:s25] =	ssyncset.done $0x0  }
0xc2: {  	[sflag:s25] =	ssyncadd.s32 $0xFFFFFC00  }
0xc3: {  	_ =	swait.ge [sflag:s25], $0x400  }
0xc4: {  	[sflag:s25] =	ssyncset.done $0x0  }
0xc5: {  	[sflag:s25] =	ssyncadd.s32 $0xFFFFFC00  }
0xc6: {  	_ =	swait.ge [sflag:s25], $0x400  }
0xc7: {  	[sflag:s25] =	ssyncset.done $0x0  }
0xc8: {  	[sflag:s25] =	ssyncadd.s32 $0xFFFFFC00  }
0xc9: {  	_ =	swait.ge [sflag:s25], $0x400  }
0xca: {  	[sflag:s25] =	ssyncset.done $0x0  }
0xcb: {  	[sflag:s25] =	ssyncadd.s32 $0xFFFFFC00  }
0xcc: {  	_ =	swait.ge [sflag:s25], $0x400  }
0xcd: {  	[sflag:s25] =	ssyncset.done $0x0  }
0xce: {  	[sflag:s25] =	ssyncadd.s32 $0xFFFFFC00  }
0xcf: {  	p1 =	sgt.u32 s13, $0xDD;
	_ =	swait.ge [sflag:s25], $0x400  }
.Ltmp8:
0xd0: {  	[sflag:s25] =	ssyncset.done $0x0;
	(pc) =	sbr.rel @p1 .LBB2_13-.Ltmp8, $4  }
.Ltmp9:
0xd1: {  	[sflag:s25] =	ssyncadd.s32 $0xFFFFFC00;
	(pc) =	sbr.rel @!p1 .LBB2_12-.Ltmp9, $4  }
0xd2: {  	_ =	swait.ge [sflag:s25], $0x400  }
0xd3: {  	[sflag:s25] =	ssyncset.done $0x0  }
0xd4: {  	s10 =	sadd.s32 $0x1, s13;
	p0 =	por $0x0, $0x0;
	[sflag:s25] =	ssyncadd.s32 $0xFFFFFC00  }
0xd5: {  	_ = 	snop  }
.LBB2_11:
0xd6: {  	s10 =	sadd.s32 $0x1, s13  }
.LBB2_12:
0xd7: {  	s0 =	smul.u32 $0xAB, s10;
	_ =	sdelay $0x1  }
0xd8: {  	s0 =	sshrl.u32 s0, $0x9  }
0xd9: {  	s0 =	sand.u32 $0x7F, s0  }
0xda: {  	s0 =	smul.u32 $0x3, s0;
	_ =	sdelay $0x1  }
0xdb: {  	s3 =	smul.u32 $0x380, s10;
	s0 =	ssub.s32 s10, s0  }
0xdc: {  	s0 =	sand.u32 $0xFF, s0  }
0xdd: {  	s3 =	sadd.s32 s7, s3;
	s0 =	smul.u32 $0x380, s0  }
.Ltmp10:
0xde: {  	s3 =	sshrl.u32 s3, $0x3;
	(pc) =	sbr.rel @p0 .LBB2_16-.Ltmp10, $4  }
0xdf: {  	s14 =	sadd.s32 s5, s3;
	s8 =	sadd.s32 $0xC400, s0  }
0xe0: {  	[tilespmem:s8], [sflag:$0x1] =	stream.linear.gather [hbm4b:s14+s2], $0x380, $0x38;
	[tilespmem:$0x1F100] =	vst v63  }
0xe1: {  	s3 =	sadd.s32 s6, s3;
	s0 =	sadd.s32 $0xCE80, s0  }
0xe2: {  	[tilespmem:s0], [sflag:$0x1] =	stream.linear.gather [hbm4b:s3+s2], $0x380, $0x38;
	[tilespmem:$0x1F100] =	vst v63  }
.LBB2_13:
0xe3: {  	s13 =	sadd.s32 $0xFFFFFFFF, s13  }
0xe4: {  	s14 =	sand.u32 $0x1, s13  }
0xe5: {  	s30 =	smul.u32 $0x380, s14;
	_ =	sdelay $0x1  }
0xe6: {  	s0 =	sadd.s32 $0x0, s30  }
0xe7: {  	v4 =	vor.u32 s0, v0  }
0xe8: {  	v5 =	vshll.u32 v4, $0x4  }
0xe9: {  	v3 =	vor.u32 $0x1, v5;
	_ =	sdelay $0x2  }
0xea: {  	v7 =	vor.u32 $0x2, v5  }
0xeb: {  	v12 =	vld.idx.msk [tilespmem:v5+s29+$0x0], $0xffff  }
0xec: {  	v9 =	vld.idx.msk [tilespmem:v3+s28+$0x0], $0xffff  }
0xed: {  	v16 =	vld.idx.msk [tilespmem:v3+s29+$0x0], $0xffff  }
0xee: {  	v14 =	vld.idx.msk [tilespmem:v5+s28+$0x0], $0xffff  }
0xef: {  	v13 =	vld.idx.msk [tilespmem:v7+s28+$0x0], $0xffff  }
0xf0: {  	s31 =	sadd.s32 $0x10, s30;
	v8 =	vor.u32 $0xB, v5;
	v15 =	vld.idx.msk [tilespmem:v7+s29+$0x0], $0xffff  }
0xf1: {  	v6 =	vor.u32 $0x9, v5;
	v10 =	vor.u32 $0x8, v5;
	v3 =	vor.u32 s31, v0  }
0xf2: {  	s16 =	simm.s32 $0x20;
	v11 =	vor.u32 $0x5, v5;
	v7 =	vshll.u32 v3, $0x4;
	v9 =	vsub.f32 v16, v9  }
.LBB2_14:
0xf3: {  	p0 =	sne.s32 s16, $0x370;
	v16 =	vor.u32 $0x1, v7;
	v17 =	vor.u32 $0x9, v7;
	v12 =	vsub.f32 v12, v14;
	s31 =	smov.u32 s16;
	s16 =	sadd.s32 $0x10, s16  }
0xf4: {  	v14 =	vor.u32 $0xA, v5  }
0xf5: {  	v13 =	vsub.f32 v15, v13;
	v19 =	vmul.f32 v9, v9;
	v18 =	vld.idx.msk [tilespmem:v8+s29+$0x0], $0xffff;
	v15 =	vmul.f32 v12, v12  }
0xf6: {  	v20 =	vor.u32 $0x6, v5;
	v21 =	vld.idx.msk [tilespmem:v10+s29+$0x0], $0xffff  }
0xf7: {  	v22 =	vor.u32 $0x4, v5;
	v23 =	vld.idx.msk [tilespmem:v11+s29+$0x0], $0xffff;
	v15 =	vadd.f32 v19, v15;
	v19 =	vmul.f32 v13, v13  }
0xf8: {  	v24 =	vld.idx.msk [tilespmem:v6+s28+$0x0], $0xffff  }
0xf9: {  	v25 =	vor.u32 $0x7, v5;
	v26 =	vld.idx.msk [tilespmem:v14+s29+$0x0], $0xffff;
	v15 =	vadd.f32 v19, v15  }
0xfa: {  	v19 =	vor.u32 $0x3, v5;
	v5 =	vmov v7;
	v27 =	vld.idx.msk [tilespmem:v6+s29+$0x0], $0xffff;
	v6 =	vmov v17  }
0xfb: {  	v7 =	vld.idx.msk [tilespmem:v20+s29+$0x0], $0xffff;
	v15 =	vadd.f32 $9.999999930e-09, v15  }
0xfc: {  	v17 =	vld.idx.msk [tilespmem:v22+s29+$0x0], $0xffff  }
0xfd: {  	v20 =	vld.idx.msk [tilespmem:v20+s28+$0x0], $0xffff;
	(erf) = vrcp.f32 v15  }
0xfe: {  	v15 =	vld.idx.msk [tilespmem:v25+s29+$0x0], $0xffff  }
0xff: {  	v28 =	vld.idx.msk [tilespmem:v19+s29+$0x0], $0xffff  }
0x100: {  	v25 =	vld.idx.msk [tilespmem:v25+s28+$0x0], $0xffff  }
0x101: {  	v19 =	vld.idx.msk [tilespmem:v19+s28+$0x0], $0xffff  }
0x102: {  	v22 =	vld.idx.msk [tilespmem:v22+s28+$0x0], $0xffff  }
0x103: {  	v7 =	vsub.f32 v7, v20;
	v14 =	vld.idx.msk [tilespmem:v14+s28+$0x0], $0xffff  }
0x104: {  	v11 =	vld.idx.msk [tilespmem:v11+s28+$0x0], $0xffff  }
0x105: {  	v20 =	vshll.u32 v4, $0x3;
	v4 =	vmov v3;
	v10 =	vld.idx.msk [tilespmem:v10+s28+$0x0], $0xffff  }
0x106: {  	v3 =	vld.idx.msk [tilespmem:v8+s28+$0x0], $0xffff;
	v8 =	vsub.f32 v15, v25;
	v15 =	vsub.f32 v27, v24;
	v24 =	vor.u32 $0x2, v20;
	v25 =	vpop (erf)  }
0x107: {  	v19 =	vsub.f32 v28, v19;
	v12 =	vmul.f32 v25, v12;
	v9 =	vmul.f32 v25, v9  }
0x108: {  	v13 =	vmul.f32 v25, v13;
	v17 =	vsub.f32 v17, v22;
	v22 =	vor.u32 $0x1, v20  }
0x109: {  	v14 =	vsub.f32 v26, v14;
	v19 =	vmul.f32 v12, v19;
	v8 =	vmul.f32 v9, v8  }
0x10a: {  	v17 =	vmul.f32 v9, v17;
	v11 =	vsub.f32 v23, v11;
	v7 =	vmul.f32 v12, v7  }
0x10b: {  	v12 =	vmul.f32 v15, v12;
	v10 =	vsub.f32 v21, v10;
	v9 =	vmul.f32 v14, v9  }
0x10c: {  	v14 =	vadd.f32 v17, v19;
	v11 =	vmul.f32 v13, v11;
	v3 =	vsub.f32 v18, v3  }
0x10d: {  	v7 =	vadd.f32 v8, v7;
	v8 =	vmul.f32 v10, v13;
	v9 =	vadd.f32 v9, v12  }
0x10e: {  	v10 =	vadd.f32 v14, v11;
	v3 =	vmul.f32 v3, v13  }
0x10f: {  	v7 =	vadd.f32 v8, v7  }
0x110: {  	v3 =	vadd.f32 v3, v9;
	[tilespmem:v20+s22+$0x0] =	vst.idx.msk $0xffff, v10  }
0x111: {  	[tilespmem:v22+s22+$0x0] =	vst.idx.msk $0xffff, v7  }
0x112: {  	v7 =	vor.u32 $0x2, v5;
	[tilespmem:v24+s22+$0x0] =	vst.idx.msk $0xffff, v3  }
0x113: {  	v12 =	vld.idx.msk [tilespmem:v5+s29+$0x0], $0xffff  }
0x114: {  	v9 =	vld.idx.msk [tilespmem:v16+s28+$0x0], $0xffff  }
0x115: {  	v16 =	vld.idx.msk [tilespmem:v16+s29+$0x0], $0xffff  }
0x116: {  	v14 =	vld.idx.msk [tilespmem:v5+s28+$0x0], $0xffff  }
.Ltmp11:
0x117: {  	v13 =	vld.idx.msk [tilespmem:v7+s28+$0x0], $0xffff;
	(pc) =	sbr.rel @p0 .LBB2_14-.Ltmp11, $4  }
0x118: {  	v15 =	vld.idx.msk [tilespmem:v7+s29+$0x0], $0xffff  }
0x119: {  	s0 =	sadd.s32 s31, s30;
	v8 =	vor.u32 $0xB, v5  }
0x11a: {  	v10 =	vor.u32 $0x8, v5;
	v3 =	vor.u32 s0, v0  }
0x11b: {  	v11 =	vor.u32 $0x5, v5;
	v7 =	vshll.u32 v3, $0x4;
	v9 =	vsub.f32 v16, v9  }
0x11c: {  	_ =	sdelay $0x2  }
0x11d: {  	v12 =	vsub.f32 v12, v14  }
0x11e: {  	v17 =	vld.idx.msk [tilespmem:v8+s29+$0x0], $0xffff  }
0x11f: {  	v19 =	vld.idx.msk [tilespmem:v10+s29+$0x0], $0xffff;
	v13 =	vsub.f32 v15, v13;
	v16 =	vmul.f32 v9, v9;
	v53 =	vmul.f32 v12, v12  }
0x120: {  	v21 =	vld.idx.msk [tilespmem:v11+s29+$0x0], $0xffff  }
0x121: {  	v18 =	vor.u32 $0x6, v5;
	v22 =	vld.idx.msk [tilespmem:v6+s28+$0x0], $0xffff;
	v54 =	vmul.f32 v13, v13;
	v15 =	vadd.f32 v16, v53  }
0x122: {  	v20 =	vor.u32 $0x4, v5;
	v57 =	vld.idx.msk [tilespmem:v6+s29+$0x0], $0xffff  }
0x123: {  	v60 =	vld.idx.msk [tilespmem:v11+s28+$0x0], $0xffff;
	v15 =	vadd.f32 v54, v15  }
0x124: {  	v55 =	vor.u32 $0x7, v5;
	v61 =	vld.idx.msk [tilespmem:v10+s28+$0x0], $0xffff  }
0x125: {  	v56 =	vor.u32 $0x3, v5;
	v63 =	vld.idx.msk [tilespmem:v8+s28+$0x0], $0xffff;
	v15 =	vadd.f32 $9.999999930e-09, v15  }
0x126: {  	v24 =	vld.idx.msk [tilespmem:v18+s29+$0x0], $0xffff  }
0x127: {  	v25 =	vld.idx.msk [tilespmem:v20+s29+$0x0], $0xffff;
	(erf) = vrcp.f32 v15  }
0x128: {  	v58 =	vld.idx.msk [tilespmem:v18+s28+$0x0], $0xffff  }
0x129: {  	v52 =	vor.u32 $0xA, v5;
	v59 =	vld.idx.msk [tilespmem:v55+s29+$0x0], $0xffff  }
0x12a: {  	v26 =	vld.idx.msk [tilespmem:v56+s29+$0x0], $0xffff  }
0x12b: {  	v16 =	vld.idx.msk [tilespmem:v55+s28+$0x0], $0xffff  }
0x12c: {  	v5 =	vld.idx.msk [tilespmem:v56+s28+$0x0], $0xffff  }
0x12d: {  	v20 =	vld.idx.msk [tilespmem:v20+s28+$0x0], $0xffff  }
0x12e: {  	v23 =	vld.idx.msk [tilespmem:v52+s29+$0x0], $0xffff  }
0x12f: {  	v14 =	vld.idx.msk [tilespmem:v52+s28+$0x0], $0xffff;
	v6 =	vsub.f32 v57, v22  }
0x130: {  	v4 =	vshll.u32 v4, $0x3;
	v11 =	vsub.f32 v21, v60;
	v10 =	vsub.f32 v19, v61;
	v62 =	vpop (erf)  }
0x131: {  	v15 =	vsub.f32 v24, v58;
	v5 =	vsub.f32 v26, v5;
	v12 =	vmul.f32 v62, v12  }
0x132: {  	v16 =	vsub.f32 v59, v16;
	v25 =	vsub.f32 v25, v20;
	v24 =	vmul.f32 v62, v9  }
0x133: {  	v8 =	vsub.f32 v17, v63;
	v13 =	vmul.f32 v62, v13;
	v5 =	vmul.f32 v12, v5  }
0x134: {  	v14 =	vsub.f32 v23, v14;
	v16 =	vmul.f32 v24, v16;
	v18 =	vmul.f32 v24, v25  }
0x135: {  	v26 =	vor.u32 $0x1, v4;
	v15 =	vmul.f32 v12, v15;
	v6 =	vmul.f32 v6, v12  }
0x136: {  	v9 =	vmul.f32 v14, v24;
	v11 =	vmul.f32 v13, v11;
	v5 =	vadd.f32 v18, v5  }
0x137: {  	v27 =	vor.u32 $0x2, v4;
	v10 =	vmul.f32 v10, v13;
	v28 =	vadd.f32 v16, v15  }
0x138: {  	v8 =	vmul.f32 v8, v13;
	v6 =	vadd.f32 v9, v6;
	v5 =	vadd.f32 v5, v11  }
0x139: {  	v29 =	vor.u32 $0x1, v7;
	v10 =	vadd.f32 v10, v28  }
0x13a: {  	v30 =	vadd.f32 v8, v6;
	[tilespmem:v4+s22+$0x0] =	vst.idx.msk $0xffff, v5  }
0x13b: {  	[tilespmem:v26+s22+$0x0] =	vst.idx.msk $0xffff, v10  }
0x13c: {  	v31 =	vor.u32 $0x2, v7;
	[tilespmem:v27+s22+$0x0] =	vst.idx.msk $0xffff, v30  }
0x13d: {  	v4 =	vld.idx.msk [tilespmem:v7+s29+$0x0], $0xffff  }
0x13e: {  	v32 =	vld.idx.msk [tilespmem:v29+s28+$0x0], $0xffff  }
0x13f: {  	v33 =	vld.idx.msk [tilespmem:v29+s29+$0x0], $0xffff  }
0x140: {  	v34 =	vld.idx.msk [tilespmem:v7+s28+$0x0], $0xffff  }
0x141: {  	v10 =	vld.idx.msk [tilespmem:v31+s28+$0x0], $0xffff  }
0x142: {  	v35 =	vor.u32 $0xB, v7;
	v5 =	vld.idx.msk [tilespmem:v31+s29+$0x0], $0xffff  }
0x143: {  	v36 =	vor.u32 $0x8, v7  }
0x144: {  	v37 =	vor.u32 $0x5, v7  }
0x145: {  	v38 =	vor.u32 $0x9, v7;
	v6 =	vsub.f32 v33, v32;
	v4 =	vsub.f32 v4, v34  }
0x146: {  	v39 =	vor.u32 $0xA, v7  }
0x147: {  	v42 =	vld.idx.msk [tilespmem:v35+s29+$0x0], $0xffff;
	v5 =	vsub.f32 v5, v10;
	v40 =	vmul.f32 v4, v4;
	v41 =	vmul.f32 v6, v6  }
0x148: {  	v43 =	vor.u32 $0x6, v7;
	v44 =	vld.idx.msk [tilespmem:v36+s29+$0x0], $0xffff  }
0x149: {  	v46 =	vor.u32 $0x4, v7;
	v47 =	vld.idx.msk [tilespmem:v37+s29+$0x0], $0xffff;
	v45 =	vmul.f32 v5, v5;
	v10 =	vadd.f32 v41, v40  }
0x14a: {  	v48 =	vor.u32 $0x7, v7;
	v20 =	vld.idx.msk [tilespmem:v38+s28+$0x0], $0xffff  }
0x14b: {  	v50 =	vor.u32 $0x3, v7;
	v49 =	vld.idx.msk [tilespmem:v39+s29+$0x0], $0xffff;
	v10 =	vadd.f32 v45, v10  }
0x14c: {  	v8 =	vld.idx.msk [tilespmem:v38+s29+$0x0], $0xffff  }
0x14d: {  	v51 =	vld.idx.msk [tilespmem:v43+s29+$0x0], $0xffff;
	v10 =	vadd.f32 $9.999999930e-09, v10  }
0x14e: {  	v52 =	vld.idx.msk [tilespmem:v46+s29+$0x0], $0xffff  }
0x14f: {  	v54 =	vld.idx.msk [tilespmem:v48+s29+$0x0], $0xffff;
	(erf) = vrcp.f32 v10  }
0x150: {  	v55 =	vld.idx.msk [tilespmem:v50+s29+$0x0], $0xffff  }
0x151: {  	v14 =	vld.idx.msk [tilespmem:v48+s28+$0x0], $0xffff  }
0x152: {  	v7 =	vld.idx.msk [tilespmem:v50+s28+$0x0], $0xffff  }
0x153: {  	v18 =	vld.idx.msk [tilespmem:v46+s28+$0x0], $0xffff  }
0x154: {  	v9 =	vld.idx.msk [tilespmem:v39+s28+$0x0], $0xffff  }
0x155: {  	v13 =	vld.idx.msk [tilespmem:v37+s28+$0x0], $0xffff  }
0x156: {  	v53 =	vld.idx.msk [tilespmem:v43+s28+$0x0], $0xffff  }
0x157: {  	v3 =	vshll.u32 v3, $0x3;
	v12 =	vld.idx.msk [tilespmem:v36+s28+$0x0], $0xffff  }
0x158: {  	v58 =	vor.u32 $0x1, v3;
	v11 =	vld.idx.msk [tilespmem:v35+s28+$0x0], $0xffff;
	v14 =	vsub.f32 v54, v14;
	v8 =	vsub.f32 v8, v20;
	v56 =	vpop (erf)  }
0x159: {  	v7 =	vsub.f32 v55, v7;
	v57 =	vsub.f32 v52, v18;
	v4 =	vmul.f32 v56, v4  }
0x15a: {  	v9 =	vsub.f32 v49, v9;
	v13 =	vsub.f32 v47, v13;
	v6 =	vmul.f32 v56, v6  }
0x15b: {  	s0 =	smulhi.u32 $0xAAAAAAAB, s13;
	v10 =	vsub.f32 v51, v53;
	v5 =	vmul.f32 v56, v5;
	v7 =	vmul.f32 v4, v7  }
0x15c: {  	v12 =	vsub.f32 v44, v12;
	v14 =	vmul.f32 v6, v14;
	v16 =	vmul.f32 v6, v57  }
0x15d: {  	s0 =	sshrl.u32 s0, $0x1;
	v60 =	vsub.f32 v42, v11;
	v10 =	vmul.f32 v4, v10;
	v4 =	vmul.f32 v8, v4  }
0x15e: {  	s0 =	smul.u32 $0x3, s0;
	v6 =	vmul.f32 v9, v6;
	v59 =	vmul.f32 v5, v13;
	v7 =	vadd.f32 v16, v7  }
0x15f: {  	v61 =	vor.u32 $0x2, v3;
	v12 =	vmul.f32 v12, v5;
	v10 =	vadd.f32 v14, v10  }
0x160: {  	s3 =	smul.u32 $0x7000, s14;
	s0 =	ssub.s32 s13, s0;
	v5 =	vmul.f32 v60, v5;
	v4 =	vadd.f32 v6, v4;
	v62 =	vadd.f32 v7, v59  }
0x161: {  	s0 =	smul.u32 $0xE00, s0;
	v63 =	vadd.f32 v12, v10  }
0x162: {  	[tilespmem:v3+s22+$0x0] =	vst.idx.msk $0xffff, v62;
	v3 =	vadd.f32 v5, v4  }
0x163: {  	s3 =	sshrl.u32 s3, $0x2;
	s0 =	sshrl.u32 s0, $0x2;
	[tilespmem:v58+s22+$0x0] =	vst.idx.msk $0xffff, v63  }
0x164: {  	s8 =	sadd.s32 $0x1B900, s3;
	s14 =	sadd.s32 $0xC400, s0;
	[tilespmem:v61+s22+$0x0] =	vst.idx.msk $0xffff, v3  }
0x165: {  	[spmem:s1] =	stream.indirect.scatter.add.f32 [tilespmem:s8], [sflag:$0x4], $0x8, s14, s11, $0xb8;
	[tilespmem:$0x1F100] =	vst v63  }
0x166: {  	s16 =	sadd.s32 $0x1BD00, s3;
	s17 =	sadd.s32 $0xC480, s0  }
0x167: {  	[spmem:s1] =	stream.indirect.scatter.add.f32 [tilespmem:s16], [sflag:$0x4], $0x8, s17, s11, $0xb8;
	[tilespmem:$0x1F100] =	vst v63  }
0x168: {  	s19 =	sor.u32 $0x1C100, s3;
	s20 =	sadd.s32 $0xC500, s0  }
0x169: {  	[spmem:s1] =	stream.indirect.scatter.add.f32 [tilespmem:s19], [sflag:$0x4], $0x8, s20, s11, $0xb8;
	[tilespmem:$0x1F100] =	vst v63  }
0x16a: {  	s21 =	sadd.s32 $0x1C500, s3;
	s23 =	sadd.s32 $0xC580, s0  }
0x16b: {  	[spmem:s1] =	stream.indirect.scatter.add.f32 [tilespmem:s21], [sflag:$0x4], $0x8, s23, s11, $0xb8;
	[tilespmem:$0x1F100] =	vst v63  }
0x16c: {  	s24 =	sadd.s32 $0x1C900, s3;
	s26 =	sadd.s32 $0xC600, s0  }
0x16d: {  	[spmem:s1] =	stream.indirect.scatter.add.f32 [tilespmem:s24], [sflag:$0x4], $0x8, s26, s11, $0xb8;
	[tilespmem:$0x1F100] =	vst v63  }
.Ltmp12:
0x16e: {  	_ = 	snop;
	(pc) =	sbr.rel .LBB2_16-.Ltmp12, $4  }
0x16f: {  	s30 =	sadd.s32 $0x1CD00, s3;
	s31 =	sadd.s32 $0xC680, s0  }
0x170: {  	[spmem:s1] =	stream.indirect.scatter.add.f32 [tilespmem:s30], [sflag:$0x4], $0x8, s31, s11, $0xb8;
	[tilespmem:$0x1F100] =	vst v63  }
0x171: {  	s3 =	sadd.s32 $0x1D100, s3;
	s0 =	sadd.s32 $0xC700, s0  }
0x172: {  	[spmem:s1] =	stream.indirect.scatter.add.f32 [tilespmem:s3], [sflag:$0x4], $0x8, s0, s11, $0xb8;
	[tilespmem:$0x1F100] =	vst v63  }
.LBB2_17:
0x173: {  	_ =	swait.ge [sflag:s25], $0x400  }
0x174: {  	[sflag:s25] =	ssyncset.done $0x0  }
0x175: {  	[sflag:s25] =	ssyncadd.s32 $0xFFFFFC00  }
0x176: {  	_ =	swait.ge [sflag:s25], $0x400  }
0x177: {  	[sflag:s25] =	ssyncset.done $0x0  }
0x178: {  	[sflag:s25] =	ssyncadd.s32 $0xFFFFFC00  }
0x179: {  	_ =	swait.ge [sflag:s25], $0x400  }
0x17a: {  	[sflag:s25] =	ssyncset.done $0x0  }
0x17b: {  	[sflag:s25] =	ssyncadd.s32 $0xFFFFFC00  }
0x17c: {  	_ =	swait.ge [sflag:s25], $0x400  }
0x17d: {  	[sflag:s25] =	ssyncset.done $0x0  }
0x17e: {  	[sflag:s25] =	ssyncadd.s32 $0xFFFFFC00  }
0x17f: {  	_ =	swait.ge [sflag:s25], $0x400  }
0x180: {  	[sflag:s25] =	ssyncset.done $0x0  }
0x181: {  	[sflag:s25] =	ssyncadd.s32 $0xFFFFFC00  }
0x182: {  	_ =	swait.ge [sflag:s25], $0x400  }
0x183: {  	[sflag:s25] =	ssyncset.done $0x0  }
0x184: {  	[sflag:s25] =	ssyncadd.s32 $0xFFFFFC00  }
0x185: {  	_ =	swait.ge [sflag:s25], $0x400  }
0x186: {  	s0 =	simm.s32 $0x0;
	[sflag:s25] =	ssyncset.done $0x0  }
0x187: {  	s8 =	simm.s32 $0xC400;
	s3 =	rddreg [dreg:$0x7];
	[sflag:s25] =	ssyncadd.s32 $0xFFFFFC00  }
0x188: {  	[tilespmem:s8], [sflag:$0x5] =	stream.linear.gather [hbm4b:s3+s0], $0xC0, $0x38;
	[tilespmem:$0x1F100] =	vst v63  }
0x189: {  	_ =	swait.ge [sflag:s18], $0xC0  }
0x18a: {  	[sflag:s18] =	ssyncset.done $0x0  }
0x18b: {  	s10 =	simm.s32 $0xCE80;
	s19 =	rddreg [dreg:$0x8];
	[sflag:s18] =	ssyncadd.s32 $0xFFFFFF40  }
0x18c: {  	[tilespmem:s10], [sflag:$0x5] =	stream.linear.gather [hbm4b:s19+s0], $0xC0, $0x38;
	[tilespmem:$0x1F100] =	vst v63  }
0x18d: {  	_ =	swait.ge [sflag:s18], $0xC0  }
0x18e: {  	[sflag:s18] =	ssyncset.done $0x0  }
0x18f: {  	s3 =	simm.s32 $0x40;
	[sflag:s18] =	ssyncadd.s32 $0xFFFFFF40  }
0x190: {  	[tilespmem:s28], [sflag:$0x5] =	stream.indirect.gather [hbm4b:s4+s3], $0x10, s8, s3, $0xb8;
	[tilespmem:$0x1F100] =	vst v63  }
0x191: {  	_ =	swait.ge [sflag:s18], $0x400  }
0x192: {  	[sflag:s18] =	ssyncset.done $0x0  }
0x193: {  	[sflag:s18] =	ssyncadd.s32 $0xFFFFFC00  }
0x194: {  	[tilespmem:s29], [sflag:$0x5] =	stream.indirect.gather [hbm4b:s4+s3], $0x10, s10, s3, $0xb8;
	[tilespmem:$0x1F100] =	vst v63  }
0x195: {  	_ =	swait.ge [sflag:s18], $0x400  }
0x196: {  	[sflag:s18] =	ssyncset.done $0x0  }
0x197: {  	s20 =	simm.s32 $0xDD00;
	s8 =	simm.s32 $0xC440;
	[sflag:s18] =	ssyncadd.s32 $0xFFFFFC00  }
0x198: {  	[tilespmem:s20], [sflag:$0x5] =	stream.indirect.gather [hbm4b:s4+s3], $0x10, s8, s3, $0xb8;
	[tilespmem:$0x1F100] =	vst v63  }
0x199: {  	_ =	swait.ge [sflag:s18], $0x400  }
0x19a: {  	[sflag:s18] =	ssyncset.done $0x0  }
0x19b: {  	s21 =	simm.s32 $0xCEC0;
	s13 =	simm.s32 $0x14D00;
	[sflag:s18] =	ssyncadd.s32 $0xFFFFFC00  }
0x19c: {  	[tilespmem:s13], [sflag:$0x5] =	stream.indirect.gather [hbm4b:s4+s3], $0x10, s21, s3, $0xb8;
	[tilespmem:$0x1F100] =	vst v63  }
0x19d: {  	_ =	swait.ge [sflag:s18], $0x400  }
0x19e: {  	[sflag:s18] =	ssyncset.done $0x0  }
0x19f: {  	s23 =	simm.s32 $0xC480;
	s24 =	simm.s32 $0xE100;
	[sflag:s18] =	ssyncadd.s32 $0xFFFFFC00  }
0x1a0: {  	[tilespmem:s24], [sflag:$0x5] =	stream.indirect.gather [hbm4b:s4+s3], $0x10, s23, s3, $0xb8;
	[tilespmem:$0x1F100] =	vst v63  }
0x1a1: {  	v3 =	vor.u32 s0, v0;
	_ =	swait.ge [sflag:s18], $0x400  }
0x1a2: {  	v5 =	vshll.u32 v3, $0x4;
	[sflag:s18] =	ssyncset.done $0x0  }
0x1a3: {  	s26 =	simm.s32 $0xCF00;
	s30 =	simm.s32 $0x15100;
	v4 =	vor.u32 $0x1, v5;
	[sflag:s18] =	ssyncadd.s32 $0xFFFFFC00  }
0x1a4: {  	[tilespmem:s30], [sflag:$0x5] =	stream.indirect.gather [hbm4b:s4+s3], $0x10, s26, s3, $0xb8;
	[tilespmem:$0x1F100] =	vst v63  }
0x1a5: {  	_ =	swait.ge [sflag:s18], $0x400  }
0x1a6: {  	[sflag:s18] =	ssyncset.done $0x0  }
0x1a7: {  	v7 =	vor.u32 $0x2, v5;
	[sflag:s18] =	ssyncadd.s32 $0xFFFFFC00  }
0x1a8: {  	v9 =	vld.idx.msk [tilespmem:v4+s28+$0x0], $0xffff  }
0x1a9: {  	v16 =	vld.idx.msk [tilespmem:v4+s29+$0x0], $0xffff  }
0x1aa: {  	v12 =	vld.idx.msk [tilespmem:v5+s29+$0x0], $0xffff  }
0x1ab: {  	v14 =	vld.idx.msk [tilespmem:v5+s28+$0x0], $0xffff  }
0x1ac: {  	v13 =	vld.idx.msk [tilespmem:v7+s28+$0x0], $0xffff  }
0x1ad: {  	s31 =	simm.s32 $0x10;
	v8 =	vor.u32 $0xB, v5;
	v15 =	vld.idx.msk [tilespmem:v7+s29+$0x0], $0xffff  }
0x1ae: {  	v6 =	vor.u32 $0x9, v5;
	v10 =	vor.u32 $0x8, v5;
	v4 =	vor.u32 s31, v0  }
0x1af: {  	s17 =	simm.s32 $0xC400;
	v11 =	vor.u32 $0x5, v5;
	s19 =	simm.s32 $0xCE80;
	s10 =	simm.s32 $0x20;
	v7 =	vshll.u32 v4, $0x4;
	v9 =	vsub.f32 v16, v9  }
.LBB2_18:
0x1b0: {  	p0 =	sne.s32 s10, $0xB0;
	v16 =	vor.u32 $0x1, v7;
	v17 =	vor.u32 $0x9, v7;
	v12 =	vsub.f32 v12, v14;
	s13 =	smov.u32 s10;
	s10 =	sadd.s32 $0x10, s10  }
0x1b1: {  	v14 =	vor.u32 $0xA, v5  }
0x1b2: {  	v13 =	vsub.f32 v15, v13;
	v19 =	vmul.f32 v9, v9;
	v18 =	vld.idx.msk [tilespmem:v8+s29+$0x0], $0xffff;
	v15 =	vmul.f32 v12, v12  }
0x1b3: {  	v20 =	vor.u32 $0x6, v5;
	v21 =	vld.idx.msk [tilespmem:v10+s29+$0x0], $0xffff  }
0x1b4: {  	v22 =	vor.u32 $0x4, v5;
	v23 =	vld.idx.msk [tilespmem:v11+s29+$0x0], $0xffff;
	v15 =	vadd.f32 v19, v15;
	v19 =	vmul.f32 v13, v13  }
0x1b5: {  	v24 =	vld.idx.msk [tilespmem:v6+s28+$0x0], $0xffff  }
0x1b6: {  	v25 =	vor.u32 $0x7, v5;
	v26 =	vld.idx.msk [tilespmem:v14+s29+$0x0], $0xffff;
	v15 =	vadd.f32 v19, v15  }
0x1b7: {  	v19 =	vor.u32 $0x3, v5;
	v5 =	vmov v7;
	v27 =	vld.idx.msk [tilespmem:v6+s29+$0x0], $0xffff;
	v6 =	vmov v17  }
0x1b8: {  	v7 =	vld.idx.msk [tilespmem:v20+s29+$0x0], $0xffff;
	v15 =	vadd.f32 $9.999999930e-09, v15  }
0x1b9: {  	v17 =	vld.idx.msk [tilespmem:v22+s29+$0x0], $0xffff  }
0x1ba: {  	v20 =	vld.idx.msk [tilespmem:v20+s28+$0x0], $0xffff;
	(erf) = vrcp.f32 v15  }
0x1bb: {  	v15 =	vld.idx.msk [tilespmem:v25+s29+$0x0], $0xffff  }
0x1bc: {  	v28 =	vld.idx.msk [tilespmem:v19+s29+$0x0], $0xffff  }
0x1bd: {  	v25 =	vld.idx.msk [tilespmem:v25+s28+$0x0], $0xffff  }
0x1be: {  	v19 =	vld.idx.msk [tilespmem:v19+s28+$0x0], $0xffff  }
0x1bf: {  	v22 =	vld.idx.msk [tilespmem:v22+s28+$0x0], $0xffff  }
0x1c0: {  	v7 =	vsub.f32 v7, v20;
	v14 =	vld.idx.msk [tilespmem:v14+s28+$0x0], $0xffff  }
0x1c1: {  	v11 =	vld.idx.msk [tilespmem:v11+s28+$0x0], $0xffff  }
0x1c2: {  	v20 =	vshll.u32 v3, $0x3;
	v3 =	vmov v4;
	v10 =	vld.idx.msk [tilespmem:v10+s28+$0x0], $0xffff  }
0x1c3: {  	v4 =	vld.idx.msk [tilespmem:v8+s28+$0x0], $0xffff;
	v8 =	vsub.f32 v15, v25;
	v15 =	vsub.f32 v27, v24;
	v24 =	vor.u32 $0x2, v20;
	v25 =	vpop (erf)  }
0x1c4: {  	v19 =	vsub.f32 v28, v19;
	v12 =	vmul.f32 v25, v12;
	v9 =	vmul.f32 v25, v9  }
0x1c5: {  	v13 =	vmul.f32 v25, v13;
	v17 =	vsub.f32 v17, v22;
	v22 =	vor.u32 $0x1, v20  }
0x1c6: {  	v14 =	vsub.f32 v26, v14;
	v19 =	vmul.f32 v12, v19;
	v8 =	vmul.f32 v9, v8  }
0x1c7: {  	v17 =	vmul.f32 v9, v17;
	v11 =	vsub.f32 v23, v11;
	v7 =	vmul.f32 v12, v7  }
0x1c8: {  	v12 =	vmul.f32 v15, v12;
	v10 =	vsub.f32 v21, v10;
	v9 =	vmul.f32 v14, v9  }
0x1c9: {  	v14 =	vadd.f32 v17, v19;
	v11 =	vmul.f32 v13, v11;
	v4 =	vsub.f32 v18, v4  }
0x1ca: {  	v7 =	vadd.f32 v8, v7;
	v8 =	vmul.f32 v10, v13;
	v9 =	vadd.f32 v9, v12  }
0x1cb: {  	v10 =	vadd.f32 v14, v11;
	v4 =	vmul.f32 v4, v13  }
0x1cc: {  	v7 =	vadd.f32 v8, v7  }
0x1cd: {  	v4 =	vadd.f32 v4, v9;
	[tilespmem:v20+s22+$0x0] =	vst.idx.msk $0xffff, v10  }
0x1ce: {  	[tilespmem:v22+s22+$0x0] =	vst.idx.msk $0xffff, v7  }
0x1cf: {  	v7 =	vor.u32 $0x2, v5;
	[tilespmem:v24+s22+$0x0] =	vst.idx.msk $0xffff, v4  }
0x1d0: {  	v12 =	vld.idx.msk [tilespmem:v5+s29+$0x0], $0xffff  }
0x1d1: {  	v9 =	vld.idx.msk [tilespmem:v16+s28+$0x0], $0xffff  }
0x1d2: {  	v16 =	vld.idx.msk [tilespmem:v16+s29+$0x0], $0xffff  }
0x1d3: {  	v14 =	vld.idx.msk [tilespmem:v5+s28+$0x0], $0xffff  }
.Ltmp13:
0x1d4: {  	v13 =	vld.idx.msk [tilespmem:v7+s28+$0x0], $0xffff;
	(pc) =	sbr.rel @p0 .LBB2_18-.Ltmp13, $4  }
0x1d5: {  	v15 =	vld.idx.msk [tilespmem:v7+s29+$0x0], $0xffff  }
0x1d6: {  	v8 =	vor.u32 $0xB, v5  }
0x1d7: {  	v10 =	vor.u32 $0x8, v5;
	v4 =	vor.u32 s13, v0  }
0x1d8: {  	v11 =	vor.u32 $0x5, v5;
	v7 =	vshll.u32 v4, $0x4;
	v9 =	vsub.f32 v16, v9  }
0x1d9: {  	_ =	sdelay $0x1  }
0x1da: {  	v12 =	vsub.f32 v12, v14;
	_ =	sdelay $0x1  }
0x1db: {  	v17 =	vld.idx.msk [tilespmem:v8+s29+$0x0], $0xffff;
	v13 =	vsub.f32 v15, v13;
	v16 =	vmul.f32 v9, v9;
	v53 =	vmul.f32 v12, v12  }
0x1dc: {  	v19 =	vld.idx.msk [tilespmem:v10+s29+$0x0], $0xffff  }
0x1dd: {  	v18 =	vor.u32 $0x6, v5;
	v21 =	vld.idx.msk [tilespmem:v11+s29+$0x0], $0xffff;
	v54 =	vmul.f32 v13, v13;
	v15 =	vadd.f32 v16, v53  }
0x1de: {  	v20 =	vor.u32 $0x4, v5;
	v22 =	vld.idx.msk [tilespmem:v6+s28+$0x0], $0xffff  }
0x1df: {  	v57 =	vld.idx.msk [tilespmem:v6+s29+$0x0], $0xffff;
	v15 =	vadd.f32 v54, v15  }
0x1e0: {  	v55 =	vor.u32 $0x7, v5;
	v60 =	vld.idx.msk [tilespmem:v11+s28+$0x0], $0xffff  }
0x1e1: {  	v56 =	vor.u32 $0x3, v5;
	v61 =	vld.idx.msk [tilespmem:v10+s28+$0x0], $0xffff;
	v15 =	vadd.f32 $9.999999930e-09, v15  }
0x1e2: {  	v24 =	vld.idx.msk [tilespmem:v18+s29+$0x0], $0xffff  }
0x1e3: {  	v25 =	vld.idx.msk [tilespmem:v20+s29+$0x0], $0xffff;
	(erf) = vrcp.f32 v15  }
0x1e4: {  	v58 =	vld.idx.msk [tilespmem:v18+s28+$0x0], $0xffff  }
0x1e5: {  	v52 =	vor.u32 $0xA, v5;
	v59 =	vld.idx.msk [tilespmem:v55+s29+$0x0], $0xffff  }
0x1e6: {  	v26 =	vld.idx.msk [tilespmem:v56+s29+$0x0], $0xffff  }
0x1e7: {  	v16 =	vld.idx.msk [tilespmem:v55+s28+$0x0], $0xffff  }
0x1e8: {  	v5 =	vld.idx.msk [tilespmem:v56+s28+$0x0], $0xffff  }
0x1e9: {  	v20 =	vld.idx.msk [tilespmem:v20+s28+$0x0], $0xffff  }
0x1ea: {  	v23 =	vld.idx.msk [tilespmem:v52+s29+$0x0], $0xffff  }
0x1eb: {  	v3 =	vshll.u32 v3, $0x3;
	v14 =	vld.idx.msk [tilespmem:v52+s28+$0x0], $0xffff  }
0x1ec: {  	v63 =	vld.idx.msk [tilespmem:v8+s28+$0x0], $0xffff;
	v27 =	vor.u32 $0x1, v3;
	v6 =	vsub.f32 v57, v22;
	v11 =	vsub.f32 v21, v60;
	v62 =	vpop (erf)  }
0x1ed: {  	v15 =	vsub.f32 v24, v58;
	v5 =	vsub.f32 v26, v5;
	v12 =	vmul.f32 v62, v12  }
0x1ee: {  	v16 =	vsub.f32 v59, v16;
	v26 =	vsub.f32 v25, v20;
	v24 =	vmul.f32 v62, v9  }
0x1ef: {  	v10 =	vsub.f32 v19, v61;
	v13 =	vmul.f32 v62, v13;
	v5 =	vmul.f32 v12, v5  }
0x1f0: {  	v14 =	vsub.f32 v23, v14;
	v16 =	vmul.f32 v24, v16;
	v18 =	vmul.f32 v24, v26  }
0x1f1: {  	v8 =	vsub.f32 v17, v63;
	v15 =	vmul.f32 v12, v15;
	v6 =	vmul.f32 v6, v12  }
0x1f2: {  	v9 =	vmul.f32 v14, v24;
	v11 =	vmul.f32 v13, v11;
	v5 =	vadd.f32 v18, v5  }
0x1f3: {  	v28 =	vor.u32 $0x2, v3;
	v10 =	vmul.f32 v10, v13;
	v29 =	vadd.f32 v16, v15  }
0x1f4: {  	v8 =	vmul.f32 v8, v13;
	v6 =	vadd.f32 v9, v6;
	v5 =	vadd.f32 v5, v11  }
0x1f5: {  	v30 =	vor.u32 $0x1, v7;
	v10 =	vadd.f32 v10, v29  }
0x1f6: {  	[tilespmem:v3+s22+$0x0] =	vst.idx.msk $0xffff, v5;
	v3 =	vadd.f32 v8, v6  }
0x1f7: {  	[tilespmem:v27+s22+$0x0] =	vst.idx.msk $0xffff, v10  }
0x1f8: {  	v31 =	vor.u32 $0x2, v7;
	[tilespmem:v28+s22+$0x0] =	vst.idx.msk $0xffff, v3  }
0x1f9: {  	v3 =	vld.idx.msk [tilespmem:v7+s29+$0x0], $0xffff  }
0x1fa: {  	v32 =	vld.idx.msk [tilespmem:v30+s28+$0x0], $0xffff  }
0x1fb: {  	v33 =	vld.idx.msk [tilespmem:v30+s29+$0x0], $0xffff  }
0x1fc: {  	v34 =	vld.idx.msk [tilespmem:v7+s28+$0x0], $0xffff  }
0x1fd: {  	v10 =	vld.idx.msk [tilespmem:v31+s28+$0x0], $0xffff  }
0x1fe: {  	v35 =	vor.u32 $0xB, v7;
	v5 =	vld.idx.msk [tilespmem:v31+s29+$0x0], $0xffff  }
0x1ff: {  	v36 =	vor.u32 $0x8, v7  }
0x200: {  	v37 =	vor.u32 $0x5, v7  }
0x201: {  	v38 =	vor.u32 $0x9, v7;
	v6 =	vsub.f32 v33, v32;
	v3 =	vsub.f32 v3, v34  }
0x202: {  	v39 =	vor.u32 $0xA, v7  }
0x203: {  	v42 =	vld.idx.msk [tilespmem:v35+s29+$0x0], $0xffff;
	v5 =	vsub.f32 v5, v10;
	v40 =	vmul.f32 v3, v3;
	v41 =	vmul.f32 v6, v6  }
0x204: {  	v43 =	vor.u32 $0x6, v7;
	v44 =	vld.idx.msk [tilespmem:v36+s29+$0x0], $0xffff  }
0x205: {  	v46 =	vor.u32 $0x4, v7;
	v47 =	vld.idx.msk [tilespmem:v37+s29+$0x0], $0xffff;
	v45 =	vmul.f32 v5, v5;
	v10 =	vadd.f32 v41, v40  }
0x206: {  	v48 =	vor.u32 $0x7, v7;
	v20 =	vld.idx.msk [tilespmem:v38+s28+$0x0], $0xffff  }
0x207: {  	v50 =	vor.u32 $0x3, v7;
	v49 =	vld.idx.msk [tilespmem:v39+s29+$0x0], $0xffff;
	v10 =	vadd.f32 v45, v10  }
0x208: {  	v8 =	vld.idx.msk [tilespmem:v38+s29+$0x0], $0xffff  }
0x209: {  	v51 =	vld.idx.msk [tilespmem:v43+s29+$0x0], $0xffff;
	v10 =	vadd.f32 $9.999999930e-09, v10  }
0x20a: {  	v52 =	vld.idx.msk [tilespmem:v46+s29+$0x0], $0xffff  }
0x20b: {  	v54 =	vld.idx.msk [tilespmem:v48+s29+$0x0], $0xffff;
	(erf) = vrcp.f32 v10  }
0x20c: {  	v55 =	vld.idx.msk [tilespmem:v50+s29+$0x0], $0xffff  }
0x20d: {  	v14 =	vld.idx.msk [tilespmem:v48+s28+$0x0], $0xffff  }
0x20e: {  	v7 =	vld.idx.msk [tilespmem:v50+s28+$0x0], $0xffff  }
0x20f: {  	v18 =	vld.idx.msk [tilespmem:v46+s28+$0x0], $0xffff  }
0x210: {  	v9 =	vld.idx.msk [tilespmem:v39+s28+$0x0], $0xffff  }
0x211: {  	v13 =	vld.idx.msk [tilespmem:v37+s28+$0x0], $0xffff  }
0x212: {  	v53 =	vld.idx.msk [tilespmem:v43+s28+$0x0], $0xffff  }
0x213: {  	v4 =	vshll.u32 v4, $0x3;
	v12 =	vld.idx.msk [tilespmem:v36+s28+$0x0], $0xffff  }
0x214: {  	v58 =	vor.u32 $0x1, v4;
	v11 =	vld.idx.msk [tilespmem:v35+s28+$0x0], $0xffff;
	v14 =	vsub.f32 v54, v14;
	v8 =	vsub.f32 v8, v20;
	v56 =	vpop (erf)  }
0x215: {  	v7 =	vsub.f32 v55, v7;
	v57 =	vsub.f32 v52, v18;
	v3 =	vmul.f32 v56, v3  }
0x216: {  	v9 =	vsub.f32 v49, v9;
	v13 =	vsub.f32 v47, v13;
	v6 =	vmul.f32 v56, v6  }
0x217: {  	v10 =	vsub.f32 v51, v53;
	v5 =	vmul.f32 v56, v5;
	v7 =	vmul.f32 v3, v7  }
0x218: {  	v12 =	vsub.f32 v44, v12;
	v14 =	vmul.f32 v6, v14;
	v16 =	vmul.f32 v6, v57  }
0x219: {  	v60 =	vsub.f32 v42, v11;
	v10 =	vmul.f32 v3, v10;
	v3 =	vmul.f32 v8, v3  }
0x21a: {  	v6 =	vmul.f32 v9, v6;
	v59 =	vmul.f32 v5, v13;
	v7 =	vadd.f32 v16, v7  }
0x21b: {  	v61 =	vor.u32 $0x2, v4;
	v12 =	vmul.f32 v12, v5;
	v10 =	vadd.f32 v14, v10  }
0x21c: {  	v5 =	vmul.f32 v60, v5;
	v3 =	vadd.f32 v6, v3;
	v62 =	vadd.f32 v7, v59  }
0x21d: {  	v63 =	vadd.f32 v12, v10  }
0x21e: {  	v3 =	vadd.f32 v5, v3;
	[tilespmem:v4+s22+$0x0] =	vst.idx.msk $0xffff, v62  }
0x21f: {  	[tilespmem:v58+s22+$0x0] =	vst.idx.msk $0xffff, v63  }
0x220: {  	[tilespmem:v61+s22+$0x0] =	vst.idx.msk $0xffff, v3  }
0x221: {  	[spmem:s1] =	stream.indirect.scatter.add.f32 [tilespmem:s22], [sflag:$0x5], $0x8, s17, s3, $0xb8;
	[tilespmem:$0x1F100] =	vst v63  }
0x222: {  	_ =	swait.ge [sflag:s18], $0x200  }
0x223: {  	[sflag:s18] =	ssyncset.done $0x0  }
0x224: {  	s0 =	simm.s32 $0x1BB00;
	[sflag:s18] =	ssyncadd.s32 $0xFFFFFE00  }
0x225: {  	[spmem:s1] =	stream.indirect.scatter.add.f32 [tilespmem:s0], [sflag:$0x5], $0x8, s8, s3, $0xb8;
	[tilespmem:$0x1F100] =	vst v63  }
0x226: {  	_ =	swait.ge [sflag:s18], $0x200  }
0x227: {  	[sflag:s18] =	ssyncset.done $0x0  }
0x228: {  	s30 =	simm.s32 $0xC480;
	s31 =	simm.s32 $0x1BD00;
	[sflag:s18] =	ssyncadd.s32 $0xFFFFFE00  }
0x229: {  	[spmem:s1] =	stream.indirect.scatter.add.f32 [tilespmem:s31], [sflag:$0x5], $0x8, s30, s3, $0xb8;
	[tilespmem:$0x1F100] =	vst v63  }
0x22a: {  	_ =	swait.ge [sflag:s18], $0x200  }
0x22b: {  	[sflag:s18] =	ssyncset.done $0x0  }
0x22c: {  	[sflag:s18] =	ssyncadd.s32 $0xFFFFFE00  }
0x22d: {  	[bflag:$0x0] =	sbarrier.arrive $0xFFFF  }
0x22e: {  	s10 =	simm.s32 $0x0;
	s13 =	simm.s32 $0x0;
	s3 =	rddreg [dreg:$0xe]  }
.LBB2_20:
0x22f: {  	s0 =	smul.u32 $0x380, s13;
	_ =	sdelay $0x1  }
0x230: {  	s14 =	sadd.s32 s3, s0  }
0x231: {  	s0 =	sshll.u32 s14, $0x3  }
0x232: {  	s0 =	sand.u32 $0x3FFFFFF8, s0  }
0x233: {  	s0 =	sadd.s32 s0, s1  }
0x234: {  	[tilespmem:s22], [sflag:$0x5] =	stream.linear.gather [spmem:s0], $0x1C00, $0x38;
	[tilespmem:$0x1F100] =	vst v63  }
0x235: {  	v3 =	vor.u32 s10, v0;
	_ =	swait.ge [sflag:s18], $0x1C00  }
0x236: {  	v4 =	vshll.u32 v3, $0x4;
	s30 =	sshll.u32 s14, $0x1;
	[sflag:s18] =	ssyncset.done $0x0  }
0x237: {  	v4 =	vor.u32 $0xC, v4;
	s0 =	sadd.s32 s4, s30;
	[sflag:s18] =	ssyncadd.s32 $0xFFFFE400  }
0x238: {  	v3 =	vshll.u32 v3, $0x3;
	[tilespmem:s28], [sflag:$0x5] =	stream.linear.gather [hbm4b:s0+s10], $0x3800, $0x38;
	[tilespmem:$0x1F100] =	vst v63  }
0x239: {  	_ =	swait.ge [sflag:s18], $0x3800  }
0x23a: {  	[sflag:s18] =	ssyncset.done $0x0  }
0x23b: {  	[sflag:s18] =	ssyncadd.s32 $0xFFFFC800  }
0x23c: {  	v6 =	vld.idx.msk [tilespmem:v4+s28+$0x0], $0xffff  }
0x23d: {  	v4 =	vld.idx.msk [tilespmem:v3+s22+$0x0], $0xffff;
	_ =	sdelay $0x2  }
0x23e: {  	v5 =	vor.u32 $0x1, v3;
	_ =	sdelay $0x1  }
0x23f: {  	v4 =	vmul.f32 v4, v6;
	_ =	sdelay $0x1  }
0x240: {  	[tilespmem:v3+s22+$0x0] =	vst.idx.msk $0xffff, v4  }
0x241: {  	v7 =	vld.idx.msk [tilespmem:v5+s22+$0x0], $0xffff;
	_ =	sdelay $0x2  }
0x242: {  	v4 =	vor.u32 $0x2, v3;
	_ =	sdelay $0x1  }
0x243: {  	v3 =	vmul.f32 v7, v6;
	_ =	sdelay $0x1  }
0x244: {  	[tilespmem:v5+s22+$0x0] =	vst.idx.msk $0xffff, v3  }
0x245: {  	s31 =	simm.s32 $0x10;
	v7 =	vld.idx.msk [tilespmem:v4+s22+$0x0], $0xffff  }
0x246: {  	v3 =	vor.u32 s31, v0  }
0x247: {  	v5 =	vshll.u32 v3, $0x4  }
0x248: {  	v5 =	vor.u32 $0xC, v5  }
0x249: {  	v3 =	vshll.u32 v3, $0x3  }
0x24a: {  	s16 =	simm.s32 $0x20;
	v6 =	vmul.f32 v7, v6  }
.LBB2_21:
0x24b: {  	p0 =	sne.s32 s16, $0x370;
	s0 =	smov.u32 s16;
	s16 =	sadd.s32 $0x10, s16  }
0x24c: {  	[tilespmem:v4+s22+$0x0] =	vst.idx.msk $0xffff, v6  }
0x24d: {  	v6 =	vld.idx.msk [tilespmem:v5+s28+$0x0], $0xffff  }
0x24e: {  	v4 =	vld.idx.msk [tilespmem:v3+s22+$0x0], $0xffff;
	_ =	sdelay $0x2  }
0x24f: {  	v5 =	vor.u32 $0x1, v3;
	_ =	sdelay $0x2  }
0x250: {  	v4 =	vmul.f32 v4, v6;
	_ =	sdelay $0x1  }
0x251: {  	[tilespmem:v3+s22+$0x0] =	vst.idx.msk $0xffff, v4  }
0x252: {  	v7 =	vld.idx.msk [tilespmem:v5+s22+$0x0], $0xffff;
	_ =	sdelay $0x2  }
0x253: {  	v4 =	vor.u32 $0x2, v3;
	_ =	sdelay $0x2  }
0x254: {  	v3 =	vmul.f32 v7, v6;
	_ =	sdelay $0x1  }
0x255: {  	[tilespmem:v5+s22+$0x0] =	vst.idx.msk $0xffff, v3  }
0x256: {  	v7 =	vld.idx.msk [tilespmem:v4+s22+$0x0], $0xffff;
	_ =	sdelay $0x1  }
.Ltmp14:
0x257: {  	v3 =	vor.u32 s0, v0;
	(pc) =	sbr.rel @p0 .LBB2_21-.Ltmp14, $3  }
0x258: {  	v5 =	vshll.u32 v3, $0x4  }
0x259: {  	v3 =	vshll.u32 v3, $0x3;
	v5 =	vor.u32 $0xC, v5;
	_ =	sdelay $0x1  }
0x25a: {  	v6 =	vmul.f32 v7, v6  }
0x25b: {  	_ =	sdelay $0x3  }
0x25c: {  	[tilespmem:v4+s22+$0x0] =	vst.idx.msk $0xffff, v6  }
0x25d: {  	v4 =	vld.idx.msk [tilespmem:v5+s28+$0x0], $0xffff  }
0x25e: {  	v62 =	vld.idx.msk [tilespmem:v3+s22+$0x0], $0xffff;
	_ =	sdelay $0x2  }
0x25f: {  	v63 =	vor.u32 $0x1, v3;
	_ =	sdelay $0x1  }
0x260: {  	v5 =	vmul.f32 v62, v4;
	_ =	sdelay $0x1  }
0x261: {  	[tilespmem:v3+s22+$0x0] =	vst.idx.msk $0xffff, v5  }
0x262: {  	v5 =	vld.idx.msk [tilespmem:v63+s22+$0x0], $0xffff;
	_ =	sdelay $0x2  }
0x263: {  	v3 =	vor.u32 $0x2, v3;
	_ =	sdelay $0x1  }
0x264: {  	v5 =	vmul.f32 v5, v4;
	_ =	sdelay $0x1  }
0x265: {  	[tilespmem:v63+s22+$0x0] =	vst.idx.msk $0xffff, v5  }
0x266: {  	v5 =	vld.idx.msk [tilespmem:v3+s22+$0x0], $0xffff;
	_ =	sdelay $0x4  }
0x267: {  	s13 =	sadd.s32 $0x1, s13;
	v4 =	vmul.f32 v5, v4  }
0x268: {  	p0 =	sne.s32 s13, $0x7  }
.Ltmp15:
0x269: {  	s0 =	sadd.s32 s14, s15;
	[tilespmem:v3+s22+$0x0] =	vst.idx.msk $0xffff, v4;
	(pc) =	sbr.rel @p0 .LBB2_20-.Ltmp15, $4  }
0x26a: {  	[hbm4b:s0+s2] =	stream.linear.scatter [tilespmem:s22], [sflag:$0x5], $0x1C00, $0x38;
	[tilespmem:$0x1F100] =	vst v63  }
0x26b: {  	_ =	swait.ge [sflag:s18], $0x1C00  }
0x26c: {  	[sflag:s18] =	ssyncset.done $0x0  }
0x26d: {  	[sflag:s18] =	ssyncadd.s32 $0xFFFFE400  }
0x26e: {  	s3 =	rddreg [dreg:$0xf]  }
0x26f: {  	s0 =	rddreg [dreg:$0x9];
	s3 =	sadd.s32 $0x1, s3  }
0x270: {  	p0 =	sne.s32 s3, s0  }
.Ltmp16:
0x271: {  	_ = 	snop;
	(pc) =	sbr.rel @p0 .LBB2_1-.Ltmp16, $1  }
0x272: {  	_ =	sdelay $0x3  }
0x273: {  	_ =	sfence.sel $0x180000  }
0x274: {  	[bflag:$0x0] =	sbarrier.arrive $0xFFFF  }
0x275: {  	_ =	strace $0x9000004D  }
0x276: {  	s0 =	stileid.u32;
	[bflag:$0x2] =	sbarrier.arrive $0xFFFF  }
0x277: {  	p0 =	sne.s32 s0, $0x0;
	s0 =	rddreg [dreg:$0x2]  }
0x278: {  	s0 =	sadd.s32 @!p0 $0x100000, s0  }
0x279: {  	[sflag:s0] =	ssyncadd.tile.s32 @!p0 $0x1;
	_ =	shalt  }
.Lfunc_end2:
_tile_overlayer_lowered:
.L_overlay_start_2:
0x27a: {  	(tag) =	ssettag $0x2  }
0x27b: {  	s0 =	rddreg [dreg:$0x0];
	s2 =	stileid.u32  }
0x27c: {  	s1 =	rddreg [dreg:$0x1];
	p0 =	sne.s32 s2, $0x0  }
0x27d: {  	s3 =	rddreg [dreg:$0x2];
	[bflag:$0x3] =	sbarrier.arrive $0xFFFF;
	s2 =	simm.s32 @!p0 $0x1C05  }
0x27e: {  	[timem:s3], [sflag:s2] =	dma.local @!p0 [hbm:s0], s1  }
0x27f: {  	s0 =	simm.s32 @!p0 $0x5  }
0x280: {  	_ =	swait.ge @!p0 [sflag:s0], s1  }
0x281: {  	s1 =	ssub.s32 @!p0 $0x0, s1;
	[sflag:s0] =	ssyncset.done @!p0 $0x0  }
0x282: {  	[sflag:s0] =	ssyncadd.s32 @!p0 s1  }
0x283: {  	[bflag:$0x3] =	sbarrier.arrive $0xFFFF  }
0x284: {  	_ =	shalt  }

// kernel: mcl_grad_pass.3.cloned.1.call-start
scs
__scs_entry_jumppad:
0x0: {  	(pc) =	sbr.rel $0x88, $3  }
0x1: {  	(tag) =	ssettag $0x0;
	lr =	simm.s32 $0x1  }
0x2: {  	[smem:$0x3F9B] =	sst lr;
	_ =	strace $0xD0000000  }
0x3: {  	_ = 	snop  }
0x4: {  	_ = 	snop  }
0x5: {  	_ = 	snop  }
0x6: {  	_ = 	snop  }
0x7: {  	_ = 	snop  }
__scs_overlays_trampoline_lowered:
0x8: {  	[smem:$0x3FAA] =	sst s0  }
0x9: {  	[smem:$0x3FAB] =	sst s1  }
0xa: {  	[smem:$0x3FAC] =	sst s2  }
0xb: {  	[smem:$0x3FAD] =	sst s3  }
0xc: {  	[smem:$0x3FAE] =	sst s4  }
0xd: {  	[smem:$0x3FAF] =	sst s5  }
0xe: {  	[smem:$0x3FB0] =	sst s6  }
0xf: {  	[smem:$0x3FB1] =	sst s7  }
0x10: {  	[smem:$0x3FB2] =	sst s8  }
0x11: {  	[smem:$0x3FB3] =	sst s9;
	s0 =	simm.s32 @!p0 $0x0  }
0x12: {  	s1 =	sld [smem:$0x3F99];
	s0 =	simm.s32 @p0 $0x1  }
0x13: {  	[smem:$0x3FB4] =	sst s0;
	s0 =	simm.s32 @!p1 $0x0  }
0x14: {  	s2 =	sld [smem:$0x3F98];
	s0 =	simm.s32 @p1 $0x1  }
0x15: {  	[smem:$0x3FB5] =	sst s0;
	s0 =	simm.s32 @!p2 $0x0  }
0x16: {  	s3 =	sld [smem:$0x3FDB];
	s0 =	simm.s32 @p2 $0x1  }
0x17: {  	s4 =	simm.s32 $0x1BF5;
	[smem:$0x3FB7] =	sst s0  }
0x18: {  	s0 =	sld [smem:$0x3F9A];
	_ =	swait.ge [sflag:s4], $0x0  }
0x19: {  	s7 =	sld [smem:$0x3F9B]  }
0x1a: {  	s8 =	sadd.s32 $0xFFFFE003, lr  }
0x1b: {  	s9 =	sadd.s32 $0xFFFFFEF7, lr;
	s5 =	simm.s32 $0xFFFFFFFF;
	p2 =	slt.u32 s8, $0xFFFFF086  }
0x1c: {  	p1 =	slt.u32 s9, $0xF7A;
	s5 =	simm.s32 @!p2 $0x0  }
0x1d: {  	s5 =	simm.s32 @p1 $0x1;
	p0 =	seq.s32 s7, s2  }
0x1e: {  	s7 =	smul.u32 @!p0 $0xF7A, s2;
	p2 =	seq.s32 @!p0 s5, $0x0  }
0x1f: {  	s9 =	smul.u32 $0xF7A, s1;
	s8 =	simm.s32 @!p0 $0x1BF5;
	p2 =	por !p2, p0  }
0x20: {  	[sflag:s8] =	ssyncset.s32 @!p0 $0xFFFFF086;
	s6 =	sadd.s32 @!p0 s3, s7;
	s7 =	simm.s32 @!p0 $0x108  }
0x21: {  	s3 =	sadd.s32 s3, s9;
	s6 =	sadd.s32 @!p0 $0x88, s6;
	s7 =	simm.s32 @p2 $0x1082  }
0x22: {  	[simem:s7], [sflag:s8] =	dma.local @!p0 [hbm:s6], $0xF7A  }
0x23: {  	s9 =	sor.u32 $0xD0000000, s2;
	s6 =	simm.s32 $0x108;
	_ =	swait.ge @!p0 [sflag:s8], $0x0  }
0x24: {  	s3 =	sadd.s32 $0x88, s3;
	s6 =	simm.s32 @!p1 $0x1082;
	[sflag:s4] =	ssyncset.s32 $0xFFFFF086  }
0x25: {  	[simem:s6], [sflag:s4] =	dma.local [hbm:s3], $0xF7A  }
0x26: {  	[smem:$0x3F9B] =	sst s1;
	(tag) =	ssettag s2;
	_ =	strace s9  }
0x27: {  	s1 =	sld [smem:$0x3FAB]  }
0x28: {  	s2 =	sld [smem:$0x3FAC]  }
0x29: {  	s4 =	sld [smem:$0x3FAE]  }
0x2a: {  	p0 =	seq.s32 s5, $0x0;
	s5 =	sld [smem:$0x3FAF]  }
0x2b: {  	s6 =	sld [smem:$0x3FB0]  }
0x2c: {  	s7 =	sld [smem:$0x3FB1]  }
0x2d: {  	s3 =	simm.s32 $0x108;
	s8 =	sld [smem:$0x3FB2]  }
0x2e: {  	s3 =	simm.s32 @!p0 $0x1082;
	s9 =	sld [smem:$0x3FB3]  }
0x2f: {  	lr =	sadd.s32 s0, s3;
	s0 =	sld [smem:$0x3FAA]  }
0x30: {  	s3 =	sld [smem:$0x3FAD]  }
0x31: {  	[smem:$0x3FB6] =	sst s10  }
0x32: {  	s10 =	sld [smem:$0x3FB4];
	_ =	sdelay $0x3  }
0x33: {  	p0 =	seq.s32 s10, $0x1;
	s10 =	sld [smem:$0x3FB6];
	_ =	sdelay $0x3  }
0x34: {  	[smem:$0x3FB6] =	sst s10  }
0x35: {  	s10 =	sld [smem:$0x3FB5];
	_ =	sdelay $0x3  }
0x36: {  	p1 =	seq.s32 s10, $0x1;
	s10 =	sld [smem:$0x3FB6];
	_ =	sdelay $0x3  }
0x37: {  	[smem:$0x3FB6] =	sst s10  }
0x38: {  	s10 =	sld [smem:$0x3FB7]  }
0x39: {  	_ = 	snop;
	(pc) =	sbr.ind lr, $3  }
0x3a: {  	_ = 	snop  }
0x3b: {  	_ = 	snop  }
0x3c: {  	p2 =	seq.s32 s10, $0x1;
	s10 =	sld [smem:$0x3FB6]  }
0x3d: {  	_ =	shalt  }
0x3e: {  	_ =	shalt  }
0x3f: {  	_ =	shalt  }
0x40: {  	_ =	shalt  }
0x41: {  	_ =	shalt  }
0x42: {  	_ =	shalt  }
0x43: {  	_ =	shalt  }
0x44: {  	_ =	shalt  }
0x45: {  	_ =	shalt  }
0x46: {  	_ =	shalt  }
0x47: {  	_ =	shalt  }
0x48: {  	_ =	shalt  }
0x49: {  	_ =	shalt  }
0x4a: {  	_ =	shalt  }
0x4b: {  	_ =	shalt  }
0x4c: {  	_ =	shalt  }
0x4d: {  	_ =	shalt  }
0x4e: {  	_ =	shalt  }
0x4f: {  	_ =	shalt  }
0x50: {  	_ =	shalt  }
0x51: {  	_ =	shalt  }
0x52: {  	_ =	shalt  }
0x53: {  	_ =	shalt  }
0x54: {  	_ =	shalt  }
0x55: {  	_ =	shalt  }
0x56: {  	_ =	shalt  }
0x57: {  	_ =	shalt  }
0x58: {  	_ =	shalt  }
0x59: {  	_ =	shalt  }
0x5a: {  	_ =	shalt  }
0x5b: {  	_ =	shalt  }
0x5c: {  	_ =	shalt  }
0x5d: {  	_ =	shalt  }
0x5e: {  	_ =	shalt  }
0x5f: {  	_ =	shalt  }
0x60: {  	_ =	shalt  }
0x61: {  	_ =	shalt  }
0x62: {  	_ =	shalt  }
0x63: {  	_ =	shalt  }
0x64: {  	_ =	shalt  }
0x65: {  	_ =	shalt  }
0x66: {  	_ =	shalt  }
0x67: {  	_ =	shalt  }
0x68: {  	_ =	shalt  }
0x69: {  	_ =	shalt  }
0x6a: {  	_ =	shalt  }
0x6b: {  	_ =	shalt  }
0x6c: {  	_ =	shalt  }
0x6d: {  	_ =	shalt  }
0x6e: {  	_ =	shalt  }
0x6f: {  	_ =	shalt  }
0x70: {  	_ =	shalt  }
0x71: {  	_ =	shalt  }
0x72: {  	_ =	shalt  }
0x73: {  	_ =	shalt  }
0x74: {  	_ =	shalt  }
0x75: {  	_ =	shalt  }
0x76: {  	_ =	shalt  }
0x77: {  	_ =	shalt  }
0x78: {  	_ =	shalt  }
0x79: {  	_ =	shalt  }
0x7a: {  	_ =	shalt  }
0x7b: {  	_ =	shalt  }
0x7c: {  	_ =	shalt  }
0x7d: {  	_ =	shalt  }
0x7e: {  	_ =	shalt  }
0x7f: {  	_ =	shalt  }
0x80: {  	_ =	shalt  }
0x81: {  	_ =	shalt  }
0x82: {  	_ =	shalt  }
0x83: {  	_ =	shalt  }
0x84: {  	_ =	shalt  }
0x85: {  	_ =	shalt  }
0x86: {  	_ =	shalt  }
0x87: {  	_ =	shalt  }
.Lfunc_end0:
.L_simem_size_0:
called_computation_lowered:
.L_overlay_start_0:
0x88: {  	s2 =	sld [smem:$0x3FD9]  }
0x89: {  	s3 =	sld [smem:$0x3FFE];
	_ =	sdelay $0x1  }
0x8a: {  	s1 =	srdreg.scid  }
0x8b: {  	s0 =	sand.u32 $0x1, s1  }
0x8c: {  	s16 =	sshll.u32 s0, $0xA;
	s2 =	sadd.s32 s3, s2  }
0x8d: {  	s2 =	sadd.s32 s2, s16  }
0x8e: {  	[smem:$0x3FC2] =	sst s2  }
0x8f: {  	_ = 	snop  }
0x90: {  	(tm) =	ssettm $0x1  }
0x91: {  	s17 =	sld [smem:$0x3FFB];
	_ =	sdelay $0x3  }
0x92: {  	_ =	strace s17  }
0x93: {  	s2 =	sld [smem:$0x3FFC];
	_ =	sdelay $0x3  }
0x94: {  	_ =	strace s2  }
0x95: {  	s2 =	sld [smem:$0x3FFD];
	_ =	sdelay $0x3  }
0x96: {  	_ =	strace s2  }
0x97: {  	_ =	strace $0x8FFFFFFF  }
0x98: {  	s18 =	sld [smem:$0x3FDB];
	_ =	sdelay $0x1  }
0x99: {  	s19 =	simm.s32 $_scs_section_size  }
0x9a: {  	s4 =	simm.s32 $_size__tile_overlayer_lowered;
	s5 =	simm.s32 $_tile_overlayer_lowered  }
0x9b: {  	s22 =	simm.s32 $0x1BFF;
	s21 =	sshll.u32 s5, $0x1;
	s2 =	sadd.s32 s19, s18  }
0x9c: {  	s6 =	simm.s32 $0x0;
	s20 =	sshll.u32 s4, $0x1;
	s4 =	sadd.s32 s21, s2  }
0x9d: {  	[timem:s6], [sflag:s22] =	dma.local [hbm:s4], s20  }
0x9e: {  	_ =	swait.ge [sflag:s22], s20  }
0x9f: {  	s3 =	ssub.s32 $0x0, s20;
	[sflag:s22] =	ssyncset.done $0x0  }
0xa0: {  	[sflag:s22] =	ssyncadd.s32 s3;
	_ =	sdelay $0x1  }
0xa1: {  	s23 =	simm.s32 $0x1B8B  }
0xa2: {  	_ =	swait.ge [sflag:s23], $0x1  }
0xa3: {  	[sflag:s23] =	ssyncset.done $0x0  }
0xa4: {  	s25 =	simm.s32 $0x1B8E;
	s24 =	sld [smem:$0x3FFE];
	[sflag:s23] =	ssyncadd.s32 $0xFFFFFFFF  }
0xa5: {  	s26 =	simm.s32 $execute0_lowered;
	[smem:$0x3FD2] =	sst s25  }
0xa6: {  	s4 =	sshll.u32 s26, $0x1;
	_ =	strace $0x80000046;
	[dreg:$0x1] =	wrdreg $0xFFFFFFFF  }
0xa7: {  	s28 =	simm.s32 $_size_execute0_lowered;
	s2 =	sadd.s32 s2, s4;
	[dreg:$0x0] =	wrdreg $0x0  }
0xa8: {  	s4 =	sshll.u32 s28, $0x1;
	[dreg:$0x2] =	wrdreg s2  }
0xa9: {  	[dreg:$0x3] =	wrdreg s4  }
0xaa: {  	[dreg:$0x4] =	wrdreg $0xC0  }
0xab: {  	_ =	task [dreg:s6], $0x5FFFF  }
0xac: {  	[dreg:$0x1] =	wrdreg $0xFFFFFFFF  }
0xad: {  	[dreg:$0x0] =	wrdreg $0x60  }
0xae: {  	[dreg:$0x2] =	wrdreg s24  }
0xaf: {  	[dreg:$0x3] =	wrdreg $0x0  }
0xb0: {  	[dreg:$0x4] =	wrdreg $0x9  }
0xb1: {  	_ =	task.clear_ibuf [dreg:s6], $0x5FFFF;
	_ =	strace $0x90000046  }
0xb2: {  	s29 =	simm.s32 $0x9;
	_ =	strace $0x80000048  }
0xb3: {  	_ =	swait.ge [sflag:s29], $0x1  }
0xb4: {  	[sflag:s29] =	ssyncadd.s32 $0xFFFFFFFF  }
0xb5: {  	_ =	strace $0x90000048  }
0xb6: {  	_ =	sfence  }
0xb7: {  	s30 =	sld [smem:$0x0];
	_ =	sdelay $0x2  }
0xb8: {  	s31 =	sshll.u32 s1, $0xD;
	s1 =	sshrl.u32 s1, $0x2  }
0xb9: {  	s3 =	sand.u32 $0x4000, s31;
	s1 =	sadd.s32 s1, s30  }
0xba: {  	s0 =	sor.u32 s3, s0;
	s1 =	sshll.u32 s1, $0x11  }
0xbb: {  	s0 =	sor.u32 s1, s0  }
0xbc: {  	s0 =	sadd.s32 $0x8F2B, s0  }
0xbd: {  	[sflag:s0] =	ssyncadd.remote.s32 $0x1  }
0xbe: {  	_ =	sfence.sel $0xFFFF  }
0xbf: {  	[dreg:$0x0] =	wrdreg $0xFFFFFFFF;
	(pc) =	sbr.abs _section_cstart, $3  }
0xc0: {  	[dreg:$0x1] =	wrdreg $0xFFFFFFFF  }
0xc1: {  	_ =	task.clear_ibuf [dreg:s6], $0x2FFFF;
	_ =	strace $0x9FFFFFFF  }
0xc2: {  	(tm) =	ssettm $0x7FFFFFFF  }
0xc3: {  	_ =	shalt  }
tec
execute0_lowered:
.L_overlay_start_1:
0x0: {  	(tag) =	ssettag $0x1  }
0x1: {  	s0 =	rddreg [dreg:$0x0]  }
0x2: {  	s1 =	rddreg [dreg:$0x1];
	s2 =	srdreg.scid;
	s3 =	simm.s32 $0x0  }
0x3: {  	s14 =	stileid.u32;
	s28 =	simm.s32 $0x5;
	s29 =	simm.s32 $0x1C580  }
0x4: {  	s2 =	sand.u32 $0x1, s2;
	[smem:$0x7FF] =	sst s3;
	s4 =	sadd.s32 $0x188600, s0  }
0x5: {  	s6 =	sadd.s32 $0x1A00, s0;
	s8 =	sadd.s32 $0x1A0E00, s0;
	s11 =	smul.u32 $0x18800, s14  }
0x6: {  	s10 =	sadd.s32 $0x264400, s0;
	s23 =	sshll.u32 s14, $0x6;
	s26 =	smul.u32 $0x62000, s14  }
0x7: {  	s5 =	sshll.u32 s2, $0x4;
	_ =	strace $0x80000047;
	s9 =	ssub.s32 $0x2, s2  }
0x8: {  	s2 =	smul.u32 $0x188000, s2;
	[dreg:$0x3] =	wrdreg s10;
	s10 =	sor.u32 $0x1C05, s23  }
0x9: {  	s7 =	sor.u32 s14, s5;
	s5 =	sadd.s32 $0xC5000, s0;
	s22 =	sshrl.u32 s9, $0x1  }
0xa: {  	s0 =	sadd.s32 $0x265200, s0;
	s30 =	sadd.s32 $0x6200, s11;
	s31 =	sadd.s32 $0xC400, s11  }
0xb: {  	s16 =	sadd.s32 $0x12600, s11;
	s23 =	sshrl.u32 s26, $0x2;
	s14 =	simm.s32 $0x1C180  }
0xc: {  	s7 =	smul.u32 $0x30D40, s7;
	s9 =	ssub.s32 s9, s22;
	s13 =	sadd.s32 s2, s11  }
0xd: {  	s17 =	sadd.s32 s2, s30;
	s18 =	sadd.s32 s2, s31;
	s2 =	sadd.s32 s2, s16  }
0xe: {  	s26 =	sadd.s32 s16, s1;
	s16 =	simm.s32 $0x1B180;
	s13 =	sshrl.u32 s13, $0x3  }
0xf: {  	s17 =	sshrl.u32 s17, $0x3;
	s22 =	smax.u32 s9, $0x1;
	[dreg:$0x11] =	wrdreg s26  }
0x10: {  	s18 =	sshrl.u32 s18, $0x3;
	s13 =	sadd.s32 s0, s13;
	[dreg:$0xe] =	wrdreg s22  }
0x11: {  	s2 =	sshrl.u32 s2, $0x3;
	s17 =	sadd.s32 s0, s17;
	[dreg:$0x7] =	wrdreg s13  }
0x12: {  	s26 =	simm.s32 $0x1A980;
	s18 =	sadd.s32 s0, s18;
	[dreg:$0x8] =	wrdreg s17  }
0x13: {  	s12 =	sshrl.u32 s7, $0x3;
	s0 =	sadd.s32 s0, s2;
	[dreg:$0x9] =	wrdreg s18  }
0x14: {  	s2 =	simm.s32 $0x4;
	s15 =	sadd.s32 s5, s12;
	[dreg:$0xa] =	wrdreg s0  }
0x15: {  	s22 =	simm.s32 $0x1;
	s24 =	sadd.s32 s6, s12;
	[dreg:$0x4] =	wrdreg s15  }
0x16: {  	s25 =	sadd.s32 s8, s12;
	s12 =	sadd.s32 $0x6180, s12;
	[dreg:$0x5] =	wrdreg s24  }
0x17: {  	s0 =	sadd.s32 s23, s1;
	[dreg:$0x6] =	wrdreg s25;
	s19 =	sadd.s32 s5, s12  }
0x18: {  	s23 =	simm.s32 $0x18800;
	s20 =	sadd.s32 s6, s12;
	[dreg:$0xb] =	wrdreg s19  }
0x19: {  	s17 =	simm.s32 $0x0;
	s21 =	sadd.s32 s8, s12;
	[dreg:$0xc] =	wrdreg s20  }
0x1a: {  	s24 =	sadd.s32 s30, s1;
	s25 =	sadd.s32 s31, s1;
	[dreg:$0xd] =	wrdreg s21  }
0x1b: {  	s30 =	sadd.s32 s11, s1;
	s0 =	sshrl.u32 s0, $0x3;
	[dreg:$0xf] =	wrdreg s24  }
0x1c: {  	s11 =	simm.s32 $0x19580;
	s12 =	simm.s32 $0x1AD80;
	[dreg:$0x10] =	wrdreg s25  }
0x1d: {  	s15 =	simm.s32 $0x19980;
	[dreg:$0x12] =	wrdreg s0;
	s31 =	sshrl.u32 s30, $0x3  }
0x1e: {  	v0 =	vlaneseq.u32;
	s24 =	simm.s32 $0x18C80;
	s0 =	simm.s32 $0x40;
	s19 =	simm.s32 $0x19D80  }
0x1f: {  	v2 =	vimm.f32 $1.000000000e+00;
	v3 =	vimm.f32 $0.0e+00;
	v1 =	vmul.u32 $0x10, v0;
	s20 =	simm.s32 $0x1B580;
	s21 =	simm.s32 $0x80;
	[dreg:$0x13] =	wrdreg s31  }
.LBB2_1:
0x20: {  	s9 =	rddreg [dreg:$0x3]  }
0x21: {  	s13 =	rddreg [dreg:$0x12]  }
0x22: {  	[spmem:s13], [sflag:s10] =	dma.local [hbm:s9], $0xC40  }
0x23: {  	_ =	swait.ge [sflag:s28], $0xC40  }
0x24: {  	s18 =	rddreg [dreg:$0xf]  }
0x25: {  	[sflag:s28] =	ssyncset.done $0x0;
	s13 =	sshrl.u32 s18, $0x3  }
0x26: {  	[sflag:s28] =	ssyncadd.s32 $0xFFFFF3C0;
	[dreg:$0x14] =	wrdreg s13  }
0x27: {  	[spmem:s13], [sflag:s10] =	dma.local [hbm:s9], $0xC40  }
0x28: {  	_ =	swait.ge [sflag:s28], $0xC40  }
0x29: {  	s25 =	rddreg [dreg:$0x10]  }
0x2a: {  	[sflag:s28] =	ssyncset.done $0x0;
	s13 =	sshrl.u32 s25, $0x3  }
0x2b: {  	[sflag:s28] =	ssyncadd.s32 $0xFFFFF3C0;
	[dreg:$0x15] =	wrdreg s13  }
0x2c: {  	[spmem:s13], [sflag:s10] =	dma.local [hbm:s9], $0xC40  }
0x2d: {  	v4 =	vmov s3;
	_ =	swait.ge [sflag:s28], $0xC40  }
0x2e: {  	v4 =	vshll.u32 v4, $0x4;
	s30 =	rddreg [dreg:$0x11]  }
0x2f: {  	v5 =	vor.u32 v1, v4;
	[sflag:s28] =	ssyncset.done $0x0;
	s13 =	sshrl.u32 s30, $0x3  }
0x30: {  	v4 =	vor.u32 $0x9, v5;
	[sflag:s28] =	ssyncadd.s32 $0xFFFFF3C0;
	[dreg:$0x16] =	wrdreg s13  }
0x31: {  	v6 =	vor.u32 $0xA, v5;
	[spmem:s13], [sflag:s10] =	dma.local [hbm:s9], $0xC40  }
0x32: {  	v7 =	vor.u32 $0xB, v5;
	_ =	swait.ge [sflag:s28], $0xC40  }
0x33: {  	v8 =	vor.u32 $0xC, v5;
	[sflag:s28] =	ssyncset.done $0x0  }
0x34: {  	s31 =	simm.s32 $0x10;
	[sflag:s28] =	ssyncadd.s32 $0xFFFFF3C0  }
0x35: {  	v9 =	vor.u32 $0xD, v5;
	[tilespmem:v4+s29+$0x0] =	vst.idx.msk $0xffff, v2;
	v4 =	vmov s31  }
0x36: {  	v11 =	vor.u32 $0xE, v5;
	[tilespmem:v6+s29+$0x0] =	vst.idx.msk $0xffff, v3;
	v4 =	vshll.u32 v4, $0x4  }
0x37: {  	[tilespmem:v7+s29+$0x0] =	vst.idx.msk $0xffff, v3;
	v4 =	vor.u32 v1, v4;
	v7 =	vor.u32 $0xF, v5  }
0x38: {  	[tilespmem:v8+s29+$0x0] =	vst.idx.msk $0xffff, v3;
	v8 =	vor.u32 $0x9, v4  }
0x39: {  	v10 =	vor.u32 $0xA, v4  }
0x3a: {  	v6 =	vor.u32 $0xB, v4;
	[tilespmem:v9+s29+$0x0] =	vst.idx.msk $0xffff, v3  }
0x3b: {  	s9 =	simm.s32 $0x20;
	v5 =	vor.u32 $0xD, v4;
	v9 =	vor.u32 $0xC, v4;
	[tilespmem:v11+s29+$0x0] =	vst.idx.msk $0xffff, v3  }
.LBB2_2:
0x3c: {  	v11 =	vmov s9;
	p0 =	sne.s32 s9, $0x2F0;
	s9 =	sadd.s32 $0x10, s9;
	[tilespmem:v7+s29+$0x0] =	vst.idx.msk $0xffff, v3  }
0x3d: {  	v12 =	vor.u32 $0xE, v4;
	v11 =	vshll.u32 v11, $0x4;
	[tilespmem:v8+s29+$0x0] =	vst.idx.msk $0xffff, v2  }
.Ltmp0:
0x3e: {  	v7 =	vor.u32 $0xF, v4;
	[tilespmem:v10+s29+$0x0] =	vst.idx.msk $0xffff, v3;
	v4 =	vor.u32 v1, v11;
	(pc) =	sbr.rel @p0 .LBB2_2-.Ltmp0, $4  }
0x3f: {  	v8 =	vor.u32 $0x9, v4;
	v11 =	vor.u32 $0xD, v4;
	[tilespmem:v6+s29+$0x0] =	vst.idx.msk $0xffff, v3  }
0x40: {  	v10 =	vor.u32 $0xA, v4;
	[tilespmem:v9+s29+$0x0] =	vst.idx.msk $0xffff, v3  }
0x41: {  	v6 =	vor.u32 $0xB, v4;
	[tilespmem:v5+s29+$0x0] =	vst.idx.msk $0xffff, v3;
	v5 =	vmov v11  }
0x42: {  	v9 =	vor.u32 $0xC, v4;
	[tilespmem:v12+s29+$0x0] =	vst.idx.msk $0xffff, v3  }
0x43: {  	_ =	sdelay $0x3  }
0x44: {  	[tilespmem:v7+s29+$0x0] =	vst.idx.msk $0xffff, v3  }
0x45: {  	v63 =	vor.u32 $0xE, v4;
	[tilespmem:v8+s29+$0x0] =	vst.idx.msk $0xffff, v2  }
0x46: {  	v4 =	vor.u32 $0xF, v4;
	[tilespmem:v10+s29+$0x0] =	vst.idx.msk $0xffff, v3  }
0x47: {  	[tilespmem:v6+s29+$0x0] =	vst.idx.msk $0xffff, v3  }
0x48: {  	[tilespmem:v9+s29+$0x0] =	vst.idx.msk $0xffff, v3  }
0x49: {  	[tilespmem:v5+s29+$0x0] =	vst.idx.msk $0xffff, v3  }
0x4a: {  	[tilespmem:v63+s29+$0x0] =	vst.idx.msk $0xffff, v3  }
0x4b: {  	[tilespmem:v4+s29+$0x0] =	vst.idx.msk $0xffff, v3  }
0x4c: {  	[bflag:$0x0] =	sbarrier.arrive $0xFFFF  }
0x4d: {  	s9 =	simm.s32 $0x0;
	s13 =	rddreg [dreg:$0x4]  }
0x4e: {  	[tilespmem:s23], [sflag:$0x1] =	stream.linear.gather [hbm4b:s13+s9], $0x180, $0x38;
	[tilespmem:$0x1F580] =	vst v63  }
.Ltmp1:
0x4f: {  	_ = 	snop;
	(pc) =	sbr.rel .LBB2_4-.Ltmp1, $4  }
0x50: {  	s30 =	rddreg [dreg:$0x5]  }
0x51: {  	[tilespmem:s24], [sflag:$0x1] =	stream.linear.gather [hbm4b:s30+s9], $0x180, $0x38;
	[tilespmem:$0x1F580] =	vst v63  }
0x52: {  	s18 =	simm.s32 $0x19100;
	s31 =	rddreg [dreg:$0x6]  }
0x53: {  	[tilespmem:s18], [sflag:$0x1] =	stream.linear.gather [hbm4b:s31+s9], $0x180, $0x38;
	[tilespmem:$0x1F580] =	vst v63  }
.LBB2_16:
0x54: {  	p0 =	slt.u32 s18, $0x209  }
.Ltmp2:
0x55: {  	_ = 	snop;
	(pc) =	sbr.rel @!p0 .LBB2_17-.Ltmp2, $2  }
0x56: {  	_ =	sdelay $0x2  }
0x57: {  	s9 =	smov.u32 s18  }
.LBB2_4:
0x58: {  	p0 =	seq.s32 s9, $0x208  }
.Ltmp3:
0x59: {  	_ = 	snop;
	(pc) =	sbr.rel @p0 .LBB2_9-.Ltmp3, $2  }
0x5a: {  	_ =	sdelay $0x2  }
0x5b: {  	s13 =	simm.s32 $0x3  }
0x5c: {  	s18 =	smul.u32 $0xAAAB, s9  }
0x5d: {  	_ =	swait.ge [sflag:s22], $0x180  }
0x5e: {  	[sflag:s22] =	ssyncset.done $0x0;
	s18 =	sshrl.u32 s18, $0x11  }
0x5f: {  	[sflag:s22] =	ssyncadd.s32 $0xFFFFFE80;
	s18 =	smul.u32 $0x3, s18  }
0x60: {  	_ =	swait.ge [sflag:s22], $0x180  }
0x61: {  	s23 =	sand.u32 $0x1, s9;
	[sflag:s22] =	ssyncset.done $0x0;
	s18 =	ssub.s32 s9, s18  }
0x62: {  	p0 =	seq.s32 s23, $0x1;
	[sflag:s22] =	ssyncadd.s32 $0xFFFFFE80;
	s18 =	smul.u32 $0x180, s18  }
.Ltmp4:
0x63: {  	_ =	swait.ge [sflag:s22], $0x180;
	(pc) =	sbr.rel @p0 .LBB2_8-.Ltmp4, $4  }
0x64: {  	[sflag:s22] =	ssyncset.done $0x0  }
0x65: {  	[sflag:s22] =	ssyncadd.s32 $0xFFFFFE80;
	s18 =	sand.u32 $0xFF80, s18  }
0x66: {  	s25 =	sor.u32 $0x18800, s18;
	s24 =	sadd.s32 $0x18C80, s18;
	s31 =	sadd.s32 $0x18880, s18  }
0x67: {  	s30 =	sadd.s32 $0x18D00, s18;
	s23 =	sadd.s32 $0x18900, s18;
	s18 =	sadd.s32 $0x18D80, s18  }
0x68: {  	[tilespmem:s11], [sflag:$0x2] =	stream.indirect.gather [hbm4b:s4+s21], $0x8, s25, s21, $0xb8;
	[tilespmem:$0x1F580] =	vst v63  }
0x69: {  	_ = 	snop  }
0x6a: {  	[tilespmem:s12], [sflag:$0x2] =	stream.indirect.gather [hbm4b:s4+s21], $0x8, s24, s21, $0xb8;
	[tilespmem:$0x1F580] =	vst v63  }
0x6b: {  	_ = 	snop  }
0x6c: {  	[tilespmem:s15], [sflag:$0x2] =	stream.indirect.gather [hbm4b:s4+s21], $0x8, s31, s21, $0xb8;
	[tilespmem:$0x1F580] =	vst v63  }
0x6d: {  	p0 =	seq.s32 s9, $0x0  }
0x6e: {  	[tilespmem:s16], [sflag:$0x2] =	stream.indirect.gather [hbm4b:s4+s21], $0x8, s30, s21, $0xb8;
	[tilespmem:$0x1F580] =	vst v63  }
.Ltmp5:
0x6f: {  	_ = 	snop;
	(pc) =	sbr.rel @!p0 .LBB2_9-.Ltmp5, $4  }
0x70: {  	_ = 	snop  }
0x71: {  	[tilespmem:s19], [sflag:$0x2] =	stream.indirect.gather [hbm4b:s4+s21], $0x8, s23, s21, $0xb8;
	[tilespmem:$0x1F580] =	vst v63  }
0x72: {  	_ = 	snop  }
0x73: {  	[tilespmem:s20], [sflag:$0x2] =	stream.indirect.gather [hbm4b:s4+s21], $0x8, s18, s21, $0xb8;
	[tilespmem:$0x1F580] =	vst v63  }
.Ltmp6:
0x74: {  	(pc) =	sbr.rel .LBB2_12-.Ltmp6, $2  }
0x75: {  	_ =	sdelay $0x2  }
0x76: {  	p0 =	por $0x1, $0x1;
	s18 =	sadd.s32 $0x1, s9  }
.LBB2_8:
0x77: {  	s13 =	simm.s32 $0x1A180  }
0x78: {  	[tilespmem:s13], [sflag:$0x3] =	stream.indirect.gather [hbm4b:s4+s21], $0x8, s25, s21, $0xb8;
	[tilespmem:$0x1F580] =	vst v63  }
0x79: {  	s25 =	simm.s32 $0x1B980  }
0x7a: {  	[tilespmem:s25], [sflag:$0x3] =	stream.indirect.gather [hbm4b:s4+s21], $0x8, s24, s21, $0xb8;
	[tilespmem:$0x1F580] =	vst v63  }
0x7b: {  	s25 =	simm.s32 $0x1A580  }
0x7c: {  	[tilespmem:s25], [sflag:$0x3] =	stream.indirect.gather [hbm4b:s4+s21], $0x8, s31, s21, $0xb8;
	[tilespmem:$0x1F580] =	vst v63  }
0x7d: {  	s31 =	simm.s32 $0x1BD80  }
0x7e: {  	[tilespmem:s31], [sflag:$0x3] =	stream.indirect.gather [hbm4b:s4+s21], $0x8, s30, s21, $0xb8;
	[tilespmem:$0x1F580] =	vst v63  }
0x7f: {  	_ = 	snop  }
0x80: {  	[tilespmem:s26], [sflag:$0x3] =	stream.indirect.gather [hbm4b:s4+s21], $0x8, s23, s21, $0xb8;
	[tilespmem:$0x1F580] =	vst v63  }
0x81: {  	s13 =	simm.s32 $0x2  }
0x82: {  	[tilespmem:s14], [sflag:$0x3] =	stream.indirect.gather [hbm4b:s4+s21], $0x8, s18, s21, $0xb8;
	[tilespmem:$0x1F580] =	vst v63  }
.LBB2_9:
0x83: {  	_ =	swait.ge [sflag:s13], $0x400  }
0x84: {  	[sflag:s13] =	ssyncset.done $0x0  }
0x85: {  	[sflag:s13] =	ssyncadd.s32 $0xFFFFFC00  }
0x86: {  	_ =	swait.ge [sflag:s13], $0x400  }
0x87: {  	[sflag:s13] =	ssyncset.done $0x0  }
0x88: {  	[sflag:s13] =	ssyncadd.s32 $0xFFFFFC00  }
0x89: {  	_ =	swait.ge [sflag:s13], $0x400  }
0x8a: {  	[sflag:s13] =	ssyncset.done $0x0  }
0x8b: {  	[sflag:s13] =	ssyncadd.s32 $0xFFFFFC00  }
0x8c: {  	_ =	swait.ge [sflag:s13], $0x400  }
0x8d: {  	[sflag:s13] =	ssyncset.done $0x0  }
0x8e: {  	[sflag:s13] =	ssyncadd.s32 $0xFFFFFC00  }
0x8f: {  	p1 =	sgt.u32 s9, $0x1;
	_ =	swait.ge [sflag:s13], $0x400  }
.Ltmp7:
0x90: {  	[sflag:s13] =	ssyncset.done $0x0;
	(pc) =	sbr.rel @!p1 .LBB2_10-.Ltmp7, $4  }
0x91: {  	[sflag:s13] =	ssyncadd.s32 $0xFFFFFC00  }
0x92: {  	_ =	swait.ge [sflag:s13], $0x400  }
0x93: {  	[sflag:s13] =	ssyncset.done $0x0  }
0x94: {  	p0 =	por $0x0, $0x0;
	[sflag:s13] =	ssyncadd.s32 $0xFFFFFC00  }
0x95: {  	_ =	swait.ge [sflag:s2], $0x800  }
0x96: {  	[sflag:s2] =	ssyncset.done $0x0  }
0x97: {  	[sflag:s2] =	ssyncadd.s32 $0xFFFFF800  }
0x98: {  	p1 =	sgt.u32 s9, $0x206;
	_ =	swait.ge [sflag:s2], $0x800  }
.Ltmp8:
0x99: {  	[sflag:s2] =	ssyncset.done $0x0;
	(pc) =	sbr.rel @p1 .LBB2_13-.Ltmp8, $4  }
.Ltmp9:
0x9a: {  	[sflag:s2] =	ssyncadd.s32 $0xFFFFF800;
	(pc) =	sbr.rel @!p1 .LBB2_12-.Ltmp9, $4  }
0x9b: {  	_ =	swait.ge [sflag:s2], $0x800  }
0x9c: {  	[sflag:s2] =	ssyncset.done $0x0  }
0x9d: {  	s18 =	sadd.s32 $0x1, s9;
	p0 =	por $0x0, $0x0;
	[sflag:s2] =	ssyncadd.s32 $0xFFFFF800  }
0x9e: {  	_ = 	snop  }
.LBB2_10:
0x9f: {  	s18 =	sadd.s32 $0x1, s9  }
.LBB2_12:
0xa0: {  	s13 =	smul.u32 $0xAAAB, s18;
	_ =	sdelay $0x1  }
0xa1: {  	s13 =	sshrl.u32 s13, $0x11  }
0xa2: {  	s13 =	smul.u32 $0x3, s13;
	_ =	sdelay $0x1  }
0xa3: {  	s23 =	smul.u32 $0x180, s18;
	s13 =	ssub.s32 s18, s13  }
0xa4: {  	s13 =	smul.u32 $0x180, s13  }
0xa5: {  	s23 =	sadd.s32 s7, s23  }
0xa6: {  	s23 =	sshrl.u32 s23, $0x3;
	s13 =	sand.u32 $0xFF80, s13  }
0xa7: {  	s25 =	sadd.s32 s5, s23;
	s24 =	sor.u32 $0x18800, s13  }
0xa8: {  	[tilespmem:s24], [sflag:$0x1] =	stream.linear.gather [hbm4b:s25+s3], $0x180, $0x38;
	[tilespmem:$0x1F580] =	vst v63  }
.Ltmp10:
0xa9: {  	_ = 	snop;
	(pc) =	sbr.rel @p0 .LBB2_16-.Ltmp10, $4  }
0xaa: {  	s31 =	sadd.s32 s6, s23;
	s30 =	sadd.s32 $0x18C80, s13  }
0xab: {  	[tilespmem:s30], [sflag:$0x1] =	stream.linear.gather [hbm4b:s31+s3], $0x180, $0x38;
	[tilespmem:$0x1F580] =	vst v63  }
0xac: {  	s23 =	sadd.s32 s8, s23;
	s13 =	sadd.s32 $0x19100, s13  }
0xad: {  	[tilespmem:s13], [sflag:$0x1] =	stream.linear.gather [hbm4b:s23+s3], $0x180, $0x38;
	[tilespmem:$0x1F580] =	vst v63  }
.LBB2_13:
0xae: {  	s23 =	sadd.s32 $0xFFFFFFFF, s9  }
0xaf: {  	s31 =	sand.u32 $0x1, s23  }
0xb0: {  	s13 =	smul.u32 $0x180, s31;
	_ =	sdelay $0x1  }
0xb1: {  	v5 =	vor.u32 s13, v0  }
0xb2: {  	v6 =	vshll.u32 v5, $0x3;
	_ =	sdelay $0x1  }
0xb3: {  	v4 =	vor.u32 $0x1, v6;
	_ =	sdelay $0x1  }
0xb4: {  	v7 =	vor.u32 $0x2, v6  }
0xb5: {  	v8 =	vld.idx.msk [tilespmem:v6+s11+$0x0], $0xffff  }
0xb6: {  	v9 =	vld.idx.msk [tilespmem:v6+s12+$0x0], $0xffff  }
0xb7: {  	v10 =	vld.idx.msk [tilespmem:v4+s11+$0x0], $0xffff  }
0xb8: {  	v4 =	vld.idx.msk [tilespmem:v4+s12+$0x0], $0xffff  }
0xb9: {  	v11 =	vld.idx.msk [tilespmem:v7+s12+$0x0], $0xffff  }
0xba: {  	v7 =	vld.idx.msk [tilespmem:v7+s11+$0x0], $0xffff;
	_ =	sdelay $0x2  }
0xbb: {  	v8 =	vsub.f32 v9, v8;
	v9 =	vsub.f32 v4, v10;
	_ =	sdelay $0x1  }
0xbc: {  	s24 =	smulhi.u32 $0xAAAAAAAB, s23;
	v10 =	vsub.f32 v11, v7;
	v4 =	vmul.f32 v8, v8;
	v7 =	vmul.f32 v9, v9;
	_ =	sdelay $0x1  }
0xbd: {  	s9 =	smul.u32 $0x600, s9;
	s24 =	sshrl.u32 s24, $0x1;
	v4 =	vadd.f32 v7, v4;
	v7 =	vmul.f32 v10, v10  }
0xbe: {  	s25 =	smul.u32 $0x1200, s24  }
0xbf: {  	v12 =	vor.u32 $0x4, v6;
	v4 =	vadd.f32 v7, v4  }
0xc0: {  	s9 =	ssub.s32 s9, s25;
	v7 =	vor.u32 $0x3, v6  }
0xc1: {  	s9 =	sshra.s32 s9, $0x2;
	v11 =	vadd.f32 $9.999999930e-09, v4  }
0xc2: {  	s9 =	sadd.s32 $0x19100, s9  }
0xc3: {  	v4 =	vmov s9;
	(erf) = vrcp.f32 v11  }
0xc4: {  	v13 =	vld.idx.msk [tilespmem:v12+s11+$0x0], $0xffff;
	v6 =	vor.u32 $0x5, v6  }
0xc5: {  	v11 =	vld.idx.msk [tilespmem:v7+s11+$0x0], $0xffff  }
0xc6: {  	v7 =	vld.idx.msk [tilespmem:v7+s12+$0x0], $0xffff  }
0xc7: {  	s25 =	simm.s32 $0xFFFFFE80;
	v12 =	vld.idx.msk [tilespmem:v12+s12+$0x0], $0xffff  }
0xc8: {  	v14 =	vld.idx.msk [tilespmem:v4+s25+$0x0 ss:$0x1], $0xffff  }
0xc9: {  	v15 =	vld.idx.msk [tilespmem:v6+s12+$0x0], $0xffff  }
0xca: {  	v6 =	vld.idx.msk [tilespmem:v6+s11+$0x0], $0xffff  }
0xcb: {  	v18 =	vshll.u32 v5, $0x4;
	v11 =	vsub.f32 v7, v11  }
0xcc: {  	v17 =	vor.u32 $0x2, v18;
	v16 =	vpop (erf)  }
0xcd: {  	v5 =	vmul.f32 v14, v11;
	v11 =	vor.u32 $0x1, v18;
	v7 =	vmul.f32 v16, v8  }
0xce: {  	v19 =	vor.u32 $0x3, v18;
	v12 =	vsub.f32 v12, v13;
	v8 =	vmul.f32 v16, v9  }
0xcf: {  	v6 =	vsub.f32 v15, v6;
	v9 =	vmul.f32 v16, v10;
	v13 =	vmul.f32 v7, v5  }
0xd0: {  	v20 =	vmul.f32 v14, v12;
	v10 =	vor.u32 $0x4, v18;
	v16 =	vmul.f32 v8, v5  }
0xd1: {  	s25 =	smul.u32 $0x3, s24;
	v12 =	vor.u32 $0x5, v18;
	v15 =	vmul.f32 v9, v5;
	[tilespmem:v18+s29+$0x0] =	vst.idx.msk $0xffff, v13  }
0xd2: {  	s13 =	sadd.s32 $0x10, s13;
	v14 =	vmul.f32 v6, v14;
	v21 =	vmul.f32 v7, v20;
	v13 =	vor.u32 $0x6, v18;
	[tilespmem:v11+s29+$0x0] =	vst.idx.msk $0xffff, v16  }
0xd3: {  	s9 =	ssub.s32 s23, s25;
	v5 =	vor.u32 s13, v0;
	v11 =	vor.u32 $0x7, v18;
	v16 =	vmul.f32 v8, v20;
	[tilespmem:v17+s29+$0x0] =	vst.idx.msk $0xffff, v15  }
0xd4: {  	s23 =	simm.s32 $0xFFFFFA80;
	s30 =	smul.u32 $0x180, s9;
	s9 =	simm.s32 $0xFFFFFA40;
	v6 =	vshll.u32 v5, $0x3;
	v17 =	vmul.f32 v9, v20;
	v15 =	vor.u32 $0x8, v18;
	[tilespmem:v19+s29+$0x0] =	vst.idx.msk $0xffff, v21  }
.LBB2_14:
0xd5: {  	p0 =	sne.s32 s23, $0xFFFFFFC0;
	v18 =	vor.u32 $0x1, v6;
	[tilespmem:v10+s29+$0x0] =	vst.idx.msk $0xffff, v16;
	v7 =	vmul.f32 v7, v14;
	s24 =	smov.u32 s23;
	s23 =	sadd.s32 $0x40, s23  }
0xd6: {  	v8 =	vmul.f32 v8, v14;
	[tilespmem:v12+s29+$0x0] =	vst.idx.msk $0xffff, v17  }
0xd7: {  	v10 =	vor.u32 $0x2, v6;
	[tilespmem:v13+s29+$0x0] =	vst.idx.msk $0xffff, v7;
	v7 =	vmul.f32 v9, v14  }
0xd8: {  	[tilespmem:v11+s29+$0x0] =	vst.idx.msk $0xffff, v8  }
0xd9: {  	[tilespmem:v15+s29+$0x0] =	vst.idx.msk $0xffff, v7  }
0xda: {  	v7 =	vld.idx.msk [tilespmem:v6+s11+$0x0], $0xffff  }
0xdb: {  	v8 =	vld.idx.msk [tilespmem:v6+s12+$0x0], $0xffff  }
0xdc: {  	v9 =	vld.idx.msk [tilespmem:v18+s11+$0x0], $0xffff  }
0xdd: {  	v11 =	vld.idx.msk [tilespmem:v18+s12+$0x0], $0xffff  }
0xde: {  	v12 =	vld.idx.msk [tilespmem:v10+s12+$0x0], $0xffff  }
0xdf: {  	v10 =	vld.idx.msk [tilespmem:v10+s11+$0x0], $0xffff;
	_ =	sdelay $0x1  }
0xe0: {  	v7 =	vsub.f32 v8, v7;
	_ =	sdelay $0x1  }
0xe1: {  	v8 =	vsub.f32 v11, v9;
	_ =	sdelay $0x1  }
0xe2: {  	v9 =	vsub.f32 v12, v10;
	v10 =	vmul.f32 v7, v7;
	v11 =	vmul.f32 v8, v8;
	_ =	sdelay $0x1  }
0xe3: {  	v10 =	vadd.f32 v11, v10;
	v11 =	vmul.f32 v9, v9;
	_ =	sdelay $0x1  }
0xe4: {  	v12 =	vor.u32 $0x3, v6;
	v10 =	vadd.f32 v11, v10;
	_ =	sdelay $0x1  }
0xe5: {  	v10 =	vadd.f32 $9.999999930e-09, v10  }
0xe6: {  	v11 =	vor.u32 $0x4, v6;
	v6 =	vor.u32 $0x5, v6  }
0xe7: {  	(erf) = vrcp.f32 v10  }
0xe8: {  	v10 =	vld.idx.msk [tilespmem:v12+s11+$0x0], $0xffff  }
0xe9: {  	s25 =	sshra.s32 s9, $0x2;
	s9 =	smov.u32 s24;
	v12 =	vld.idx.msk [tilespmem:v12+s12+$0x0], $0xffff  }
0xea: {  	v14 =	vld.idx.msk [tilespmem:v4+s25+$0x0 ss:$0x1], $0xffff  }
0xeb: {  	v13 =	vld.idx.msk [tilespmem:v6+s12+$0x0], $0xffff  }
0xec: {  	v15 =	vld.idx.msk [tilespmem:v11+s11+$0x0], $0xffff  }
0xed: {  	v11 =	vld.idx.msk [tilespmem:v11+s12+$0x0], $0xffff;
	_ =	sdelay $0x1  }
0xee: {  	v10 =	vsub.f32 v12, v10  }
0xef: {  	v6 =	vld.idx.msk [tilespmem:v6+s11+$0x0], $0xffff;
	v12 =	vpop (erf)  }
0xf0: {  	v18 =	vshll.u32 v5, $0x4  }
0xf1: {  	v16 =	vor.u32 $0x1, v18;
	v5 =	vmul.f32 v14, v10;
	v7 =	vmul.f32 v12, v7  }
0xf2: {  	v8 =	vmul.f32 v12, v8;
	v10 =	vsub.f32 v11, v15;
	v15 =	vor.u32 $0x2, v18  }
0xf3: {  	v17 =	vor.u32 $0x3, v18;
	v9 =	vmul.f32 v12, v9;
	v11 =	vmul.f32 v7, v5  }
.Ltmp11:
0xf4: {  	v20 =	vmul.f32 v8, v5;
	v19 =	vmul.f32 v14, v10;
	v10 =	vor.u32 $0x4, v18;
	(pc) =	sbr.rel @p0 .LBB2_14-.Ltmp11, $4  }
0xf5: {  	v12 =	vor.u32 $0x5, v18;
	v21 =	vmul.f32 v9, v5;
	v6 =	vsub.f32 v13, v6;
	[tilespmem:v18+s29+$0x0] =	vst.idx.msk $0xffff, v11  }
0xf6: {  	s13 =	sadd.s32 $0x10, s13;
	v13 =	vor.u32 $0x6, v18;
	v11 =	vor.u32 $0x7, v18;
	[tilespmem:v16+s29+$0x0] =	vst.idx.msk $0xffff, v20;
	v20 =	vmul.f32 v7, v19  }
0xf7: {  	v5 =	vor.u32 s13, v0;
	v14 =	vmul.f32 v6, v14;
	v16 =	vmul.f32 v8, v19;
	[tilespmem:v15+s29+$0x0] =	vst.idx.msk $0xffff, v21  }
0xf8: {  	v6 =	vshll.u32 v5, $0x3;
	v15 =	vor.u32 $0x8, v18;
	[tilespmem:v17+s29+$0x0] =	vst.idx.msk $0xffff, v20;
	v17 =	vmul.f32 v9, v19  }
0xf9: {  	_ =	sdelay $0x3  }
0xfa: {  	[tilespmem:v10+s29+$0x0] =	vst.idx.msk $0xffff, v16;
	v7 =	vmul.f32 v7, v14  }
0xfb: {  	v8 =	vmul.f32 v8, v14;
	[tilespmem:v12+s29+$0x0] =	vst.idx.msk $0xffff, v17  }
0xfc: {  	v38 =	vor.u32 $0x1, v6;
	v39 =	vmul.f32 v9, v14;
	[tilespmem:v13+s29+$0x0] =	vst.idx.msk $0xffff, v7  }
0xfd: {  	[tilespmem:v11+s29+$0x0] =	vst.idx.msk $0xffff, v8  }
0xfe: {  	v40 =	vor.u32 $0x2, v6;
	[tilespmem:v15+s29+$0x0] =	vst.idx.msk $0xffff, v39  }
0xff: {  	v7 =	vld.idx.msk [tilespmem:v6+s11+$0x0], $0xffff  }
0x100: {  	v41 =	vld.idx.msk [tilespmem:v6+s12+$0x0], $0xffff  }
0x101: {  	v11 =	vld.idx.msk [tilespmem:v38+s11+$0x0], $0xffff  }
0x102: {  	v10 =	vld.idx.msk [tilespmem:v38+s12+$0x0], $0xffff  }
0x103: {  	v12 =	vld.idx.msk [tilespmem:v40+s12+$0x0], $0xffff  }
0x104: {  	v8 =	vld.idx.msk [tilespmem:v40+s11+$0x0], $0xffff;
	_ =	sdelay $0x2  }
0x105: {  	v7 =	vsub.f32 v41, v7;
	v42 =	vsub.f32 v10, v11;
	_ =	sdelay $0x1  }
0x106: {  	v8 =	vsub.f32 v12, v8;
	v43 =	vmul.f32 v7, v7;
	v11 =	vmul.f32 v42, v42;
	_ =	sdelay $0x1  }
0x107: {  	v44 =	vmul.f32 v8, v8;
	v10 =	vadd.f32 v11, v43;
	_ =	sdelay $0x1  }
0x108: {  	v10 =	vadd.f32 v44, v10  }
0x109: {  	v45 =	vor.u32 $0x3, v6  }
0x10a: {  	v10 =	vadd.f32 $9.999999930e-09, v10;
	_ =	sdelay $0x1  }
0x10b: {  	v46 =	vor.u32 $0x4, v6;
	(erf) = vrcp.f32 v10;
	_ =	sdelay $0x1  }
0x10c: {  	v47 =	vld.idx.msk [tilespmem:v45+s11+$0x0], $0xffff  }
0x10d: {  	v48 =	vor.u32 $0x5, v6;
	s9 =	sshra.s32 s9, $0x2;
	v11 =	vld.idx.msk [tilespmem:v45+s12+$0x0], $0xffff  }
0x10e: {  	v4 =	vld.idx.msk [tilespmem:v4+s9+$0x0 ss:$0x1], $0xffff  }
0x10f: {  	v13 =	vld.idx.msk [tilespmem:v46+s11+$0x0], $0xffff  }
0x110: {  	v12 =	vld.idx.msk [tilespmem:v46+s12+$0x0], $0xffff;
	_ =	sdelay $0x1  }
0x111: {  	v49 =	vld.idx.msk [tilespmem:v48+s12+$0x0], $0xffff;
	v10 =	vsub.f32 v11, v47  }
0x112: {  	v5 =	vshll.u32 v5, $0x4;
	v6 =	vld.idx.msk [tilespmem:v48+s11+$0x0], $0xffff;
	v50 =	vpop (erf)  }
0x113: {  	v51 =	vor.u32 $0x1, v5;
	v10 =	vmul.f32 v4, v10;
	v7 =	vmul.f32 v50, v7  }
0x114: {  	v52 =	vor.u32 $0x2, v5;
	v12 =	vsub.f32 v12, v13;
	v9 =	vmul.f32 v50, v42  }
0x115: {  	v54 =	vor.u32 $0x3, v5;
	v8 =	vmul.f32 v50, v8;
	v53 =	vmul.f32 v7, v10  }
0x116: {  	v18 =	vor.u32 $0x4, v5;
	v12 =	vmul.f32 v4, v12;
	v55 =	vmul.f32 v9, v10  }
0x117: {  	v56 =	vor.u32 $0x5, v5;
	v6 =	vsub.f32 v49, v6;
	v10 =	vmul.f32 v8, v10;
	[tilespmem:v5+s29+$0x0] =	vst.idx.msk $0xffff, v53  }
0x118: {  	v58 =	vor.u32 $0x6, v5;
	v57 =	vmul.f32 v7, v12;
	[tilespmem:v51+s29+$0x0] =	vst.idx.msk $0xffff, v55  }
0x119: {  	v59 =	vor.u32 $0x7, v5;
	v4 =	vmul.f32 v6, v4;
	v60 =	vmul.f32 v9, v12;
	[tilespmem:v52+s29+$0x0] =	vst.idx.msk $0xffff, v10  }
0x11a: {  	v61 =	vmul.f32 v8, v12;
	v5 =	vor.u32 $0x8, v5;
	[tilespmem:v54+s29+$0x0] =	vst.idx.msk $0xffff, v57  }
0x11b: {  	v62 =	vmul.f32 v7, v4;
	[tilespmem:v18+s29+$0x0] =	vst.idx.msk $0xffff, v60  }
0x11c: {  	s23 =	smul.u32 $0x6000, s31;
	v63 =	vmul.f32 v9, v4;
	[tilespmem:v56+s29+$0x0] =	vst.idx.msk $0xffff, v61  }
0x11d: {  	v4 =	vmul.f32 v8, v4;
	[tilespmem:v58+s29+$0x0] =	vst.idx.msk $0xffff, v62  }
0x11e: {  	s9 =	sshrl.u32 s23, $0x2;
	[tilespmem:v59+s29+$0x0] =	vst.idx.msk $0xffff, v63  }
0x11f: {  	s23 =	sadd.s32 $0x18800, s30;
	s13 =	sor.u32 $0x1C580, s9;
	[tilespmem:v5+s29+$0x0] =	vst.idx.msk $0xffff, v4  }
0x120: {  	[spmem:s1] =	stream.indirect.scatter.add.f32 [tilespmem:s13], [sflag:$0x4], $0x10, s23, s21, $0xb8;
	[tilespmem:$0x1F580] =	vst v63  }
.Ltmp12:
0x121: {  	_ = 	snop;
	(pc) =	sbr.rel .LBB2_16-.Ltmp12, $4  }
0x122: {  	s25 =	sadd.s32 $0x18880, s30;
	s24 =	sadd.s32 $0x1CD80, s9  }
0x123: {  	[spmem:s1] =	stream.indirect.scatter.add.f32 [tilespmem:s24], [sflag:$0x4], $0x10, s25, s21, $0xb8;
	[tilespmem:$0x1F580] =	vst v63  }
0x124: {  	s31 =	sadd.s32 $0x18900, s30;
	s9 =	sadd.s32 $0x1D580, s9  }
0x125: {  	[spmem:s1] =	stream.indirect.scatter.add.f32 [tilespmem:s9], [sflag:$0x4], $0x10, s31, s21, $0xb8;
	[tilespmem:$0x1F580] =	vst v63  }
.LBB2_17:
0x126: {  	_ =	swait.ge [sflag:s2], $0x800  }
0x127: {  	[sflag:s2] =	ssyncset.done $0x0  }
0x128: {  	[sflag:s2] =	ssyncadd.s32 $0xFFFFF800  }
0x129: {  	_ =	swait.ge [sflag:s2], $0x800  }
0x12a: {  	[sflag:s2] =	ssyncset.done $0x0  }
0x12b: {  	[sflag:s2] =	ssyncadd.s32 $0xFFFFF800  }
0x12c: {  	_ =	swait.ge [sflag:s2], $0x800  }
0x12d: {  	s9 =	simm.s32 $0x0;
	[sflag:s2] =	ssyncset.done $0x0  }
0x12e: {  	s24 =	simm.s32 $0x18800;
	s13 =	rddreg [dreg:$0xb];
	[sflag:s2] =	ssyncadd.s32 $0xFFFFF800  }
0x12f: {  	[tilespmem:s24], [sflag:$0x5] =	stream.linear.gather [hbm4b:s13+s9], $0x140, $0x38;
	[tilespmem:$0x1F580] =	vst v63  }
0x130: {  	_ =	swait.ge [sflag:s28], $0x140  }
0x131: {  	[sflag:s28] =	ssyncset.done $0x0  }
0x132: {  	s25 =	simm.s32 $0x18C80;
	s18 =	rddreg [dreg:$0xc];
	[sflag:s28] =	ssyncadd.s32 $0xFFFFFEC0  }
0x133: {  	[tilespmem:s25], [sflag:$0x5] =	stream.linear.gather [hbm4b:s18+s9], $0x140, $0x38;
	[tilespmem:$0x1F580] =	vst v63  }
0x134: {  	_ =	swait.ge [sflag:s28], $0x140  }
0x135: {  	[sflag:s28] =	ssyncset.done $0x0  }
0x136: {  	s18 =	simm.s32 $0x19100;
	s23 =	rddreg [dreg:$0xd];
	[sflag:s28] =	ssyncadd.s32 $0xFFFFFEC0  }
0x137: {  	[tilespmem:s18], [sflag:$0x5] =	stream.linear.gather [hbm4b:s23+s9], $0x140, $0x38;
	[tilespmem:$0x1F580] =	vst v63  }
0x138: {  	_ =	swait.ge [sflag:s28], $0x140  }
0x139: {  	[sflag:s28] =	ssyncset.done $0x0  }
0x13a: {  	[sflag:s28] =	ssyncadd.s32 $0xFFFFFEC0  }
0x13b: {  	[tilespmem:s11], [sflag:$0x5] =	stream.indirect.gather [hbm4b:s4+s0], $0x8, s24, s0, $0xb8;
	[tilespmem:$0x1F580] =	vst v63  }
0x13c: {  	_ =	swait.ge [sflag:s28], $0x200  }
0x13d: {  	[sflag:s28] =	ssyncset.done $0x0  }
0x13e: {  	[sflag:s28] =	ssyncadd.s32 $0xFFFFFE00  }
0x13f: {  	[tilespmem:s12], [sflag:$0x5] =	stream.indirect.gather [hbm4b:s4+s0], $0x8, s25, s0, $0xb8;
	[tilespmem:$0x1F580] =	vst v63  }
0x140: {  	_ =	swait.ge [sflag:s28], $0x200  }
0x141: {  	[sflag:s28] =	ssyncset.done $0x0  }
0x142: {  	s13 =	simm.s32 $0x19780;
	s25 =	simm.s32 $0x18840;
	[sflag:s28] =	ssyncadd.s32 $0xFFFFFE00  }
0x143: {  	[tilespmem:s13], [sflag:$0x5] =	stream.indirect.gather [hbm4b:s4+s0], $0x8, s25, s0, $0xb8;
	[tilespmem:$0x1F580] =	vst v63  }
0x144: {  	_ =	swait.ge [sflag:s28], $0x200  }
0x145: {  	[sflag:s28] =	ssyncset.done $0x0  }
0x146: {  	s30 =	simm.s32 $0x1AF80;
	s13 =	simm.s32 $0x18CC0;
	[sflag:s28] =	ssyncadd.s32 $0xFFFFFE00  }
0x147: {  	[tilespmem:s30], [sflag:$0x5] =	stream.indirect.gather [hbm4b:s4+s0], $0x8, s13, s0, $0xb8;
	[tilespmem:$0x1F580] =	vst v63  }
0x148: {  	_ =	swait.ge [sflag:s28], $0x200  }
0x149: {  	[sflag:s28] =	ssyncset.done $0x0  }
0x14a: {  	s30 =	simm.s32 $0x18880;
	[sflag:s28] =	ssyncadd.s32 $0xFFFFFE00  }
0x14b: {  	[tilespmem:s15], [sflag:$0x5] =	stream.indirect.gather [hbm4b:s4+s0], $0x8, s30, s0, $0xb8;
	[tilespmem:$0x1F580] =	vst v63  }
0x14c: {  	_ =	swait.ge [sflag:s28], $0x200  }
0x14d: {  	[sflag:s28] =	ssyncset.done $0x0  }
0x14e: {  	s13 =	simm.s32 $0x18D00;
	[sflag:s28] =	ssyncadd.s32 $0xFFFFFE00  }
0x14f: {  	[tilespmem:s16], [sflag:$0x5] =	stream.indirect.gather [hbm4b:s4+s0], $0x8, s13, s0, $0xb8;
	[tilespmem:$0x1F580] =	vst v63  }
0x150: {  	_ =	swait.ge [sflag:s28], $0x200  }
0x151: {  	[sflag:s28] =	ssyncset.done $0x0  }
0x152: {  	s31 =	simm.s32 $0x19B80;
	s13 =	simm.s32 $0x188C0;
	[sflag:s28] =	ssyncadd.s32 $0xFFFFFE00  }
0x153: {  	[tilespmem:s31], [sflag:$0x5] =	stream.indirect.gather [hbm4b:s4+s0], $0x8, s13, s0, $0xb8;
	[tilespmem:$0x1F580] =	vst v63  }
0x154: {  	_ =	swait.ge [sflag:s28], $0x200  }
0x155: {  	[sflag:s28] =	ssyncset.done $0x0  }
0x156: {  	s13 =	simm.s32 $0x18D40;
	s31 =	simm.s32 $0x1B380;
	[sflag:s28] =	ssyncadd.s32 $0xFFFFFE00  }
0x157: {  	[tilespmem:s31], [sflag:$0x5] =	stream.indirect.gather [hbm4b:s4+s0], $0x8, s13, s0, $0xb8;
	[tilespmem:$0x1F580] =	vst v63  }
0x158: {  	_ =	swait.ge [sflag:s28], $0x200  }
0x159: {  	[sflag:s28] =	ssyncset.done $0x0  }
0x15a: {  	s31 =	simm.s32 $0x18900;
	[sflag:s28] =	ssyncadd.s32 $0xFFFFFE00  }
0x15b: {  	[tilespmem:s19], [sflag:$0x5] =	stream.indirect.gather [hbm4b:s4+s0], $0x8, s31, s0, $0xb8;
	[tilespmem:$0x1F580] =	vst v63  }
0x15c: {  	_ =	swait.ge [sflag:s28], $0x200  }
0x15d: {  	v4 =	vor.u32 s9, v0;
	[sflag:s28] =	ssyncset.done $0x0  }
0x15e: {  	v5 =	vshll.u32 v4, $0x3;
	s13 =	simm.s32 $0x18D80;
	[sflag:s28] =	ssyncadd.s32 $0xFFFFFE00  }
0x15f: {  	[tilespmem:s20], [sflag:$0x5] =	stream.indirect.gather [hbm4b:s4+s0], $0x8, s13, s0, $0xb8;
	[tilespmem:$0x1F580] =	vst v63  }
0x160: {  	v6 =	vor.u32 $0x1, v5;
	_ =	swait.ge [sflag:s28], $0x200  }
0x161: {  	[sflag:s28] =	ssyncset.done $0x0  }
0x162: {  	v7 =	vor.u32 $0x2, v5;
	[sflag:s28] =	ssyncadd.s32 $0xFFFFFE00  }
0x163: {  	v8 =	vld.idx.msk [tilespmem:v5+s11+$0x0], $0xffff  }
0x164: {  	v9 =	vld.idx.msk [tilespmem:v5+s12+$0x0], $0xffff  }
0x165: {  	v10 =	vld.idx.msk [tilespmem:v6+s11+$0x0], $0xffff  }
0x166: {  	v6 =	vld.idx.msk [tilespmem:v6+s12+$0x0], $0xffff  }
0x167: {  	v11 =	vld.idx.msk [tilespmem:v7+s11+$0x0], $0xffff  }
0x168: {  	v7 =	vld.idx.msk [tilespmem:v7+s12+$0x0], $0xffff;
	_ =	sdelay $0x2  }
0x169: {  	v8 =	vsub.f32 v9, v8;
	v6 =	vsub.f32 v6, v10;
	_ =	sdelay $0x1  }
0x16a: {  	v7 =	vsub.f32 v7, v11;
	v9 =	vmul.f32 v8, v8;
	v10 =	vmul.f32 v6, v6;
	_ =	sdelay $0x1  }
0x16b: {  	v9 =	vadd.f32 v10, v9;
	v10 =	vmul.f32 v7, v7;
	_ =	sdelay $0x1  }
0x16c: {  	v11 =	vor.u32 $0x5, v5;
	v9 =	vadd.f32 v10, v9  }
0x16d: {  	v10 =	vor.u32 $0x3, v5  }
0x16e: {  	v9 =	vadd.f32 $9.999999930e-09, v9;
	_ =	sdelay $0x1  }
0x16f: {  	v12 =	vld [tilespmem:s18+$0x0];
	v5 =	vor.u32 $0x4, v5;
	(erf) = vrcp.f32 v9  }
0x170: {  	v9 =	vld.idx.msk [tilespmem:v11+s12+$0x0], $0xffff  }
0x171: {  	v13 =	vld.idx.msk [tilespmem:v10+s11+$0x0], $0xffff  }
0x172: {  	v10 =	vld.idx.msk [tilespmem:v10+s12+$0x0], $0xffff  }
0x173: {  	v11 =	vld.idx.msk [tilespmem:v11+s11+$0x0], $0xffff  }
0x174: {  	v14 =	vld.idx.msk [tilespmem:v5+s11+$0x0], $0xffff  }
0x175: {  	v5 =	vld.idx.msk [tilespmem:v5+s12+$0x0], $0xffff;
	_ =	sdelay $0x1  }
0x176: {  	v10 =	vsub.f32 v10, v13  }
0x177: {  	v15 =	vshll.u32 v4, $0x4;
	v9 =	vsub.f32 v9, v11;
	v4 =	vpop (erf)  }
0x178: {  	v13 =	vor.u32 $0x1, v15;
	v10 =	vmul.f32 v12, v10;
	v8 =	vmul.f32 v4, v8  }
0x179: {  	v16 =	vmul.f32 v4, v6;
	v17 =	vmul.f32 v4, v7;
	v4 =	vsub.f32 v5, v14  }
0x17a: {  	v5 =	vmul.f32 v9, v12;
	v14 =	vor.u32 $0x2, v15;
	v7 =	vmul.f32 v8, v10  }
0x17b: {  	v18 =	vor.u32 $0x3, v15;
	v4 =	vmul.f32 v12, v4;
	v9 =	vmul.f32 v16, v10  }
0x17c: {  	v19 =	vmul.f32 v17, v10;
	v6 =	vmul.f32 v8, v5  }
0x17d: {  	v10 =	vor.u32 $0x6, v15;
	[tilespmem:v15+s29+$0x0] =	vst.idx.msk $0xffff, v7;
	v7 =	vor.u32 $0x4, v15;
	v20 =	vmul.f32 v8, v4  }
0x17e: {  	s13 =	simm.s32 $0x10;
	v11 =	vmul.f32 v16, v4;
	v12 =	vmul.f32 v17, v4;
	[tilespmem:v13+s29+$0x0] =	vst.idx.msk $0xffff, v9;
	v9 =	vor.u32 $0x5, v15  }
0x17f: {  	v8 =	vmul.f32 v16, v5;
	v4 =	vor.u32 s13, v0;
	v13 =	vmul.f32 v17, v5;
	[tilespmem:v14+s29+$0x0] =	vst.idx.msk $0xffff, v19  }
0x180: {  	s23 =	simm.s32 $0x18800;
	s9 =	simm.s32 $0x20;
	s24 =	simm.s32 $0x18C80;
	v5 =	vshll.u32 v4, $0x3;
	v14 =	vor.u32 $0x7, v15;
	v15 =	vor.u32 $0x8, v15;
	[tilespmem:v18+s29+$0x0] =	vst.idx.msk $0xffff, v20  }
.LBB2_18:
0x181: {  	p0 =	sne.s32 s9, $0x130  }
0x182: {  	v16 =	vor.u32 $0x1, v5;
	[tilespmem:v7+s29+$0x0] =	vst.idx.msk $0xffff, v11;
	s18 =	sadd.s32 $0x10, s18;
	s13 =	smov.u32 s9;
	s9 =	sadd.s32 $0x10, s9  }
0x183: {  	[tilespmem:v9+s29+$0x0] =	vst.idx.msk $0xffff, v12  }
0x184: {  	[tilespmem:v10+s29+$0x0] =	vst.idx.msk $0xffff, v6  }
0x185: {  	v6 =	vor.u32 $0x2, v5;
	[tilespmem:v14+s29+$0x0] =	vst.idx.msk $0xffff, v8  }
0x186: {  	[tilespmem:v15+s29+$0x0] =	vst.idx.msk $0xffff, v13  }
0x187: {  	v7 =	vld.idx.msk [tilespmem:v5+s11+$0x0], $0xffff  }
0x188: {  	v8 =	vld.idx.msk [tilespmem:v5+s12+$0x0], $0xffff  }
0x189: {  	v9 =	vld.idx.msk [tilespmem:v16+s11+$0x0], $0xffff  }
0x18a: {  	v10 =	vld.idx.msk [tilespmem:v16+s12+$0x0], $0xffff  }
0x18b: {  	v11 =	vld.idx.msk [tilespmem:v6+s11+$0x0], $0xffff  }
0x18c: {  	v6 =	vld.idx.msk [tilespmem:v6+s12+$0x0], $0xffff;
	_ =	sdelay $0x1  }
0x18d: {  	v7 =	vsub.f32 v8, v7;
	_ =	sdelay $0x1  }
0x18e: {  	v8 =	vsub.f32 v10, v9;
	_ =	sdelay $0x1  }
0x18f: {  	v9 =	vmul.f32 v7, v7;
	v6 =	vsub.f32 v6, v11;
	v10 =	vmul.f32 v8, v8;
	_ =	sdelay $0x1  }
0x190: {  	v9 =	vadd.f32 v10, v9;
	v10 =	vmul.f32 v6, v6  }
0x191: {  	v11 =	vor.u32 $0x5, v5  }
0x192: {  	v12 =	vor.u32 $0x3, v5;
	v9 =	vadd.f32 v10, v9;
	_ =	sdelay $0x1  }
0x193: {  	v9 =	vadd.f32 $9.999999930e-09, v9  }
0x194: {  	v5 =	vor.u32 $0x4, v5;
	v10 =	vld [tilespmem:s18+$0x0]  }
0x195: {  	v13 =	vld.idx.msk [tilespmem:v11+s12+$0x0], $0xffff;
	(erf) = vrcp.f32 v9  }
0x196: {  	v9 =	vld.idx.msk [tilespmem:v12+s11+$0x0], $0xffff  }
0x197: {  	v12 =	vld.idx.msk [tilespmem:v12+s12+$0x0], $0xffff  }
0x198: {  	v11 =	vld.idx.msk [tilespmem:v11+s11+$0x0], $0xffff  }
0x199: {  	v14 =	vld.idx.msk [tilespmem:v5+s11+$0x0], $0xffff  }
0x19a: {  	v5 =	vld.idx.msk [tilespmem:v5+s12+$0x0], $0xffff;
	_ =	sdelay $0x2  }
0x19b: {  	v9 =	vsub.f32 v12, v9  }
0x19c: {  	v15 =	vshll.u32 v4, $0x4;
	v11 =	vsub.f32 v13, v11;
	v4 =	vpop (erf)  }
0x19d: {  	v12 =	vmul.f32 v4, v7;
	v7 =	vmul.f32 v10, v9;
	v9 =	vor.u32 $0x1, v15  }
0x19e: {  	v8 =	vmul.f32 v4, v8;
	v13 =	vmul.f32 v4, v6;
	v4 =	vsub.f32 v5, v14  }
0x19f: {  	v5 =	vmul.f32 v11, v10;
	v14 =	vor.u32 $0x2, v15;
	v6 =	vmul.f32 v12, v7  }
0x1a0: {  	v16 =	vor.u32 $0x3, v15;
	v4 =	vmul.f32 v10, v4;
	v10 =	vmul.f32 v8, v7  }
.Ltmp13:
0x1a1: {  	v17 =	vmul.f32 v13, v7;
	v7 =	vor.u32 $0x4, v15;
	[tilespmem:v15+s29+$0x0] =	vst.idx.msk $0xffff, v6;
	v6 =	vmul.f32 v12, v5;
	(pc) =	sbr.rel @p0 .LBB2_18-.Ltmp13, $4  }
0x1a2: {  	v18 =	vmul.f32 v12, v4;
	v11 =	vmul.f32 v8, v4;
	[tilespmem:v9+s29+$0x0] =	vst.idx.msk $0xffff, v10;
	v9 =	vor.u32 $0x5, v15  }
0x1a3: {  	v12 =	vmul.f32 v13, v4;
	v8 =	vmul.f32 v8, v5;
	v10 =	vor.u32 $0x6, v15  }
0x1a4: {  	v4 =	vor.u32 s13, v0;
	v13 =	vmul.f32 v13, v5;
	[tilespmem:v14+s29+$0x0] =	vst.idx.msk $0xffff, v17;
	v14 =	vor.u32 $0x7, v15  }
0x1a5: {  	v5 =	vshll.u32 v4, $0x3;
	v15 =	vor.u32 $0x8, v15;
	[tilespmem:v16+s29+$0x0] =	vst.idx.msk $0xffff, v18  }
0x1a6: {  	_ =	sdelay $0x3  }
0x1a7: {  	[tilespmem:v7+s29+$0x0] =	vst.idx.msk $0xffff, v11  }
0x1a8: {  	[tilespmem:v9+s29+$0x0] =	vst.idx.msk $0xffff, v12  }
0x1a9: {  	v49 =	vor.u32 $0x1, v5;
	[tilespmem:v10+s29+$0x0] =	vst.idx.msk $0xffff, v6  }
0x1aa: {  	[tilespmem:v14+s29+$0x0] =	vst.idx.msk $0xffff, v8  }
0x1ab: {  	v50 =	vor.u32 $0x2, v5;
	[tilespmem:v15+s29+$0x0] =	vst.idx.msk $0xffff, v13  }
0x1ac: {  	v8 =	vld.idx.msk [tilespmem:v5+s11+$0x0], $0xffff  }
0x1ad: {  	v9 =	vld.idx.msk [tilespmem:v5+s12+$0x0], $0xffff  }
0x1ae: {  	v10 =	vld.idx.msk [tilespmem:v49+s11+$0x0], $0xffff  }
0x1af: {  	v7 =	vld.idx.msk [tilespmem:v49+s12+$0x0], $0xffff  }
0x1b0: {  	v11 =	vld.idx.msk [tilespmem:v50+s11+$0x0], $0xffff  }
0x1b1: {  	v6 =	vld.idx.msk [tilespmem:v50+s12+$0x0], $0xffff;
	_ =	sdelay $0x2  }
0x1b2: {  	v8 =	vsub.f32 v9, v8;
	v7 =	vsub.f32 v7, v10;
	_ =	sdelay $0x1  }
0x1b3: {  	v6 =	vsub.f32 v6, v11;
	v9 =	vmul.f32 v8, v8;
	v10 =	vmul.f32 v7, v7;
	_ =	sdelay $0x1  }
0x1b4: {  	v51 =	vmul.f32 v6, v6;
	v9 =	vadd.f32 v10, v9;
	_ =	sdelay $0x1  }
0x1b5: {  	v9 =	vadd.f32 v51, v9  }
0x1b6: {  	v52 =	vor.u32 $0x3, v5  }
0x1b7: {  	v9 =	vadd.f32 $9.999999930e-09, v9;
	_ =	sdelay $0x1  }
0x1b8: {  	v53 =	vor.u32 $0x4, v5;
	(erf) = vrcp.f32 v9;
	_ =	sdelay $0x1  }
0x1b9: {  	v54 =	vld.idx.msk [tilespmem:v52+s11+$0x0], $0xffff  }
0x1ba: {  	s9 =	sadd.s32 $0x10, s18;
	v5 =	vor.u32 $0x5, v5;
	v10 =	vld.idx.msk [tilespmem:v52+s12+$0x0], $0xffff  }
0x1bb: {  	v12 =	vld [tilespmem:s9+$0x0]  }
0x1bc: {  	v13 =	vld.idx.msk [tilespmem:v53+s11+$0x0], $0xffff  }
0x1bd: {  	v11 =	vld.idx.msk [tilespmem:v53+s12+$0x0], $0xffff;
	_ =	sdelay $0x1  }
0x1be: {  	v14 =	vld.idx.msk [tilespmem:v5+s12+$0x0], $0xffff;
	v9 =	vsub.f32 v10, v54  }
0x1bf: {  	v4 =	vshll.u32 v4, $0x4;
	v5 =	vld.idx.msk [tilespmem:v5+s11+$0x0], $0xffff;
	v55 =	vpop (erf)  }
0x1c0: {  	v56 =	vor.u32 $0x1, v4;
	v9 =	vmul.f32 v12, v9;
	v8 =	vmul.f32 v55, v8  }
0x1c1: {  	v57 =	vor.u32 $0x2, v4;
	v11 =	vsub.f32 v11, v13;
	v7 =	vmul.f32 v55, v7  }
0x1c2: {  	v16 =	vor.u32 $0x3, v4;
	v6 =	vmul.f32 v55, v6;
	v58 =	vmul.f32 v8, v9  }
0x1c3: {  	v18 =	vor.u32 $0x4, v4;
	v11 =	vmul.f32 v12, v11;
	v17 =	vmul.f32 v7, v9  }
0x1c4: {  	v59 =	vor.u32 $0x5, v4;
	v5 =	vsub.f32 v14, v5;
	v9 =	vmul.f32 v6, v9;
	[tilespmem:v4+s29+$0x0] =	vst.idx.msk $0xffff, v58  }
0x1c5: {  	v61 =	vor.u32 $0x6, v4;
	v60 =	vmul.f32 v8, v11;
	[tilespmem:v56+s29+$0x0] =	vst.idx.msk $0xffff, v17  }
0x1c6: {  	v63 =	vor.u32 $0x7, v4;
	v5 =	vmul.f32 v5, v12;
	v62 =	vmul.f32 v7, v11;
	[tilespmem:v57+s29+$0x0] =	vst.idx.msk $0xffff, v9  }
0x1c7: {  	v11 =	vmul.f32 v6, v11;
	v4 =	vor.u32 $0x8, v4;
	[tilespmem:v16+s29+$0x0] =	vst.idx.msk $0xffff, v60  }
0x1c8: {  	v8 =	vmul.f32 v8, v5;
	[tilespmem:v18+s29+$0x0] =	vst.idx.msk $0xffff, v62  }
0x1c9: {  	v7 =	vmul.f32 v7, v5;
	[tilespmem:v59+s29+$0x0] =	vst.idx.msk $0xffff, v11  }
0x1ca: {  	v5 =	vmul.f32 v6, v5;
	[tilespmem:v61+s29+$0x0] =	vst.idx.msk $0xffff, v8  }
0x1cb: {  	[tilespmem:v63+s29+$0x0] =	vst.idx.msk $0xffff, v7  }
0x1cc: {  	[tilespmem:v4+s29+$0x0] =	vst.idx.msk $0xffff, v5  }
0x1cd: {  	[spmem:s1] =	stream.indirect.scatter.add.f32 [tilespmem:s29], [sflag:$0x5], $0x10, s23, s0, $0xb8;
	[tilespmem:$0x1F580] =	vst v63  }
0x1ce: {  	_ =	swait.ge [sflag:s28], $0x400  }
0x1cf: {  	[sflag:s28] =	ssyncset.done $0x0  }
0x1d0: {  	s18 =	simm.s32 $0x1C980;
	[sflag:s28] =	ssyncadd.s32 $0xFFFFFC00  }
0x1d1: {  	[spmem:s1] =	stream.indirect.scatter.add.f32 [tilespmem:s18], [sflag:$0x5], $0x10, s25, s0, $0xb8;
	[tilespmem:$0x1F580] =	vst v63  }
0x1d2: {  	_ =	swait.ge [sflag:s28], $0x400  }
0x1d3: {  	[sflag:s28] =	ssyncset.done $0x0  }
0x1d4: {  	s25 =	simm.s32 $0x1CD80;
	[sflag:s28] =	ssyncadd.s32 $0xFFFFFC00  }
0x1d5: {  	[spmem:s1] =	stream.indirect.scatter.add.f32 [tilespmem:s25], [sflag:$0x5], $0x10, s30, s0, $0xb8;
	[tilespmem:$0x1F580] =	vst v63  }
0x1d6: {  	_ =	swait.ge [sflag:s28], $0x400  }
0x1d7: {  	[sflag:s28] =	ssyncset.done $0x0  }
0x1d8: {  	s13 =	simm.s32 $0x1D180;
	s30 =	simm.s32 $0x188C0;
	[sflag:s28] =	ssyncadd.s32 $0xFFFFFC00  }
0x1d9: {  	[spmem:s1] =	stream.indirect.scatter.add.f32 [tilespmem:s13], [sflag:$0x5], $0x10, s30, s0, $0xb8;
	[tilespmem:$0x1F580] =	vst v63  }
0x1da: {  	_ =	swait.ge [sflag:s28], $0x400  }
0x1db: {  	[sflag:s28] =	ssyncset.done $0x0  }
0x1dc: {  	s13 =	simm.s32 $0x1D580;
	[sflag:s28] =	ssyncadd.s32 $0xFFFFFC00  }
0x1dd: {  	[spmem:s1] =	stream.indirect.scatter.add.f32 [tilespmem:s13], [sflag:$0x5], $0x10, s31, s0, $0xb8;
	[tilespmem:$0x1F580] =	vst v63  }
0x1de: {  	_ =	swait.ge [sflag:s28], $0x400  }
0x1df: {  	[sflag:s28] =	ssyncset.done $0x0  }
0x1e0: {  	[sflag:s28] =	ssyncadd.s32 $0xFFFFFC00  }
0x1e1: {  	[bflag:$0x0] =	sbarrier.arrive $0xFFFF  }
0x1e2: {  	s18 =	rddreg [dreg:$0x7]  }
0x1e3: {  	s25 =	rddreg [dreg:$0x13]  }
0x1e4: {  	[hbm:s18], [sflag:s10] =	dma.local [spmem:s25], $0xC40  }
0x1e5: {  	_ =	swait.ge [sflag:s28], $0xC40  }
0x1e6: {  	[sflag:s28] =	ssyncset.done $0x0;
	s30 =	rddreg [dreg:$0x8]  }
0x1e7: {  	s31 =	rddreg [dreg:$0x14];
	[sflag:s28] =	ssyncadd.s32 $0xFFFFF3C0  }
0x1e8: {  	[hbm:s30], [sflag:s10] =	dma.local [spmem:s31], $0xC40  }
0x1e9: {  	_ =	swait.ge [sflag:s28], $0xC40  }
0x1ea: {  	[sflag:s28] =	ssyncset.done $0x0;
	s13 =	rddreg [dreg:$0x9]  }
0x1eb: {  	s18 =	rddreg [dreg:$0x15];
	[sflag:s28] =	ssyncadd.s32 $0xFFFFF3C0  }
0x1ec: {  	[hbm:s13], [sflag:s10] =	dma.local [spmem:s18], $0xC40  }
0x1ed: {  	_ =	swait.ge [sflag:s28], $0xC40  }
0x1ee: {  	[sflag:s28] =	ssyncset.done $0x0;
	s25 =	rddreg [dreg:$0xa]  }
0x1ef: {  	s30 =	rddreg [dreg:$0x16];
	[sflag:s28] =	ssyncadd.s32 $0xFFFFF3C0  }
0x1f0: {  	[hbm:s25], [sflag:s10] =	dma.local [spmem:s30], $0xC40  }
0x1f1: {  	_ =	swait.ge [sflag:s28], $0xC40  }
0x1f2: {  	s17 =	sadd.s32 $0x1, s17;
	s31 =	rddreg [dreg:$0xe]  }
0x1f3: {  	p0 =	sne.s32 s17, s31  }
.Ltmp14:
0x1f4: {  	_ = 	snop;
	(pc) =	sbr.rel @p0 .LBB2_1-.Ltmp14, $3  }
0x1f5: {  	_ =	sdelay $0x1  }
0x1f6: {  	[sflag:s28] =	ssyncset.done $0x0  }
0x1f7: {  	[sflag:s28] =	ssyncadd.s32 $0xFFFFF3C0  }
0x1f8: {  	_ =	sfence.sel $0x180000  }
0x1f9: {  	[bflag:$0x0] =	sbarrier.arrive $0xFFFF  }
0x1fa: {  	_ =	strace $0x90000047  }
0x1fb: {  	s0 =	stileid.u32;
	[bflag:$0x2] =	sbarrier.arrive $0xFFFF  }
0x1fc: {  	p0 =	sne.s32 s0, $0x0;
	s0 =	rddreg [dreg:$0x2]  }
0x1fd: {  	s0 =	sadd.s32 @!p0 $0x100000, s0  }
0x1fe: {  	[sflag:s0] =	ssyncadd.tile.s32 @!p0 $0x1;
	_ =	shalt  }
.Lfunc_end2:
_tile_overlayer_lowered:
.L_overlay_start_2:
0x1ff: {  	(tag) =	ssettag $0x2  }
0x200: {  	s0 =	rddreg [dreg:$0x0];
	s2 =	stileid.u32  }
0x201: {  	s1 =	rddreg [dreg:$0x1];
	p0 =	sne.s32 s2, $0x0  }
0x202: {  	s3 =	rddreg [dreg:$0x2];
	[bflag:$0x3] =	sbarrier.arrive $0xFFFF;
	s2 =	simm.s32 @!p0 $0x1C05  }
0x203: {  	[timem:s3], [sflag:s2] =	dma.local @!p0 [hbm:s0], s1  }
0x204: {  	s0 =	simm.s32 @!p0 $0x5  }
0x205: {  	_ =	swait.ge @!p0 [sflag:s0], s1  }
0x206: {  	s1 =	ssub.s32 @!p0 $0x0, s1;
	[sflag:s0] =	ssyncset.done @!p0 $0x0  }
0x207: {  	[sflag:s0] =	ssyncadd.s32 @!p0 s1  }
0x208: {  	[bflag:$0x3] =	sbarrier.arrive $0xFFFF  }
0x209: {  	_ =	shalt  }

</sc_bundles>
